<compile_context>
chip_gen: v7x
topology: tpu7x:2x2x1
jax: 0.10.2.dev20260603
libtpu: 0.0.44.dev20260713+nightly
codegen_flags: <defaults>
</compile_context>

<pallas_src>
import jax
import jax.numpy as jnp
from jax import lax
from jax.experimental import pallas as pl
from jax.experimental.pallas import tpu as pltpu
from jax.experimental.pallas import tpu_sc as plsc

N = 10000
E = 320000
D = 128
H = 128
C = 16

NS = 16
CH = 112
MBLK = 8
NBLK = 23
NCHUNK_W = MBLK * NBLK
NCHUNK_TOT = NCHUNK_W * NS
E_PAD = NCHUNK_TOT * CH
N_PAD = 10240
RPT = N_PAD // NS

_f32 = jnp.float32


def _make_edge_scatter(feat, gather):
    rows_shape = (CH,) + feat
    feat_elems = 1
    for f in feat:
        feat_elems *= f
    nvec = (CH * feat_elems) // 16

    mesh = plsc.VectorSubcoreMesh(core_axis_name="c", subcore_axis_name="s")

    def body(*refs):
        if gather:
            (hs_hbm, zeros_hbm, src_hbm, dst_hbm, out_hbm, src_v, dst_v,
             rows_v, acc_sh, gsem_v, ssem_v, isem_v) = refs
        else:
            zeros_hbm, dst_hbm, out_hbm, dst_v, rows_v, acc_sh = refs
        c = lax.axis_index("c")
        s = lax.axis_index("s")
        on = c == 0

        r0 = s * RPT

        @pl.when(on)
        def _():
            pltpu.sync_copy(zeros_hbm.at[pl.ds(r0, RPT)],
                            acc_sh.at[pl.ds(r0, RPT)])

        plsc.subcore_barrier()

        if gather:
            base = s * NCHUNK_W

            def idx_ref(v, j):
                return v.at[(j // MBLK) % 2, lax.rem(j, MBLK)]

            def g_start(j):
                pltpu.async_copy(hs_hbm.at[idx_ref(src_v, j)],
                                 rows_v.at[lax.rem(j, 3)],
                                 gsem_v.at[lax.rem(j, 3)])

            def g_wait(j):
                pltpu.make_async_copy(hs_hbm.at[idx_ref(src_v, j)],
                                      rows_v.at[lax.rem(j, 3)],
                                      gsem_v.at[lax.rem(j, 3)]).wait()

            def s_start(j):
                pltpu.async_copy(rows_v.at[lax.rem(j, 3)],
                                 acc_sh.at[idx_ref(dst_v, j)],
                                 ssem_v.at[lax.rem(j, 3)], add=True)

            def s_wait(j):
                pltpu.make_async_copy(rows_v.at[lax.rem(j, 3)],
                                      acc_sh.at[idx_ref(dst_v, j)],
                                      ssem_v.at[lax.rem(j, 3)]).wait()

            def i_start(b):
                sb = b % 2
                pltpu.async_copy(src_hbm.at[pl.ds(base + b * MBLK, MBLK)],
                                 src_v.at[sb], isem_v.at[sb])
                pltpu.async_copy(dst_hbm.at[pl.ds(base + b * MBLK, MBLK)],
                                 dst_v.at[sb], isem_v.at[sb])

            def i_wait(b):
                sb = b % 2
                pltpu.make_async_copy(src_hbm.at[pl.ds(base + b * MBLK, MBLK)],
                                      src_v.at[sb], isem_v.at[sb]).wait()
                pltpu.make_async_copy(dst_hbm.at[pl.ds(base + b * MBLK, MBLK)],
                                      dst_v.at[sb], isem_v.at[sb]).wait()

            @pl.when(on)
            def _():
                i_start(0)
                i_wait(0)
                i_start(1)
                g_start(0)
                g_start(1)

                def chunk(j, _):
                    g_wait(j)
                    s_start(j)

                    @pl.when(jnp.logical_and(
                        jnp.logical_and(lax.rem(j, MBLK) == 1, j > MBLK),
                        j // MBLK + 1 < NBLK))
                    def _():
                        i_start(j // MBLK + 1)

                    @pl.when(j >= 1)
                    def _():
                        s_wait(j - 1)

                    @pl.when(jnp.logical_and(j + 2 < NCHUNK_W,
                                             lax.rem(j + 2, MBLK) == 0))
                    def _():
                        i_wait((j + 2) // MBLK)

                    @pl.when(j + 2 < NCHUNK_W)
                    def _():
                        g_start(j + 2)

                    return 0

                lax.fori_loop(0, NCHUNK_W, chunk, 0)
                s_wait(NCHUNK_W - 1)
        else:
            @pl.when(on)
            def _():
                pltpu.sync_copy(dst_hbm.at[pl.ds(s * NCHUNK_W, NCHUNK_W)],
                                dst_v)

                def fbody(t, _):
                    rows_v[pl.ds(t * 16, 16)] = jnp.full((16,), 1.0, _f32)
                    return 0

                lax.fori_loop(0, nvec, fbody, 0)

                def chunk(j, _):
                    pltpu.sync_copy(rows_v, acc_sh.at[dst_v.at[j]], add=True)
                    return 0

                lax.fori_loop(0, NCHUNK_W, chunk, 0)
        plsc.subcore_barrier()

        @pl.when(on)
        def _():
            pltpu.sync_copy(acc_sh.at[pl.ds(r0, RPT)],
                            out_hbm.at[pl.ds(r0, RPT)])

    scratch = []
    if gather:
        scratch.append(pltpu.VMEM((2, MBLK, CH), jnp.int32))
    scratch += [
        pltpu.VMEM((2, MBLK, CH) if gather else (NCHUNK_W, CH),
                   jnp.int32),
        pltpu.VMEM(((3,) if gather else ()) + rows_shape, _f32),
        pltpu.VMEM_SHARED((N_PAD,) + feat, _f32),
    ]
    if gather:
        scratch += [pltpu.SemaphoreType.DMA((3,)),
                    pltpu.SemaphoreType.DMA((3,)),
                    pltpu.SemaphoreType.DMA((2,))]

    kern = pl.kernel(
        body,
        out_type=jax.ShapeDtypeStruct((N_PAD,) + feat, _f32),
        mesh=mesh,
        scratch_types=scratch,
    )
    return kern


_deg_scatter = _make_edge_scatter((), gather=False)
_scatter_h = _make_edge_scatter((H,), gather=True)


def _tc_first(x, w, degp):

    def body(x_ref, w_ref, deg_ref, hs_ref, dis_ref):
        dis = lax.rsqrt(deg_ref[:N, :] + 1.0)
        dis_ref[...] = dis
        hs_ref[...] = dis * jnp.dot(x_ref[...], w_ref[...],
                                    preferred_element_type=_f32)

    return pl.pallas_call(
        body,
        out_shape=(
            jax.ShapeDtypeStruct((N, w.shape[1]), _f32),
            jax.ShapeDtypeStruct((N, 1), _f32),
        ),
    )(x, w, degp)


def _tc_mid(p, hs, dis, b, w):

    def body(p_ref, hs_ref, dis_ref, b_ref, w_ref, out_ref):
        dis = dis_ref[...]
        a = dis * (p_ref[:N, :] + hs_ref[...]) + b_ref[...]
        h = jnp.maximum(a, 0.0)
        out_ref[...] = dis * jnp.dot(h, w_ref[...], preferred_element_type=_f32)

    return pl.pallas_call(
        body,
        out_shape=jax.ShapeDtypeStruct((N, w.shape[1]), _f32),
    )(p, hs, dis, b, w)


def _tc_last(p, hs, dis, b):

    def body(p_ref, hs_ref, dis_ref, b_ref, out_ref):
        a = dis_ref[...] * (p_ref[:N, :C] + hs_ref[:, :C]) + b_ref[...]
        m = jnp.max(a, axis=1, keepdims=True)
        lse = m + jnp.log(jnp.sum(jnp.exp(a - m), axis=1, keepdims=True))
        out_ref[...] = a - lse

    return pl.pallas_call(
        body,
        out_shape=jax.ShapeDtypeStruct((N, C), _f32),
    )(p, hs, dis, b)


@jax.jit
def kernel(x, edge_index, W1, b1, W2, b2, W3, b3, W4, b4):
    pad = E_PAD - E
    padi = jnp.arange(pad, dtype=jnp.int32)
    src = jnp.concatenate(
        [edge_index[0], padi % CH]).reshape(NCHUNK_TOT, CH)
    dst = jnp.concatenate(
        [edge_index[1], N + padi % (N_PAD - N)]).reshape(NCHUNK_TOT, CH)

    z1 = jnp.zeros((N_PAD,), _f32)
    zH = jnp.zeros((N_PAD, H), _f32)

    degp = _deg_scatter(z1, dst).reshape(N_PAD, 1)
    hs1, dis = _tc_first(x, W1, degp)

    p = _scatter_h(hs1, zH, src, dst)
    hs2 = _tc_mid(p, hs1, dis, b1.reshape(1, H), W2)
    p = _scatter_h(hs2, zH, src, dst)
    hs3 = _tc_mid(p, hs2, dis, b2.reshape(1, H), W2)
    p = _scatter_h(hs3, zH, src, dst)
    hs4 = _tc_mid(p, hs3, dis, b2.reshape(1, H), W3)
    p = _scatter_h(hs4, zH, src, dst)
    W4p = jnp.pad(W4, ((0, 0), (0, H - C)))
    hs5 = _tc_mid(p, hs4, dis, b3.reshape(1, H), W4p)
    p = _scatter_h(hs5, zH, src, dst)
    return _tc_last(p, hs5, dis, b4.reshape(1, C))

# --- scband reference (transcript-rebuilt; emitter-appended) ---
"""Pipeline reference for scband-my-net-51333449121964 (READ-ONLY COPY).

The authoritative reference and input builder live on the scoring server;
editing this copy changes nothing except your own understanding.
"""

import jax, jax.numpy as jnp
import numpy as np

N = 10000
E = 320000
D = 128
H = 128
C = 16


def _glorot(key, fan_in, fan_out):
    s = (2.0 / (fan_in + fan_out)) ** 0.5
    return jax.random.normal(key, (fan_in, fan_out), dtype=jnp.float32) * s


def setup_inputs(seed: int = 0) -> dict:
    key = jax.random.key(seed)
    ks = jax.random.split(key, 10)
    x = jax.random.normal(ks[0], (N, D), dtype=jnp.float32)
    edge_index = jax.random.randint(ks[1], (2, E), 0, N, dtype=jnp.int32)
    W1 = _glorot(ks[2], D, H)
    b1 = jnp.zeros((H,), dtype=jnp.float32)
    W2 = _glorot(ks[3], H, H)
    b2 = jnp.zeros((H,), dtype=jnp.float32)
    W3 = _glorot(ks[4], H, H)
    b3 = jnp.zeros((H,), dtype=jnp.float32)
    W4 = _glorot(ks[5], H, C)
    b4 = jnp.zeros((C,), dtype=jnp.float32)
    return {"x": x, "edge_index": edge_index, "W1": W1, "b1": b1, "W2": W2, "b2": b2, "W3": W3, "b3": b3, "W4": W4, "b4": b4}


def _gcn_conv(x, src, dst, W, b):
    n = x.shape[0]
    h = x @ W
    deg = jax.ops.segment_sum(jnp.ones_like(dst, dtype=h.dtype), dst, num_segments=n)
    dis = jnp.where(deg > 0, jax.lax.rsqrt(jnp.maximum(deg, 1e-12)), 0.0)
    norm = dis[src] * dis[dst]
    out = jax.ops.segment_sum(norm[:, None] * h[src], dst, num_segments=n)
    return out + b


def reference(x, edge_index, W1, b1, W2, b2, W3, b3, W4, b4):
    n = x.shape[0]
    loop = jnp.arange(n, dtype=edge_index.dtype)
    src = jnp.concatenate([edge_index[0], loop])
    dst = jnp.concatenate([edge_index[1], loop])
    h = jax.nn.relu(_gcn_conv(x, src, dst, W1, b1))
    # dropout is identity in eval mode
    h = jax.nn.relu(_gcn_conv(h, src, dst, W2, b2))
    # NOTE: original module applies conv2 twice (the third call reuses conv2's weights)
    h = jax.nn.relu(_gcn_conv(h, src, dst, W2, b2))
    h = jax.nn.relu(_gcn_conv(h, src, dst, W3, b3))
    h = _gcn_conv(h, src, dst, W4, b4)
    return jax.nn.log_softmax(h, axis=1)

if __name__ == "__main__":
    import jax
    _d = setup_inputs()
    print(jax.jit(kernel)(*tuple(_d.values())))

</pallas_src>

<mosaic_0001>
#map = affine_map<(d0, d1) -> (0, 0)>
module attributes {stable_mosaic.version = 14 : i64} {
  func.func @body(%arg0: i32, %arg1: i32, %arg2: memref<10000x128xf32, #tpu.memory_space<hbm>>, %arg3: memref<10240x128xf32, #tpu.memory_space<hbm>>, %arg4: memref<2944x112xi32, #tpu.memory_space<hbm>>, %arg5: memref<2944x112xi32, #tpu.memory_space<hbm>>, %arg6: memref<10240x128xf32, #tpu.memory_space<hbm>>, %arg7: memref<2x8x112xi32, #tpu.memory_space<vmem>>, %arg8: memref<2x8x112xi32, #tpu.memory_space<vmem>>, %arg9: memref<3x112x128xf32, #tpu.memory_space<vmem>>, %arg10: memref<10240x128xf32, #tpu.memory_space<vmem_shared>>, %arg11: memref<3x!tpu.dma_semaphore, #tpu.memory_space<semaphore_mem>>, %arg12: memref<3x!tpu.dma_semaphore, #tpu.memory_space<semaphore_mem>>, %arg13: memref<2x!tpu.dma_semaphore, #tpu.memory_space<semaphore_mem>>) attributes {dimension_semantics = [#tpu.dimension_semantics<core_parallel>, #tpu.dimension_semantics<subcore_parallel>], iteration_bounds = array<i64: 2, 16>, scalar_prefetch = 0 : i64, scratch_operands = 7 : i64, tpu.core_type = #tpu.core_type<sc_vector_subcore>, window_params = [{transform_indices = #map}, {transform_indices = #map}, {transform_indices = #map}, {transform_indices = #map}, {transform_indices = #map}]} {
    %eq3A = arith.constant 0 : i32
    %eq3A_0 = arith.cmpi eq, %arg0, %eq3A : i32
    %mul3A = arith.constant 640 : i32
    %mul3A_1 = arith.muli %arg1, %mul3A : i32
    %convert_element_type3A = arith.extui %eq3A_0 : i1 to i32
    %cond3A = arith.constant 0 : i32
    %cond3A_2 = arith.cmpi ne, %convert_element_type3A, %cond3A : i32
    scf.if %cond3A_2 {
      "tpu.region"() ({
        %run_scoped3A = tpu.sem_alloc : memref<!tpu.dma_semaphore, #tpu.memory_space<semaphore_mem>>
        %dma_start3A = arith.constant 0 : i32
        %dma_start3A_12 = tpu.memref_slice %arg10[%mul3A_1, %dma_start3A] : memref<10240x128xf32, #tpu.memory_space<vmem_shared>> -> memref<640x128xf32, #tpu.memory_space<vmem_shared>>
        %dma_start3A_13 = arith.constant 0 : i32
        %dma_start3A_14 = tpu.memref_slice %arg3[%mul3A_1, %dma_start3A_13] : memref<10240x128xf32, #tpu.memory_space<hbm>> -> memref<640x128xf32, #tpu.memory_space<hbm>>
        tpu.enqueue_dma source(%dma_start3A_14 : memref<640x128xf32, #tpu.memory_space<hbm>>) target(%dma_start3A_12 : memref<640x128xf32, #tpu.memory_space<vmem_shared>>) target_semaphore(%run_scoped3A : memref<!tpu.dma_semaphore, #tpu.memory_space<semaphore_mem>>)
        %dma_wait3A = arith.constant 0 : i32
        %dma_wait3A_15 = tpu.memref_slice %arg10[%mul3A_1, %dma_wait3A] : memref<10240x128xf32, #tpu.memory_space<vmem_shared>> -> memref<640x128xf32, #tpu.memory_space<vmem_shared>>
        %dma_wait3A_16 = arith.constant 0 : i32
        %dma_wait3A_17 = tpu.memref_slice %arg3[%mul3A_1, %dma_wait3A_16] : memref<10240x128xf32, #tpu.memory_space<hbm>> -> memref<640x128xf32, #tpu.memory_space<hbm>>
        tpu.wait_dma2 semaphore(%run_scoped3A : memref<!tpu.dma_semaphore, #tpu.memory_space<semaphore_mem>>) src(%dma_wait3A_17 : memref<640x128xf32, #tpu.memory_space<hbm>>) dst(%dma_wait3A_15 : memref<640x128xf32, #tpu.memory_space<vmem_shared>>)
        tpu.yield
      }) : () -> ()
    } else {
    }
    %barrier3A = arith.constant 0 : index
    tpu.barrier barrier_id(%barrier3A)
    %mul3A_3 = arith.constant 184 : i32
    %mul3A_4 = arith.muli %arg1, %mul3A_3 : i32
    %convert_element_type3A_5 = arith.extui %eq3A_0 : i1 to i32
    %cond3A_6 = arith.constant 0 : i32
    %cond3A_7 = arith.cmpi ne, %convert_element_type3A_5, %cond3A_6 : i32
    scf.if %cond3A_7 {
      %add3A = arith.constant 0 : i32
      %add3A_12 = arith.addi %mul3A_4, %add3A : i32
      %dma_start3A = arith.constant 0 : i32
      %dma_start3A_13 = arith.constant 0 : i32
      %dma_start3A_14 = arith.constant 0 : i32
      %dma_start3A_15 = arith.constant 0 : i32
      %dma_start3A_16 = tpu.memref_slice %arg7[%dma_start3A, %dma_start3A_14, %dma_start3A_15] : memref<2x8x112xi32, #tpu.memory_space<vmem>> -> memref<1x8x112xi32, #tpu.memory_space<vmem>>
      %dma_start3A_17 = tpu.memref_squeeze %dma_start3A_16 : memref<1x8x112xi32, #tpu.memory_space<vmem>> -> memref<8x112xi32, #tpu.memory_space<vmem>>
      %dma_start3A_18 = arith.constant 0 : i32
      %dma_start3A_19 = tpu.memref_slice %arg4[%add3A_12, %dma_start3A_18] : memref<2944x112xi32, #tpu.memory_space<hbm>> -> memref<8x112xi32, #tpu.memory_space<hbm>>
      %dma_start3A_20 = tpu.memref_slice %arg13[%dma_start3A_13] : memref<2x!tpu.dma_semaphore, #tpu.memory_space<semaphore_mem>> -> memref<1x!tpu.dma_semaphore, #tpu.memory_space<semaphore_mem>>
      %dma_start3A_21 = tpu.memref_squeeze %dma_start3A_20 : memref<1x!tpu.dma_semaphore, #tpu.memory_space<semaphore_mem>> -> memref<!tpu.dma_semaphore, #tpu.memory_space<semaphore_mem>>
      %dma_start3A_22 = arith.constant 0 : i32
      %dma_start3A_23 = arith.constant 0 : i32
      %dma_start3A_24 = tpu.memref_slice %arg7[%dma_start3A, %dma_start3A_22, %dma_start3A_23] : memref<2x8x112xi32, #tpu.memory_space<vmem>> -> memref<1x8x112xi32, #tpu.memory_space<vmem>>
      %dma_start3A_25 = tpu.memref_squeeze %dma_start3A_24 : memref<1x8x112xi32, #tpu.memory_space<vmem>> -> memref<8x112xi32, #tpu.memory_space<vmem>>
      %dma_start3A_26 = arith.constant 0 : i32
      %dma_start3A_27 = tpu.memref_slice %arg4[%add3A_12, %dma_start3A_26] : memref<2944x112xi32, #tpu.memory_space<hbm>> -> memref<8x112xi32, #tpu.memory_space<hbm>>
      tpu.enqueue_dma source(%dma_start3A_27 : memref<8x112xi32, #tpu.memory_space<hbm>>) target(%dma_start3A_25 : memref<8x112xi32, #tpu.memory_space<vmem>>) target_semaphore(%dma_start3A_21 : memref<!tpu.dma_semaphore, #tpu.memory_space<semaphore_mem>>)
      %add3A_28 = arith.constant 0 : i32
      %add3A_29 = arith.addi %mul3A_4, %add3A_28 : i32
      %dma_start3A_30 = arith.constant 0 : i32
      %dma_start3A_31 = arith.constant 0 : i32
      %dma_start3A_32 = arith.constant 0 : i32
      %dma_start3A_33 = arith.constant 0 : i32
      %dma_start3A_34 = tpu.memref_slice %arg8[%dma_start3A_30, %dma_start3A_32, %dma_start3A_33] : memref<2x8x112xi32, #tpu.memory_space<vmem>> -> memref<1x8x112xi32, #tpu.memory_space<vmem>>
      %dma_start3A_35 = tpu.memref_squeeze %dma_start3A_34 : memref<1x8x112xi32, #tpu.memory_space<vmem>> -> memref<8x112xi32, #tpu.memory_space<vmem>>
      %dma_start3A_36 = arith.constant 0 : i32
      %dma_start3A_37 = tpu.memref_slice %arg5[%add3A_29, %dma_start3A_36] : memref<2944x112xi32, #tpu.memory_space<hbm>> -> memref<8x112xi32, #tpu.memory_space<hbm>>
      %dma_start3A_38 = tpu.memref_slice %arg13[%dma_start3A_31] : memref<2x!tpu.dma_semaphore, #tpu.memory_space<semaphore_mem>> -> memref<1x!tpu.dma_semaphore, #tpu.memory_space<semaphore_mem>>
      %dma_start3A_39 = tpu.memref_squeeze %dma_start3A_38 : memref<1x!tpu.dma_semaphore, #tpu.memory_space<semaphore_mem>> -> memref<!tpu.dma_semaphore, #tpu.memory_space<semaphore_mem>>
      %dma_start3A_40 = arith.constant 0 : i32
      %dma_start3A_41 = arith.constant 0 : i32
      %dma_start3A_42 = tpu.memref_slice %arg8[%dma_start3A_30, %dma_start3A_40, %dma_start3A_41] : memref<2x8x112xi32, #tpu.memory_space<vmem>> -> memref<1x8x112xi32, #tpu.memory_space<vmem>>
      %dma_start3A_43 = tpu.memref_squeeze %dma_start3A_42 : memref<1x8x112xi32, #tpu.memory_space<vmem>> -> memref<8x112xi32, #tpu.memory_space<vmem>>
      %dma_start3A_44 = arith.constant 0 : i32
      %dma_start3A_45 = tpu.memref_slice %arg5[%add3A_29, %dma_start3A_44] : memref<2944x112xi32, #tpu.memory_space<hbm>> -> memref<8x112xi32, #tpu.memory_space<hbm>>
      tpu.enqueue_dma source(%dma_start3A_45 : memref<8x112xi32, #tpu.memory_space<hbm>>) target(%dma_start3A_43 : memref<8x112xi32, #tpu.memory_space<vmem>>) target_semaphore(%dma_start3A_39 : memref<!tpu.dma_semaphore, #tpu.memory_space<semaphore_mem>>)
      %add3A_46 = arith.constant 0 : i32
      %add3A_47 = arith.addi %mul3A_4, %add3A_46 : i32
      %dma_wait3A = arith.constant 0 : i32
      %dma_wait3A_48 = arith.constant 0 : i32
      %dma_wait3A_49 = arith.constant 0 : i32
      %dma_wait3A_50 = arith.constant 0 : i32
      %dma_wait3A_51 = tpu.memref_slice %arg7[%dma_wait3A, %dma_wait3A_49, %dma_wait3A_50] : memref<2x8x112xi32, #tpu.memory_space<vmem>> -> memref<1x8x112xi32, #tpu.memory_space<vmem>>
      %dma_wait3A_52 = tpu.memref_squeeze %dma_wait3A_51 : memref<1x8x112xi32, #tpu.memory_space<vmem>> -> memref<8x112xi32, #tpu.memory_space<vmem>>
      %dma_wait3A_53 = arith.constant 0 : i32
      %dma_wait3A_54 = tpu.memref_slice %arg4[%add3A_47, %dma_wait3A_53] : memref<2944x112xi32, #tpu.memory_space<hbm>> -> memref<8x112xi32, #tpu.memory_space<hbm>>
      %dma_wait3A_55 = tpu.memref_slice %arg13[%dma_wait3A_48] : memref<2x!tpu.dma_semaphore, #tpu.memory_space<semaphore_mem>> -> memref<1x!tpu.dma_semaphore, #tpu.memory_space<semaphore_mem>>
      %dma_wait3A_56 = tpu.memref_squeeze %dma_wait3A_55 : memref<1x!tpu.dma_semaphore, #tpu.memory_space<semaphore_mem>> -> memref<!tpu.dma_semaphore, #tpu.memory_space<semaphore_mem>>
      %dma_wait3A_57 = arith.constant 0 : i32
      %dma_wait3A_58 = arith.constant 0 : i32
      %dma_wait3A_59 = tpu.memref_slice %arg7[%dma_wait3A, %dma_wait3A_57, %dma_wait3A_58] : memref<2x8x112xi32, #tpu.memory_space<vmem>> -> memref<1x8x112xi32, #tpu.memory_space<vmem>>
      %dma_wait3A_60 = tpu.memref_squeeze %dma_wait3A_59 : memref<1x8x112xi32, #tpu.memory_space<vmem>> -> memref<8x112xi32, #tpu.memory_space<vmem>>
      %dma_wait3A_61 = arith.constant 0 : i32
      %dma_wait3A_62 = tpu.memref_slice %arg4[%add3A_47, %dma_wait3A_61] : memref<2944x112xi32, #tpu.memory_space<hbm>> -> memref<8x112xi32, #tpu.memory_space<hbm>>
      tpu.wait_dma2 semaphore(%dma_wait3A_56 : memref<!tpu.dma_semaphore, #tpu.memory_space<semaphore_mem>>) src(%dma_wait3A_62 : memref<8x112xi32, #tpu.memory_space<hbm>>) dst(%dma_wait3A_60 : memref<8x112xi32, #tpu.memory_space<vmem>>)
      %add3A_63 = arith.constant 0 : i32
      %add3A_64 = arith.addi %mul3A_4, %add3A_63 : i32
      %dma_wait3A_65 = arith.constant 0 : i32
      %dma_wait3A_66 = arith.constant 0 : i32
      %dma_wait3A_67 = arith.constant 0 : i32
      %dma_wait3A_68 = arith.constant 0 : i32
      %dma_wait3A_69 = tpu.memref_slice %arg8[%dma_wait3A_65, %dma_wait3A_67, %dma_wait3A_68] : memref<2x8x112xi32, #tpu.memory_space<vmem>> -> memref<1x8x112xi32, #tpu.memory_space<vmem>>
      %dma_wait3A_70 = tpu.memref_squeeze %dma_wait3A_69 : memref<1x8x112xi32, #tpu.memory_space<vmem>> -> memref<8x112xi32, #tpu.memory_space<vmem>>
      %dma_wait3A_71 = arith.constant 0 : i32
      %dma_wait3A_72 = tpu.memref_slice %arg5[%add3A_64, %dma_wait3A_71] : memref<2944x112xi32, #tpu.memory_space<hbm>> -> memref<8x112xi32, #tpu.memory_space<hbm>>
      %dma_wait3A_73 = tpu.memref_slice %arg13[%dma_wait3A_66] : memref<2x!tpu.dma_semaphore, #tpu.memory_space<semaphore_mem>> -> memref<1x!tpu.dma_semaphore, #tpu.memory_space<semaphore_mem>>
      %dma_wait3A_74 = tpu.memref_squeeze %dma_wait3A_73 : memref<1x!tpu.dma_semaphore, #tpu.memory_space<semaphore_mem>> -> memref<!tpu.dma_semaphore, #tpu.memory_space<semaphore_mem>>
      %dma_wait3A_75 = arith.constant 0 : i32
      %dma_wait3A_76 = arith.constant 0 : i32
      %dma_wait3A_77 = tpu.memref_slice %arg8[%dma_wait3A_65, %dma_wait3A_75, %dma_wait3A_76] : memref<2x8x112xi32, #tpu.memory_space<vmem>> -> memref<1x8x112xi32, #tpu.memory_space<vmem>>
      %dma_wait3A_78 = tpu.memref_squeeze %dma_wait3A_77 : memref<1x8x112xi32, #tpu.memory_space<vmem>> -> memref<8x112xi32, #tpu.memory_space<vmem>>
      %dma_wait3A_79 = arith.constant 0 : i32
      %dma_wait3A_80 = tpu.memref_slice %arg5[%add3A_64, %dma_wait3A_79] : memref<2944x112xi32, #tpu.memory_space<hbm>> -> memref<8x112xi32, #tpu.memory_space<hbm>>
      tpu.wait_dma2 semaphore(%dma_wait3A_74 : memref<!tpu.dma_semaphore, #tpu.memory_space<semaphore_mem>>) src(%dma_wait3A_80 : memref<8x112xi32, #tpu.memory_space<hbm>>) dst(%dma_wait3A_78 : memref<8x112xi32, #tpu.memory_space<vmem>>)
      %add3A_81 = arith.constant 8 : i32
      %add3A_82 = arith.addi %mul3A_4, %add3A_81 : i32
      %dma_start3A_83 = arith.constant 1 : i32
      %dma_start3A_84 = arith.constant 1 : i32
      %dma_start3A_85 = arith.constant 0 : i32
      %dma_start3A_86 = arith.constant 0 : i32
      %dma_start3A_87 = tpu.memref_slice %arg7[%dma_start3A_83, %dma_start3A_85, %dma_start3A_86] : memref<2x8x112xi32, #tpu.memory_space<vmem>> -> memref<1x8x112xi32, #tpu.memory_space<vmem>>
      %dma_start3A_88 = tpu.memref_squeeze %dma_start3A_87 : memref<1x8x112xi32, #tpu.memory_space<vmem>> -> memref<8x112xi32, #tpu.memory_space<vmem>>
      %dma_start3A_89 = arith.constant 0 : i32
      %dma_start3A_90 = tpu.memref_slice %arg4[%add3A_82, %dma_start3A_89] : memref<2944x112xi32, #tpu.memory_space<hbm>> -> memref<8x112xi32, #tpu.memory_space<hbm>>
      %dma_start3A_91 = tpu.memref_slice %arg13[%dma_start3A_84] : memref<2x!tpu.dma_semaphore, #tpu.memory_space<semaphore_mem>> -> memref<1x!tpu.dma_semaphore, #tpu.memory_space<semaphore_mem>>
      %dma_start3A_92 = tpu.memref_squeeze %dma_start3A_91 : memref<1x!tpu.dma_semaphore, #tpu.memory_space<semaphore_mem>> -> memref<!tpu.dma_semaphore, #tpu.memory_space<semaphore_mem>>
      %dma_start3A_93 = arith.constant 0 : i32
      %dma_start3A_94 = arith.constant 0 : i32
      %dma_start3A_95 = tpu.memref_slice %arg7[%dma_start3A_83, %dma_start3A_93, %dma_start3A_94] : memref<2x8x112xi32, #tpu.memory_space<vmem>> -> memref<1x8x112xi32, #tpu.memory_space<vmem>>
      %dma_start3A_96 = tpu.memref_squeeze %dma_start3A_95 : memref<1x8x112xi32, #tpu.memory_space<vmem>> -> memref<8x112xi32, #tpu.memory_space<vmem>>
      %dma_start3A_97 = arith.constant 0 : i32
      %dma_start3A_98 = tpu.memref_slice %arg4[%add3A_82, %dma_start3A_97] : memref<2944x112xi32, #tpu.memory_space<hbm>> -> memref<8x112xi32, #tpu.memory_space<hbm>>
      tpu.enqueue_dma source(%dma_start3A_98 : memref<8x112xi32, #tpu.memory_space<hbm>>) target(%dma_start3A_96 : memref<8x112xi32, #tpu.memory_space<vmem>>) target_semaphore(%dma_start3A_92 : memref<!tpu.dma_semaphore, #tpu.memory_space<semaphore_mem>>)
      %add3A_99 = arith.constant 8 : i32
      %add3A_100 = arith.addi %mul3A_4, %add3A_99 : i32
      %dma_start3A_101 = arith.constant 1 : i32
      %dma_start3A_102 = arith.constant 1 : i32
      %dma_start3A_103 = arith.constant 0 : i32
      %dma_start3A_104 = arith.constant 0 : i32
      %dma_start3A_105 = tpu.memref_slice %arg8[%dma_start3A_101, %dma_start3A_103, %dma_start3A_104] : memref<2x8x112xi32, #tpu.memory_space<vmem>> -> memref<1x8x112xi32, #tpu.memory_space<vmem>>
      %dma_start3A_106 = tpu.memref_squeeze %dma_start3A_105 : memref<1x8x112xi32, #tpu.memory_space<vmem>> -> memref<8x112xi32, #tpu.memory_space<vmem>>
      %dma_start3A_107 = arith.constant 0 : i32
      %dma_start3A_108 = tpu.memref_slice %arg5[%add3A_100, %dma_start3A_107] : memref<2944x112xi32, #tpu.memory_space<hbm>> -> memref<8x112xi32, #tpu.memory_space<hbm>>
      %dma_start3A_109 = tpu.memref_slice %arg13[%dma_start3A_102] : memref<2x!tpu.dma_semaphore, #tpu.memory_space<semaphore_mem>> -> memref<1x!tpu.dma_semaphore, #tpu.memory_space<semaphore_mem>>
      %dma_start3A_110 = tpu.memref_squeeze %dma_start3A_109 : memref<1x!tpu.dma_semaphore, #tpu.memory_space<semaphore_mem>> -> memref<!tpu.dma_semaphore, #tpu.memory_space<semaphore_mem>>
      %dma_start3A_111 = arith.constant 0 : i32
      %dma_start3A_112 = arith.constant 0 : i32
      %dma_start3A_113 = tpu.memref_slice %arg8[%dma_start3A_101, %dma_start3A_111, %dma_start3A_112] : memref<2x8x112xi32, #tpu.memory_space<vmem>> -> memref<1x8x112xi32, #tpu.memory_space<vmem>>
      %dma_start3A_114 = tpu.memref_squeeze %dma_start3A_113 : memref<1x8x112xi32, #tpu.memory_space<vmem>> -> memref<8x112xi32, #tpu.memory_space<vmem>>
      %dma_start3A_115 = arith.constant 0 : i32
      %dma_start3A_116 = tpu.memref_slice %arg5[%add3A_100, %dma_start3A_115] : memref<2944x112xi32, #tpu.memory_space<hbm>> -> memref<8x112xi32, #tpu.memory_space<hbm>>
      tpu.enqueue_dma source(%dma_start3A_116 : memref<8x112xi32, #tpu.memory_space<hbm>>) target(%dma_start3A_114 : memref<8x112xi32, #tpu.memory_space<vmem>>) target_semaphore(%dma_start3A_110 : memref<!tpu.dma_semaphore, #tpu.memory_space<semaphore_mem>>)
      %rem3A = arith.constant 0 : i32
      %rem3A_117 = arith.constant 8 : i32
      %rem3A_118 = arith.remsi %rem3A, %rem3A_117 : i32
      %rem3A_119 = arith.constant 0 : i32
      %rem3A_120 = arith.constant 3 : i32
      %rem3A_121 = arith.remsi %rem3A_119, %rem3A_120 : i32
      %rem3A_122 = arith.constant 0 : i32
      %rem3A_123 = arith.constant 3 : i32
      %rem3A_124 = arith.remsi %rem3A_122, %rem3A_123 : i32
      %dma_start3A_125 = arith.constant 0 : i32
      %dma_start3A_126 = arith.constant 0 : i32
      %dma_start3A_127 = arith.constant 0 : i32
      %dma_start3A_128 = tpu.memref_slice %arg9[%rem3A_121, %dma_start3A_126, %dma_start3A_127] : memref<3x112x128xf32, #tpu.memory_space<vmem>> -> memref<1x112x128xf32, #tpu.memory_space<vmem>>
      %dma_start3A_129 = tpu.memref_squeeze %dma_start3A_128 : memref<1x112x128xf32, #tpu.memory_space<vmem>> -> memref<112x128xf32, #tpu.memory_space<vmem>>
      %dma_start3A_130 = arith.constant 0 : i32
      %dma_start3A_131 = tpu.memref_slice %arg7[%dma_start3A_125, %rem3A_118, %dma_start3A_130] : memref<2x8x112xi32, #tpu.memory_space<vmem>> -> memref<1x1x112xi32, #tpu.memory_space<vmem>>
      %dma_start3A_132 = tpu.memref_squeeze %dma_start3A_131 : memref<1x1x112xi32, #tpu.memory_space<vmem>> -> memref<112xi32, #tpu.memory_space<vmem>>
      %dma_start3A_133 = arith.constant 0 : i32
      %dma_start3A_134 = arith.constant 0 : i32
      %dma_start3A_135 = tpu.memref_slice %arg2[%dma_start3A_133, %dma_start3A_134] : memref<10000x128xf32, #tpu.memory_space<hbm>> -> memref<10000x128xf32, #tpu.memory_space<hbm>>
      %dma_start3A_136 = tpu.memref_slice %arg11[%rem3A_124] : memref<3x!tpu.dma_semaphore, #tpu.memory_space<semaphore_mem>> -> memref<1x!tpu.dma_semaphore, #tpu.memory_space<semaphore_mem>>
      %dma_start3A_137 = tpu.memref_squeeze %dma_start3A_136 : memref<1x!tpu.dma_semaphore, #tpu.memory_space<semaphore_mem>> -> memref<!tpu.dma_semaphore, #tpu.memory_space<semaphore_mem>>
      tpu.enqueue_indirect_dma source(%dma_start3A_135 : memref<10000x128xf32, #tpu.memory_space<hbm>>) target(%dma_start3A_129 : memref<112x128xf32, #tpu.memory_space<vmem>>) offsets(%dma_start3A_132 : memref<112xi32, #tpu.memory_space<vmem>>) semaphore(%dma_start3A_137 : memref<!tpu.dma_semaphore, #tpu.memory_space<semaphore_mem>>)
      %rem3A_138 = arith.constant 1 : i32
      %rem3A_139 = arith.constant 8 : i32
      %rem3A_140 = arith.remsi %rem3A_138, %rem3A_139 : i32
      %rem3A_141 = arith.constant 1 : i32
      %rem3A_142 = arith.constant 3 : i32
      %rem3A_143 = arith.remsi %rem3A_141, %rem3A_142 : i32
      %rem3A_144 = arith.constant 1 : i32
      %rem3A_145 = arith.constant 3 : i32
      %rem3A_146 = arith.remsi %rem3A_144, %rem3A_145 : i32
      %dma_start3A_147 = arith.constant 0 : i32
      %dma_start3A_148 = arith.constant 0 : i32
      %dma_start3A_149 = arith.constant 0 : i32
      %dma_start3A_150 = tpu.memref_slice %arg9[%rem3A_143, %dma_start3A_148, %dma_start3A_149] : memref<3x112x128xf32, #tpu.memory_space<vmem>> -> memref<1x112x128xf32, #tpu.memory_space<vmem>>
      %dma_start3A_151 = tpu.memref_squeeze %dma_start3A_150 : memref<1x112x128xf32, #tpu.memory_space<vmem>> -> memref<112x128xf32, #tpu.memory_space<vmem>>
      %dma_start3A_152 = arith.constant 0 : i32
      %dma_start3A_153 = tpu.memref_slice %arg7[%dma_start3A_147, %rem3A_140, %dma_start3A_152] : memref<2x8x112xi32, #tpu.memory_space<vmem>> -> memref<1x1x112xi32, #tpu.memory_space<vmem>>
      %dma_start3A_154 = tpu.memref_squeeze %dma_start3A_153 : memref<1x1x112xi32, #tpu.memory_space<vmem>> -> memref<112xi32, #tpu.memory_space<vmem>>
      %dma_start3A_155 = arith.constant 0 : i32
      %dma_start3A_156 = arith.constant 0 : i32
      %dma_start3A_157 = tpu.memref_slice %arg2[%dma_start3A_155, %dma_start3A_156] : memref<10000x128xf32, #tpu.memory_space<hbm>> -> memref<10000x128xf32, #tpu.memory_space<hbm>>
      %dma_start3A_158 = tpu.memref_slice %arg11[%rem3A_146] : memref<3x!tpu.dma_semaphore, #tpu.memory_space<semaphore_mem>> -> memref<1x!tpu.dma_semaphore, #tpu.memory_space<semaphore_mem>>
      %dma_start3A_159 = tpu.memref_squeeze %dma_start3A_158 : memref<1x!tpu.dma_semaphore, #tpu.memory_space<semaphore_mem>> -> memref<!tpu.dma_semaphore, #tpu.memory_space<semaphore_mem>>
      tpu.enqueue_indirect_dma source(%dma_start3A_157 : memref<10000x128xf32, #tpu.memory_space<hbm>>) target(%dma_start3A_151 : memref<112x128xf32, #tpu.memory_space<vmem>>) offsets(%dma_start3A_154 : memref<112xi32, #tpu.memory_space<vmem>>) semaphore(%dma_start3A_159 : memref<!tpu.dma_semaphore, #tpu.memory_space<semaphore_mem>>)
      %scan3A = arith.constant 0 : i32
      %scan3A_160 = arith.constant 0 : i32
      %scan3A_161 = arith.constant 184 : i32
      %scan3A_162 = arith.addi %scan3A_160, %scan3A_161 : i32
      %scan3A_163 = arith.constant 1 : i32
      %scan3A_164 = scf.for %scan3A_188 = %scan3A_160 to %scan3A_162 step %scan3A_163 iter_args(%scan3A_189 = %scan3A) -> (i32)  : i32 {
        %jit3A = arith.constant 8 : i32
        %div3A = arith.divsi %scan3A_188, %jit3A : i32
        %sign3A = arith.constant 0 : i32
        %sign3A_190 = arith.cmpi sgt, %scan3A_188, %sign3A : i32
        %sign3A_191 = arith.extui %sign3A_190 : i1 to i32
        %sign3A_192 = arith.constant 0 : i32
        %sign3A_193 = arith.cmpi slt, %scan3A_188, %sign3A_192 : i32
        %sign3A_194 = arith.extui %sign3A_193 : i1 to i32
        %sign3A_195 = arith.subi %sign3A_191, %sign3A_194 : i32
        %sign3A_196 = arith.constant 0 : i32
        %sign3A_197 = arith.cmpi sgt, %jit3A, %sign3A_196 : i32
        %sign3A_198 = arith.extui %sign3A_197 : i1 to i32
        %sign3A_199 = arith.constant 0 : i32
        %sign3A_200 = arith.cmpi slt, %jit3A, %sign3A_199 : i32
        %sign3A_201 = arith.extui %sign3A_200 : i1 to i32
        %sign3A_202 = arith.subi %sign3A_198, %sign3A_201 : i32
        %ne3A = arith.cmpi ne, %sign3A_195, %sign3A_202 : i32
        %rem3A_203 = arith.remsi %scan3A_188, %jit3A : i32
        %ne3A_204 = arith.constant 0 : i32
        %ne3A_205 = arith.cmpi ne, %rem3A_203, %ne3A_204 : i32
        %and3A = arith.andi %ne3A, %ne3A_205 : i1
        %sub3A = arith.constant 1 : i32
        %sub3A_206 = arith.subi %div3A, %sub3A : i32
        %select_n3A = arith.select %and3A, %sub3A_206, %div3A : i32
        %jit3A_207 = arith.constant 2 : i32
        %eq3A_208 = arith.constant 0 : i32
        %eq3A_209 = arith.cmpi eq, %jit3A_207, %eq3A_208 : i32
        %jit3A_210 = arith.constant 1 : i32
        %select_n3A_211 = arith.select %eq3A_209, %jit3A_210, %jit3A_207 : i32
        %rem3A_212 = arith.remsi %select_n3A, %select_n3A_211 : i32
        %ne3A_213 = arith.constant 0 : i32
        %ne3A_214 = arith.cmpi ne, %rem3A_212, %ne3A_213 : i32
        %lt3A = arith.constant 0 : i32
        %lt3A_215 = arith.cmpi slt, %rem3A_212, %lt3A : i32
        %lt3A_216 = arith.constant 0 : i32
        %lt3A_217 = arith.cmpi slt, %select_n3A_211, %lt3A_216 : i32
        %ne3A_218 = arith.xori %lt3A_215, %lt3A_217 : i1
        %and3A_219 = arith.andi %ne3A_218, %ne3A_214 : i1
        %add3A_220 = arith.addi %rem3A_212, %select_n3A_211 : i32
        %select_n3A_221 = arith.select %and3A_219, %add3A_220, %rem3A_212 : i32
        %rem3A_222 = arith.constant 8 : i32
        %rem3A_223 = arith.remsi %scan3A_188, %rem3A_222 : i32
        %rem3A_224 = arith.constant 3 : i32
        %rem3A_225 = arith.remsi %scan3A_188, %rem3A_224 : i32
        %rem3A_226 = arith.constant 3 : i32
        %rem3A_227 = arith.remsi %scan3A_188, %rem3A_226 : i32
        %dma_wait3A_228 = arith.constant 0 : i32
        %dma_wait3A_229 = arith.constant 0 : i32
        %dma_wait3A_230 = tpu.memref_slice %arg9[%rem3A_225, %dma_wait3A_228, %dma_wait3A_229] : memref<3x112x128xf32, #tpu.memory_space<vmem>> -> memref<1x112x128xf32, #tpu.memory_space<vmem>>
        %dma_wait3A_231 = tpu.memref_squeeze %dma_wait3A_230 : memref<1x112x128xf32, #tpu.memory_space<vmem>> -> memref<112x128xf32, #tpu.memory_space<vmem>>
        %dma_wait3A_232 = arith.constant 0 : i32
        %dma_wait3A_233 = tpu.memref_slice %arg7[%select_n3A_221, %rem3A_223, %dma_wait3A_232] : memref<2x8x112xi32, #tpu.memory_space<vmem>> -> memref<1x1x112xi32, #tpu.memory_space<vmem>>
        %dma_wait3A_234 = tpu.memref_squeeze %dma_wait3A_233 : memref<1x1x112xi32, #tpu.memory_space<vmem>> -> memref<112xi32, #tpu.memory_space<vmem>>
        %dma_wait3A_235 = arith.constant 0 : i32
        %dma_wait3A_236 = arith.constant 0 : i32
        %dma_wait3A_237 = tpu.memref_slice %arg2[%dma_wait3A_235, %dma_wait3A_236] : memref<10000x128xf32, #tpu.memory_space<hbm>> -> memref<10000x128xf32, #tpu.memory_space<hbm>>
        %dma_wait3A_238 = tpu.memref_slice %arg11[%rem3A_227] : memref<3x!tpu.dma_semaphore, #tpu.memory_space<semaphore_mem>> -> memref<1x!tpu.dma_semaphore, #tpu.memory_space<semaphore_mem>>
        %dma_wait3A_239 = tpu.memref_squeeze %dma_wait3A_238 : memref<1x!tpu.dma_semaphore, #tpu.memory_space<semaphore_mem>> -> memref<!tpu.dma_semaphore, #tpu.memory_space<semaphore_mem>>
        tpu.wait_indirect_dma semaphore(%dma_wait3A_239 : memref<!tpu.dma_semaphore, #tpu.memory_space<semaphore_mem>>) src(%dma_wait3A_237 : memref<10000x128xf32, #tpu.memory_space<hbm>>) dst(%dma_wait3A_231 : memref<112x128xf32, #tpu.memory_space<vmem>>)
        %rem3A_240 = arith.constant 3 : i32
        %rem3A_241 = arith.remsi %scan3A_188, %rem3A_240 : i32
        %jit3A_242 = arith.constant 8 : i32
        %div3A_243 = arith.divsi %scan3A_188, %jit3A_242 : i32
        %sign3A_244 = arith.constant 0 : i32
        %sign3A_245 = arith.cmpi sgt, %scan3A_188, %sign3A_244 : i32
        %sign3A_246 = arith.extui %sign3A_245 : i1 to i32
        %sign3A_247 = arith.constant 0 : i32
        %sign3A_248 = arith.cmpi slt, %scan3A_188, %sign3A_247 : i32
        %sign3A_249 = arith.extui %sign3A_248 : i1 to i32
        %sign3A_250 = arith.subi %sign3A_246, %sign3A_249 : i32
        %sign3A_251 = arith.constant 0 : i32
        %sign3A_252 = arith.cmpi sgt, %jit3A_242, %sign3A_251 : i32
        %sign3A_253 = arith.extui %sign3A_252 : i1 to i32
        %sign3A_254 = arith.constant 0 : i32
        %sign3A_255 = arith.cmpi slt, %jit3A_242, %sign3A_254 : i32
        %sign3A_256 = arith.extui %sign3A_255 : i1 to i32
        %sign3A_257 = arith.subi %sign3A_253, %sign3A_256 : i32
        %ne3A_258 = arith.cmpi ne, %sign3A_250, %sign3A_257 : i32
        %rem3A_259 = arith.remsi %scan3A_188, %jit3A_242 : i32
        %ne3A_260 = arith.constant 0 : i32
        %ne3A_261 = arith.cmpi ne, %rem3A_259, %ne3A_260 : i32
        %and3A_262 = arith.andi %ne3A_258, %ne3A_261 : i1
        %sub3A_263 = arith.constant 1 : i32
        %sub3A_264 = arith.subi %div3A_243, %sub3A_263 : i32
        %select_n3A_265 = arith.select %and3A_262, %sub3A_264, %div3A_243 : i32
        %jit3A_266 = arith.constant 2 : i32
        %eq3A_267 = arith.constant 0 : i32
        %eq3A_268 = arith.cmpi eq, %jit3A_266, %eq3A_267 : i32
        %jit3A_269 = arith.constant 1 : i32
        %select_n3A_270 = arith.select %eq3A_268, %jit3A_269, %jit3A_266 : i32
        %rem3A_271 = arith.remsi %select_n3A_265, %select_n3A_270 : i32
        %ne3A_272 = arith.constant 0 : i32
        %ne3A_273 = arith.cmpi ne, %rem3A_271, %ne3A_272 : i32
        %lt3A_274 = arith.constant 0 : i32
        %lt3A_275 = arith.cmpi slt, %rem3A_271, %lt3A_274 : i32
        %lt3A_276 = arith.constant 0 : i32
        %lt3A_277 = arith.cmpi slt, %select_n3A_270, %lt3A_276 : i32
        %ne3A_278 = arith.xori %lt3A_275, %lt3A_277 : i1
        %and3A_279 = arith.andi %ne3A_278, %ne3A_273 : i1
        %add3A_280 = arith.addi %rem3A_271, %select_n3A_270 : i32
        %select_n3A_281 = arith.select %and3A_279, %add3A_280, %rem3A_271 : i32
        %rem3A_282 = arith.constant 8 : i32
        %rem3A_283 = arith.remsi %scan3A_188, %rem3A_282 : i32
        %rem3A_284 = arith.constant 3 : i32
        %rem3A_285 = arith.remsi %scan3A_188, %rem3A_284 : i32
        %dma_start3A_286 = arith.constant 0 : i32
        %dma_start3A_287 = arith.constant 0 : i32
        %dma_start3A_288 = tpu.memref_slice %arg9[%rem3A_241, %dma_start3A_286, %dma_start3A_287] : memref<3x112x128xf32, #tpu.memory_space<vmem>> -> memref<1x112x128xf32, #tpu.memory_space<vmem>>
        %dma_start3A_289 = tpu.memref_squeeze %dma_start3A_288 : memref<1x112x128xf32, #tpu.memory_space<vmem>> -> memref<112x128xf32, #tpu.memory_space<vmem>>
        %dma_start3A_290 = arith.constant 0 : i32
        %dma_start3A_291 = tpu.memref_slice %arg8[%select_n3A_281, %rem3A_283, %dma_start3A_290] : memref<2x8x112xi32, #tpu.memory_space<vmem>> -> memref<1x1x112xi32, #tpu.memory_space<vmem>>
        %dma_start3A_292 = tpu.memref_squeeze %dma_start3A_291 : memref<1x1x112xi32, #tpu.memory_space<vmem>> -> memref<112xi32, #tpu.memory_space<vmem>>
        %dma_start3A_293 = arith.constant 0 : i32
        %dma_start3A_294 = arith.constant 0 : i32
        %dma_start3A_295 = tpu.memref_slice %arg10[%dma_start3A_293, %dma_start3A_294] : memref<10240x128xf32, #tpu.memory_space<vmem_shared>> -> memref<10240x128xf32, #tpu.memory_space<vmem_shared>>
        %dma_start3A_296 = tpu.memref_slice %arg12[%rem3A_285] : memref<3x!tpu.dma_semaphore, #tpu.memory_space<semaphore_mem>> -> memref<1x!tpu.dma_semaphore, #tpu.memory_space<semaphore_mem>>
        %dma_start3A_297 = tpu.memref_squeeze %dma_start3A_296 : memref<1x!tpu.dma_semaphore, #tpu.memory_space<semaphore_mem>> -> memref<!tpu.dma_semaphore, #tpu.memory_space<semaphore_mem>>
        tpu.enqueue_indirect_dma source(%dma_start3A_289 : memref<112x128xf32, #tpu.memory_space<vmem>>) target(%dma_start3A_295 : memref<10240x128xf32, #tpu.memory_space<vmem_shared>>) offsets(%dma_start3A_292 : memref<112xi32, #tpu.memory_space<vmem>>) semaphore(%dma_start3A_297 : memref<!tpu.dma_semaphore, #tpu.memory_space<semaphore_mem>>) {add = true}
        %rem3A_298 = arith.constant 8 : i32
        %rem3A_299 = arith.remsi %scan3A_188, %rem3A_298 : i32
        %eq3A_300 = arith.constant 1 : i32
        %eq3A_301 = arith.cmpi eq, %rem3A_299, %eq3A_300 : i32
        %gt3A = arith.constant 8 : i32
        %gt3A_302 = arith.cmpi sgt, %scan3A_188, %gt3A : i32
        %and3A_303 = arith.andi %eq3A_301, %gt3A_302 : i1
        %jit3A_304 = arith.constant 8 : i32
        %div3A_305 = arith.divsi %scan3A_188, %jit3A_304 : i32
        %sign3A_306 = arith.constant 0 : i32
        %sign3A_307 = arith.cmpi sgt, %scan3A_188, %sign3A_306 : i32
        %sign3A_308 = arith.extui %sign3A_307 : i1 to i32
        %sign3A_309 = arith.constant 0 : i32
        %sign3A_310 = arith.cmpi slt, %scan3A_188, %sign3A_309 : i32
        %sign3A_311 = arith.extui %sign3A_310 : i1 to i32
        %sign3A_312 = arith.subi %sign3A_308, %sign3A_311 : i32
        %sign3A_313 = arith.constant 0 : i32
        %sign3A_314 = arith.cmpi sgt, %jit3A_304, %sign3A_313 : i32
        %sign3A_315 = arith.extui %sign3A_314 : i1 to i32
        %sign3A_316 = arith.constant 0 : i32
        %sign3A_317 = arith.cmpi slt, %jit3A_304, %sign3A_316 : i32
        %sign3A_318 = arith.extui %sign3A_317 : i1 to i32
        %sign3A_319 = arith.subi %sign3A_315, %sign3A_318 : i32
        %ne3A_320 = arith.cmpi ne, %sign3A_312, %sign3A_319 : i32
        %rem3A_321 = arith.remsi %scan3A_188, %jit3A_304 : i32
        %ne3A_322 = arith.constant 0 : i32
        %ne3A_323 = arith.cmpi ne, %rem3A_321, %ne3A_322 : i32
        %and3A_324 = arith.andi %ne3A_320, %ne3A_323 : i1
        %sub3A_325 = arith.constant 1 : i32
        %sub3A_326 = arith.subi %div3A_305, %sub3A_325 : i32
        %select_n3A_327 = arith.select %and3A_324, %sub3A_326, %div3A_305 : i32
        %add3A_328 = arith.constant 1 : i32
        %add3A_329 = arith.addi %select_n3A_327, %add3A_328 : i32
        %lt3A_330 = arith.constant 23 : i32
        %lt3A_331 = arith.cmpi slt, %add3A_329, %lt3A_330 : i32
        %and3A_332 = arith.andi %and3A_303, %lt3A_331 : i1
        %convert_element_type3A_333 = arith.extui %and3A_332 : i1 to i32
        %cond3A_334 = arith.constant 0 : i32
        %cond3A_335 = arith.cmpi ne, %convert_element_type3A_333, %cond3A_334 : i32
        scf.if %cond3A_335 {
          %jit3A_362 = arith.constant 8 : i32
          %div3A_363 = arith.divsi %scan3A_188, %jit3A_362 : i32
          %sign3A_364 = arith.constant 0 : i32
          %sign3A_365 = arith.cmpi sgt, %scan3A_188, %sign3A_364 : i32
          %sign3A_366 = arith.extui %sign3A_365 : i1 to i32
          %sign3A_367 = arith.constant 0 : i32
          %sign3A_368 = arith.cmpi slt, %scan3A_188, %sign3A_367 : i32
          %sign3A_369 = arith.extui %sign3A_368 : i1 to i32
          %sign3A_370 = arith.subi %sign3A_366, %sign3A_369 : i32
          %sign3A_371 = arith.constant 0 : i32
          %sign3A_372 = arith.cmpi sgt, %jit3A_362, %sign3A_371 : i32
          %sign3A_373 = arith.extui %sign3A_372 : i1 to i32
          %sign3A_374 = arith.constant 0 : i32
          %sign3A_375 = arith.cmpi slt, %jit3A_362, %sign3A_374 : i32
          %sign3A_376 = arith.extui %sign3A_375 : i1 to i32
          %sign3A_377 = arith.subi %sign3A_373, %sign3A_376 : i32
          %ne3A_378 = arith.cmpi ne, %sign3A_370, %sign3A_377 : i32
          %rem3A_379 = arith.remsi %scan3A_188, %jit3A_362 : i32
          %ne3A_380 = arith.constant 0 : i32
          %ne3A_381 = arith.cmpi ne, %rem3A_379, %ne3A_380 : i32
          %and3A_382 = arith.andi %ne3A_378, %ne3A_381 : i1
          %sub3A_383 = arith.constant 1 : i32
          %sub3A_384 = arith.subi %div3A_363, %sub3A_383 : i32
          %select_n3A_385 = arith.select %and3A_382, %sub3A_384, %div3A_363 : i32
          %add3A_386 = arith.constant 1 : i32
          %add3A_387 = arith.addi %select_n3A_385, %add3A_386 : i32
          %jit3A_388 = arith.constant 2 : i32
          %eq3A_389 = arith.constant 0 : i32
          %eq3A_390 = arith.cmpi eq, %jit3A_388, %eq3A_389 : i32
          %jit3A_391 = arith.constant 1 : i32
          %select_n3A_392 = arith.select %eq3A_390, %jit3A_391, %jit3A_388 : i32
          %rem3A_393 = arith.remsi %add3A_387, %select_n3A_392 : i32
          %ne3A_394 = arith.constant 0 : i32
          %ne3A_395 = arith.cmpi ne, %rem3A_393, %ne3A_394 : i32
          %lt3A_396 = arith.constant 0 : i32
          %lt3A_397 = arith.cmpi slt, %rem3A_393, %lt3A_396 : i32
          %lt3A_398 = arith.constant 0 : i32
          %lt3A_399 = arith.cmpi slt, %select_n3A_392, %lt3A_398 : i32
          %ne3A_400 = arith.xori %lt3A_397, %lt3A_399 : i1
          %and3A_401 = arith.andi %ne3A_400, %ne3A_395 : i1
          %add3A_402 = arith.addi %rem3A_393, %select_n3A_392 : i32
          %select_n3A_403 = arith.select %and3A_401, %add3A_402, %rem3A_393 : i32
          %mul3A_404 = arith.constant 8 : i32
          %mul3A_405 = arith.muli %add3A_387, %mul3A_404 : i32
          %add3A_406 = arith.addi %mul3A_4, %mul3A_405 : i32
          %dma_start3A_407 = arith.constant 0 : i32
          %dma_start3A_408 = arith.constant 0 : i32
          %dma_start3A_409 = tpu.memref_slice %arg7[%select_n3A_403, %dma_start3A_407, %dma_start3A_408] : memref<2x8x112xi32, #tpu.memory_space<vmem>> -> memref<1x8x112xi32, #tpu.memory_space<vmem>>
          %dma_start3A_410 = tpu.memref_squeeze %dma_start3A_409 : memref<1x8x112xi32, #tpu.memory_space<vmem>> -> memref<8x112xi32, #tpu.memory_space<vmem>>
          %dma_start3A_411 = arith.constant 0 : i32
          %dma_start3A_412 = tpu.memref_slice %arg4[%add3A_406, %dma_start3A_411] : memref<2944x112xi32, #tpu.memory_space<hbm>> -> memref<8x112xi32, #tpu.memory_space<hbm>>
          %dma_start3A_413 = tpu.memref_slice %arg13[%select_n3A_403] : memref<2x!tpu.dma_semaphore, #tpu.memory_space<semaphore_mem>> -> memref<1x!tpu.dma_semaphore, #tpu.memory_space<semaphore_mem>>
          %dma_start3A_414 = tpu.memref_squeeze %dma_start3A_413 : memref<1x!tpu.dma_semaphore, #tpu.memory_space<semaphore_mem>> -> memref<!tpu.dma_semaphore, #tpu.memory_space<semaphore_mem>>
          %dma_start3A_415 = arith.constant 0 : i32
          %dma_start3A_416 = arith.constant 0 : i32
          %dma_start3A_417 = tpu.memref_slice %arg7[%select_n3A_403, %dma_start3A_415, %dma_start3A_416] : memref<2x8x112xi32, #tpu.memory_space<vmem>> -> memref<1x8x112xi32, #tpu.memory_space<vmem>>
          %dma_start3A_418 = tpu.memref_squeeze %dma_start3A_417 : memref<1x8x112xi32, #tpu.memory_space<vmem>> -> memref<8x112xi32, #tpu.memory_space<vmem>>
          %dma_start3A_419 = arith.constant 0 : i32
          %dma_start3A_420 = tpu.memref_slice %arg4[%add3A_406, %dma_start3A_419] : memref<2944x112xi32, #tpu.memory_space<hbm>> -> memref<8x112xi32, #tpu.memory_space<hbm>>
          tpu.enqueue_dma source(%dma_start3A_420 : memref<8x112xi32, #tpu.memory_space<hbm>>) target(%dma_start3A_418 : memref<8x112xi32, #tpu.memory_space<vmem>>) target_semaphore(%dma_start3A_414 : memref<!tpu.dma_semaphore, #tpu.memory_space<semaphore_mem>>)
          %mul3A_421 = arith.constant 8 : i32
          %mul3A_422 = arith.muli %add3A_387, %mul3A_421 : i32
          %add3A_423 = arith.addi %mul3A_4, %mul3A_422 : i32
          %dma_start3A_424 = arith.constant 0 : i32
          %dma_start3A_425 = arith.constant 0 : i32
          %dma_start3A_426 = tpu.memref_slice %arg8[%select_n3A_403, %dma_start3A_424, %dma_start3A_425] : memref<2x8x112xi32, #tpu.memory_space<vmem>> -> memref<1x8x112xi32, #tpu.memory_space<vmem>>
          %dma_start3A_427 = tpu.memref_squeeze %dma_start3A_426 : memref<1x8x112xi32, #tpu.memory_space<vmem>> -> memref<8x112xi32, #tpu.memory_space<vmem>>
          %dma_start3A_428 = arith.constant 0 : i32
          %dma_start3A_429 = tpu.memref_slice %arg5[%add3A_423, %dma_start3A_428] : memref<2944x112xi32, #tpu.memory_space<hbm>> -> memref<8x112xi32, #tpu.memory_space<hbm>>
          %dma_start3A_430 = tpu.memref_slice %arg13[%select_n3A_403] : memref<2x!tpu.dma_semaphore, #tpu.memory_space<semaphore_mem>> -> memref<1x!tpu.dma_semaphore, #tpu.memory_space<semaphore_mem>>
          %dma_start3A_431 = tpu.memref_squeeze %dma_start3A_430 : memref<1x!tpu.dma_semaphore, #tpu.memory_space<semaphore_mem>> -> memref<!tpu.dma_semaphore, #tpu.memory_space<semaphore_mem>>
          %dma_start3A_432 = arith.constant 0 : i32
          %dma_start3A_433 = arith.constant 0 : i32
          %dma_start3A_434 = tpu.memref_slice %arg8[%select_n3A_403, %dma_start3A_432, %dma_start3A_433] : memref<2x8x112xi32, #tpu.memory_space<vmem>> -> memref<1x8x112xi32, #tpu.memory_space<vmem>>
          %dma_start3A_435 = tpu.memref_squeeze %dma_start3A_434 : memref<1x8x112xi32, #tpu.memory_space<vmem>> -> memref<8x112xi32, #tpu.memory_space<vmem>>
          %dma_start3A_436 = arith.constant 0 : i32
          %dma_start3A_437 = tpu.memref_slice %arg5[%add3A_423, %dma_start3A_436] : memref<2944x112xi32, #tpu.memory_space<hbm>> -> memref<8x112xi32, #tpu.memory_space<hbm>>
          tpu.enqueue_dma source(%dma_start3A_437 : memref<8x112xi32, #tpu.memory_space<hbm>>) target(%dma_start3A_435 : memref<8x112xi32, #tpu.memory_space<vmem>>) target_semaphore(%dma_start3A_431 : memref<!tpu.dma_semaphore, #tpu.memory_space<semaphore_mem>>)
        } else {
        }
        %ge3A = arith.constant 1 : i32
        %ge3A_336 = arith.cmpi sge, %scan3A_188, %ge3A : i32
        %convert_element_type3A_337 = arith.extui %ge3A_336 : i1 to i32
        %cond3A_338 = arith.constant 0 : i32
        %cond3A_339 = arith.cmpi ne, %convert_element_type3A_337, %cond3A_338 : i32
        scf.if %cond3A_339 {
          %sub3A_362 = arith.constant 1 : i32
          %sub3A_363 = arith.subi %scan3A_188, %sub3A_362 : i32
          %rem3A_364 = arith.constant 3 : i32
          %rem3A_365 = arith.remsi %sub3A_363, %rem3A_364 : i32
          %jit3A_366 = arith.constant 8 : i32
          %div3A_367 = arith.divsi %sub3A_363, %jit3A_366 : i32
          %sign3A_368 = arith.constant 0 : i32
          %sign3A_369 = arith.cmpi sgt, %sub3A_363, %sign3A_368 : i32
          %sign3A_370 = arith.extui %sign3A_369 : i1 to i32
          %sign3A_371 = arith.constant 0 : i32
          %sign3A_372 = arith.cmpi slt, %sub3A_363, %sign3A_371 : i32
          %sign3A_373 = arith.extui %sign3A_372 : i1 to i32
          %sign3A_374 = arith.subi %sign3A_370, %sign3A_373 : i32
          %sign3A_375 = arith.constant 0 : i32
          %sign3A_376 = arith.cmpi sgt, %jit3A_366, %sign3A_375 : i32
          %sign3A_377 = arith.extui %sign3A_376 : i1 to i32
          %sign3A_378 = arith.constant 0 : i32
          %sign3A_379 = arith.cmpi slt, %jit3A_366, %sign3A_378 : i32
          %sign3A_380 = arith.extui %sign3A_379 : i1 to i32
          %sign3A_381 = arith.subi %sign3A_377, %sign3A_380 : i32
          %ne3A_382 = arith.cmpi ne, %sign3A_374, %sign3A_381 : i32
          %rem3A_383 = arith.remsi %sub3A_363, %jit3A_366 : i32
          %ne3A_384 = arith.constant 0 : i32
          %ne3A_385 = arith.cmpi ne, %rem3A_383, %ne3A_384 : i32
          %and3A_386 = arith.andi %ne3A_382, %ne3A_385 : i1
          %sub3A_387 = arith.constant 1 : i32
          %sub3A_388 = arith.subi %div3A_367, %sub3A_387 : i32
          %select_n3A_389 = arith.select %and3A_386, %sub3A_388, %div3A_367 : i32
          %jit3A_390 = arith.constant 2 : i32
          %eq3A_391 = arith.constant 0 : i32
          %eq3A_392 = arith.cmpi eq, %jit3A_390, %eq3A_391 : i32
          %jit3A_393 = arith.constant 1 : i32
          %select_n3A_394 = arith.select %eq3A_392, %jit3A_393, %jit3A_390 : i32
          %rem3A_395 = arith.remsi %select_n3A_389, %select_n3A_394 : i32
          %ne3A_396 = arith.constant 0 : i32
          %ne3A_397 = arith.cmpi ne, %rem3A_395, %ne3A_396 : i32
          %lt3A_398 = arith.constant 0 : i32
          %lt3A_399 = arith.cmpi slt, %rem3A_395, %lt3A_398 : i32
          %lt3A_400 = arith.constant 0 : i32
          %lt3A_401 = arith.cmpi slt, %select_n3A_394, %lt3A_400 : i32
          %ne3A_402 = arith.xori %lt3A_399, %lt3A_401 : i1
          %and3A_403 = arith.andi %ne3A_402, %ne3A_397 : i1
          %add3A_404 = arith.addi %rem3A_395, %select_n3A_394 : i32
          %select_n3A_405 = arith.select %and3A_403, %add3A_404, %rem3A_395 : i32
          %rem3A_406 = arith.constant 8 : i32
          %rem3A_407 = arith.remsi %sub3A_363, %rem3A_406 : i32
          %rem3A_408 = arith.constant 3 : i32
          %rem3A_409 = arith.remsi %sub3A_363, %rem3A_408 : i32
          %dma_wait3A_410 = arith.constant 0 : i32
          %dma_wait3A_411 = arith.constant 0 : i32
          %dma_wait3A_412 = tpu.memref_slice %arg9[%rem3A_365, %dma_wait3A_410, %dma_wait3A_411] : memref<3x112x128xf32, #tpu.memory_space<vmem>> -> memref<1x112x128xf32, #tpu.memory_space<vmem>>
          %dma_wait3A_413 = tpu.memref_squeeze %dma_wait3A_412 : memref<1x112x128xf32, #tpu.memory_space<vmem>> -> memref<112x128xf32, #tpu.memory_space<vmem>>
          %dma_wait3A_414 = arith.constant 0 : i32
          %dma_wait3A_415 = tpu.memref_slice %arg8[%select_n3A_405, %rem3A_407, %dma_wait3A_414] : memref<2x8x112xi32, #tpu.memory_space<vmem>> -> memref<1x1x112xi32, #tpu.memory_space<vmem>>
          %dma_wait3A_416 = tpu.memref_squeeze %dma_wait3A_415 : memref<1x1x112xi32, #tpu.memory_space<vmem>> -> memref<112xi32, #tpu.memory_space<vmem>>
          %dma_wait3A_417 = arith.constant 0 : i32
          %dma_wait3A_418 = arith.constant 0 : i32
          %dma_wait3A_419 = tpu.memref_slice %arg10[%dma_wait3A_417, %dma_wait3A_418] : memref<10240x128xf32, #tpu.memory_space<vmem_shared>> -> memref<10240x128xf32, #tpu.memory_space<vmem_shared>>
          %dma_wait3A_420 = tpu.memref_slice %arg12[%rem3A_409] : memref<3x!tpu.dma_semaphore, #tpu.memory_space<semaphore_mem>> -> memref<1x!tpu.dma_semaphore, #tpu.memory_space<semaphore_mem>>
          %dma_wait3A_421 = tpu.memref_squeeze %dma_wait3A_420 : memref<1x!tpu.dma_semaphore, #tpu.memory_space<semaphore_mem>> -> memref<!tpu.dma_semaphore, #tpu.memory_space<semaphore_mem>>
          tpu.wait_indirect_dma semaphore(%dma_wait3A_421 : memref<!tpu.dma_semaphore, #tpu.memory_space<semaphore_mem>>) src(%dma_wait3A_413 : memref<112x128xf32, #tpu.memory_space<vmem>>) dst(%dma_wait3A_419 : memref<10240x128xf32, #tpu.memory_space<vmem_shared>>)
        } else {
        }
        %add3A_340 = arith.constant 2 : i32
        %add3A_341 = arith.addi %scan3A_188, %add3A_340 : i32
        %lt3A_342 = arith.constant 184 : i32
        %lt3A_343 = arith.cmpi slt, %add3A_341, %lt3A_342 : i32
        %add3A_344 = arith.constant 2 : i32
        %add3A_345 = arith.addi %scan3A_188, %add3A_344 : i32
        %rem3A_346 = arith.constant 8 : i32
        %rem3A_347 = arith.remsi %add3A_345, %rem3A_346 : i32
        %eq3A_348 = arith.constant 0 : i32
        %eq3A_349 = arith.cmpi eq, %rem3A_347, %eq3A_348 : i32
        %and3A_350 = arith.andi %lt3A_343, %eq3A_349 : i1
        %convert_element_type3A_351 = arith.extui %and3A_350 : i1 to i32
        %cond3A_352 = arith.constant 0 : i32
        %cond3A_353 = arith.cmpi ne, %convert_element_type3A_351, %cond3A_352 : i32
        scf.if %cond3A_353 {
          %add3A_362 = arith.constant 2 : i32
          %add3A_363 = arith.addi %scan3A_188, %add3A_362 : i32
          %jit3A_364 = arith.constant 8 : i32
          %div3A_365 = arith.divsi %add3A_363, %jit3A_364 : i32
          %sign3A_366 = arith.constant 0 : i32
          %sign3A_367 = arith.cmpi sgt, %add3A_363, %sign3A_366 : i32
          %sign3A_368 = arith.extui %sign3A_367 : i1 to i32
          %sign3A_369 = arith.constant 0 : i32
          %sign3A_370 = arith.cmpi slt, %add3A_363, %sign3A_369 : i32
          %sign3A_371 = arith.extui %sign3A_370 : i1 to i32
          %sign3A_372 = arith.subi %sign3A_368, %sign3A_371 : i32
          %sign3A_373 = arith.constant 0 : i32
          %sign3A_374 = arith.cmpi sgt, %jit3A_364, %sign3A_373 : i32
          %sign3A_375 = arith.extui %sign3A_374 : i1 to i32
          %sign3A_376 = arith.constant 0 : i32
          %sign3A_377 = arith.cmpi slt, %jit3A_364, %sign3A_376 : i32
          %sign3A_378 = arith.extui %sign3A_377 : i1 to i32
          %sign3A_379 = arith.subi %sign3A_375, %sign3A_378 : i32
          %ne3A_380 = arith.cmpi ne, %sign3A_372, %sign3A_379 : i32
          %rem3A_381 = arith.remsi %add3A_363, %jit3A_364 : i32
          %ne3A_382 = arith.constant 0 : i32
          %ne3A_383 = arith.cmpi ne, %rem3A_381, %ne3A_382 : i32
          %and3A_384 = arith.andi %ne3A_380, %ne3A_383 : i1
          %sub3A_385 = arith.constant 1 : i32
          %sub3A_386 = arith.subi %div3A_365, %sub3A_385 : i32
          %select_n3A_387 = arith.select %and3A_384, %sub3A_386, %div3A_365 : i32
          %jit3A_388 = arith.constant 2 : i32
          %eq3A_389 = arith.constant 0 : i32
          %eq3A_390 = arith.cmpi eq, %jit3A_388, %eq3A_389 : i32
          %jit3A_391 = arith.constant 1 : i32
          %select_n3A_392 = arith.select %eq3A_390, %jit3A_391, %jit3A_388 : i32
          %rem3A_393 = arith.remsi %select_n3A_387, %select_n3A_392 : i32
          %ne3A_394 = arith.constant 0 : i32
          %ne3A_395 = arith.cmpi ne, %rem3A_393, %ne3A_394 : i32
          %lt3A_396 = arith.constant 0 : i32
          %lt3A_397 = arith.cmpi slt, %rem3A_393, %lt3A_396 : i32
          %lt3A_398 = arith.constant 0 : i32
          %lt3A_399 = arith.cmpi slt, %select_n3A_392, %lt3A_398 : i32
          %ne3A_400 = arith.xori %lt3A_397, %lt3A_399 : i1
          %and3A_401 = arith.andi %ne3A_400, %ne3A_395 : i1
          %add3A_402 = arith.addi %rem3A_393, %select_n3A_392 : i32
          %select_n3A_403 = arith.select %and3A_401, %add3A_402, %rem3A_393 : i32
          %mul3A_404 = arith.constant 8 : i32
          %mul3A_405 = arith.muli %select_n3A_387, %mul3A_404 : i32
          %add3A_406 = arith.addi %mul3A_4, %mul3A_405 : i32
          %dma_wait3A_407 = arith.constant 0 : i32
          %dma_wait3A_408 = arith.constant 0 : i32
          %dma_wait3A_409 = tpu.memref_slice %arg7[%select_n3A_403, %dma_wait3A_407, %dma_wait3A_408] : memref<2x8x112xi32, #tpu.memory_space<vmem>> -> memref<1x8x112xi32, #tpu.memory_space<vmem>>
          %dma_wait3A_410 = tpu.memref_squeeze %dma_wait3A_409 : memref<1x8x112xi32, #tpu.memory_space<vmem>> -> memref<8x112xi32, #tpu.memory_space<vmem>>
          %dma_wait3A_411 = arith.constant 0 : i32
          %dma_wait3A_412 = tpu.memref_slice %arg4[%add3A_406, %dma_wait3A_411] : memref<2944x112xi32, #tpu.memory_space<hbm>> -> memref<8x112xi32, #tpu.memory_space<hbm>>
          %dma_wait3A_413 = tpu.memref_slice %arg13[%select_n3A_403] : memref<2x!tpu.dma_semaphore, #tpu.memory_space<semaphore_mem>> -> memref<1x!tpu.dma_semaphore, #tpu.memory_space<semaphore_mem>>
          %dma_wait3A_414 = tpu.memref_squeeze %dma_wait3A_413 : memref<1x!tpu.dma_semaphore, #tpu.memory_space<semaphore_mem>> -> memref<!tpu.dma_semaphore, #tpu.memory_space<semaphore_mem>>
          %dma_wait3A_415 = arith.constant 0 : i32
          %dma_wait3A_416 = arith.constant 0 : i32
          %dma_wait3A_417 = tpu.memref_slice %arg7[%select_n3A_403, %dma_wait3A_415, %dma_wait3A_416] : memref<2x8x112xi32, #tpu.memory_space<vmem>> -> memref<1x8x112xi32, #tpu.memory_space<vmem>>
          %dma_wait3A_418 = tpu.memref_squeeze %dma_wait3A_417 : memref<1x8x112xi32, #tpu.memory_space<vmem>> -> memref<8x112xi32, #tpu.memory_space<vmem>>
          %dma_wait3A_419 = arith.constant 0 : i32
          %dma_wait3A_420 = tpu.memref_slice %arg4[%add3A_406, %dma_wait3A_419] : memref<2944x112xi32, #tpu.memory_space<hbm>> -> memref<8x112xi32, #tpu.memory_space<hbm>>
          tpu.wait_dma2 semaphore(%dma_wait3A_414 : memref<!tpu.dma_semaphore, #tpu.memory_space<semaphore_mem>>) src(%dma_wait3A_420 : memref<8x112xi32, #tpu.memory_space<hbm>>) dst(%dma_wait3A_418 : memref<8x112xi32, #tpu.memory_space<vmem>>)
          %mul3A_421 = arith.constant 8 : i32
          %mul3A_422 = arith.muli %select_n3A_387, %mul3A_421 : i32
          %add3A_423 = arith.addi %mul3A_4, %mul3A_422 : i32
          %dma_wait3A_424 = arith.constant 0 : i32
          %dma_wait3A_425 = arith.constant 0 : i32
          %dma_wait3A_426 = tpu.memref_slice %arg8[%select_n3A_403, %dma_wait3A_424, %dma_wait3A_425] : memref<2x8x112xi32, #tpu.memory_space<vmem>> -> memref<1x8x112xi32, #tpu.memory_space<vmem>>
          %dma_wait3A_427 = tpu.memref_squeeze %dma_wait3A_426 : memref<1x8x112xi32, #tpu.memory_space<vmem>> -> memref<8x112xi32, #tpu.memory_space<vmem>>
          %dma_wait3A_428 = arith.constant 0 : i32
          %dma_wait3A_429 = tpu.memref_slice %arg5[%add3A_423, %dma_wait3A_428] : memref<2944x112xi32, #tpu.memory_space<hbm>> -> memref<8x112xi32, #tpu.memory_space<hbm>>
          %dma_wait3A_430 = tpu.memref_slice %arg13[%select_n3A_403] : memref<2x!tpu.dma_semaphore, #tpu.memory_space<semaphore_mem>> -> memref<1x!tpu.dma_semaphore, #tpu.memory_space<semaphore_mem>>
          %dma_wait3A_431 = tpu.memref_squeeze %dma_wait3A_430 : memref<1x!tpu.dma_semaphore, #tpu.memory_space<semaphore_mem>> -> memref<!tpu.dma_semaphore, #tpu.memory_space<semaphore_mem>>
          %dma_wait3A_432 = arith.constant 0 : i32
          %dma_wait3A_433 = arith.constant 0 : i32
          %dma_wait3A_434 = tpu.memref_slice %arg8[%select_n3A_403, %dma_wait3A_432, %dma_wait3A_433] : memref<2x8x112xi32, #tpu.memory_space<vmem>> -> memref<1x8x112xi32, #tpu.memory_space<vmem>>
          %dma_wait3A_435 = tpu.memref_squeeze %dma_wait3A_434 : memref<1x8x112xi32, #tpu.memory_space<vmem>> -> memref<8x112xi32, #tpu.memory_space<vmem>>
          %dma_wait3A_436 = arith.constant 0 : i32
          %dma_wait3A_437 = tpu.memref_slice %arg5[%add3A_423, %dma_wait3A_436] : memref<2944x112xi32, #tpu.memory_space<hbm>> -> memref<8x112xi32, #tpu.memory_space<hbm>>
          tpu.wait_dma2 semaphore(%dma_wait3A_431 : memref<!tpu.dma_semaphore, #tpu.memory_space<semaphore_mem>>) src(%dma_wait3A_437 : memref<8x112xi32, #tpu.memory_space<hbm>>) dst(%dma_wait3A_435 : memref<8x112xi32, #tpu.memory_space<vmem>>)
        } else {
        }
        %add3A_354 = arith.constant 2 : i32
        %add3A_355 = arith.addi %scan3A_188, %add3A_354 : i32
        %lt3A_356 = arith.constant 184 : i32
        %lt3A_357 = arith.cmpi slt, %add3A_355, %lt3A_356 : i32
        %convert_element_type3A_358 = arith.extui %lt3A_357 : i1 to i32
        %cond3A_359 = arith.constant 0 : i32
        %cond3A_360 = arith.cmpi ne, %convert_element_type3A_358, %cond3A_359 : i32
        scf.if %cond3A_360 {
          %add3A_362 = arith.constant 2 : i32
          %add3A_363 = arith.addi %scan3A_188, %add3A_362 : i32
          %jit3A_364 = arith.constant 8 : i32
          %div3A_365 = arith.divsi %add3A_363, %jit3A_364 : i32
          %sign3A_366 = arith.constant 0 : i32
          %sign3A_367 = arith.cmpi sgt, %add3A_363, %sign3A_366 : i32
          %sign3A_368 = arith.extui %sign3A_367 : i1 to i32
          %sign3A_369 = arith.constant 0 : i32
          %sign3A_370 = arith.cmpi slt, %add3A_363, %sign3A_369 : i32
          %sign3A_371 = arith.extui %sign3A_370 : i1 to i32
          %sign3A_372 = arith.subi %sign3A_368, %sign3A_371 : i32
          %sign3A_373 = arith.constant 0 : i32
          %sign3A_374 = arith.cmpi sgt, %jit3A_364, %sign3A_373 : i32
          %sign3A_375 = arith.extui %sign3A_374 : i1 to i32
          %sign3A_376 = arith.constant 0 : i32
          %sign3A_377 = arith.cmpi slt, %jit3A_364, %sign3A_376 : i32
          %sign3A_378 = arith.extui %sign3A_377 : i1 to i32
          %sign3A_379 = arith.subi %sign3A_375, %sign3A_378 : i32
          %ne3A_380 = arith.cmpi ne, %sign3A_372, %sign3A_379 : i32
          %rem3A_381 = arith.remsi %add3A_363, %jit3A_364 : i32
          %ne3A_382 = arith.constant 0 : i32
          %ne3A_383 = arith.cmpi ne, %rem3A_381, %ne3A_382 : i32
          %and3A_384 = arith.andi %ne3A_380, %ne3A_383 : i1
          %sub3A_385 = arith.constant 1 : i32
          %sub3A_386 = arith.subi %div3A_365, %sub3A_385 : i32
          %select_n3A_387 = arith.select %and3A_384, %sub3A_386, %div3A_365 : i32
          %jit3A_388 = arith.constant 2 : i32
          %eq3A_389 = arith.constant 0 : i32
          %eq3A_390 = arith.cmpi eq, %jit3A_388, %eq3A_389 : i32
          %jit3A_391 = arith.constant 1 : i32
          %select_n3A_392 = arith.select %eq3A_390, %jit3A_391, %jit3A_388 : i32
          %rem3A_393 = arith.remsi %select_n3A_387, %select_n3A_392 : i32
          %ne3A_394 = arith.constant 0 : i32
          %ne3A_395 = arith.cmpi ne, %rem3A_393, %ne3A_394 : i32
          %lt3A_396 = arith.constant 0 : i32
          %lt3A_397 = arith.cmpi slt, %rem3A_393, %lt3A_396 : i32
          %lt3A_398 = arith.constant 0 : i32
          %lt3A_399 = arith.cmpi slt, %select_n3A_392, %lt3A_398 : i32
          %ne3A_400 = arith.xori %lt3A_397, %lt3A_399 : i1
          %and3A_401 = arith.andi %ne3A_400, %ne3A_395 : i1
          %add3A_402 = arith.addi %rem3A_393, %select_n3A_392 : i32
          %select_n3A_403 = arith.select %and3A_401, %add3A_402, %rem3A_393 : i32
          %rem3A_404 = arith.constant 8 : i32
          %rem3A_405 = arith.remsi %add3A_363, %rem3A_404 : i32
          %rem3A_406 = arith.constant 3 : i32
          %rem3A_407 = arith.remsi %add3A_363, %rem3A_406 : i32
          %rem3A_408 = arith.constant 3 : i32
          %rem3A_409 = arith.remsi %add3A_363, %rem3A_408 : i32
          %dma_start3A_410 = arith.constant 0 : i32
          %dma_start3A_411 = arith.constant 0 : i32
          %dma_start3A_412 = tpu.memref_slice %arg9[%rem3A_407, %dma_start3A_410, %dma_start3A_411] : memref<3x112x128xf32, #tpu.memory_space<vmem>> -> memref<1x112x128xf32, #tpu.memory_space<vmem>>
          %dma_start3A_413 = tpu.memref_squeeze %dma_start3A_412 : memref<1x112x128xf32, #tpu.memory_space<vmem>> -> memref<112x128xf32, #tpu.memory_space<vmem>>
          %dma_start3A_414 = arith.constant 0 : i32
          %dma_start3A_415 = tpu.memref_slice %arg7[%select_n3A_403, %rem3A_405, %dma_start3A_414] : memref<2x8x112xi32, #tpu.memory_space<vmem>> -> memref<1x1x112xi32, #tpu.memory_space<vmem>>
          %dma_start3A_416 = tpu.memref_squeeze %dma_start3A_415 : memref<1x1x112xi32, #tpu.memory_space<vmem>> -> memref<112xi32, #tpu.memory_space<vmem>>
          %dma_start3A_417 = arith.constant 0 : i32
          %dma_start3A_418 = arith.constant 0 : i32
          %dma_start3A_419 = tpu.memref_slice %arg2[%dma_start3A_417, %dma_start3A_418] : memref<10000x128xf32, #tpu.memory_space<hbm>> -> memref<10000x128xf32, #tpu.memory_space<hbm>>
          %dma_start3A_420 = tpu.memref_slice %arg11[%rem3A_409] : memref<3x!tpu.dma_semaphore, #tpu.memory_space<semaphore_mem>> -> memref<1x!tpu.dma_semaphore, #tpu.memory_space<semaphore_mem>>
          %dma_start3A_421 = tpu.memref_squeeze %dma_start3A_420 : memref<1x!tpu.dma_semaphore, #tpu.memory_space<semaphore_mem>> -> memref<!tpu.dma_semaphore, #tpu.memory_space<semaphore_mem>>
          tpu.enqueue_indirect_dma source(%dma_start3A_419 : memref<10000x128xf32, #tpu.memory_space<hbm>>) target(%dma_start3A_413 : memref<112x128xf32, #tpu.memory_space<vmem>>) offsets(%dma_start3A_416 : memref<112xi32, #tpu.memory_space<vmem>>) semaphore(%dma_start3A_421 : memref<!tpu.dma_semaphore, #tpu.memory_space<semaphore_mem>>)
        } else {
        }
        %scan3A_361 = arith.constant 0 : i32
        scf.yield %scan3A_361 : i32
      }
      %scan3A_165 = arith.constant 184 : i32
      %rem3A_166 = arith.constant 183 : i32
      %rem3A_167 = arith.constant 3 : i32
      %rem3A_168 = arith.remsi %rem3A_166, %rem3A_167 : i32
      %rem3A_169 = arith.constant 183 : i32
      %rem3A_170 = arith.constant 8 : i32
      %rem3A_171 = arith.remsi %rem3A_169, %rem3A_170 : i32
      %rem3A_172 = arith.constant 183 : i32
      %rem3A_173 = arith.constant 3 : i32
      %rem3A_174 = arith.remsi %rem3A_172, %rem3A_173 : i32
      %dma_wait3A_175 = arith.constant 0 : i32
      %dma_wait3A_176 = arith.constant 0 : i32
      %dma_wait3A_177 = arith.constant 0 : i32
      %dma_wait3A_178 = tpu.memref_slice %arg9[%rem3A_168, %dma_wait3A_176, %dma_wait3A_177] : memref<3x112x128xf32, #tpu.memory_space<vmem>> -> memref<1x112x128xf32, #tpu.memory_space<vmem>>
      %dma_wait3A_179 = tpu.memref_squeeze %dma_wait3A_178 : memref<1x112x128xf32, #tpu.memory_space<vmem>> -> memref<112x128xf32, #tpu.memory_space<vmem>>
      %dma_wait3A_180 = arith.constant 0 : i32
      %dma_wait3A_181 = tpu.memref_slice %arg8[%dma_wait3A_175, %rem3A_171, %dma_wait3A_180] : memref<2x8x112xi32, #tpu.memory_space<vmem>> -> memref<1x1x112xi32, #tpu.memory_space<vmem>>
      %dma_wait3A_182 = tpu.memref_squeeze %dma_wait3A_181 : memref<1x1x112xi32, #tpu.memory_space<vmem>> -> memref<112xi32, #tpu.memory_space<vmem>>
      %dma_wait3A_183 = arith.constant 0 : i32
      %dma_wait3A_184 = arith.constant 0 : i32
      %dma_wait3A_185 = tpu.memref_slice %arg10[%dma_wait3A_183, %dma_wait3A_184] : memref<10240x128xf32, #tpu.memory_space<vmem_shared>> -> memref<10240x128xf32, #tpu.memory_space<vmem_shared>>
      %dma_wait3A_186 = tpu.memref_slice %arg12[%rem3A_174] : memref<3x!tpu.dma_semaphore, #tpu.memory_space<semaphore_mem>> -> memref<1x!tpu.dma_semaphore, #tpu.memory_space<semaphore_mem>>
      %dma_wait3A_187 = tpu.memref_squeeze %dma_wait3A_186 : memref<1x!tpu.dma_semaphore, #tpu.memory_space<semaphore_mem>> -> memref<!tpu.dma_semaphore, #tpu.memory_space<semaphore_mem>>
      tpu.wait_indirect_dma semaphore(%dma_wait3A_187 : memref<!tpu.dma_semaphore, #tpu.memory_space<semaphore_mem>>) src(%dma_wait3A_179 : memref<112x128xf32, #tpu.memory_space<vmem>>) dst(%dma_wait3A_185 : memref<10240x128xf32, #tpu.memory_space<vmem_shared>>)
    } else {
    }
    %barrier3A_8 = arith.constant 0 : index
    tpu.barrier barrier_id(%barrier3A_8)
    %convert_element_type3A_9 = arith.extui %eq3A_0 : i1 to i32
    %cond3A_10 = arith.constant 0 : i32
    %cond3A_11 = arith.cmpi ne, %convert_element_type3A_9, %cond3A_10 : i32
    scf.if %cond3A_11 {
      "tpu.region"() ({
        %run_scoped3A = tpu.sem_alloc : memref<!tpu.dma_semaphore, #tpu.memory_space<semaphore_mem>>
        %dma_start3A = arith.constant 0 : i32
        %dma_start3A_12 = tpu.memref_slice %arg6[%mul3A_1, %dma_start3A] : memref<10240x128xf32, #tpu.memory_space<hbm>> -> memref<640x128xf32, #tpu.memory_space<hbm>>
        %dma_start3A_13 = arith.constant 0 : i32
        %dma_start3A_14 = tpu.memref_slice %arg10[%mul3A_1, %dma_start3A_13] : memref<10240x128xf32, #tpu.memory_space<vmem_shared>> -> memref<640x128xf32, #tpu.memory_space<vmem_shared>>
        tpu.enqueue_dma source(%dma_start3A_14 : memref<640x128xf32, #tpu.memory_space<vmem_shared>>) target(%dma_start3A_12 : memref<640x128xf32, #tpu.memory_space<hbm>>) target_semaphore(%run_scoped3A : memref<!tpu.dma_semaphore, #tpu.memory_space<semaphore_mem>>)
        %dma_wait3A = arith.constant 0 : i32
        %dma_wait3A_15 = tpu.memref_slice %arg6[%mul3A_1, %dma_wait3A] : memref<10240x128xf32, #tpu.memory_space<hbm>> -> memref<640x128xf32, #tpu.memory_space<hbm>>
        %dma_wait3A_16 = arith.constant 0 : i32
        %dma_wait3A_17 = tpu.memref_slice %arg10[%mul3A_1, %dma_wait3A_16] : memref<10240x128xf32, #tpu.memory_space<vmem_shared>> -> memref<640x128xf32, #tpu.memory_space<vmem_shared>>
        tpu.wait_dma2 semaphore(%run_scoped3A : memref<!tpu.dma_semaphore, #tpu.memory_space<semaphore_mem>>) src(%dma_wait3A_17 : memref<640x128xf32, #tpu.memory_space<vmem_shared>>) dst(%dma_wait3A_15 : memref<640x128xf32, #tpu.memory_space<hbm>>)
        tpu.yield
      }) : () -> ()
    } else {
    }
    return
  }
}

#map = affine_map<(d0, d1) -> (0)>
#map1 = affine_map<(d0, d1) -> (0, 0)>
module attributes {stable_mosaic.version = 14 : i64} {
  func.func @body(%arg0: i32, %arg1: i32, %arg2: memref<10240xf32, #tpu.memory_space<hbm>>, %arg3: memref<2944x112xi32, #tpu.memory_space<hbm>>, %arg4: memref<10240xf32, #tpu.memory_space<hbm>>, %arg5: memref<184x112xi32, #tpu.memory_space<vmem>>, %arg6: memref<112xf32, #tpu.memory_space<vmem>>, %arg7: memref<10240xf32, #tpu.memory_space<vmem_shared>>) attributes {dimension_semantics = [#tpu.dimension_semantics<core_parallel>, #tpu.dimension_semantics<subcore_parallel>], iteration_bounds = array<i64: 2, 16>, scalar_prefetch = 0 : i64, scratch_operands = 3 : i64, tpu.core_type = #tpu.core_type<sc_vector_subcore>, window_params = [{transform_indices = #map}, {transform_indices = #map1}, {transform_indices = #map}]} {
    %eq3A = arith.constant 0 : i32
    %eq3A_0 = arith.cmpi eq, %arg0, %eq3A : i32
    %mul3A = arith.constant 640 : i32
    %mul3A_1 = arith.muli %arg1, %mul3A : i32
    %convert_element_type3A = arith.extui %eq3A_0 : i1 to i32
    %cond3A = arith.constant 0 : i32
    %cond3A_2 = arith.cmpi ne, %convert_element_type3A, %cond3A : i32
    scf.if %cond3A_2 {
      "tpu.region"() ({
        %run_scoped3A = tpu.sem_alloc : memref<!tpu.dma_semaphore, #tpu.memory_space<semaphore_mem>>
        %dma_start3A = tpu.memref_slice %arg7[%mul3A_1] : memref<10240xf32, #tpu.memory_space<vmem_shared>> -> memref<640xf32, #tpu.memory_space<vmem_shared>>
        %dma_start3A_10 = tpu.memref_slice %arg2[%mul3A_1] : memref<10240xf32, #tpu.memory_space<hbm>> -> memref<640xf32, #tpu.memory_space<hbm>>
        tpu.enqueue_dma source(%dma_start3A_10 : memref<640xf32, #tpu.memory_space<hbm>>) target(%dma_start3A : memref<640xf32, #tpu.memory_space<vmem_shared>>) target_semaphore(%run_scoped3A : memref<!tpu.dma_semaphore, #tpu.memory_space<semaphore_mem>>)
        %dma_wait3A = tpu.memref_slice %arg7[%mul3A_1] : memref<10240xf32, #tpu.memory_space<vmem_shared>> -> memref<640xf32, #tpu.memory_space<vmem_shared>>
        %dma_wait3A_11 = tpu.memref_slice %arg2[%mul3A_1] : memref<10240xf32, #tpu.memory_space<hbm>> -> memref<640xf32, #tpu.memory_space<hbm>>
        tpu.wait_dma2 semaphore(%run_scoped3A : memref<!tpu.dma_semaphore, #tpu.memory_space<semaphore_mem>>) src(%dma_wait3A_11 : memref<640xf32, #tpu.memory_space<hbm>>) dst(%dma_wait3A : memref<640xf32, #tpu.memory_space<vmem_shared>>)
        tpu.yield
      }) : () -> ()
    } else {
    }
    %barrier3A = arith.constant 0 : index
    tpu.barrier barrier_id(%barrier3A)
    %convert_element_type3A_3 = arith.extui %eq3A_0 : i1 to i32
    %cond3A_4 = arith.constant 0 : i32
    %cond3A_5 = arith.cmpi ne, %convert_element_type3A_3, %cond3A_4 : i32
    scf.if %cond3A_5 {
      %mul3A_10 = arith.constant 184 : i32
      %mul3A_11 = arith.muli %arg1, %mul3A_10 : i32
      "tpu.region"() ({
        %run_scoped3A = tpu.sem_alloc : memref<!tpu.dma_semaphore, #tpu.memory_space<semaphore_mem>>
        %dma_start3A = arith.constant 0 : i32
        %dma_start3A_25 = tpu.memref_slice %arg3[%mul3A_11, %dma_start3A] : memref<2944x112xi32, #tpu.memory_space<hbm>> -> memref<184x112xi32, #tpu.memory_space<hbm>>
        %dma_start3A_26 = arith.constant 0 : i32
        %dma_start3A_27 = tpu.memref_slice %arg3[%mul3A_11, %dma_start3A_26] : memref<2944x112xi32, #tpu.memory_space<hbm>> -> memref<184x112xi32, #tpu.memory_space<hbm>>
        tpu.enqueue_dma source(%dma_start3A_27 : memref<184x112xi32, #tpu.memory_space<hbm>>) target(%arg5 : memref<184x112xi32, #tpu.memory_space<vmem>>) target_semaphore(%run_scoped3A : memref<!tpu.dma_semaphore, #tpu.memory_space<semaphore_mem>>)
        %dma_wait3A = arith.constant 0 : i32
        %dma_wait3A_28 = tpu.memref_slice %arg3[%mul3A_11, %dma_wait3A] : memref<2944x112xi32, #tpu.memory_space<hbm>> -> memref<184x112xi32, #tpu.memory_space<hbm>>
        %dma_wait3A_29 = arith.constant 0 : i32
        %dma_wait3A_30 = tpu.memref_slice %arg3[%mul3A_11, %dma_wait3A_29] : memref<2944x112xi32, #tpu.memory_space<hbm>> -> memref<184x112xi32, #tpu.memory_space<hbm>>
        tpu.wait_dma2 semaphore(%run_scoped3A : memref<!tpu.dma_semaphore, #tpu.memory_space<semaphore_mem>>) src(%dma_wait3A_30 : memref<184x112xi32, #tpu.memory_space<hbm>>) dst(%arg5 : memref<184x112xi32, #tpu.memory_space<vmem>>)
        tpu.yield
      }) : () -> ()
      %scan3A = arith.constant 0 : i32
      %scan3A_12 = arith.constant 0 : i32
      %scan3A_13 = arith.constant 7 : i32
      %scan3A_14 = arith.addi %scan3A_12, %scan3A_13 : i32
      %scan3A_15 = arith.constant 1 : i32
      %scan3A_16 = scf.for %scan3A_25 = %scan3A_12 to %scan3A_14 step %scan3A_15 iter_args(%scan3A_26 = %scan3A) -> (i32)  : i32 {
        %broadcast_in_dim3A = arith.constant 1.000000e+00 : f32
        %broadcast_in_dim3A_27 = vector.broadcast %broadcast_in_dim3A : f32 to vector<16xf32>
        %mul3A_28 = arith.constant 16 : i32
        %mul3A_29 = arith.muli %scan3A_25, %mul3A_28 : i32
        %swap3A = arith.index_cast %mul3A_29 : i32 to index
        %swap3A_30 = tpu.vector_load %arg6[%swap3A] {strides = array<i32>} : memref<112xf32, #tpu.memory_space<vmem>>, vector<16xf32>,
        %swap3A_31 = vector.shape_cast %swap3A_30 : vector<16xf32> to vector<16xf32>
        %swap3A_32 = vector.shape_cast %broadcast_in_dim3A_27 : vector<16xf32> to vector<16xf32>
        tpu.vector_store %arg6[%swap3A], %swap3A_32 {strides = array<i32>} : memref<112xf32, #tpu.memory_space<vmem>>, vector<16xf32>,
        %scan3A_33 = arith.constant 0 : i32
        scf.yield %scan3A_33 : i32
      }
      %scan3A_17 = arith.constant 7 : i32
      %scan3A_18 = arith.constant 0 : i32
      %scan3A_19 = arith.constant 0 : i32
      %scan3A_20 = arith.constant 184 : i32
      %scan3A_21 = arith.addi %scan3A_19, %scan3A_20 : i32
      %scan3A_22 = arith.constant 1 : i32
      %scan3A_23 = scf.for %scan3A_25 = %scan3A_19 to %scan3A_21 step %scan3A_22 iter_args(%scan3A_26 = %scan3A_18) -> (i32)  : i32 {
        "tpu.region"() ({
          %run_scoped3A = tpu.sem_alloc : memref<!tpu.dma_semaphore, #tpu.memory_space<semaphore_mem>>
          %dma_start3A = arith.constant 0 : i32
          %dma_start3A_28 = tpu.memref_slice %arg5[%scan3A_25, %dma_start3A] : memref<184x112xi32, #tpu.memory_space<vmem>> -> memref<1x112xi32, #tpu.memory_space<vmem>>
          %dma_start3A_29 = tpu.memref_squeeze %dma_start3A_28 : memref<1x112xi32, #tpu.memory_space<vmem>> -> memref<112xi32, #tpu.memory_space<vmem>>
          %dma_start3A_30 = arith.constant 0 : i32
          %dma_start3A_31 = tpu.memref_slice %arg7[%dma_start3A_30] : memref<10240xf32, #tpu.memory_space<vmem_shared>> -> memref<10240xf32, #tpu.memory_space<vmem_shared>>
          tpu.enqueue_indirect_dma source(%arg6 : memref<112xf32, #tpu.memory_space<vmem>>) target(%dma_start3A_31 : memref<10240xf32, #tpu.memory_space<vmem_shared>>) offsets(%dma_start3A_29 : memref<112xi32, #tpu.memory_space<vmem>>) semaphore(%run_scoped3A : memref<!tpu.dma_semaphore, #tpu.memory_space<semaphore_mem>>) {add = true}
          %dma_wait3A = arith.constant 0 : i32
          %dma_wait3A_32 = tpu.memref_slice %arg5[%scan3A_25, %dma_wait3A] : memref<184x112xi32, #tpu.memory_space<vmem>> -> memref<1x112xi32, #tpu.memory_space<vmem>>
          %dma_wait3A_33 = tpu.memref_squeeze %dma_wait3A_32 : memref<1x112xi32, #tpu.memory_space<vmem>> -> memref<112xi32, #tpu.memory_space<vmem>>
          %dma_wait3A_34 = arith.constant 0 : i32
          %dma_wait3A_35 = tpu.memref_slice %arg7[%dma_wait3A_34] : memref<10240xf32, #tpu.memory_space<vmem_shared>> -> memref<10240xf32, #tpu.memory_space<vmem_shared>>
          tpu.wait_indirect_dma semaphore(%run_scoped3A : memref<!tpu.dma_semaphore, #tpu.memory_space<semaphore_mem>>) src(%arg6 : memref<112xf32, #tpu.memory_space<vmem>>) dst(%dma_wait3A_35 : memref<10240xf32, #tpu.memory_space<vmem_shared>>)
          tpu.yield
        }) : () -> ()
        %scan3A_27 = arith.constant 0 : i32
        scf.yield %scan3A_27 : i32
      }
      %scan3A_24 = arith.constant 184 : i32
    } else {
    }
    %barrier3A_6 = arith.constant 0 : index
    tpu.barrier barrier_id(%barrier3A_6)
    %convert_element_type3A_7 = arith.extui %eq3A_0 : i1 to i32
    %cond3A_8 = arith.constant 0 : i32
    %cond3A_9 = arith.cmpi ne, %convert_element_type3A_7, %cond3A_8 : i32
    scf.if %cond3A_9 {
      "tpu.region"() ({
        %run_scoped3A = tpu.sem_alloc : memref<!tpu.dma_semaphore, #tpu.memory_space<semaphore_mem>>
        %dma_start3A = tpu.memref_slice %arg4[%mul3A_1] : memref<10240xf32, #tpu.memory_space<hbm>> -> memref<640xf32, #tpu.memory_space<hbm>>
        %dma_start3A_10 = tpu.memref_slice %arg7[%mul3A_1] : memref<10240xf32, #tpu.memory_space<vmem_shared>> -> memref<640xf32, #tpu.memory_space<vmem_shared>>
        tpu.enqueue_dma source(%dma_start3A_10 : memref<640xf32, #tpu.memory_space<vmem_shared>>) target(%dma_start3A : memref<640xf32, #tpu.memory_space<hbm>>) target_semaphore(%run_scoped3A : memref<!tpu.dma_semaphore, #tpu.memory_space<semaphore_mem>>)
        %dma_wait3A = tpu.memref_slice %arg4[%mul3A_1] : memref<10240xf32, #tpu.memory_space<hbm>> -> memref<640xf32, #tpu.memory_space<hbm>>
        %dma_wait3A_11 = tpu.memref_slice %arg7[%mul3A_1] : memref<10240xf32, #tpu.memory_space<vmem_shared>> -> memref<640xf32, #tpu.memory_space<vmem_shared>>
        tpu.wait_dma2 semaphore(%run_scoped3A : memref<!tpu.dma_semaphore, #tpu.memory_space<semaphore_mem>>) src(%dma_wait3A_11 : memref<640xf32, #tpu.memory_space<vmem_shared>>) dst(%dma_wait3A : memref<640xf32, #tpu.memory_space<hbm>>)
        tpu.yield
      }) : () -> ()
    } else {
    }
    return
  }
}

#map = affine_map<(d0, d1) -> (0, 0)>
module attributes {stable_mosaic.version = 14 : i64} {
  func.func @body(%arg0: i32, %arg1: i32, %arg2: memref<10000x128xf32, #tpu.memory_space<hbm>>, %arg3: memref<10240x128xf32, #tpu.memory_space<hbm>>, %arg4: memref<2944x112xi32, #tpu.memory_space<hbm>>, %arg5: memref<2944x112xi32, #tpu.memory_space<hbm>>, %arg6: memref<10240x128xf32, #tpu.memory_space<hbm>>, %arg7: memref<2x8x112xi32, #tpu.memory_space<vmem>>, %arg8: memref<2x8x112xi32, #tpu.memory_space<vmem>>, %arg9: memref<3x112x128xf32, #tpu.memory_space<vmem>>, %arg10: memref<10240x128xf32, #tpu.memory_space<vmem_shared>>, %arg11: memref<3x!tpu.dma_semaphore, #tpu.memory_space<semaphore_mem>>, %arg12: memref<3x!tpu.dma_semaphore, #tpu.memory_space<semaphore_mem>>, %arg13: memref<2x!tpu.dma_semaphore, #tpu.memory_space<semaphore_mem>>) attributes {dimension_semantics = [#tpu.dimension_semantics<core_parallel>, #tpu.dimension_semantics<subcore_parallel>], iteration_bounds = array<i64: 2, 16>, scalar_prefetch = 0 : i64, scratch_operands = 7 : i64, tpu.core_type = #tpu.core_type<sc_vector_subcore>, window_params = [{transform_indices = #map}, {transform_indices = #map}, {transform_indices = #map}, {transform_indices = #map}, {transform_indices = #map}]} {
    %eq3A = arith.constant 0 : i32
    %eq3A_0 = arith.cmpi eq, %arg0, %eq3A : i32
    %mul3A = arith.constant 640 : i32
    %mul3A_1 = arith.muli %arg1, %mul3A : i32
    %convert_element_type3A = arith.extui %eq3A_0 : i1 to i32
    %cond3A = arith.constant 0 : i32
    %cond3A_2 = arith.cmpi ne, %convert_element_type3A, %cond3A : i32
    scf.if %cond3A_2 {
      "tpu.region"() ({
        %run_scoped3A = tpu.sem_alloc : memref<!tpu.dma_semaphore, #tpu.memory_space<semaphore_mem>>
        %dma_start3A = arith.constant 0 : i32
        %dma_start3A_12 = tpu.memref_slice %arg10[%mul3A_1, %dma_start3A] : memref<10240x128xf32, #tpu.memory_space<vmem_shared>> -> memref<640x128xf32, #tpu.memory_space<vmem_shared>>
        %dma_start3A_13 = arith.constant 0 : i32
        %dma_start3A_14 = tpu.memref_slice %arg3[%mul3A_1, %dma_start3A_13] : memref<10240x128xf32, #tpu.memory_space<hbm>> -> memref<640x128xf32, #tpu.memory_space<hbm>>
        tpu.enqueue_dma source(%dma_start3A_14 : memref<640x128xf32, #tpu.memory_space<hbm>>) target(%dma_start3A_12 : memref<640x128xf32, #tpu.memory_space<vmem_shared>>) target_semaphore(%run_scoped3A : memref<!tpu.dma_semaphore, #tpu.memory_space<semaphore_mem>>)
        %dma_wait3A = arith.constant 0 : i32
        %dma_wait3A_15 = tpu.memref_slice %arg10[%mul3A_1, %dma_wait3A] : memref<10240x128xf32, #tpu.memory_space<vmem_shared>> -> memref<640x128xf32, #tpu.memory_space<vmem_shared>>
        %dma_wait3A_16 = arith.constant 0 : i32
        %dma_wait3A_17 = tpu.memref_slice %arg3[%mul3A_1, %dma_wait3A_16] : memref<10240x128xf32, #tpu.memory_space<hbm>> -> memref<640x128xf32, #tpu.memory_space<hbm>>
        tpu.wait_dma2 semaphore(%run_scoped3A : memref<!tpu.dma_semaphore, #tpu.memory_space<semaphore_mem>>) src(%dma_wait3A_17 : memref<640x128xf32, #tpu.memory_space<hbm>>) dst(%dma_wait3A_15 : memref<640x128xf32, #tpu.memory_space<vmem_shared>>)
        tpu.yield
      }) : () -> ()
    } else {
    }
    %barrier3A = arith.constant 0 : index
    tpu.barrier barrier_id(%barrier3A)
    %mul3A_3 = arith.constant 184 : i32
    %mul3A_4 = arith.muli %arg1, %mul3A_3 : i32
    %convert_element_type3A_5 = arith.extui %eq3A_0 : i1 to i32
    %cond3A_6 = arith.constant 0 : i32
    %cond3A_7 = arith.cmpi ne, %convert_element_type3A_5, %cond3A_6 : i32
    scf.if %cond3A_7 {
      %add3A = arith.constant 0 : i32
      %add3A_12 = arith.addi %mul3A_4, %add3A : i32
      %dma_start3A = arith.constant 0 : i32
      %dma_start3A_13 = arith.constant 0 : i32
      %dma_start3A_14 = arith.constant 0 : i32
      %dma_start3A_15 = arith.constant 0 : i32
      %dma_start3A_16 = tpu.memref_slice %arg7[%dma_start3A, %dma_start3A_14, %dma_start3A_15] : memref<2x8x112xi32, #tpu.memory_space<vmem>> -> memref<1x8x112xi32, #tpu.memory_space<vmem>>
      %dma_start3A_17 = tpu.memref_squeeze %dma_start3A_16 : memref<1x8x112xi32, #tpu.memory_space<vmem>> -> memref<8x112xi32, #tpu.memory_space<vmem>>
      %dma_start3A_18 = arith.constant 0 : i32
      %dma_start3A_19 = tpu.memref_slice %arg4[%add3A_12, %dma_start3A_18] : memref<2944x112xi32, #tpu.memory_space<hbm>> -> memref<8x112xi32, #tpu.memory_space<hbm>>
      %dma_start3A_20 = tpu.memref_slice %arg13[%dma_start3A_13] : memref<2x!tpu.dma_semaphore, #tpu.memory_space<semaphore_mem>> -> memref<1x!tpu.dma_semaphore, #tpu.memory_space<semaphore_mem>>
      %dma_start3A_21 = tpu.memref_squeeze %dma_start3A_20 : memref<1x!tpu.dma_semaphore, #tpu.memory_space<semaphore_mem>> -> memref<!tpu.dma_semaphore, #tpu.memory_space<semaphore_mem>>
      %dma_start3A_22 = arith.constant 0 : i32
      %dma_start3A_23 = arith.constant 0 : i32
      %dma_start3A_24 = tpu.memref_slice %arg7[%dma_start3A, %dma_start3A_22, %dma_start3A_23] : memref<2x8x112xi32, #tpu.memory_space<vmem>> -> memref<1x8x112xi32, #tpu.memory_space<vmem>>
      %dma_start3A_25 = tpu.memref_squeeze %dma_start3A_24 : memref<1x8x112xi32, #tpu.memory_space<vmem>> -> memref<8x112xi32, #tpu.memory_space<vmem>>
      %dma_start3A_26 = arith.constant 0 : i32
      %dma_start3A_27 = tpu.memref_slice %arg4[%add3A_12, %dma_start3A_26] : memref<2944x112xi32, #tpu.memory_space<hbm>> -> memref<8x112xi32, #tpu.memory_space<hbm>>
      tpu.enqueue_dma source(%dma_start3A_27 : memref<8x112xi32, #tpu.memory_space<hbm>>) target(%dma_start3A_25 : memref<8x112xi32, #tpu.memory_space<vmem>>) target_semaphore(%dma_start3A_21 : memref<!tpu.dma_semaphore, #tpu.memory_space<semaphore_mem>>)
      %add3A_28 = arith.constant 0 : i32
      %add3A_29 = arith.addi %mul3A_4, %add3A_28 : i32
      %dma_start3A_30 = arith.constant 0 : i32
      %dma_start3A_31 = arith.constant 0 : i32
      %dma_start3A_32 = arith.constant 0 : i32
      %dma_start3A_33 = arith.constant 0 : i32
      %dma_start3A_34 = tpu.memref_slice %arg8[%dma_start3A_30, %dma_start3A_32, %dma_start3A_33] : memref<2x8x112xi32, #tpu.memory_space<vmem>> -> memref<1x8x112xi32, #tpu.memory_space<vmem>>
      %dma_start3A_35 = tpu.memref_squeeze %dma_start3A_34 : memref<1x8x112xi32, #tpu.memory_space<vmem>> -> memref<8x112xi32, #tpu.memory_space<vmem>>
      %dma_start3A_36 = arith.constant 0 : i32
      %dma_start3A_37 = tpu.memref_slice %arg5[%add3A_29, %dma_start3A_36] : memref<2944x112xi32, #tpu.memory_space<hbm>> -> memref<8x112xi32, #tpu.memory_space<hbm>>
      %dma_start3A_38 = tpu.memref_slice %arg13[%dma_start3A_31] : memref<2x!tpu.dma_semaphore, #tpu.memory_space<semaphore_mem>> -> memref<1x!tpu.dma_semaphore, #tpu.memory_space<semaphore_mem>>
      %dma_start3A_39 = tpu.memref_squeeze %dma_start3A_38 : memref<1x!tpu.dma_semaphore, #tpu.memory_space<semaphore_mem>> -> memref<!tpu.dma_semaphore, #tpu.memory_space<semaphore_mem>>
      %dma_start3A_40 = arith.constant 0 : i32
      %dma_start3A_41 = arith.constant 0 : i32
      %dma_start3A_42 = tpu.memref_slice %arg8[%dma_start3A_30, %dma_start3A_40, %dma_start3A_41] : memref<2x8x112xi32, #tpu.memory_space<vmem>> -> memref<1x8x112xi32, #tpu.memory_space<vmem>>
      %dma_start3A_43 = tpu.memref_squeeze %dma_start3A_42 : memref<1x8x112xi32, #tpu.memory_space<vmem>> -> memref<8x112xi32, #tpu.memory_space<vmem>>
      %dma_start3A_44 = arith.constant 0 : i32
      %dma_start3A_45 = tpu.memref_slice %arg5[%add3A_29, %dma_start3A_44] : memref<2944x112xi32, #tpu.memory_space<hbm>> -> memref<8x112xi32, #tpu.memory_space<hbm>>
      tpu.enqueue_dma source(%dma_start3A_45 : memref<8x112xi32, #tpu.memory_space<hbm>>) target(%dma_start3A_43 : memref<8x112xi32, #tpu.memory_space<vmem>>) target_semaphore(%dma_start3A_39 : memref<!tpu.dma_semaphore, #tpu.memory_space<semaphore_mem>>)
      %add3A_46 = arith.constant 0 : i32
      %add3A_47 = arith.addi %mul3A_4, %add3A_46 : i32
      %dma_wait3A = arith.constant 0 : i32
      %dma_wait3A_48 = arith.constant 0 : i32
      %dma_wait3A_49 = arith.constant 0 : i32
      %dma_wait3A_50 = arith.constant 0 : i32
      %dma_wait3A_51 = tpu.memref_slice %arg7[%dma_wait3A, %dma_wait3A_49, %dma_wait3A_50] : memref<2x8x112xi32, #tpu.memory_space<vmem>> -> memref<1x8x112xi32, #tpu.memory_space<vmem>>
      %dma_wait3A_52 = tpu.memref_squeeze %dma_wait3A_51 : memref<1x8x112xi32, #tpu.memory_space<vmem>> -> memref<8x112xi32, #tpu.memory_space<vmem>>
      %dma_wait3A_53 = arith.constant 0 : i32
      %dma_wait3A_54 = tpu.memref_slice %arg4[%add3A_47, %dma_wait3A_53] : memref<2944x112xi32, #tpu.memory_space<hbm>> -> memref<8x112xi32, #tpu.memory_space<hbm>>
      %dma_wait3A_55 = tpu.memref_slice %arg13[%dma_wait3A_48] : memref<2x!tpu.dma_semaphore, #tpu.memory_space<semaphore_mem>> -> memref<1x!tpu.dma_semaphore, #tpu.memory_space<semaphore_mem>>
      %dma_wait3A_56 = tpu.memref_squeeze %dma_wait3A_55 : memref<1x!tpu.dma_semaphore, #tpu.memory_space<semaphore_mem>> -> memref<!tpu.dma_semaphore, #tpu.memory_space<semaphore_mem>>
      %dma_wait3A_57 = arith.constant 0 : i32
      %dma_wait3A_58 = arith.constant 0 : i32
      %dma_wait3A_59 = tpu.memref_slice %arg7[%dma_wait3A, %dma_wait3A_57, %dma_wait3A_58] : memref<2x8x112xi32, #tpu.memory_space<vmem>> -> memref<1x8x112xi32, #tpu.memory_space<vmem>>
      %dma_wait3A_60 = tpu.memref_squeeze %dma_wait3A_59 : memref<1x8x112xi32, #tpu.memory_space<vmem>> -> memref<8x112xi32, #tpu.memory_space<vmem>>
      %dma_wait3A_61 = arith.constant 0 : i32
      %dma_wait3A_62 = tpu.memref_slice %arg4[%add3A_47, %dma_wait3A_61] : memref<2944x112xi32, #tpu.memory_space<hbm>> -> memref<8x112xi32, #tpu.memory_space<hbm>>
      tpu.wait_dma2 semaphore(%dma_wait3A_56 : memref<!tpu.dma_semaphore, #tpu.memory_space<semaphore_mem>>) src(%dma_wait3A_62 : memref<8x112xi32, #tpu.memory_space<hbm>>) dst(%dma_wait3A_60 : memref<8x112xi32, #tpu.memory_space<vmem>>)
      %add3A_63 = arith.constant 0 : i32
      %add3A_64 = arith.addi %mul3A_4, %add3A_63 : i32
      %dma_wait3A_65 = arith.constant 0 : i32
      %dma_wait3A_66 = arith.constant 0 : i32
      %dma_wait3A_67 = arith.constant 0 : i32
      %dma_wait3A_68 = arith.constant 0 : i32
      %dma_wait3A_69 = tpu.memref_slice %arg8[%dma_wait3A_65, %dma_wait3A_67, %dma_wait3A_68] : memref<2x8x112xi32, #tpu.memory_space<vmem>> -> memref<1x8x112xi32, #tpu.memory_space<vmem>>
      %dma_wait3A_70 = tpu.memref_squeeze %dma_wait3A_69 : memref<1x8x112xi32, #tpu.memory_space<vmem>> -> memref<8x112xi32, #tpu.memory_space<vmem>>
      %dma_wait3A_71 = arith.constant 0 : i32
      %dma_wait3A_72 = tpu.memref_slice %arg5[%add3A_64, %dma_wait3A_71] : memref<2944x112xi32, #tpu.memory_space<hbm>> -> memref<8x112xi32, #tpu.memory_space<hbm>>
      %dma_wait3A_73 = tpu.memref_slice %arg13[%dma_wait3A_66] : memref<2x!tpu.dma_semaphore, #tpu.memory_space<semaphore_mem>> -> memref<1x!tpu.dma_semaphore, #tpu.memory_space<semaphore_mem>>
      %dma_wait3A_74 = tpu.memref_squeeze %dma_wait3A_73 : memref<1x!tpu.dma_semaphore, #tpu.memory_space<semaphore_mem>> -> memref<!tpu.dma_semaphore, #tpu.memory_space<semaphore_mem>>
      %dma_wait3A_75 = arith.constant 0 : i32
      %dma_wait3A_76 = arith.constant 0 : i32
      %dma_wait3A_77 = tpu.memref_slice %arg8[%dma_wait3A_65, %dma_wait3A_75, %dma_wait3A_76] : memref<2x8x112xi32, #tpu.memory_space<vmem>> -> memref<1x8x112xi32, #tpu.memory_space<vmem>>
      %dma_wait3A_78 = tpu.memref_squeeze %dma_wait3A_77 : memref<1x8x112xi32, #tpu.memory_space<vmem>> -> memref<8x112xi32, #tpu.memory_space<vmem>>
      %dma_wait3A_79 = arith.constant 0 : i32
      %dma_wait3A_80 = tpu.memref_slice %arg5[%add3A_64, %dma_wait3A_79] : memref<2944x112xi32, #tpu.memory_space<hbm>> -> memref<8x112xi32, #tpu.memory_space<hbm>>
      tpu.wait_dma2 semaphore(%dma_wait3A_74 : memref<!tpu.dma_semaphore, #tpu.memory_space<semaphore_mem>>) src(%dma_wait3A_80 : memref<8x112xi32, #tpu.memory_space<hbm>>) dst(%dma_wait3A_78 : memref<8x112xi32, #tpu.memory_space<vmem>>)
      %add3A_81 = arith.constant 8 : i32
      %add3A_82 = arith.addi %mul3A_4, %add3A_81 : i32
      %dma_start3A_83 = arith.constant 1 : i32
      %dma_start3A_84 = arith.constant 1 : i32
      %dma_start3A_85 = arith.constant 0 : i32
      %dma_start3A_86 = arith.constant 0 : i32
      %dma_start3A_87 = tpu.memref_slice %arg7[%dma_start3A_83, %dma_start3A_85, %dma_start3A_86] : memref<2x8x112xi32, #tpu.memory_space<vmem>> -> memref<1x8x112xi32, #tpu.memory_space<vmem>>
      %dma_start3A_88 = tpu.memref_squeeze %dma_start3A_87 : memref<1x8x112xi32, #tpu.memory_space<vmem>> -> memref<8x112xi32, #tpu.memory_space<vmem>>
      %dma_start3A_89 = arith.constant 0 : i32
      %dma_start3A_90 = tpu.memref_slice %arg4[%add3A_82, %dma_start3A_89] : memref<2944x112xi32, #tpu.memory_space<hbm>> -> memref<8x112xi32, #tpu.memory_space<hbm>>
      %dma_start3A_91 = tpu.memref_slice %arg13[%dma_start3A_84] : memref<2x!tpu.dma_semaphore, #tpu.memory_space<semaphore_mem>> -> memref<1x!tpu.dma_semaphore, #tpu.memory_space<semaphore_mem>>
      %dma_start3A_92 = tpu.memref_squeeze %dma_start3A_91 : memref<1x!tpu.dma_semaphore, #tpu.memory_space<semaphore_mem>> -> memref<!tpu.dma_semaphore, #tpu.memory_space<semaphore_mem>>
      %dma_start3A_93 = arith.constant 0 : i32
      %dma_start3A_94 = arith.constant 0 : i32
      %dma_start3A_95 = tpu.memref_slice %arg7[%dma_start3A_83, %dma_start3A_93, %dma_start3A_94] : memref<2x8x112xi32, #tpu.memory_space<vmem>> -> memref<1x8x112xi32, #tpu.memory_space<vmem>>
      %dma_start3A_96 = tpu.memref_squeeze %dma_start3A_95 : memref<1x8x112xi32, #tpu.memory_space<vmem>> -> memref<8x112xi32, #tpu.memory_space<vmem>>
      %dma_start3A_97 = arith.constant 0 : i32
      %dma_start3A_98 = tpu.memref_slice %arg4[%add3A_82, %dma_start3A_97] : memref<2944x112xi32, #tpu.memory_space<hbm>> -> memref<8x112xi32, #tpu.memory_space<hbm>>
      tpu.enqueue_dma source(%dma_start3A_98 : memref<8x112xi32, #tpu.memory_space<hbm>>) target(%dma_start3A_96 : memref<8x112xi32, #tpu.memory_space<vmem>>) target_semaphore(%dma_start3A_92 : memref<!tpu.dma_semaphore, #tpu.memory_space<semaphore_mem>>)
      %add3A_99 = arith.constant 8 : i32
      %add3A_100 = arith.addi %mul3A_4, %add3A_99 : i32
      %dma_start3A_101 = arith.constant 1 : i32
      %dma_start3A_102 = arith.constant 1 : i32
      %dma_start3A_103 = arith.constant 0 : i32
      %dma_start3A_104 = arith.constant 0 : i32
      %dma_start3A_105 = tpu.memref_slice %arg8[%dma_start3A_101, %dma_start3A_103, %dma_start3A_104] : memref<2x8x112xi32, #tpu.memory_space<vmem>> -> memref<1x8x112xi32, #tpu.memory_space<vmem>>
      %dma_start3A_106 = tpu.memref_squeeze %dma_start3A_105 : memref<1x8x112xi32, #tpu.memory_space<vmem>> -> memref<8x112xi32, #tpu.memory_space<vmem>>
      %dma_start3A_107 = arith.constant 0 : i32
      %dma_start3A_108 = tpu.memref_slice %arg5[%add3A_100, %dma_start3A_107] : memref<2944x112xi32, #tpu.memory_space<hbm>> -> memref<8x112xi32, #tpu.memory_space<hbm>>
      %dma_start3A_109 = tpu.memref_slice %arg13[%dma_start3A_102] : memref<2x!tpu.dma_semaphore, #tpu.memory_space<semaphore_mem>> -> memref<1x!tpu.dma_semaphore, #tpu.memory_space<semaphore_mem>>
      %dma_start3A_110 = tpu.memref_squeeze %dma_start3A_109 : memref<1x!tpu.dma_semaphore, #tpu.memory_space<semaphore_mem>> -> memref<!tpu.dma_semaphore, #tpu.memory_space<semaphore_mem>>
      %dma_start3A_111 = arith.constant 0 : i32
      %dma_start3A_112 = arith.constant 0 : i32
      %dma_start3A_113 = tpu.memref_slice %arg8[%dma_start3A_101, %dma_start3A_111, %dma_start3A_112] : memref<2x8x112xi32, #tpu.memory_space<vmem>> -> memref<1x8x112xi32, #tpu.memory_space<vmem>>
      %dma_start3A_114 = tpu.memref_squeeze %dma_start3A_113 : memref<1x8x112xi32, #tpu.memory_space<vmem>> -> memref<8x112xi32, #tpu.memory_space<vmem>>
      %dma_start3A_115 = arith.constant 0 : i32
      %dma_start3A_116 = tpu.memref_slice %arg5[%add3A_100, %dma_start3A_115] : memref<2944x112xi32, #tpu.memory_space<hbm>> -> memref<8x112xi32, #tpu.memory_space<hbm>>
      tpu.enqueue_dma source(%dma_start3A_116 : memref<8x112xi32, #tpu.memory_space<hbm>>) target(%dma_start3A_114 : memref<8x112xi32, #tpu.memory_space<vmem>>) target_semaphore(%dma_start3A_110 : memref<!tpu.dma_semaphore, #tpu.memory_space<semaphore_mem>>)
      %rem3A = arith.constant 0 : i32
      %rem3A_117 = arith.constant 8 : i32
      %rem3A_118 = arith.remsi %rem3A, %rem3A_117 : i32
      %rem3A_119 = arith.constant 0 : i32
      %rem3A_120 = arith.constant 3 : i32
      %rem3A_121 = arith.remsi %rem3A_119, %rem3A_120 : i32
      %rem3A_122 = arith.constant 0 : i32
      %rem3A_123 = arith.constant 3 : i32
      %rem3A_124 = arith.remsi %rem3A_122, %rem3A_123 : i32
      %dma_start3A_125 = arith.constant 0 : i32
      %dma_start3A_126 = arith.constant 0 : i32
      %dma_start3A_127 = arith.constant 0 : i32
      %dma_start3A_128 = tpu.memref_slice %arg9[%rem3A_121, %dma_start3A_126, %dma_start3A_127] : memref<3x112x128xf32, #tpu.memory_space<vmem>> -> memref<1x112x128xf32, #tpu.memory_space<vmem>>
      %dma_start3A_129 = tpu.memref_squeeze %dma_start3A_128 : memref<1x112x128xf32, #tpu.memory_space<vmem>> -> memref<112x128xf32, #tpu.memory_space<vmem>>
      %dma_start3A_130 = arith.constant 0 : i32
      %dma_start3A_131 = tpu.memref_slice %arg7[%dma_start3A_125, %rem3A_118, %dma_start3A_130] : memref<2x8x112xi32, #tpu.memory_space<vmem>> -> memref<1x1x112xi32, #tpu.memory_space<vmem>>
      %dma_start3A_132 = tpu.memref_squeeze %dma_start3A_131 : memref<1x1x112xi32, #tpu.memory_space<vmem>> -> memref<112xi32, #tpu.memory_space<vmem>>
      %dma_start3A_133 = arith.constant 0 : i32
      %dma_start3A_134 = arith.constant 0 : i32
      %dma_start3A_135 = tpu.memref_slice %arg2[%dma_start3A_133, %dma_start3A_134] : memref<10000x128xf32, #tpu.memory_space<hbm>> -> memref<10000x128xf32, #tpu.memory_space<hbm>>
      %dma_start3A_136 = tpu.memref_slice %arg11[%rem3A_124] : memref<3x!tpu.dma_semaphore, #tpu.memory_space<semaphore_mem>> -> memref<1x!tpu.dma_semaphore, #tpu.memory_space<semaphore_mem>>
      %dma_start3A_137 = tpu.memref_squeeze %dma_start3A_136 : memref<1x!tpu.dma_semaphore, #tpu.memory_space<semaphore_mem>> -> memref<!tpu.dma_semaphore, #tpu.memory_space<semaphore_mem>>
      tpu.enqueue_indirect_dma source(%dma_start3A_135 : memref<10000x128xf32, #tpu.memory_space<hbm>>) target(%dma_start3A_129 : memref<112x128xf32, #tpu.memory_space<vmem>>) offsets(%dma_start3A_132 : memref<112xi32, #tpu.memory_space<vmem>>) semaphore(%dma_start3A_137 : memref<!tpu.dma_semaphore, #tpu.memory_space<semaphore_mem>>)
      %rem3A_138 = arith.constant 1 : i32
      %rem3A_139 = arith.constant 8 : i32
      %rem3A_140 = arith.remsi %rem3A_138, %rem3A_139 : i32
      %rem3A_141 = arith.constant 1 : i32
      %rem3A_142 = arith.constant 3 : i32
      %rem3A_143 = arith.remsi %rem3A_141, %rem3A_142 : i32
      %rem3A_144 = arith.constant 1 : i32
      %rem3A_145 = arith.constant 3 : i32
      %rem3A_146 = arith.remsi %rem3A_144, %rem3A_145 : i32
      %dma_start3A_147 = arith.constant 0 : i32
      %dma_start3A_148 = arith.constant 0 : i32
      %dma_start3A_149 = arith.constant 0 : i32
      %dma_start3A_150 = tpu.memref_slice %arg9[%rem3A_143, %dma_start3A_148, %dma_start3A_149] : memref<3x112x128xf32, #tpu.memory_space<vmem>> -> memref<1x112x128xf32, #tpu.memory_space<vmem>>
      %dma_start3A_151 = tpu.memref_squeeze %dma_start3A_150 : memref<1x112x128xf32, #tpu.memory_space<vmem>> -> memref<112x128xf32, #tpu.memory_space<vmem>>
      %dma_start3A_152 = arith.constant 0 : i32
      %dma_start3A_153 = tpu.memref_slice %arg7[%dma_start3A_147, %rem3A_140, %dma_start3A_152] : memref<2x8x112xi32, #tpu.memory_space<vmem>> -> memref<1x1x112xi32, #tpu.memory_space<vmem>>
      %dma_start3A_154 = tpu.memref_squeeze %dma_start3A_153 : memref<1x1x112xi32, #tpu.memory_space<vmem>> -> memref<112xi32, #tpu.memory_space<vmem>>
      %dma_start3A_155 = arith.constant 0 : i32
      %dma_start3A_156 = arith.constant 0 : i32
      %dma_start3A_157 = tpu.memref_slice %arg2[%dma_start3A_155, %dma_start3A_156] : memref<10000x128xf32, #tpu.memory_space<hbm>> -> memref<10000x128xf32, #tpu.memory_space<hbm>>
      %dma_start3A_158 = tpu.memref_slice %arg11[%rem3A_146] : memref<3x!tpu.dma_semaphore, #tpu.memory_space<semaphore_mem>> -> memref<1x!tpu.dma_semaphore, #tpu.memory_space<semaphore_mem>>
      %dma_start3A_159 = tpu.memref_squeeze %dma_start3A_158 : memref<1x!tpu.dma_semaphore, #tpu.memory_space<semaphore_mem>> -> memref<!tpu.dma_semaphore, #tpu.memory_space<semaphore_mem>>
      tpu.enqueue_indirect_dma source(%dma_start3A_157 : memref<10000x128xf32, #tpu.memory_space<hbm>>) target(%dma_start3A_151 : memref<112x128xf32, #tpu.memory_space<vmem>>) offsets(%dma_start3A_154 : memref<112xi32, #tpu.memory_space<vmem>>) semaphore(%dma_start3A_159 : memref<!tpu.dma_semaphore, #tpu.memory_space<semaphore_mem>>)
      %scan3A = arith.constant 0 : i32
      %scan3A_160 = arith.constant 0 : i32
      %scan3A_161 = arith.constant 184 : i32
      %scan3A_162 = arith.addi %scan3A_160, %scan3A_161 : i32
      %scan3A_163 = arith.constant 1 : i32
      %scan3A_164 = scf.for %scan3A_188 = %scan3A_160 to %scan3A_162 step %scan3A_163 iter_args(%scan3A_189 = %scan3A) -> (i32)  : i32 {
        %jit3A = arith.constant 8 : i32
        %div3A = arith.divsi %scan3A_188, %jit3A : i32
        %sign3A = arith.constant 0 : i32
        %sign3A_190 = arith.cmpi sgt, %scan3A_188, %sign3A : i32
        %sign3A_191 = arith.extui %sign3A_190 : i1 to i32
        %sign3A_192 = arith.constant 0 : i32
        %sign3A_193 = arith.cmpi slt, %scan3A_188, %sign3A_192 : i32
        %sign3A_194 = arith.extui %sign3A_193 : i1 to i32
        %sign3A_195 = arith.subi %sign3A_191, %sign3A_194 : i32
        %sign3A_196 = arith.constant 0 : i32
        %sign3A_197 = arith.cmpi sgt, %jit3A, %sign3A_196 : i32
        %sign3A_198 = arith.extui %sign3A_197 : i1 to i32
        %sign3A_199 = arith.constant 0 : i32
        %sign3A_200 = arith.cmpi slt, %jit3A, %sign3A_199 : i32
        %sign3A_201 = arith.extui %sign3A_200 : i1 to i32
        %sign3A_202 = arith.subi %sign3A_198, %sign3A_201 : i32
        %ne3A = arith.cmpi ne, %sign3A_195, %sign3A_202 : i32
        %rem3A_203 = arith.remsi %scan3A_188, %jit3A : i32
        %ne3A_204 = arith.constant 0 : i32
        %ne3A_205 = arith.cmpi ne, %rem3A_203, %ne3A_204 : i32
        %and3A = arith.andi %ne3A, %ne3A_205 : i1
        %sub3A = arith.constant 1 : i32
        %sub3A_206 = arith.subi %div3A, %sub3A : i32
        %select_n3A = arith.select %and3A, %sub3A_206, %div3A : i32
        %jit3A_207 = arith.constant 2 : i32
        %eq3A_208 = arith.constant 0 : i32
        %eq3A_209 = arith.cmpi eq, %jit3A_207, %eq3A_208 : i32
        %jit3A_210 = arith.constant 1 : i32
        %select_n3A_211 = arith.select %eq3A_209, %jit3A_210, %jit3A_207 : i32
        %rem3A_212 = arith.remsi %select_n3A, %select_n3A_211 : i32
        %ne3A_213 = arith.constant 0 : i32
        %ne3A_214 = arith.cmpi ne, %rem3A_212, %ne3A_213 : i32
        %lt3A = arith.constant 0 : i32
        %lt3A_215 = arith.cmpi slt, %rem3A_212, %lt3A : i32
        %lt3A_216 = arith.constant 0 : i32
        %lt3A_217 = arith.cmpi slt, %select_n3A_211, %lt3A_216 : i32
        %ne3A_218 = arith.xori %lt3A_215, %lt3A_217 : i1
        %and3A_219 = arith.andi %ne3A_218, %ne3A_214 : i1
        %add3A_220 = arith.addi %rem3A_212, %select_n3A_211 : i32
        %select_n3A_221 = arith.select %and3A_219, %add3A_220, %rem3A_212 : i32
        %rem3A_222 = arith.constant 8 : i32
        %rem3A_223 = arith.remsi %scan3A_188, %rem3A_222 : i32
        %rem3A_224 = arith.constant 3 : i32
        %rem3A_225 = arith.remsi %scan3A_188, %rem3A_224 : i32
        %rem3A_226 = arith.constant 3 : i32
        %rem3A_227 = arith.remsi %scan3A_188, %rem3A_226 : i32
        %dma_wait3A_228 = arith.constant 0 : i32
        %dma_wait3A_229 = arith.constant 0 : i32
        %dma_wait3A_230 = tpu.memref_slice %arg9[%rem3A_225, %dma_wait3A_228, %dma_wait3A_229] : memref<3x112x128xf32, #tpu.memory_space<vmem>> -> memref<1x112x128xf32, #tpu.memory_space<vmem>>
        %dma_wait3A_231 = tpu.memref_squeeze %dma_wait3A_230 : memref<1x112x128xf32, #tpu.memory_space<vmem>> -> memref<112x128xf32, #tpu.memory_space<vmem>>
        %dma_wait3A_232 = arith.constant 0 : i32
        %dma_wait3A_233 = tpu.memref_slice %arg7[%select_n3A_221, %rem3A_223, %dma_wait3A_232] : memref<2x8x112xi32, #tpu.memory_space<vmem>> -> memref<1x1x112xi32, #tpu.memory_space<vmem>>
        %dma_wait3A_234 = tpu.memref_squeeze %dma_wait3A_233 : memref<1x1x112xi32, #tpu.memory_space<vmem>> -> memref<112xi32, #tpu.memory_space<vmem>>
        %dma_wait3A_235 = arith.constant 0 : i32
        %dma_wait3A_236 = arith.constant 0 : i32
        %dma_wait3A_237 = tpu.memref_slice %arg2[%dma_wait3A_235, %dma_wait3A_236] : memref<10000x128xf32, #tpu.memory_space<hbm>> -> memref<10000x128xf32, #tpu.memory_space<hbm>>
        %dma_wait3A_238 = tpu.memref_slice %arg11[%rem3A_227] : memref<3x!tpu.dma_semaphore, #tpu.memory_space<semaphore_mem>> -> memref<1x!tpu.dma_semaphore, #tpu.memory_space<semaphore_mem>>
        %dma_wait3A_239 = tpu.memref_squeeze %dma_wait3A_238 : memref<1x!tpu.dma_semaphore, #tpu.memory_space<semaphore_mem>> -> memref<!tpu.dma_semaphore, #tpu.memory_space<semaphore_mem>>
        tpu.wait_indirect_dma semaphore(%dma_wait3A_239 : memref<!tpu.dma_semaphore, #tpu.memory_space<semaphore_mem>>) src(%dma_wait3A_237 : memref<10000x128xf32, #tpu.memory_space<hbm>>) dst(%dma_wait3A_231 : memref<112x128xf32, #tpu.memory_space<vmem>>)
        %rem3A_240 = arith.constant 3 : i32
        %rem3A_241 = arith.remsi %scan3A_188, %rem3A_240 : i32
        %jit3A_242 = arith.constant 8 : i32
        %div3A_243 = arith.divsi %scan3A_188, %jit3A_242 : i32
        %sign3A_244 = arith.constant 0 : i32
        %sign3A_245 = arith.cmpi sgt, %scan3A_188, %sign3A_244 : i32
        %sign3A_246 = arith.extui %sign3A_245 : i1 to i32
        %sign3A_247 = arith.constant 0 : i32
        %sign3A_248 = arith.cmpi slt, %scan3A_188, %sign3A_247 : i32
        %sign3A_249 = arith.extui %sign3A_248 : i1 to i32
        %sign3A_250 = arith.subi %sign3A_246, %sign3A_249 : i32
        %sign3A_251 = arith.constant 0 : i32
        %sign3A_252 = arith.cmpi sgt, %jit3A_242, %sign3A_251 : i32
        %sign3A_253 = arith.extui %sign3A_252 : i1 to i32
        %sign3A_254 = arith.constant 0 : i32
        %sign3A_255 = arith.cmpi slt, %jit3A_242, %sign3A_254 : i32
        %sign3A_256 = arith.extui %sign3A_255 : i1 to i32
        %sign3A_257 = arith.subi %sign3A_253, %sign3A_256 : i32
        %ne3A_258 = arith.cmpi ne, %sign3A_250, %sign3A_257 : i32
        %rem3A_259 = arith.remsi %scan3A_188, %jit3A_242 : i32
        %ne3A_260 = arith.constant 0 : i32
        %ne3A_261 = arith.cmpi ne, %rem3A_259, %ne3A_260 : i32
        %and3A_262 = arith.andi %ne3A_258, %ne3A_261 : i1
        %sub3A_263 = arith.constant 1 : i32
        %sub3A_264 = arith.subi %div3A_243, %sub3A_263 : i32
        %select_n3A_265 = arith.select %and3A_262, %sub3A_264, %div3A_243 : i32
        %jit3A_266 = arith.constant 2 : i32
        %eq3A_267 = arith.constant 0 : i32
        %eq3A_268 = arith.cmpi eq, %jit3A_266, %eq3A_267 : i32
        %jit3A_269 = arith.constant 1 : i32
        %select_n3A_270 = arith.select %eq3A_268, %jit3A_269, %jit3A_266 : i32
        %rem3A_271 = arith.remsi %select_n3A_265, %select_n3A_270 : i32
        %ne3A_272 = arith.constant 0 : i32
        %ne3A_273 = arith.cmpi ne, %rem3A_271, %ne3A_272 : i32
        %lt3A_274 = arith.constant 0 : i32
        %lt3A_275 = arith.cmpi slt, %rem3A_271, %lt3A_274 : i32
        %lt3A_276 = arith.constant 0 : i32
        %lt3A_277 = arith.cmpi slt, %select_n3A_270, %lt3A_276 : i32
        %ne3A_278 = arith.xori %lt3A_275, %lt3A_277 : i1
        %and3A_279 = arith.andi %ne3A_278, %ne3A_273 : i1
        %add3A_280 = arith.addi %rem3A_271, %select_n3A_270 : i32
        %select_n3A_281 = arith.select %and3A_279, %add3A_280, %rem3A_271 : i32
        %rem3A_282 = arith.constant 8 : i32
        %rem3A_283 = arith.remsi %scan3A_188, %rem3A_282 : i32
        %rem3A_284 = arith.constant 3 : i32
        %rem3A_285 = arith.remsi %scan3A_188, %rem3A_284 : i32
        %dma_start3A_286 = arith.constant 0 : i32
        %dma_start3A_287 = arith.constant 0 : i32
        %dma_start3A_288 = tpu.memref_slice %arg9[%rem3A_241, %dma_start3A_286, %dma_start3A_287] : memref<3x112x128xf32, #tpu.memory_space<vmem>> -> memref<1x112x128xf32, #tpu.memory_space<vmem>>
        %dma_start3A_289 = tpu.memref_squeeze %dma_start3A_288 : memref<1x112x128xf32, #tpu.memory_space<vmem>> -> memref<112x128xf32, #tpu.memory_space<vmem>>
        %dma_start3A_290 = arith.constant 0 : i32
        %dma_start3A_291 = tpu.memref_slice %arg8[%select_n3A_281, %rem3A_283, %dma_start3A_290] : memref<2x8x112xi32, #tpu.memory_space<vmem>> -> memref<1x1x112xi32, #tpu.memory_space<vmem>>
        %dma_start3A_292 = tpu.memref_squeeze %dma_start3A_291 : memref<1x1x112xi32, #tpu.memory_space<vmem>> -> memref<112xi32, #tpu.memory_space<vmem>>
        %dma_start3A_293 = arith.constant 0 : i32
        %dma_start3A_294 = arith.constant 0 : i32
        %dma_start3A_295 = tpu.memref_slice %arg10[%dma_start3A_293, %dma_start3A_294] : memref<10240x128xf32, #tpu.memory_space<vmem_shared>> -> memref<10240x128xf32, #tpu.memory_space<vmem_shared>>
        %dma_start3A_296 = tpu.memref_slice %arg12[%rem3A_285] : memref<3x!tpu.dma_semaphore, #tpu.memory_space<semaphore_mem>> -> memref<1x!tpu.dma_semaphore, #tpu.memory_space<semaphore_mem>>
        %dma_start3A_297 = tpu.memref_squeeze %dma_start3A_296 : memref<1x!tpu.dma_semaphore, #tpu.memory_space<semaphore_mem>> -> memref<!tpu.dma_semaphore, #tpu.memory_space<semaphore_mem>>
        tpu.enqueue_indirect_dma source(%dma_start3A_289 : memref<112x128xf32, #tpu.memory_space<vmem>>) target(%dma_start3A_295 : memref<10240x128xf32, #tpu.memory_space<vmem_shared>>) offsets(%dma_start3A_292 : memref<112xi32, #tpu.memory_space<vmem>>) semaphore(%dma_start3A_297 : memref<!tpu.dma_semaphore, #tpu.memory_space<semaphore_mem>>) {add = true}
        %rem3A_298 = arith.constant 8 : i32
        %rem3A_299 = arith.remsi %scan3A_188, %rem3A_298 : i32
        %eq3A_300 = arith.constant 1 : i32
        %eq3A_301 = arith.cmpi eq, %rem3A_299, %eq3A_300 : i32
        %gt3A = arith.constant 8 : i32
        %gt3A_302 = arith.cmpi sgt, %scan3A_188, %gt3A : i32
        %and3A_303 = arith.andi %eq3A_301, %gt3A_302 : i1
        %jit3A_304 = arith.constant 8 : i32
        %div3A_305 = arith.divsi %scan3A_188, %jit3A_304 : i32
        %sign3A_306 = arith.constant 0 : i32
        %sign3A_307 = arith.cmpi sgt, %scan3A_188, %sign3A_306 : i32
        %sign3A_308 = arith.extui %sign3A_307 : i1 to i32
        %sign3A_309 = arith.constant 0 : i32
        %sign3A_310 = arith.cmpi slt, %scan3A_188, %sign3A_309 : i32
        %sign3A_311 = arith.extui %sign3A_310 : i1 to i32
        %sign3A_312 = arith.subi %sign3A_308, %sign3A_311 : i32
        %sign3A_313 = arith.constant 0 : i32
        %sign3A_314 = arith.cmpi sgt, %jit3A_304, %sign3A_313 : i32
        %sign3A_315 = arith.extui %sign3A_314 : i1 to i32
        %sign3A_316 = arith.constant 0 : i32
        %sign3A_317 = arith.cmpi slt, %jit3A_304, %sign3A_316 : i32
        %sign3A_318 = arith.extui %sign3A_317 : i1 to i32
        %sign3A_319 = arith.subi %sign3A_315, %sign3A_318 : i32
        %ne3A_320 = arith.cmpi ne, %sign3A_312, %sign3A_319 : i32
        %rem3A_321 = arith.remsi %scan3A_188, %jit3A_304 : i32
        %ne3A_322 = arith.constant 0 : i32
        %ne3A_323 = arith.cmpi ne, %rem3A_321, %ne3A_322 : i32
        %and3A_324 = arith.andi %ne3A_320, %ne3A_323 : i1
        %sub3A_325 = arith.constant 1 : i32
        %sub3A_326 = arith.subi %div3A_305, %sub3A_325 : i32
        %select_n3A_327 = arith.select %and3A_324, %sub3A_326, %div3A_305 : i32
        %add3A_328 = arith.constant 1 : i32
        %add3A_329 = arith.addi %select_n3A_327, %add3A_328 : i32
        %lt3A_330 = arith.constant 23 : i32
        %lt3A_331 = arith.cmpi slt, %add3A_329, %lt3A_330 : i32
        %and3A_332 = arith.andi %and3A_303, %lt3A_331 : i1
        %convert_element_type3A_333 = arith.extui %and3A_332 : i1 to i32
        %cond3A_334 = arith.constant 0 : i32
        %cond3A_335 = arith.cmpi ne, %convert_element_type3A_333, %cond3A_334 : i32
        scf.if %cond3A_335 {
          %jit3A_362 = arith.constant 8 : i32
          %div3A_363 = arith.divsi %scan3A_188, %jit3A_362 : i32
          %sign3A_364 = arith.constant 0 : i32
          %sign3A_365 = arith.cmpi sgt, %scan3A_188, %sign3A_364 : i32
          %sign3A_366 = arith.extui %sign3A_365 : i1 to i32
          %sign3A_367 = arith.constant 0 : i32
          %sign3A_368 = arith.cmpi slt, %scan3A_188, %sign3A_367 : i32
          %sign3A_369 = arith.extui %sign3A_368 : i1 to i32
          %sign3A_370 = arith.subi %sign3A_366, %sign3A_369 : i32
          %sign3A_371 = arith.constant 0 : i32
          %sign3A_372 = arith.cmpi sgt, %jit3A_362, %sign3A_371 : i32
          %sign3A_373 = arith.extui %sign3A_372 : i1 to i32
          %sign3A_374 = arith.constant 0 : i32
          %sign3A_375 = arith.cmpi slt, %jit3A_362, %sign3A_374 : i32
          %sign3A_376 = arith.extui %sign3A_375 : i1 to i32
          %sign3A_377 = arith.subi %sign3A_373, %sign3A_376 : i32
          %ne3A_378 = arith.cmpi ne, %sign3A_370, %sign3A_377 : i32
          %rem3A_379 = arith.remsi %scan3A_188, %jit3A_362 : i32
          %ne3A_380 = arith.constant 0 : i32
          %ne3A_381 = arith.cmpi ne, %rem3A_379, %ne3A_380 : i32
          %and3A_382 = arith.andi %ne3A_378, %ne3A_381 : i1
          %sub3A_383 = arith.constant 1 : i32
          %sub3A_384 = arith.subi %div3A_363, %sub3A_383 : i32
          %select_n3A_385 = arith.select %and3A_382, %sub3A_384, %div3A_363 : i32
          %add3A_386 = arith.constant 1 : i32
          %add3A_387 = arith.addi %select_n3A_385, %add3A_386 : i32
          %jit3A_388 = arith.constant 2 : i32
          %eq3A_389 = arith.constant 0 : i32
          %eq3A_390 = arith.cmpi eq, %jit3A_388, %eq3A_389 : i32
          %jit3A_391 = arith.constant 1 : i32
          %select_n3A_392 = arith.select %eq3A_390, %jit3A_391, %jit3A_388 : i32
          %rem3A_393 = arith.remsi %add3A_387, %select_n3A_392 : i32
          %ne3A_394 = arith.constant 0 : i32
          %ne3A_395 = arith.cmpi ne, %rem3A_393, %ne3A_394 : i32
          %lt3A_396 = arith.constant 0 : i32
          %lt3A_397 = arith.cmpi slt, %rem3A_393, %lt3A_396 : i32
          %lt3A_398 = arith.constant 0 : i32
          %lt3A_399 = arith.cmpi slt, %select_n3A_392, %lt3A_398 : i32
          %ne3A_400 = arith.xori %lt3A_397, %lt3A_399 : i1
          %and3A_401 = arith.andi %ne3A_400, %ne3A_395 : i1
          %add3A_402 = arith.addi %rem3A_393, %select_n3A_392 : i32
          %select_n3A_403 = arith.select %and3A_401, %add3A_402, %rem3A_393 : i32
          %mul3A_404 = arith.constant 8 : i32
          %mul3A_405 = arith.muli %add3A_387, %mul3A_404 : i32
          %add3A_406 = arith.addi %mul3A_4, %mul3A_405 : i32
          %dma_start3A_407 = arith.constant 0 : i32
          %dma_start3A_408 = arith.constant 0 : i32
          %dma_start3A_409 = tpu.memref_slice %arg7[%select_n3A_403, %dma_start3A_407, %dma_start3A_408] : memref<2x8x112xi32, #tpu.memory_space<vmem>> -> memref<1x8x112xi32, #tpu.memory_space<vmem>>
          %dma_start3A_410 = tpu.memref_squeeze %dma_start3A_409 : memref<1x8x112xi32, #tpu.memory_space<vmem>> -> memref<8x112xi32, #tpu.memory_space<vmem>>
          %dma_start3A_411 = arith.constant 0 : i32
          %dma_start3A_412 = tpu.memref_slice %arg4[%add3A_406, %dma_start3A_411] : memref<2944x112xi32, #tpu.memory_space<hbm>> -> memref<8x112xi32, #tpu.memory_space<hbm>>
          %dma_start3A_413 = tpu.memref_slice %arg13[%select_n3A_403] : memref<2x!tpu.dma_semaphore, #tpu.memory_space<semaphore_mem>> -> memref<1x!tpu.dma_semaphore, #tpu.memory_space<semaphore_mem>>
          %dma_start3A_414 = tpu.memref_squeeze %dma_start3A_413 : memref<1x!tpu.dma_semaphore, #tpu.memory_space<semaphore_mem>> -> memref<!tpu.dma_semaphore, #tpu.memory_space<semaphore_mem>>
          %dma_start3A_415 = arith.constant 0 : i32
          %dma_start3A_416 = arith.constant 0 : i32
          %dma_start3A_417 = tpu.memref_slice %arg7[%select_n3A_403, %dma_start3A_415, %dma_start3A_416] : memref<2x8x112xi32, #tpu.memory_space<vmem>> -> memref<1x8x112xi32, #tpu.memory_space<vmem>>
          %dma_start3A_418 = tpu.memref_squeeze %dma_start3A_417 : memref<1x8x112xi32, #tpu.memory_space<vmem>> -> memref<8x112xi32, #tpu.memory_space<vmem>>
          %dma_start3A_419 = arith.constant 0 : i32
          %dma_start3A_420 = tpu.memref_slice %arg4[%add3A_406, %dma_start3A_419] : memref<2944x112xi32, #tpu.memory_space<hbm>> -> memref<8x112xi32, #tpu.memory_space<hbm>>
          tpu.enqueue_dma source(%dma_start3A_420 : memref<8x112xi32, #tpu.memory_space<hbm>>) target(%dma_start3A_418 : memref<8x112xi32, #tpu.memory_space<vmem>>) target_semaphore(%dma_start3A_414 : memref<!tpu.dma_semaphore, #tpu.memory_space<semaphore_mem>>)
          %mul3A_421 = arith.constant 8 : i32
          %mul3A_422 = arith.muli %add3A_387, %mul3A_421 : i32
          %add3A_423 = arith.addi %mul3A_4, %mul3A_422 : i32
          %dma_start3A_424 = arith.constant 0 : i32
          %dma_start3A_425 = arith.constant 0 : i32
          %dma_start3A_426 = tpu.memref_slice %arg8[%select_n3A_403, %dma_start3A_424, %dma_start3A_425] : memref<2x8x112xi32, #tpu.memory_space<vmem>> -> memref<1x8x112xi32, #tpu.memory_space<vmem>>
          %dma_start3A_427 = tpu.memref_squeeze %dma_start3A_426 : memref<1x8x112xi32, #tpu.memory_space<vmem>> -> memref<8x112xi32, #tpu.memory_space<vmem>>
          %dma_start3A_428 = arith.constant 0 : i32
          %dma_start3A_429 = tpu.memref_slice %arg5[%add3A_423, %dma_start3A_428] : memref<2944x112xi32, #tpu.memory_space<hbm>> -> memref<8x112xi32, #tpu.memory_space<hbm>>
          %dma_start3A_430 = tpu.memref_slice %arg13[%select_n3A_403] : memref<2x!tpu.dma_semaphore, #tpu.memory_space<semaphore_mem>> -> memref<1x!tpu.dma_semaphore, #tpu.memory_space<semaphore_mem>>
          %dma_start3A_431 = tpu.memref_squeeze %dma_start3A_430 : memref<1x!tpu.dma_semaphore, #tpu.memory_space<semaphore_mem>> -> memref<!tpu.dma_semaphore, #tpu.memory_space<semaphore_mem>>
          %dma_start3A_432 = arith.constant 0 : i32
          %dma_start3A_433 = arith.constant 0 : i32
          %dma_start3A_434 = tpu.memref_slice %arg8[%select_n3A_403, %dma_start3A_432, %dma_start3A_433] : memref<2x8x112xi32, #tpu.memory_space<vmem>> -> memref<1x8x112xi32, #tpu.memory_space<vmem>>
          %dma_start3A_435 = tpu.memref_squeeze %dma_start3A_434 : memref<1x8x112xi32, #tpu.memory_space<vmem>> -> memref<8x112xi32, #tpu.memory_space<vmem>>
          %dma_start3A_436 = arith.constant 0 : i32
          %dma_start3A_437 = tpu.memref_slice %arg5[%add3A_423, %dma_start3A_436] : memref<2944x112xi32, #tpu.memory_space<hbm>> -> memref<8x112xi32, #tpu.memory_space<hbm>>
          tpu.enqueue_dma source(%dma_start3A_437 : memref<8x112xi32, #tpu.memory_space<hbm>>) target(%dma_start3A_435 : memref<8x112xi32, #tpu.memory_space<vmem>>) target_semaphore(%dma_start3A_431 : memref<!tpu.dma_semaphore, #tpu.memory_space<semaphore_mem>>)
        } else {
        }
        %ge3A = arith.constant 1 : i32
        %ge3A_336 = arith.cmpi sge, %scan3A_188, %ge3A : i32
        %convert_element_type3A_337 = arith.extui %ge3A_336 : i1 to i32
        %cond3A_338 = arith.constant 0 : i32
        %cond3A_339 = arith.cmpi ne, %convert_element_type3A_337, %cond3A_338 : i32
        scf.if %cond3A_339 {
          %sub3A_362 = arith.constant 1 : i32
          %sub3A_363 = arith.subi %scan3A_188, %sub3A_362 : i32
          %rem3A_364 = arith.constant 3 : i32
          %rem3A_365 = arith.remsi %sub3A_363, %rem3A_364 : i32
          %jit3A_366 = arith.constant 8 : i32
          %div3A_367 = arith.divsi %sub3A_363, %jit3A_366 : i32
          %sign3A_368 = arith.constant 0 : i32
          %sign3A_369 = arith.cmpi sgt, %sub3A_363, %sign3A_368 : i32
          %sign3A_370 = arith.extui %sign3A_369 : i1 to i32
          %sign3A_371 = arith.constant 0 : i32
          %sign3A_372 = arith.cmpi slt, %sub3A_363, %sign3A_371 : i32
          %sign3A_373 = arith.extui %sign3A_372 : i1 to i32
          %sign3A_374 = arith.subi %sign3A_370, %sign3A_373 : i32
          %sign3A_375 = arith.constant 0 : i32
          %sign3A_376 = arith.cmpi sgt, %jit3A_366, %sign3A_375 : i32
          %sign3A_377 = arith.extui %sign3A_376 : i1 to i32
          %sign3A_378 = arith.constant 0 : i32
          %sign3A_379 = arith.cmpi slt, %jit3A_366, %sign3A_378 : i32
          %sign3A_380 = arith.extui %sign3A_379 : i1 to i32
          %sign3A_381 = arith.subi %sign3A_377, %sign3A_380 : i32
          %ne3A_382 = arith.cmpi ne, %sign3A_374, %sign3A_381 : i32
          %rem3A_383 = arith.remsi %sub3A_363, %jit3A_366 : i32
          %ne3A_384 = arith.constant 0 : i32
          %ne3A_385 = arith.cmpi ne, %rem3A_383, %ne3A_384 : i32
          %and3A_386 = arith.andi %ne3A_382, %ne3A_385 : i1
          %sub3A_387 = arith.constant 1 : i32
          %sub3A_388 = arith.subi %div3A_367, %sub3A_387 : i32
          %select_n3A_389 = arith.select %and3A_386, %sub3A_388, %div3A_367 : i32
          %jit3A_390 = arith.constant 2 : i32
          %eq3A_391 = arith.constant 0 : i32
          %eq3A_392 = arith.cmpi eq, %jit3A_390, %eq3A_391 : i32
          %jit3A_393 = arith.constant 1 : i32
          %select_n3A_394 = arith.select %eq3A_392, %jit3A_393, %jit3A_390 : i32
          %rem3A_395 = arith.remsi %select_n3A_389, %select_n3A_394 : i32
          %ne3A_396 = arith.constant 0 : i32
          %ne3A_397 = arith.cmpi ne, %rem3A_395, %ne3A_396 : i32
          %lt3A_398 = arith.constant 0 : i32
          %lt3A_399 = arith.cmpi slt, %rem3A_395, %lt3A_398 : i32
          %lt3A_400 = arith.constant 0 : i32
          %lt3A_401 = arith.cmpi slt, %select_n3A_394, %lt3A_400 : i32
          %ne3A_402 = arith.xori %lt3A_399, %lt3A_401 : i1
          %and3A_403 = arith.andi %ne3A_402, %ne3A_397 : i1
          %add3A_404 = arith.addi %rem3A_395, %select_n3A_394 : i32
          %select_n3A_405 = arith.select %and3A_403, %add3A_404, %rem3A_395 : i32
          %rem3A_406 = arith.constant 8 : i32
          %rem3A_407 = arith.remsi %sub3A_363, %rem3A_406 : i32
          %rem3A_408 = arith.constant 3 : i32
          %rem3A_409 = arith.remsi %sub3A_363, %rem3A_408 : i32
          %dma_wait3A_410 = arith.constant 0 : i32
          %dma_wait3A_411 = arith.constant 0 : i32
          %dma_wait3A_412 = tpu.memref_slice %arg9[%rem3A_365, %dma_wait3A_410, %dma_wait3A_411] : memref<3x112x128xf32, #tpu.memory_space<vmem>> -> memref<1x112x128xf32, #tpu.memory_space<vmem>>
          %dma_wait3A_413 = tpu.memref_squeeze %dma_wait3A_412 : memref<1x112x128xf32, #tpu.memory_space<vmem>> -> memref<112x128xf32, #tpu.memory_space<vmem>>
          %dma_wait3A_414 = arith.constant 0 : i32
          %dma_wait3A_415 = tpu.memref_slice %arg8[%select_n3A_405, %rem3A_407, %dma_wait3A_414] : memref<2x8x112xi32, #tpu.memory_space<vmem>> -> memref<1x1x112xi32, #tpu.memory_space<vmem>>
          %dma_wait3A_416 = tpu.memref_squeeze %dma_wait3A_415 : memref<1x1x112xi32, #tpu.memory_space<vmem>> -> memref<112xi32, #tpu.memory_space<vmem>>
          %dma_wait3A_417 = arith.constant 0 : i32
          %dma_wait3A_418 = arith.constant 0 : i32
          %dma_wait3A_419 = tpu.memref_slice %arg10[%dma_wait3A_417, %dma_wait3A_418] : memref<10240x128xf32, #tpu.memory_space<vmem_shared>> -> memref<10240x128xf32, #tpu.memory_space<vmem_shared>>
          %dma_wait3A_420 = tpu.memref_slice %arg12[%rem3A_409] : memref<3x!tpu.dma_semaphore, #tpu.memory_space<semaphore_mem>> -> memref<1x!tpu.dma_semaphore, #tpu.memory_space<semaphore_mem>>
          %dma_wait3A_421 = tpu.memref_squeeze %dma_wait3A_420 : memref<1x!tpu.dma_semaphore, #tpu.memory_space<semaphore_mem>> -> memref<!tpu.dma_semaphore, #tpu.memory_space<semaphore_mem>>
          tpu.wait_indirect_dma semaphore(%dma_wait3A_421 : memref<!tpu.dma_semaphore, #tpu.memory_space<semaphore_mem>>) src(%dma_wait3A_413 : memref<112x128xf32, #tpu.memory_space<vmem>>) dst(%dma_wait3A_419 : memref<10240x128xf32, #tpu.memory_space<vmem_shared>>)
        } else {
        }
        %add3A_340 = arith.constant 2 : i32
        %add3A_341 = arith.addi %scan3A_188, %add3A_340 : i32
        %lt3A_342 = arith.constant 184 : i32
        %lt3A_343 = arith.cmpi slt, %add3A_341, %lt3A_342 : i32
        %add3A_344 = arith.constant 2 : i32
        %add3A_345 = arith.addi %scan3A_188, %add3A_344 : i32
        %rem3A_346 = arith.constant 8 : i32
        %rem3A_347 = arith.remsi %add3A_345, %rem3A_346 : i32
        %eq3A_348 = arith.constant 0 : i32
        %eq3A_349 = arith.cmpi eq, %rem3A_347, %eq3A_348 : i32
        %and3A_350 = arith.andi %lt3A_343, %eq3A_349 : i1
        %convert_element_type3A_351 = arith.extui %and3A_350 : i1 to i32
        %cond3A_352 = arith.constant 0 : i32
        %cond3A_353 = arith.cmpi ne, %convert_element_type3A_351, %cond3A_352 : i32
        scf.if %cond3A_353 {
          %add3A_362 = arith.constant 2 : i32
          %add3A_363 = arith.addi %scan3A_188, %add3A_362 : i32
          %jit3A_364 = arith.constant 8 : i32
          %div3A_365 = arith.divsi %add3A_363, %jit3A_364 : i32
          %sign3A_366 = arith.constant 0 : i32
          %sign3A_367 = arith.cmpi sgt, %add3A_363, %sign3A_366 : i32
          %sign3A_368 = arith.extui %sign3A_367 : i1 to i32
          %sign3A_369 = arith.constant 0 : i32
          %sign3A_370 = arith.cmpi slt, %add3A_363, %sign3A_369 : i32
          %sign3A_371 = arith.extui %sign3A_370 : i1 to i32
          %sign3A_372 = arith.subi %sign3A_368, %sign3A_371 : i32
          %sign3A_373 = arith.constant 0 : i32
          %sign3A_374 = arith.cmpi sgt, %jit3A_364, %sign3A_373 : i32
          %sign3A_375 = arith.extui %sign3A_374 : i1 to i32
          %sign3A_376 = arith.constant 0 : i32
          %sign3A_377 = arith.cmpi slt, %jit3A_364, %sign3A_376 : i32
          %sign3A_378 = arith.extui %sign3A_377 : i1 to i32
          %sign3A_379 = arith.subi %sign3A_375, %sign3A_378 : i32
          %ne3A_380 = arith.cmpi ne, %sign3A_372, %sign3A_379 : i32
          %rem3A_381 = arith.remsi %add3A_363, %jit3A_364 : i32
          %ne3A_382 = arith.constant 0 : i32
          %ne3A_383 = arith.cmpi ne, %rem3A_381, %ne3A_382 : i32
          %and3A_384 = arith.andi %ne3A_380, %ne3A_383 : i1
          %sub3A_385 = arith.constant 1 : i32
          %sub3A_386 = arith.subi %div3A_365, %sub3A_385 : i32
          %select_n3A_387 = arith.select %and3A_384, %sub3A_386, %div3A_365 : i32
          %jit3A_388 = arith.constant 2 : i32
          %eq3A_389 = arith.constant 0 : i32
          %eq3A_390 = arith.cmpi eq, %jit3A_388, %eq3A_389 : i32
          %jit3A_391 = arith.constant 1 : i32
          %select_n3A_392 = arith.select %eq3A_390, %jit3A_391, %jit3A_388 : i32
          %rem3A_393 = arith.remsi %select_n3A_387, %select_n3A_392 : i32
          %ne3A_394 = arith.constant 0 : i32
          %ne3A_395 = arith.cmpi ne, %rem3A_393, %ne3A_394 : i32
          %lt3A_396 = arith.constant 0 : i32
          %lt3A_397 = arith.cmpi slt, %rem3A_393, %lt3A_396 : i32
          %lt3A_398 = arith.constant 0 : i32
          %lt3A_399 = arith.cmpi slt, %select_n3A_392, %lt3A_398 : i32
          %ne3A_400 = arith.xori %lt3A_397, %lt3A_399 : i1
          %and3A_401 = arith.andi %ne3A_400, %ne3A_395 : i1
          %add3A_402 = arith.addi %rem3A_393, %select_n3A_392 : i32
          %select_n3A_403 = arith.select %and3A_401, %add3A_402, %rem3A_393 : i32
          %mul3A_404 = arith.constant 8 : i32
          %mul3A_405 = arith.muli %select_n3A_387, %mul3A_404 : i32
          %add3A_406 = arith.addi %mul3A_4, %mul3A_405 : i32
          %dma_wait3A_407 = arith.constant 0 : i32
          %dma_wait3A_408 = arith.constant 0 : i32
          %dma_wait3A_409 = tpu.memref_slice %arg7[%select_n3A_403, %dma_wait3A_407, %dma_wait3A_408] : memref<2x8x112xi32, #tpu.memory_space<vmem>> -> memref<1x8x112xi32, #tpu.memory_space<vmem>>
          %dma_wait3A_410 = tpu.memref_squeeze %dma_wait3A_409 : memref<1x8x112xi32, #tpu.memory_space<vmem>> -> memref<8x112xi32, #tpu.memory_space<vmem>>
          %dma_wait3A_411 = arith.constant 0 : i32
          %dma_wait3A_412 = tpu.memref_slice %arg4[%add3A_406, %dma_wait3A_411] : memref<2944x112xi32, #tpu.memory_space<hbm>> -> memref<8x112xi32, #tpu.memory_space<hbm>>
          %dma_wait3A_413 = tpu.memref_slice %arg13[%select_n3A_403] : memref<2x!tpu.dma_semaphore, #tpu.memory_space<semaphore_mem>> -> memref<1x!tpu.dma_semaphore, #tpu.memory_space<semaphore_mem>>
          %dma_wait3A_414 = tpu.memref_squeeze %dma_wait3A_413 : memref<1x!tpu.dma_semaphore, #tpu.memory_space<semaphore_mem>> -> memref<!tpu.dma_semaphore, #tpu.memory_space<semaphore_mem>>
          %dma_wait3A_415 = arith.constant 0 : i32
          %dma_wait3A_416 = arith.constant 0 : i32
          %dma_wait3A_417 = tpu.memref_slice %arg7[%select_n3A_403, %dma_wait3A_415, %dma_wait3A_416] : memref<2x8x112xi32, #tpu.memory_space<vmem>> -> memref<1x8x112xi32, #tpu.memory_space<vmem>>
          %dma_wait3A_418 = tpu.memref_squeeze %dma_wait3A_417 : memref<1x8x112xi32, #tpu.memory_space<vmem>> -> memref<8x112xi32, #tpu.memory_space<vmem>>
          %dma_wait3A_419 = arith.constant 0 : i32
          %dma_wait3A_420 = tpu.memref_slice %arg4[%add3A_406, %dma_wait3A_419] : memref<2944x112xi32, #tpu.memory_space<hbm>> -> memref<8x112xi32, #tpu.memory_space<hbm>>
          tpu.wait_dma2 semaphore(%dma_wait3A_414 : memref<!tpu.dma_semaphore, #tpu.memory_space<semaphore_mem>>) src(%dma_wait3A_420 : memref<8x112xi32, #tpu.memory_space<hbm>>) dst(%dma_wait3A_418 : memref<8x112xi32, #tpu.memory_space<vmem>>)
          %mul3A_421 = arith.constant 8 : i32
          %mul3A_422 = arith.muli %select_n3A_387, %mul3A_421 : i32
          %add3A_423 = arith.addi %mul3A_4, %mul3A_422 : i32
          %dma_wait3A_424 = arith.constant 0 : i32
          %dma_wait3A_425 = arith.constant 0 : i32
          %dma_wait3A_426 = tpu.memref_slice %arg8[%select_n3A_403, %dma_wait3A_424, %dma_wait3A_425] : memref<2x8x112xi32, #tpu.memory_space<vmem>> -> memref<1x8x112xi32, #tpu.memory_space<vmem>>
          %dma_wait3A_427 = tpu.memref_squeeze %dma_wait3A_426 : memref<1x8x112xi32, #tpu.memory_space<vmem>> -> memref<8x112xi32, #tpu.memory_space<vmem>>
          %dma_wait3A_428 = arith.constant 0 : i32
          %dma_wait3A_429 = tpu.memref_slice %arg5[%add3A_423, %dma_wait3A_428] : memref<2944x112xi32, #tpu.memory_space<hbm>> -> memref<8x112xi32, #tpu.memory_space<hbm>>
          %dma_wait3A_430 = tpu.memref_slice %arg13[%select_n3A_403] : memref<2x!tpu.dma_semaphore, #tpu.memory_space<semaphore_mem>> -> memref<1x!tpu.dma_semaphore, #tpu.memory_space<semaphore_mem>>
          %dma_wait3A_431 = tpu.memref_squeeze %dma_wait3A_430 : memref<1x!tpu.dma_semaphore, #tpu.memory_space<semaphore_mem>> -> memref<!tpu.dma_semaphore, #tpu.memory_space<semaphore_mem>>
          %dma_wait3A_432 = arith.constant 0 : i32
          %dma_wait3A_433 = arith.constant 0 : i32
          %dma_wait3A_434 = tpu.memref_slice %arg8[%select_n3A_403, %dma_wait3A_432, %dma_wait3A_433] : memref<2x8x112xi32, #tpu.memory_space<vmem>> -> memref<1x8x112xi32, #tpu.memory_space<vmem>>
          %dma_wait3A_435 = tpu.memref_squeeze %dma_wait3A_434 : memref<1x8x112xi32, #tpu.memory_space<vmem>> -> memref<8x112xi32, #tpu.memory_space<vmem>>
          %dma_wait3A_436 = arith.constant 0 : i32
          %dma_wait3A_437 = tpu.memref_slice %arg5[%add3A_423, %dma_wait3A_436] : memref<2944x112xi32, #tpu.memory_space<hbm>> -> memref<8x112xi32, #tpu.memory_space<hbm>>
          tpu.wait_dma2 semaphore(%dma_wait3A_431 : memref<!tpu.dma_semaphore, #tpu.memory_space<semaphore_mem>>) src(%dma_wait3A_437 : memref<8x112xi32, #tpu.memory_space<hbm>>) dst(%dma_wait3A_435 : memref<8x112xi32, #tpu.memory_space<vmem>>)
        } else {
        }
        %add3A_354 = arith.constant 2 : i32
        %add3A_355 = arith.addi %scan3A_188, %add3A_354 : i32
        %lt3A_356 = arith.constant 184 : i32
        %lt3A_357 = arith.cmpi slt, %add3A_355, %lt3A_356 : i32
        %convert_element_type3A_358 = arith.extui %lt3A_357 : i1 to i32
        %cond3A_359 = arith.constant 0 : i32
        %cond3A_360 = arith.cmpi ne, %convert_element_type3A_358, %cond3A_359 : i32
        scf.if %cond3A_360 {
          %add3A_362 = arith.constant 2 : i32
          %add3A_363 = arith.addi %scan3A_188, %add3A_362 : i32
          %jit3A_364 = arith.constant 8 : i32
          %div3A_365 = arith.divsi %add3A_363, %jit3A_364 : i32
          %sign3A_366 = arith.constant 0 : i32
          %sign3A_367 = arith.cmpi sgt, %add3A_363, %sign3A_366 : i32
          %sign3A_368 = arith.extui %sign3A_367 : i1 to i32
          %sign3A_369 = arith.constant 0 : i32
          %sign3A_370 = arith.cmpi slt, %add3A_363, %sign3A_369 : i32
          %sign3A_371 = arith.extui %sign3A_370 : i1 to i32
          %sign3A_372 = arith.subi %sign3A_368, %sign3A_371 : i32
          %sign3A_373 = arith.constant 0 : i32
          %sign3A_374 = arith.cmpi sgt, %jit3A_364, %sign3A_373 : i32
          %sign3A_375 = arith.extui %sign3A_374 : i1 to i32
          %sign3A_376 = arith.constant 0 : i32
          %sign3A_377 = arith.cmpi slt, %jit3A_364, %sign3A_376 : i32
          %sign3A_378 = arith.extui %sign3A_377 : i1 to i32
          %sign3A_379 = arith.subi %sign3A_375, %sign3A_378 : i32
          %ne3A_380 = arith.cmpi ne, %sign3A_372, %sign3A_379 : i32
          %rem3A_381 = arith.remsi %add3A_363, %jit3A_364 : i32
          %ne3A_382 = arith.constant 0 : i32
          %ne3A_383 = arith.cmpi ne, %rem3A_381, %ne3A_382 : i32
          %and3A_384 = arith.andi %ne3A_380, %ne3A_383 : i1
          %sub3A_385 = arith.constant 1 : i32
          %sub3A_386 = arith.subi %div3A_365, %sub3A_385 : i32
          %select_n3A_387 = arith.select %and3A_384, %sub3A_386, %div3A_365 : i32
          %jit3A_388 = arith.constant 2 : i32
          %eq3A_389 = arith.constant 0 : i32
          %eq3A_390 = arith.cmpi eq, %jit3A_388, %eq3A_389 : i32
          %jit3A_391 = arith.constant 1 : i32
          %select_n3A_392 = arith.select %eq3A_390, %jit3A_391, %jit3A_388 : i32
          %rem3A_393 = arith.remsi %select_n3A_387, %select_n3A_392 : i32
          %ne3A_394 = arith.constant 0 : i32
          %ne3A_395 = arith.cmpi ne, %rem3A_393, %ne3A_394 : i32
          %lt3A_396 = arith.constant 0 : i32
          %lt3A_397 = arith.cmpi slt, %rem3A_393, %lt3A_396 : i32
          %lt3A_398 = arith.constant 0 : i32
          %lt3A_399 = arith.cmpi slt, %select_n3A_392, %lt3A_398 : i32
          %ne3A_400 = arith.xori %lt3A_397, %lt3A_399 : i1
          %and3A_401 = arith.andi %ne3A_400, %ne3A_395 : i1
          %add3A_402 = arith.addi %rem3A_393, %select_n3A_392 : i32
          %select_n3A_403 = arith.select %and3A_401, %add3A_402, %rem3A_393 : i32
          %rem3A_404 = arith.constant 8 : i32
          %rem3A_405 = arith.remsi %add3A_363, %rem3A_404 : i32
          %rem3A_406 = arith.constant 3 : i32
          %rem3A_407 = arith.remsi %add3A_363, %rem3A_406 : i32
          %rem3A_408 = arith.constant 3 : i32
          %rem3A_409 = arith.remsi %add3A_363, %rem3A_408 : i32
          %dma_start3A_410 = arith.constant 0 : i32
          %dma_start3A_411 = arith.constant 0 : i32
          %dma_start3A_412 = tpu.memref_slice %arg9[%rem3A_407, %dma_start3A_410, %dma_start3A_411] : memref<3x112x128xf32, #tpu.memory_space<vmem>> -> memref<1x112x128xf32, #tpu.memory_space<vmem>>
          %dma_start3A_413 = tpu.memref_squeeze %dma_start3A_412 : memref<1x112x128xf32, #tpu.memory_space<vmem>> -> memref<112x128xf32, #tpu.memory_space<vmem>>
          %dma_start3A_414 = arith.constant 0 : i32
          %dma_start3A_415 = tpu.memref_slice %arg7[%select_n3A_403, %rem3A_405, %dma_start3A_414] : memref<2x8x112xi32, #tpu.memory_space<vmem>> -> memref<1x1x112xi32, #tpu.memory_space<vmem>>
          %dma_start3A_416 = tpu.memref_squeeze %dma_start3A_415 : memref<1x1x112xi32, #tpu.memory_space<vmem>> -> memref<112xi32, #tpu.memory_space<vmem>>
          %dma_start3A_417 = arith.constant 0 : i32
          %dma_start3A_418 = arith.constant 0 : i32
          %dma_start3A_419 = tpu.memref_slice %arg2[%dma_start3A_417, %dma_start3A_418] : memref<10000x128xf32, #tpu.memory_space<hbm>> -> memref<10000x128xf32, #tpu.memory_space<hbm>>
          %dma_start3A_420 = tpu.memref_slice %arg11[%rem3A_409] : memref<3x!tpu.dma_semaphore, #tpu.memory_space<semaphore_mem>> -> memref<1x!tpu.dma_semaphore, #tpu.memory_space<semaphore_mem>>
          %dma_start3A_421 = tpu.memref_squeeze %dma_start3A_420 : memref<1x!tpu.dma_semaphore, #tpu.memory_space<semaphore_mem>> -> memref<!tpu.dma_semaphore, #tpu.memory_space<semaphore_mem>>
          tpu.enqueue_indirect_dma source(%dma_start3A_419 : memref<10000x128xf32, #tpu.memory_space<hbm>>) target(%dma_start3A_413 : memref<112x128xf32, #tpu.memory_space<vmem>>) offsets(%dma_start3A_416 : memref<112xi32, #tpu.memory_space<vmem>>) semaphore(%dma_start3A_421 : memref<!tpu.dma_semaphore, #tpu.memory_space<semaphore_mem>>)
        } else {
        }
        %scan3A_361 = arith.constant 0 : i32
        scf.yield %scan3A_361 : i32
      }
      %scan3A_165 = arith.constant 184 : i32
      %rem3A_166 = arith.constant 183 : i32
      %rem3A_167 = arith.constant 3 : i32
      %rem3A_168 = arith.remsi %rem3A_166, %rem3A_167 : i32
      %rem3A_169 = arith.constant 183 : i32
      %rem3A_170 = arith.constant 8 : i32
      %rem3A_171 = arith.remsi %rem3A_169, %rem3A_170 : i32
      %rem3A_172 = arith.constant 183 : i32
      %rem3A_173 = arith.constant 3 : i32
      %rem3A_174 = arith.remsi %rem3A_172, %rem3A_173 : i32
      %dma_wait3A_175 = arith.constant 0 : i32
      %dma_wait3A_176 = arith.constant 0 : i32
      %dma_wait3A_177 = arith.constant 0 : i32
      %dma_wait3A_178 = tpu.memref_slice %arg9[%rem3A_168, %dma_wait3A_176, %dma_wait3A_177] : memref<3x112x128xf32, #tpu.memory_space<vmem>> -> memref<1x112x128xf32, #tpu.memory_space<vmem>>
      %dma_wait3A_179 = tpu.memref_squeeze %dma_wait3A_178 : memref<1x112x128xf32, #tpu.memory_space<vmem>> -> memref<112x128xf32, #tpu.memory_space<vmem>>
      %dma_wait3A_180 = arith.constant 0 : i32
      %dma_wait3A_181 = tpu.memref_slice %arg8[%dma_wait3A_175, %rem3A_171, %dma_wait3A_180] : memref<2x8x112xi32, #tpu.memory_space<vmem>> -> memref<1x1x112xi32, #tpu.memory_space<vmem>>
      %dma_wait3A_182 = tpu.memref_squeeze %dma_wait3A_181 : memref<1x1x112xi32, #tpu.memory_space<vmem>> -> memref<112xi32, #tpu.memory_space<vmem>>
      %dma_wait3A_183 = arith.constant 0 : i32
      %dma_wait3A_184 = arith.constant 0 : i32
      %dma_wait3A_185 = tpu.memref_slice %arg10[%dma_wait3A_183, %dma_wait3A_184] : memref<10240x128xf32, #tpu.memory_space<vmem_shared>> -> memref<10240x128xf32, #tpu.memory_space<vmem_shared>>
      %dma_wait3A_186 = tpu.memref_slice %arg12[%rem3A_174] : memref<3x!tpu.dma_semaphore, #tpu.memory_space<semaphore_mem>> -> memref<1x!tpu.dma_semaphore, #tpu.memory_space<semaphore_mem>>
      %dma_wait3A_187 = tpu.memref_squeeze %dma_wait3A_186 : memref<1x!tpu.dma_semaphore, #tpu.memory_space<semaphore_mem>> -> memref<!tpu.dma_semaphore, #tpu.memory_space<semaphore_mem>>
      tpu.wait_indirect_dma semaphore(%dma_wait3A_187 : memref<!tpu.dma_semaphore, #tpu.memory_space<semaphore_mem>>) src(%dma_wait3A_179 : memref<112x128xf32, #tpu.memory_space<vmem>>) dst(%dma_wait3A_185 : memref<10240x128xf32, #tpu.memory_space<vmem_shared>>)
    } else {
    }
    %barrier3A_8 = arith.constant 0 : index
    tpu.barrier barrier_id(%barrier3A_8)
    %convert_element_type3A_9 = arith.extui %eq3A_0 : i1 to i32
    %cond3A_10 = arith.constant 0 : i32
    %cond3A_11 = arith.cmpi ne, %convert_element_type3A_9, %cond3A_10 : i32
    scf.if %cond3A_11 {
      "tpu.region"() ({
        %run_scoped3A = tpu.sem_alloc : memref<!tpu.dma_semaphore, #tpu.memory_space<semaphore_mem>>
        %dma_start3A = arith.constant 0 : i32
        %dma_start3A_12 = tpu.memref_slice %arg6[%mul3A_1, %dma_start3A] : memref<10240x128xf32, #tpu.memory_space<hbm>> -> memref<640x128xf32, #tpu.memory_space<hbm>>
        %dma_start3A_13 = arith.constant 0 : i32
        %dma_start3A_14 = tpu.memref_slice %arg10[%mul3A_1, %dma_start3A_13] : memref<10240x128xf32, #tpu.memory_space<vmem_shared>> -> memref<640x128xf32, #tpu.memory_space<vmem_shared>>
        tpu.enqueue_dma source(%dma_start3A_14 : memref<640x128xf32, #tpu.memory_space<vmem_shared>>) target(%dma_start3A_12 : memref<640x128xf32, #tpu.memory_space<hbm>>) target_semaphore(%run_scoped3A : memref<!tpu.dma_semaphore, #tpu.memory_space<semaphore_mem>>)
        %dma_wait3A = arith.constant 0 : i32
        %dma_wait3A_15 = tpu.memref_slice %arg6[%mul3A_1, %dma_wait3A] : memref<10240x128xf32, #tpu.memory_space<hbm>> -> memref<640x128xf32, #tpu.memory_space<hbm>>
        %dma_wait3A_16 = arith.constant 0 : i32
        %dma_wait3A_17 = tpu.memref_slice %arg10[%mul3A_1, %dma_wait3A_16] : memref<10240x128xf32, #tpu.memory_space<vmem_shared>> -> memref<640x128xf32, #tpu.memory_space<vmem_shared>>
        tpu.wait_dma2 semaphore(%run_scoped3A : memref<!tpu.dma_semaphore, #tpu.memory_space<semaphore_mem>>) src(%dma_wait3A_17 : memref<640x128xf32, #tpu.memory_space<vmem_shared>>) dst(%dma_wait3A_15 : memref<640x128xf32, #tpu.memory_space<hbm>>)
        tpu.yield
      }) : () -> ()
    } else {
    }
    return
  }
}

#map = affine_map<(d0, d1) -> (0, 0)>
module attributes {stable_mosaic.version = 14 : i64} {
  func.func @body(%arg0: i32, %arg1: i32, %arg2: memref<10000x128xf32, #tpu.memory_space<hbm>>, %arg3: memref<10240x128xf32, #tpu.memory_space<hbm>>, %arg4: memref<2944x112xi32, #tpu.memory_space<hbm>>, %arg5: memref<2944x112xi32, #tpu.memory_space<hbm>>, %arg6: memref<10240x128xf32, #tpu.memory_space<hbm>>, %arg7: memref<2x8x112xi32, #tpu.memory_space<vmem>>, %arg8: memref<2x8x112xi32, #tpu.memory_space<vmem>>, %arg9: memref<3x112x128xf32, #tpu.memory_space<vmem>>, %arg10: memref<10240x128xf32, #tpu.memory_space<vmem_shared>>, %arg11: memref<3x!tpu.dma_semaphore, #tpu.memory_space<semaphore_mem>>, %arg12: memref<3x!tpu.dma_semaphore, #tpu.memory_space<semaphore_mem>>, %arg13: memref<2x!tpu.dma_semaphore, #tpu.memory_space<semaphore_mem>>) attributes {dimension_semantics = [#tpu.dimension_semantics<core_parallel>, #tpu.dimension_semantics<subcore_parallel>], iteration_bounds = array<i64: 2, 16>, scalar_prefetch = 0 : i64, scratch_operands = 7 : i64, tpu.core_type = #tpu.core_type<sc_vector_subcore>, window_params = [{transform_indices = #map}, {transform_indices = #map}, {transform_indices = #map}, {transform_indices = #map}, {transform_indices = #map}]} {
    %eq3A = arith.constant 0 : i32
    %eq3A_0 = arith.cmpi eq, %arg0, %eq3A : i32
    %mul3A = arith.constant 640 : i32
    %mul3A_1 = arith.muli %arg1, %mul3A : i32
    %convert_element_type3A = arith.extui %eq3A_0 : i1 to i32
    %cond3A = arith.constant 0 : i32
    %cond3A_2 = arith.cmpi ne, %convert_element_type3A, %cond3A : i32
    scf.if %cond3A_2 {
      "tpu.region"() ({
        %run_scoped3A = tpu.sem_alloc : memref<!tpu.dma_semaphore, #tpu.memory_space<semaphore_mem>>
        %dma_start3A = arith.constant 0 : i32
        %dma_start3A_12 = tpu.memref_slice %arg10[%mul3A_1, %dma_start3A] : memref<10240x128xf32, #tpu.memory_space<vmem_shared>> -> memref<640x128xf32, #tpu.memory_space<vmem_shared>>
        %dma_start3A_13 = arith.constant 0 : i32
        %dma_start3A_14 = tpu.memref_slice %arg3[%mul3A_1, %dma_start3A_13] : memref<10240x128xf32, #tpu.memory_space<hbm>> -> memref<640x128xf32, #tpu.memory_space<hbm>>
        tpu.enqueue_dma source(%dma_start3A_14 : memref<640x128xf32, #tpu.memory_space<hbm>>) target(%dma_start3A_12 : memref<640x128xf32, #tpu.memory_space<vmem_shared>>) target_semaphore(%run_scoped3A : memref<!tpu.dma_semaphore, #tpu.memory_space<semaphore_mem>>)
        %dma_wait3A = arith.constant 0 : i32
        %dma_wait3A_15 = tpu.memref_slice %arg10[%mul3A_1, %dma_wait3A] : memref<10240x128xf32, #tpu.memory_space<vmem_shared>> -> memref<640x128xf32, #tpu.memory_space<vmem_shared>>
        %dma_wait3A_16 = arith.constant 0 : i32
        %dma_wait3A_17 = tpu.memref_slice %arg3[%mul3A_1, %dma_wait3A_16] : memref<10240x128xf32, #tpu.memory_space<hbm>> -> memref<640x128xf32, #tpu.memory_space<hbm>>
        tpu.wait_dma2 semaphore(%run_scoped3A : memref<!tpu.dma_semaphore, #tpu.memory_space<semaphore_mem>>) src(%dma_wait3A_17 : memref<640x128xf32, #tpu.memory_space<hbm>>) dst(%dma_wait3A_15 : memref<640x128xf32, #tpu.memory_space<vmem_shared>>)
        tpu.yield
      }) : () -> ()
    } else {
    }
    %barrier3A = arith.constant 0 : index
    tpu.barrier barrier_id(%barrier3A)
    %mul3A_3 = arith.constant 184 : i32
    %mul3A_4 = arith.muli %arg1, %mul3A_3 : i32
    %convert_element_type3A_5 = arith.extui %eq3A_0 : i1 to i32
    %cond3A_6 = arith.constant 0 : i32
    %cond3A_7 = arith.cmpi ne, %convert_element_type3A_5, %cond3A_6 : i32
    scf.if %cond3A_7 {
      %add3A = arith.constant 0 : i32
      %add3A_12 = arith.addi %mul3A_4, %add3A : i32
      %dma_start3A = arith.constant 0 : i32
      %dma_start3A_13 = arith.constant 0 : i32
      %dma_start3A_14 = arith.constant 0 : i32
      %dma_start3A_15 = arith.constant 0 : i32
      %dma_start3A_16 = tpu.memref_slice %arg7[%dma_start3A, %dma_start3A_14, %dma_start3A_15] : memref<2x8x112xi32, #tpu.memory_space<vmem>> -> memref<1x8x112xi32, #tpu.memory_space<vmem>>
      %dma_start3A_17 = tpu.memref_squeeze %dma_start3A_16 : memref<1x8x112xi32, #tpu.memory_space<vmem>> -> memref<8x112xi32, #tpu.memory_space<vmem>>
      %dma_start3A_18 = arith.constant 0 : i32
      %dma_start3A_19 = tpu.memref_slice %arg4[%add3A_12, %dma_start3A_18] : memref<2944x112xi32, #tpu.memory_space<hbm>> -> memref<8x112xi32, #tpu.memory_space<hbm>>
      %dma_start3A_20 = tpu.memref_slice %arg13[%dma_start3A_13] : memref<2x!tpu.dma_semaphore, #tpu.memory_space<semaphore_mem>> -> memref<1x!tpu.dma_semaphore, #tpu.memory_space<semaphore_mem>>
      %dma_start3A_21 = tpu.memref_squeeze %dma_start3A_20 : memref<1x!tpu.dma_semaphore, #tpu.memory_space<semaphore_mem>> -> memref<!tpu.dma_semaphore, #tpu.memory_space<semaphore_mem>>
      %dma_start3A_22 = arith.constant 0 : i32
      %dma_start3A_23 = arith.constant 0 : i32
      %dma_start3A_24 = tpu.memref_slice %arg7[%dma_start3A, %dma_start3A_22, %dma_start3A_23] : memref<2x8x112xi32, #tpu.memory_space<vmem>> -> memref<1x8x112xi32, #tpu.memory_space<vmem>>
      %dma_start3A_25 = tpu.memref_squeeze %dma_start3A_24 : memref<1x8x112xi32, #tpu.memory_space<vmem>> -> memref<8x112xi32, #tpu.memory_space<vmem>>
      %dma_start3A_26 = arith.constant 0 : i32
      %dma_start3A_27 = tpu.memref_slice %arg4[%add3A_12, %dma_start3A_26] : memref<2944x112xi32, #tpu.memory_space<hbm>> -> memref<8x112xi32, #tpu.memory_space<hbm>>
      tpu.enqueue_dma source(%dma_start3A_27 : memref<8x112xi32, #tpu.memory_space<hbm>>) target(%dma_start3A_25 : memref<8x112xi32, #tpu.memory_space<vmem>>) target_semaphore(%dma_start3A_21 : memref<!tpu.dma_semaphore, #tpu.memory_space<semaphore_mem>>)
      %add3A_28 = arith.constant 0 : i32
      %add3A_29 = arith.addi %mul3A_4, %add3A_28 : i32
      %dma_start3A_30 = arith.constant 0 : i32
      %dma_start3A_31 = arith.constant 0 : i32
      %dma_start3A_32 = arith.constant 0 : i32
      %dma_start3A_33 = arith.constant 0 : i32
      %dma_start3A_34 = tpu.memref_slice %arg8[%dma_start3A_30, %dma_start3A_32, %dma_start3A_33] : memref<2x8x112xi32, #tpu.memory_space<vmem>> -> memref<1x8x112xi32, #tpu.memory_space<vmem>>
      %dma_start3A_35 = tpu.memref_squeeze %dma_start3A_34 : memref<1x8x112xi32, #tpu.memory_space<vmem>> -> memref<8x112xi32, #tpu.memory_space<vmem>>
      %dma_start3A_36 = arith.constant 0 : i32
      %dma_start3A_37 = tpu.memref_slice %arg5[%add3A_29, %dma_start3A_36] : memref<2944x112xi32, #tpu.memory_space<hbm>> -> memref<8x112xi32, #tpu.memory_space<hbm>>
      %dma_start3A_38 = tpu.memref_slice %arg13[%dma_start3A_31] : memref<2x!tpu.dma_semaphore, #tpu.memory_space<semaphore_mem>> -> memref<1x!tpu.dma_semaphore, #tpu.memory_space<semaphore_mem>>
      %dma_start3A_39 = tpu.memref_squeeze %dma_start3A_38 : memref<1x!tpu.dma_semaphore, #tpu.memory_space<semaphore_mem>> -> memref<!tpu.dma_semaphore, #tpu.memory_space<semaphore_mem>>
      %dma_start3A_40 = arith.constant 0 : i32
      %dma_start3A_41 = arith.constant 0 : i32
      %dma_start3A_42 = tpu.memref_slice %arg8[%dma_start3A_30, %dma_start3A_40, %dma_start3A_41] : memref<2x8x112xi32, #tpu.memory_space<vmem>> -> memref<1x8x112xi32, #tpu.memory_space<vmem>>
      %dma_start3A_43 = tpu.memref_squeeze %dma_start3A_42 : memref<1x8x112xi32, #tpu.memory_space<vmem>> -> memref<8x112xi32, #tpu.memory_space<vmem>>
      %dma_start3A_44 = arith.constant 0 : i32
      %dma_start3A_45 = tpu.memref_slice %arg5[%add3A_29, %dma_start3A_44] : memref<2944x112xi32, #tpu.memory_space<hbm>> -> memref<8x112xi32, #tpu.memory_space<hbm>>
      tpu.enqueue_dma source(%dma_start3A_45 : memref<8x112xi32, #tpu.memory_space<hbm>>) target(%dma_start3A_43 : memref<8x112xi32, #tpu.memory_space<vmem>>) target_semaphore(%dma_start3A_39 : memref<!tpu.dma_semaphore, #tpu.memory_space<semaphore_mem>>)
      %add3A_46 = arith.constant 0 : i32
      %add3A_47 = arith.addi %mul3A_4, %add3A_46 : i32
      %dma_wait3A = arith.constant 0 : i32
      %dma_wait3A_48 = arith.constant 0 : i32
      %dma_wait3A_49 = arith.constant 0 : i32
      %dma_wait3A_50 = arith.constant 0 : i32
      %dma_wait3A_51 = tpu.memref_slice %arg7[%dma_wait3A, %dma_wait3A_49, %dma_wait3A_50] : memref<2x8x112xi32, #tpu.memory_space<vmem>> -> memref<1x8x112xi32, #tpu.memory_space<vmem>>
      %dma_wait3A_52 = tpu.memref_squeeze %dma_wait3A_51 : memref<1x8x112xi32, #tpu.memory_space<vmem>> -> memref<8x112xi32, #tpu.memory_space<vmem>>
      %dma_wait3A_53 = arith.constant 0 : i32
      %dma_wait3A_54 = tpu.memref_slice %arg4[%add3A_47, %dma_wait3A_53] : memref<2944x112xi32, #tpu.memory_space<hbm>> -> memref<8x112xi32, #tpu.memory_space<hbm>>
      %dma_wait3A_55 = tpu.memref_slice %arg13[%dma_wait3A_48] : memref<2x!tpu.dma_semaphore, #tpu.memory_space<semaphore_mem>> -> memref<1x!tpu.dma_semaphore, #tpu.memory_space<semaphore_mem>>
      %dma_wait3A_56 = tpu.memref_squeeze %dma_wait3A_55 : memref<1x!tpu.dma_semaphore, #tpu.memory_space<semaphore_mem>> -> memref<!tpu.dma_semaphore, #tpu.memory_space<semaphore_mem>>
      %dma_wait3A_57 = arith.constant 0 : i32
      %dma_wait3A_58 = arith.constant 0 : i32
      %dma_wait3A_59 = tpu.memref_slice %arg7[%dma_wait3A, %dma_wait3A_57, %dma_wait3A_58] : memref<2x8x112xi32, #tpu.memory_space<vmem>> -> memref<1x8x112xi32, #tpu.memory_space<vmem>>
      %dma_wait3A_60 = tpu.memref_squeeze %dma_wait3A_59 : memref<1x8x112xi32, #tpu.memory_space<vmem>> -> memref<8x112xi32, #tpu.memory_space<vmem>>
      %dma_wait3A_61 = arith.constant 0 : i32
      %dma_wait3A_62 = tpu.memref_slice %arg4[%add3A_47, %dma_wait3A_61] : memref<2944x112xi32, #tpu.memory_space<hbm>> -> memref<8x112xi32, #tpu.memory_space<hbm>>
      tpu.wait_dma2 semaphore(%dma_wait3A_56 : memref<!tpu.dma_semaphore, #tpu.memory_space<semaphore_mem>>) src(%dma_wait3A_62 : memref<8x112xi32, #tpu.memory_space<hbm>>) dst(%dma_wait3A_60 : memref<8x112xi32, #tpu.memory_space<vmem>>)
      %add3A_63 = arith.constant 0 : i32
      %add3A_64 = arith.addi %mul3A_4, %add3A_63 : i32
      %dma_wait3A_65 = arith.constant 0 : i32
      %dma_wait3A_66 = arith.constant 0 : i32
      %dma_wait3A_67 = arith.constant 0 : i32
      %dma_wait3A_68 = arith.constant 0 : i32
      %dma_wait3A_69 = tpu.memref_slice %arg8[%dma_wait3A_65, %dma_wait3A_67, %dma_wait3A_68] : memref<2x8x112xi32, #tpu.memory_space<vmem>> -> memref<1x8x112xi32, #tpu.memory_space<vmem>>
      %dma_wait3A_70 = tpu.memref_squeeze %dma_wait3A_69 : memref<1x8x112xi32, #tpu.memory_space<vmem>> -> memref<8x112xi32, #tpu.memory_space<vmem>>
      %dma_wait3A_71 = arith.constant 0 : i32
      %dma_wait3A_72 = tpu.memref_slice %arg5[%add3A_64, %dma_wait3A_71] : memref<2944x112xi32, #tpu.memory_space<hbm>> -> memref<8x112xi32, #tpu.memory_space<hbm>>
      %dma_wait3A_73 = tpu.memref_slice %arg13[%dma_wait3A_66] : memref<2x!tpu.dma_semaphore, #tpu.memory_space<semaphore_mem>> -> memref<1x!tpu.dma_semaphore, #tpu.memory_space<semaphore_mem>>
      %dma_wait3A_74 = tpu.memref_squeeze %dma_wait3A_73 : memref<1x!tpu.dma_semaphore, #tpu.memory_space<semaphore_mem>> -> memref<!tpu.dma_semaphore, #tpu.memory_space<semaphore_mem>>
      %dma_wait3A_75 = arith.constant 0 : i32
      %dma_wait3A_76 = arith.constant 0 : i32
      %dma_wait3A_77 = tpu.memref_slice %arg8[%dma_wait3A_65, %dma_wait3A_75, %dma_wait3A_76] : memref<2x8x112xi32, #tpu.memory_space<vmem>> -> memref<1x8x112xi32, #tpu.memory_space<vmem>>
      %dma_wait3A_78 = tpu.memref_squeeze %dma_wait3A_77 : memref<1x8x112xi32, #tpu.memory_space<vmem>> -> memref<8x112xi32, #tpu.memory_space<vmem>>
      %dma_wait3A_79 = arith.constant 0 : i32
      %dma_wait3A_80 = tpu.memref_slice %arg5[%add3A_64, %dma_wait3A_79] : memref<2944x112xi32, #tpu.memory_space<hbm>> -> memref<8x112xi32, #tpu.memory_space<hbm>>
      tpu.wait_dma2 semaphore(%dma_wait3A_74 : memref<!tpu.dma_semaphore, #tpu.memory_space<semaphore_mem>>) src(%dma_wait3A_80 : memref<8x112xi32, #tpu.memory_space<hbm>>) dst(%dma_wait3A_78 : memref<8x112xi32, #tpu.memory_space<vmem>>)
      %add3A_81 = arith.constant 8 : i32
      %add3A_82 = arith.addi %mul3A_4, %add3A_81 : i32
      %dma_start3A_83 = arith.constant 1 : i32
      %dma_start3A_84 = arith.constant 1 : i32
      %dma_start3A_85 = arith.constant 0 : i32
      %dma_start3A_86 = arith.constant 0 : i32
      %dma_start3A_87 = tpu.memref_slice %arg7[%dma_start3A_83, %dma_start3A_85, %dma_start3A_86] : memref<2x8x112xi32, #tpu.memory_space<vmem>> -> memref<1x8x112xi32, #tpu.memory_space<vmem>>
      %dma_start3A_88 = tpu.memref_squeeze %dma_start3A_87 : memref<1x8x112xi32, #tpu.memory_space<vmem>> -> memref<8x112xi32, #tpu.memory_space<vmem>>
      %dma_start3A_89 = arith.constant 0 : i32
      %dma_start3A_90 = tpu.memref_slice %arg4[%add3A_82, %dma_start3A_89] : memref<2944x112xi32, #tpu.memory_space<hbm>> -> memref<8x112xi32, #tpu.memory_space<hbm>>
      %dma_start3A_91 = tpu.memref_slice %arg13[%dma_start3A_84] : memref<2x!tpu.dma_semaphore, #tpu.memory_space<semaphore_mem>> -> memref<1x!tpu.dma_semaphore, #tpu.memory_space<semaphore_mem>>
      %dma_start3A_92 = tpu.memref_squeeze %dma_start3A_91 : memref<1x!tpu.dma_semaphore, #tpu.memory_space<semaphore_mem>> -> memref<!tpu.dma_semaphore, #tpu.memory_space<semaphore_mem>>
      %dma_start3A_93 = arith.constant 0 : i32
      %dma_start3A_94 = arith.constant 0 : i32
      %dma_start3A_95 = tpu.memref_slice %arg7[%dma_start3A_83, %dma_start3A_93, %dma_start3A_94] : memref<2x8x112xi32, #tpu.memory_space<vmem>> -> memref<1x8x112xi32, #tpu.memory_space<vmem>>
      %dma_start3A_96 = tpu.memref_squeeze %dma_start3A_95 : memref<1x8x112xi32, #tpu.memory_space<vmem>> -> memref<8x112xi32, #tpu.memory_space<vmem>>
      %dma_start3A_97 = arith.constant 0 : i32
      %dma_start3A_98 = tpu.memref_slice %arg4[%add3A_82, %dma_start3A_97] : memref<2944x112xi32, #tpu.memory_space<hbm>> -> memref<8x112xi32, #tpu.memory_space<hbm>>
      tpu.enqueue_dma source(%dma_start3A_98 : memref<8x112xi32, #tpu.memory_space<hbm>>) target(%dma_start3A_96 : memref<8x112xi32, #tpu.memory_space<vmem>>) target_semaphore(%dma_start3A_92 : memref<!tpu.dma_semaphore, #tpu.memory_space<semaphore_mem>>)
      %add3A_99 = arith.constant 8 : i32
      %add3A_100 = arith.addi %mul3A_4, %add3A_99 : i32
      %dma_start3A_101 = arith.constant 1 : i32
      %dma_start3A_102 = arith.constant 1 : i32
      %dma_start3A_103 = arith.constant 0 : i32
      %dma_start3A_104 = arith.constant 0 : i32
      %dma_start3A_105 = tpu.memref_slice %arg8[%dma_start3A_101, %dma_start3A_103, %dma_start3A_104] : memref<2x8x112xi32, #tpu.memory_space<vmem>> -> memref<1x8x112xi32, #tpu.memory_space<vmem>>
      %dma_start3A_106 = tpu.memref_squeeze %dma_start3A_105 : memref<1x8x112xi32, #tpu.memory_space<vmem>> -> memref<8x112xi32, #tpu.memory_space<vmem>>
      %dma_start3A_107 = arith.constant 0 : i32
      %dma_start3A_108 = tpu.memref_slice %arg5[%add3A_100, %dma_start3A_107] : memref<2944x112xi32, #tpu.memory_space<hbm>> -> memref<8x112xi32, #tpu.memory_space<hbm>>
      %dma_start3A_109 = tpu.memref_slice %arg13[%dma_start3A_102] : memref<2x!tpu.dma_semaphore, #tpu.memory_space<semaphore_mem>> -> memref<1x!tpu.dma_semaphore, #tpu.memory_space<semaphore_mem>>
      %dma_start3A_110 = tpu.memref_squeeze %dma_start3A_109 : memref<1x!tpu.dma_semaphore, #tpu.memory_space<semaphore_mem>> -> memref<!tpu.dma_semaphore, #tpu.memory_space<semaphore_mem>>
      %dma_start3A_111 = arith.constant 0 : i32
      %dma_start3A_112 = arith.constant 0 : i32
      %dma_start3A_113 = tpu.memref_slice %arg8[%dma_start3A_101, %dma_start3A_111, %dma_start3A_112] : memref<2x8x112xi32, #tpu.memory_space<vmem>> -> memref<1x8x112xi32, #tpu.memory_space<vmem>>
      %dma_start3A_114 = tpu.memref_squeeze %dma_start3A_113 : memref<1x8x112xi32, #tpu.memory_space<vmem>> -> memref<8x112xi32, #tpu.memory_space<vmem>>
      %dma_start3A_115 = arith.constant 0 : i32
      %dma_start3A_116 = tpu.memref_slice %arg5[%add3A_100, %dma_start3A_115] : memref<2944x112xi32, #tpu.memory_space<hbm>> -> memref<8x112xi32, #tpu.memory_space<hbm>>
      tpu.enqueue_dma source(%dma_start3A_116 : memref<8x112xi32, #tpu.memory_space<hbm>>) target(%dma_start3A_114 : memref<8x112xi32, #tpu.memory_space<vmem>>) target_semaphore(%dma_start3A_110 : memref<!tpu.dma_semaphore, #tpu.memory_space<semaphore_mem>>)
      %rem3A = arith.constant 0 : i32
      %rem3A_117 = arith.constant 8 : i32
      %rem3A_118 = arith.remsi %rem3A, %rem3A_117 : i32
      %rem3A_119 = arith.constant 0 : i32
      %rem3A_120 = arith.constant 3 : i32
      %rem3A_121 = arith.remsi %rem3A_119, %rem3A_120 : i32
      %rem3A_122 = arith.constant 0 : i32
      %rem3A_123 = arith.constant 3 : i32
      %rem3A_124 = arith.remsi %rem3A_122, %rem3A_123 : i32
      %dma_start3A_125 = arith.constant 0 : i32
      %dma_start3A_126 = arith.constant 0 : i32
      %dma_start3A_127 = arith.constant 0 : i32
      %dma_start3A_128 = tpu.memref_slice %arg9[%rem3A_121, %dma_start3A_126, %dma_start3A_127] : memref<3x112x128xf32, #tpu.memory_space<vmem>> -> memref<1x112x128xf32, #tpu.memory_space<vmem>>
      %dma_start3A_129 = tpu.memref_squeeze %dma_start3A_128 : memref<1x112x128xf32, #tpu.memory_space<vmem>> -> memref<112x128xf32, #tpu.memory_space<vmem>>
      %dma_start3A_130 = arith.constant 0 : i32
      %dma_start3A_131 = tpu.memref_slice %arg7[%dma_start3A_125, %rem3A_118, %dma_start3A_130] : memref<2x8x112xi32, #tpu.memory_space<vmem>> -> memref<1x1x112xi32, #tpu.memory_space<vmem>>
      %dma_start3A_132 = tpu.memref_squeeze %dma_start3A_131 : memref<1x1x112xi32, #tpu.memory_space<vmem>> -> memref<112xi32, #tpu.memory_space<vmem>>
      %dma_start3A_133 = arith.constant 0 : i32
      %dma_start3A_134 = arith.constant 0 : i32
      %dma_start3A_135 = tpu.memref_slice %arg2[%dma_start3A_133, %dma_start3A_134] : memref<10000x128xf32, #tpu.memory_space<hbm>> -> memref<10000x128xf32, #tpu.memory_space<hbm>>
      %dma_start3A_136 = tpu.memref_slice %arg11[%rem3A_124] : memref<3x!tpu.dma_semaphore, #tpu.memory_space<semaphore_mem>> -> memref<1x!tpu.dma_semaphore, #tpu.memory_space<semaphore_mem>>
      %dma_start3A_137 = tpu.memref_squeeze %dma_start3A_136 : memref<1x!tpu.dma_semaphore, #tpu.memory_space<semaphore_mem>> -> memref<!tpu.dma_semaphore, #tpu.memory_space<semaphore_mem>>
      tpu.enqueue_indirect_dma source(%dma_start3A_135 : memref<10000x128xf32, #tpu.memory_space<hbm>>) target(%dma_start3A_129 : memref<112x128xf32, #tpu.memory_space<vmem>>) offsets(%dma_start3A_132 : memref<112xi32, #tpu.memory_space<vmem>>) semaphore(%dma_start3A_137 : memref<!tpu.dma_semaphore, #tpu.memory_space<semaphore_mem>>)
      %rem3A_138 = arith.constant 1 : i32
      %rem3A_139 = arith.constant 8 : i32
      %rem3A_140 = arith.remsi %rem3A_138, %rem3A_139 : i32
      %rem3A_141 = arith.constant 1 : i32
      %rem3A_142 = arith.constant 3 : i32
      %rem3A_143 = arith.remsi %rem3A_141, %rem3A_142 : i32
      %rem3A_144 = arith.constant 1 : i32
      %rem3A_145 = arith.constant 3 : i32
      %rem3A_146 = arith.remsi %rem3A_144, %rem3A_145 : i32
      %dma_start3A_147 = arith.constant 0 : i32
      %dma_start3A_148 = arith.constant 0 : i32
      %dma_start3A_149 = arith.constant 0 : i32
      %dma_start3A_150 = tpu.memref_slice %arg9[%rem3A_143, %dma_start3A_148, %dma_start3A_149] : memref<3x112x128xf32, #tpu.memory_space<vmem>> -> memref<1x112x128xf32, #tpu.memory_space<vmem>>
      %dma_start3A_151 = tpu.memref_squeeze %dma_start3A_150 : memref<1x112x128xf32, #tpu.memory_space<vmem>> -> memref<112x128xf32, #tpu.memory_space<vmem>>
      %dma_start3A_152 = arith.constant 0 : i32
      %dma_start3A_153 = tpu.memref_slice %arg7[%dma_start3A_147, %rem3A_140, %dma_start3A_152] : memref<2x8x112xi32, #tpu.memory_space<vmem>> -> memref<1x1x112xi32, #tpu.memory_space<vmem>>
      %dma_start3A_154 = tpu.memref_squeeze %dma_start3A_153 : memref<1x1x112xi32, #tpu.memory_space<vmem>> -> memref<112xi32, #tpu.memory_space<vmem>>
      %dma_start3A_155 = arith.constant 0 : i32
      %dma_start3A_156 = arith.constant 0 : i32
      %dma_start3A_157 = tpu.memref_slice %arg2[%dma_start3A_155, %dma_start3A_156] : memref<10000x128xf32, #tpu.memory_space<hbm>> -> memref<10000x128xf32, #tpu.memory_space<hbm>>
      %dma_start3A_158 = tpu.memref_slice %arg11[%rem3A_146] : memref<3x!tpu.dma_semaphore, #tpu.memory_space<semaphore_mem>> -> memref<1x!tpu.dma_semaphore, #tpu.memory_space<semaphore_mem>>
      %dma_start3A_159 = tpu.memref_squeeze %dma_start3A_158 : memref<1x!tpu.dma_semaphore, #tpu.memory_space<semaphore_mem>> -> memref<!tpu.dma_semaphore, #tpu.memory_space<semaphore_mem>>
      tpu.enqueue_indirect_dma source(%dma_start3A_157 : memref<10000x128xf32, #tpu.memory_space<hbm>>) target(%dma_start3A_151 : memref<112x128xf32, #tpu.memory_space<vmem>>) offsets(%dma_start3A_154 : memref<112xi32, #tpu.memory_space<vmem>>) semaphore(%dma_start3A_159 : memref<!tpu.dma_semaphore, #tpu.memory_space<semaphore_mem>>)
      %scan3A = arith.constant 0 : i32
      %scan3A_160 = arith.constant 0 : i32
      %scan3A_161 = arith.constant 184 : i32
      %scan3A_162 = arith.addi %scan3A_160, %scan3A_161 : i32
      %scan3A_163 = arith.constant 1 : i32
      %scan3A_164 = scf.for %scan3A_188 = %scan3A_160 to %scan3A_162 step %scan3A_163 iter_args(%scan3A_189 = %scan3A) -> (i32)  : i32 {
        %jit3A = arith.constant 8 : i32
        %div3A = arith.divsi %scan3A_188, %jit3A : i32
        %sign3A = arith.constant 0 : i32
        %sign3A_190 = arith.cmpi sgt, %scan3A_188, %sign3A : i32
        %sign3A_191 = arith.extui %sign3A_190 : i1 to i32
        %sign3A_192 = arith.constant 0 : i32
        %sign3A_193 = arith.cmpi slt, %scan3A_188, %sign3A_192 : i32
        %sign3A_194 = arith.extui %sign3A_193 : i1 to i32
        %sign3A_195 = arith.subi %sign3A_191, %sign3A_194 : i32
        %sign3A_196 = arith.constant 0 : i32
        %sign3A_197 = arith.cmpi sgt, %jit3A, %sign3A_196 : i32
        %sign3A_198 = arith.extui %sign3A_197 : i1 to i32
        %sign3A_199 = arith.constant 0 : i32
        %sign3A_200 = arith.cmpi slt, %jit3A, %sign3A_199 : i32
        %sign3A_201 = arith.extui %sign3A_200 : i1 to i32
        %sign3A_202 = arith.subi %sign3A_198, %sign3A_201 : i32
        %ne3A = arith.cmpi ne, %sign3A_195, %sign3A_202 : i32
        %rem3A_203 = arith.remsi %scan3A_188, %jit3A : i32
        %ne3A_204 = arith.constant 0 : i32
        %ne3A_205 = arith.cmpi ne, %rem3A_203, %ne3A_204 : i32
        %and3A = arith.andi %ne3A, %ne3A_205 : i1
        %sub3A = arith.constant 1 : i32
        %sub3A_206 = arith.subi %div3A, %sub3A : i32
        %select_n3A = arith.select %and3A, %sub3A_206, %div3A : i32
        %jit3A_207 = arith.constant 2 : i32
        %eq3A_208 = arith.constant 0 : i32
        %eq3A_209 = arith.cmpi eq, %jit3A_207, %eq3A_208 : i32
        %jit3A_210 = arith.constant 1 : i32
        %select_n3A_211 = arith.select %eq3A_209, %jit3A_210, %jit3A_207 : i32
        %rem3A_212 = arith.remsi %select_n3A, %select_n3A_211 : i32
        %ne3A_213 = arith.constant 0 : i32
        %ne3A_214 = arith.cmpi ne, %rem3A_212, %ne3A_213 : i32
        %lt3A = arith.constant 0 : i32
        %lt3A_215 = arith.cmpi slt, %rem3A_212, %lt3A : i32
        %lt3A_216 = arith.constant 0 : i32
        %lt3A_217 = arith.cmpi slt, %select_n3A_211, %lt3A_216 : i32
        %ne3A_218 = arith.xori %lt3A_215, %lt3A_217 : i1
        %and3A_219 = arith.andi %ne3A_218, %ne3A_214 : i1
        %add3A_220 = arith.addi %rem3A_212, %select_n3A_211 : i32
        %select_n3A_221 = arith.select %and3A_219, %add3A_220, %rem3A_212 : i32
        %rem3A_222 = arith.constant 8 : i32
        %rem3A_223 = arith.remsi %scan3A_188, %rem3A_222 : i32
        %rem3A_224 = arith.constant 3 : i32
        %rem3A_225 = arith.remsi %scan3A_188, %rem3A_224 : i32
        %rem3A_226 = arith.constant 3 : i32
        %rem3A_227 = arith.remsi %scan3A_188, %rem3A_226 : i32
        %dma_wait3A_228 = arith.constant 0 : i32
        %dma_wait3A_229 = arith.constant 0 : i32
        %dma_wait3A_230 = tpu.memref_slice %arg9[%rem3A_225, %dma_wait3A_228, %dma_wait3A_229] : memref<3x112x128xf32, #tpu.memory_space<vmem>> -> memref<1x112x128xf32, #tpu.memory_space<vmem>>
        %dma_wait3A_231 = tpu.memref_squeeze %dma_wait3A_230 : memref<1x112x128xf32, #tpu.memory_space<vmem>> -> memref<112x128xf32, #tpu.memory_space<vmem>>
        %dma_wait3A_232 = arith.constant 0 : i32
        %dma_wait3A_233 = tpu.memref_slice %arg7[%select_n3A_221, %rem3A_223, %dma_wait3A_232] : memref<2x8x112xi32, #tpu.memory_space<vmem>> -> memref<1x1x112xi32, #tpu.memory_space<vmem>>
        %dma_wait3A_234 = tpu.memref_squeeze %dma_wait3A_233 : memref<1x1x112xi32, #tpu.memory_space<vmem>> -> memref<112xi32, #tpu.memory_space<vmem>>
        %dma_wait3A_235 = arith.constant 0 : i32
        %dma_wait3A_236 = arith.constant 0 : i32
        %dma_wait3A_237 = tpu.memref_slice %arg2[%dma_wait3A_235, %dma_wait3A_236] : memref<10000x128xf32, #tpu.memory_space<hbm>> -> memref<10000x128xf32, #tpu.memory_space<hbm>>
        %dma_wait3A_238 = tpu.memref_slice %arg11[%rem3A_227] : memref<3x!tpu.dma_semaphore, #tpu.memory_space<semaphore_mem>> -> memref<1x!tpu.dma_semaphore, #tpu.memory_space<semaphore_mem>>
        %dma_wait3A_239 = tpu.memref_squeeze %dma_wait3A_238 : memref<1x!tpu.dma_semaphore, #tpu.memory_space<semaphore_mem>> -> memref<!tpu.dma_semaphore, #tpu.memory_space<semaphore_mem>>
        tpu.wait_indirect_dma semaphore(%dma_wait3A_239 : memref<!tpu.dma_semaphore, #tpu.memory_space<semaphore_mem>>) src(%dma_wait3A_237 : memref<10000x128xf32, #tpu.memory_space<hbm>>) dst(%dma_wait3A_231 : memref<112x128xf32, #tpu.memory_space<vmem>>)
        %rem3A_240 = arith.constant 3 : i32
        %rem3A_241 = arith.remsi %scan3A_188, %rem3A_240 : i32
        %jit3A_242 = arith.constant 8 : i32
        %div3A_243 = arith.divsi %scan3A_188, %jit3A_242 : i32
        %sign3A_244 = arith.constant 0 : i32
        %sign3A_245 = arith.cmpi sgt, %scan3A_188, %sign3A_244 : i32
        %sign3A_246 = arith.extui %sign3A_245 : i1 to i32
        %sign3A_247 = arith.constant 0 : i32
        %sign3A_248 = arith.cmpi slt, %scan3A_188, %sign3A_247 : i32
        %sign3A_249 = arith.extui %sign3A_248 : i1 to i32
        %sign3A_250 = arith.subi %sign3A_246, %sign3A_249 : i32
        %sign3A_251 = arith.constant 0 : i32
        %sign3A_252 = arith.cmpi sgt, %jit3A_242, %sign3A_251 : i32
        %sign3A_253 = arith.extui %sign3A_252 : i1 to i32
        %sign3A_254 = arith.constant 0 : i32
        %sign3A_255 = arith.cmpi slt, %jit3A_242, %sign3A_254 : i32
        %sign3A_256 = arith.extui %sign3A_255 : i1 to i32
        %sign3A_257 = arith.subi %sign3A_253, %sign3A_256 : i32
        %ne3A_258 = arith.cmpi ne, %sign3A_250, %sign3A_257 : i32
        %rem3A_259 = arith.remsi %scan3A_188, %jit3A_242 : i32
        %ne3A_260 = arith.constant 0 : i32
        %ne3A_261 = arith.cmpi ne, %rem3A_259, %ne3A_260 : i32
        %and3A_262 = arith.andi %ne3A_258, %ne3A_261 : i1
        %sub3A_263 = arith.constant 1 : i32
        %sub3A_264 = arith.subi %div3A_243, %sub3A_263 : i32
        %select_n3A_265 = arith.select %and3A_262, %sub3A_264, %div3A_243 : i32
        %jit3A_266 = arith.constant 2 : i32
        %eq3A_267 = arith.constant 0 : i32
        %eq3A_268 = arith.cmpi eq, %jit3A_266, %eq3A_267 : i32
        %jit3A_269 = arith.constant 1 : i32
        %select_n3A_270 = arith.select %eq3A_268, %jit3A_269, %jit3A_266 : i32
        %rem3A_271 = arith.remsi %select_n3A_265, %select_n3A_270 : i32
        %ne3A_272 = arith.constant 0 : i32
        %ne3A_273 = arith.cmpi ne, %rem3A_271, %ne3A_272 : i32
        %lt3A_274 = arith.constant 0 : i32
        %lt3A_275 = arith.cmpi slt, %rem3A_271, %lt3A_274 : i32
        %lt3A_276 = arith.constant 0 : i32
        %lt3A_277 = arith.cmpi slt, %select_n3A_270, %lt3A_276 : i32
        %ne3A_278 = arith.xori %lt3A_275, %lt3A_277 : i1
        %and3A_279 = arith.andi %ne3A_278, %ne3A_273 : i1
        %add3A_280 = arith.addi %rem3A_271, %select_n3A_270 : i32
        %select_n3A_281 = arith.select %and3A_279, %add3A_280, %rem3A_271 : i32
        %rem3A_282 = arith.constant 8 : i32
        %rem3A_283 = arith.remsi %scan3A_188, %rem3A_282 : i32
        %rem3A_284 = arith.constant 3 : i32
        %rem3A_285 = arith.remsi %scan3A_188, %rem3A_284 : i32
        %dma_start3A_286 = arith.constant 0 : i32
        %dma_start3A_287 = arith.constant 0 : i32
        %dma_start3A_288 = tpu.memref_slice %arg9[%rem3A_241, %dma_start3A_286, %dma_start3A_287] : memref<3x112x128xf32, #tpu.memory_space<vmem>> -> memref<1x112x128xf32, #tpu.memory_space<vmem>>
        %dma_start3A_289 = tpu.memref_squeeze %dma_start3A_288 : memref<1x112x128xf32, #tpu.memory_space<vmem>> -> memref<112x128xf32, #tpu.memory_space<vmem>>
        %dma_start3A_290 = arith.constant 0 : i32
        %dma_start3A_291 = tpu.memref_slice %arg8[%select_n3A_281, %rem3A_283, %dma_start3A_290] : memref<2x8x112xi32, #tpu.memory_space<vmem>> -> memref<1x1x112xi32, #tpu.memory_space<vmem>>
        %dma_start3A_292 = tpu.memref_squeeze %dma_start3A_291 : memref<1x1x112xi32, #tpu.memory_space<vmem>> -> memref<112xi32, #tpu.memory_space<vmem>>
        %dma_start3A_293 = arith.constant 0 : i32
        %dma_start3A_294 = arith.constant 0 : i32
        %dma_start3A_295 = tpu.memref_slice %arg10[%dma_start3A_293, %dma_start3A_294] : memref<10240x128xf32, #tpu.memory_space<vmem_shared>> -> memref<10240x128xf32, #tpu.memory_space<vmem_shared>>
        %dma_start3A_296 = tpu.memref_slice %arg12[%rem3A_285] : memref<3x!tpu.dma_semaphore, #tpu.memory_space<semaphore_mem>> -> memref<1x!tpu.dma_semaphore, #tpu.memory_space<semaphore_mem>>
        %dma_start3A_297 = tpu.memref_squeeze %dma_start3A_296 : memref<1x!tpu.dma_semaphore, #tpu.memory_space<semaphore_mem>> -> memref<!tpu.dma_semaphore, #tpu.memory_space<semaphore_mem>>
        tpu.enqueue_indirect_dma source(%dma_start3A_289 : memref<112x128xf32, #tpu.memory_space<vmem>>) target(%dma_start3A_295 : memref<10240x128xf32, #tpu.memory_space<vmem_shared>>) offsets(%dma_start3A_292 : memref<112xi32, #tpu.memory_space<vmem>>) semaphore(%dma_start3A_297 : memref<!tpu.dma_semaphore, #tpu.memory_space<semaphore_mem>>) {add = true}
        %rem3A_298 = arith.constant 8 : i32
        %rem3A_299 = arith.remsi %scan3A_188, %rem3A_298 : i32
        %eq3A_300 = arith.constant 1 : i32
        %eq3A_301 = arith.cmpi eq, %rem3A_299, %eq3A_300 : i32
        %gt3A = arith.constant 8 : i32
        %gt3A_302 = arith.cmpi sgt, %scan3A_188, %gt3A : i32
        %and3A_303 = arith.andi %eq3A_301, %gt3A_302 : i1
        %jit3A_304 = arith.constant 8 : i32
        %div3A_305 = arith.divsi %scan3A_188, %jit3A_304 : i32
        %sign3A_306 = arith.constant 0 : i32
        %sign3A_307 = arith.cmpi sgt, %scan3A_188, %sign3A_306 : i32
        %sign3A_308 = arith.extui %sign3A_307 : i1 to i32
        %sign3A_309 = arith.constant 0 : i32
        %sign3A_310 = arith.cmpi slt, %scan3A_188, %sign3A_309 : i32
        %sign3A_311 = arith.extui %sign3A_310 : i1 to i32
        %sign3A_312 = arith.subi %sign3A_308, %sign3A_311 : i32
        %sign3A_313 = arith.constant 0 : i32
        %sign3A_314 = arith.cmpi sgt, %jit3A_304, %sign3A_313 : i32
        %sign3A_315 = arith.extui %sign3A_314 : i1 to i32
        %sign3A_316 = arith.constant 0 : i32
        %sign3A_317 = arith.cmpi slt, %jit3A_304, %sign3A_316 : i32
        %sign3A_318 = arith.extui %sign3A_317 : i1 to i32
        %sign3A_319 = arith.subi %sign3A_315, %sign3A_318 : i32
        %ne3A_320 = arith.cmpi ne, %sign3A_312, %sign3A_319 : i32
        %rem3A_321 = arith.remsi %scan3A_188, %jit3A_304 : i32
        %ne3A_322 = arith.constant 0 : i32
        %ne3A_323 = arith.cmpi ne, %rem3A_321, %ne3A_322 : i32
        %and3A_324 = arith.andi %ne3A_320, %ne3A_323 : i1
        %sub3A_325 = arith.constant 1 : i32
        %sub3A_326 = arith.subi %div3A_305, %sub3A_325 : i32
        %select_n3A_327 = arith.select %and3A_324, %sub3A_326, %div3A_305 : i32
        %add3A_328 = arith.constant 1 : i32
        %add3A_329 = arith.addi %select_n3A_327, %add3A_328 : i32
        %lt3A_330 = arith.constant 23 : i32
        %lt3A_331 = arith.cmpi slt, %add3A_329, %lt3A_330 : i32
        %and3A_332 = arith.andi %and3A_303, %lt3A_331 : i1
        %convert_element_type3A_333 = arith.extui %and3A_332 : i1 to i32
        %cond3A_334 = arith.constant 0 : i32
        %cond3A_335 = arith.cmpi ne, %convert_element_type3A_333, %cond3A_334 : i32
        scf.if %cond3A_335 {
          %jit3A_362 = arith.constant 8 : i32
          %div3A_363 = arith.divsi %scan3A_188, %jit3A_362 : i32
          %sign3A_364 = arith.constant 0 : i32
          %sign3A_365 = arith.cmpi sgt, %scan3A_188, %sign3A_364 : i32
          %sign3A_366 = arith.extui %sign3A_365 : i1 to i32
          %sign3A_367 = arith.constant 0 : i32
          %sign3A_368 = arith.cmpi slt, %scan3A_188, %sign3A_367 : i32
          %sign3A_369 = arith.extui %sign3A_368 : i1 to i32
          %sign3A_370 = arith.subi %sign3A_366, %sign3A_369 : i32
          %sign3A_371 = arith.constant 0 : i32
          %sign3A_372 = arith.cmpi sgt, %jit3A_362, %sign3A_371 : i32
          %sign3A_373 = arith.extui %sign3A_372 : i1 to i32
          %sign3A_374 = arith.constant 0 : i32
          %sign3A_375 = arith.cmpi slt, %jit3A_362, %sign3A_374 : i32
          %sign3A_376 = arith.extui %sign3A_375 : i1 to i32
          %sign3A_377 = arith.subi %sign3A_373, %sign3A_376 : i32
          %ne3A_378 = arith.cmpi ne, %sign3A_370, %sign3A_377 : i32
          %rem3A_379 = arith.remsi %scan3A_188, %jit3A_362 : i32
          %ne3A_380 = arith.constant 0 : i32
          %ne3A_381 = arith.cmpi ne, %rem3A_379, %ne3A_380 : i32
          %and3A_382 = arith.andi %ne3A_378, %ne3A_381 : i1
          %sub3A_383 = arith.constant 1 : i32
          %sub3A_384 = arith.subi %div3A_363, %sub3A_383 : i32
          %select_n3A_385 = arith.select %and3A_382, %sub3A_384, %div3A_363 : i32
          %add3A_386 = arith.constant 1 : i32
          %add3A_387 = arith.addi %select_n3A_385, %add3A_386 : i32
          %jit3A_388 = arith.constant 2 : i32
          %eq3A_389 = arith.constant 0 : i32
          %eq3A_390 = arith.cmpi eq, %jit3A_388, %eq3A_389 : i32
          %jit3A_391 = arith.constant 1 : i32
          %select_n3A_392 = arith.select %eq3A_390, %jit3A_391, %jit3A_388 : i32
          %rem3A_393 = arith.remsi %add3A_387, %select_n3A_392 : i32
          %ne3A_394 = arith.constant 0 : i32
          %ne3A_395 = arith.cmpi ne, %rem3A_393, %ne3A_394 : i32
          %lt3A_396 = arith.constant 0 : i32
          %lt3A_397 = arith.cmpi slt, %rem3A_393, %lt3A_396 : i32
          %lt3A_398 = arith.constant 0 : i32
          %lt3A_399 = arith.cmpi slt, %select_n3A_392, %lt3A_398 : i32
          %ne3A_400 = arith.xori %lt3A_397, %lt3A_399 : i1
          %and3A_401 = arith.andi %ne3A_400, %ne3A_395 : i1
          %add3A_402 = arith.addi %rem3A_393, %select_n3A_392 : i32
          %select_n3A_403 = arith.select %and3A_401, %add3A_402, %rem3A_393 : i32
          %mul3A_404 = arith.constant 8 : i32
          %mul3A_405 = arith.muli %add3A_387, %mul3A_404 : i32
          %add3A_406 = arith.addi %mul3A_4, %mul3A_405 : i32
          %dma_start3A_407 = arith.constant 0 : i32
          %dma_start3A_408 = arith.constant 0 : i32
          %dma_start3A_409 = tpu.memref_slice %arg7[%select_n3A_403, %dma_start3A_407, %dma_start3A_408] : memref<2x8x112xi32, #tpu.memory_space<vmem>> -> memref<1x8x112xi32, #tpu.memory_space<vmem>>
          %dma_start3A_410 = tpu.memref_squeeze %dma_start3A_409 : memref<1x8x112xi32, #tpu.memory_space<vmem>> -> memref<8x112xi32, #tpu.memory_space<vmem>>
          %dma_start3A_411 = arith.constant 0 : i32
          %dma_start3A_412 = tpu.memref_slice %arg4[%add3A_406, %dma_start3A_411] : memref<2944x112xi32, #tpu.memory_space<hbm>> -> memref<8x112xi32, #tpu.memory_space<hbm>>
          %dma_start3A_413 = tpu.memref_slice %arg13[%select_n3A_403] : memref<2x!tpu.dma_semaphore, #tpu.memory_space<semaphore_mem>> -> memref<1x!tpu.dma_semaphore, #tpu.memory_space<semaphore_mem>>
          %dma_start3A_414 = tpu.memref_squeeze %dma_start3A_413 : memref<1x!tpu.dma_semaphore, #tpu.memory_space<semaphore_mem>> -> memref<!tpu.dma_semaphore, #tpu.memory_space<semaphore_mem>>
          %dma_start3A_415 = arith.constant 0 : i32
          %dma_start3A_416 = arith.constant 0 : i32
          %dma_start3A_417 = tpu.memref_slice %arg7[%select_n3A_403, %dma_start3A_415, %dma_start3A_416] : memref<2x8x112xi32, #tpu.memory_space<vmem>> -> memref<1x8x112xi32, #tpu.memory_space<vmem>>
          %dma_start3A_418 = tpu.memref_squeeze %dma_start3A_417 : memref<1x8x112xi32, #tpu.memory_space<vmem>> -> memref<8x112xi32, #tpu.memory_space<vmem>>
          %dma_start3A_419 = arith.constant 0 : i32
          %dma_start3A_420 = tpu.memref_slice %arg4[%add3A_406, %dma_start3A_419] : memref<2944x112xi32, #tpu.memory_space<hbm>> -> memref<8x112xi32, #tpu.memory_space<hbm>>
          tpu.enqueue_dma source(%dma_start3A_420 : memref<8x112xi32, #tpu.memory_space<hbm>>) target(%dma_start3A_418 : memref<8x112xi32, #tpu.memory_space<vmem>>) target_semaphore(%dma_start3A_414 : memref<!tpu.dma_semaphore, #tpu.memory_space<semaphore_mem>>)
          %mul3A_421 = arith.constant 8 : i32
          %mul3A_422 = arith.muli %add3A_387, %mul3A_421 : i32
          %add3A_423 = arith.addi %mul3A_4, %mul3A_422 : i32
          %dma_start3A_424 = arith.constant 0 : i32
          %dma_start3A_425 = arith.constant 0 : i32
          %dma_start3A_426 = tpu.memref_slice %arg8[%select_n3A_403, %dma_start3A_424, %dma_start3A_425] : memref<2x8x112xi32, #tpu.memory_space<vmem>> -> memref<1x8x112xi32, #tpu.memory_space<vmem>>
          %dma_start3A_427 = tpu.memref_squeeze %dma_start3A_426 : memref<1x8x112xi32, #tpu.memory_space<vmem>> -> memref<8x112xi32, #tpu.memory_space<vmem>>
          %dma_start3A_428 = arith.constant 0 : i32
          %dma_start3A_429 = tpu.memref_slice %arg5[%add3A_423, %dma_start3A_428] : memref<2944x112xi32, #tpu.memory_space<hbm>> -> memref<8x112xi32, #tpu.memory_space<hbm>>
          %dma_start3A_430 = tpu.memref_slice %arg13[%select_n3A_403] : memref<2x!tpu.dma_semaphore, #tpu.memory_space<semaphore_mem>> -> memref<1x!tpu.dma_semaphore, #tpu.memory_space<semaphore_mem>>
          %dma_start3A_431 = tpu.memref_squeeze %dma_start3A_430 : memref<1x!tpu.dma_semaphore, #tpu.memory_space<semaphore_mem>> -> memref<!tpu.dma_semaphore, #tpu.memory_space<semaphore_mem>>
          %dma_start3A_432 = arith.constant 0 : i32
          %dma_start3A_433 = arith.constant 0 : i32
          %dma_start3A_434 = tpu.memref_slice %arg8[%select_n3A_403, %dma_start3A_432, %dma_start3A_433] : memref<2x8x112xi32, #tpu.memory_space<vmem>> -> memref<1x8x112xi32, #tpu.memory_space<vmem>>
          %dma_start3A_435 = tpu.memref_squeeze %dma_start3A_434 : memref<1x8x112xi32, #tpu.memory_space<vmem>> -> memref<8x112xi32, #tpu.memory_space<vmem>>
          %dma_start3A_436 = arith.constant 0 : i32
          %dma_start3A_437 = tpu.memref_slice %arg5[%add3A_423, %dma_start3A_436] : memref<2944x112xi32, #tpu.memory_space<hbm>> -> memref<8x112xi32, #tpu.memory_space<hbm>>
          tpu.enqueue_dma source(%dma_start3A_437 : memref<8x112xi32, #tpu.memory_space<hbm>>) target(%dma_start3A_435 : memref<8x112xi32, #tpu.memory_space<vmem>>) target_semaphore(%dma_start3A_431 : memref<!tpu.dma_semaphore, #tpu.memory_space<semaphore_mem>>)
        } else {
        }
        %ge3A = arith.constant 1 : i32
        %ge3A_336 = arith.cmpi sge, %scan3A_188, %ge3A : i32
        %convert_element_type3A_337 = arith.extui %ge3A_336 : i1 to i32
        %cond3A_338 = arith.constant 0 : i32
        %cond3A_339 = arith.cmpi ne, %convert_element_type3A_337, %cond3A_338 : i32
        scf.if %cond3A_339 {
          %sub3A_362 = arith.constant 1 : i32
          %sub3A_363 = arith.subi %scan3A_188, %sub3A_362 : i32
          %rem3A_364 = arith.constant 3 : i32
          %rem3A_365 = arith.remsi %sub3A_363, %rem3A_364 : i32
          %jit3A_366 = arith.constant 8 : i32
          %div3A_367 = arith.divsi %sub3A_363, %jit3A_366 : i32
          %sign3A_368 = arith.constant 0 : i32
          %sign3A_369 = arith.cmpi sgt, %sub3A_363, %sign3A_368 : i32
          %sign3A_370 = arith.extui %sign3A_369 : i1 to i32
          %sign3A_371 = arith.constant 0 : i32
          %sign3A_372 = arith.cmpi slt, %sub3A_363, %sign3A_371 : i32
          %sign3A_373 = arith.extui %sign3A_372 : i1 to i32
          %sign3A_374 = arith.subi %sign3A_370, %sign3A_373 : i32
          %sign3A_375 = arith.constant 0 : i32
          %sign3A_376 = arith.cmpi sgt, %jit3A_366, %sign3A_375 : i32
          %sign3A_377 = arith.extui %sign3A_376 : i1 to i32
          %sign3A_378 = arith.constant 0 : i32
          %sign3A_379 = arith.cmpi slt, %jit3A_366, %sign3A_378 : i32
          %sign3A_380 = arith.extui %sign3A_379 : i1 to i32
          %sign3A_381 = arith.subi %sign3A_377, %sign3A_380 : i32
          %ne3A_382 = arith.cmpi ne, %sign3A_374, %sign3A_381 : i32
          %rem3A_383 = arith.remsi %sub3A_363, %jit3A_366 : i32
          %ne3A_384 = arith.constant 0 : i32
          %ne3A_385 = arith.cmpi ne, %rem3A_383, %ne3A_384 : i32
          %and3A_386 = arith.andi %ne3A_382, %ne3A_385 : i1
          %sub3A_387 = arith.constant 1 : i32
          %sub3A_388 = arith.subi %div3A_367, %sub3A_387 : i32
          %select_n3A_389 = arith.select %and3A_386, %sub3A_388, %div3A_367 : i32
          %jit3A_390 = arith.constant 2 : i32
          %eq3A_391 = arith.constant 0 : i32
          %eq3A_392 = arith.cmpi eq, %jit3A_390, %eq3A_391 : i32
          %jit3A_393 = arith.constant 1 : i32
          %select_n3A_394 = arith.select %eq3A_392, %jit3A_393, %jit3A_390 : i32
          %rem3A_395 = arith.remsi %select_n3A_389, %select_n3A_394 : i32
          %ne3A_396 = arith.constant 0 : i32
          %ne3A_397 = arith.cmpi ne, %rem3A_395, %ne3A_396 : i32
          %lt3A_398 = arith.constant 0 : i32
          %lt3A_399 = arith.cmpi slt, %rem3A_395, %lt3A_398 : i32
          %lt3A_400 = arith.constant 0 : i32
          %lt3A_401 = arith.cmpi slt, %select_n3A_394, %lt3A_400 : i32
          %ne3A_402 = arith.xori %lt3A_399, %lt3A_401 : i1
          %and3A_403 = arith.andi %ne3A_402, %ne3A_397 : i1
          %add3A_404 = arith.addi %rem3A_395, %select_n3A_394 : i32
          %select_n3A_405 = arith.select %and3A_403, %add3A_404, %rem3A_395 : i32
          %rem3A_406 = arith.constant 8 : i32
          %rem3A_407 = arith.remsi %sub3A_363, %rem3A_406 : i32
          %rem3A_408 = arith.constant 3 : i32
          %rem3A_409 = arith.remsi %sub3A_363, %rem3A_408 : i32
          %dma_wait3A_410 = arith.constant 0 : i32
          %dma_wait3A_411 = arith.constant 0 : i32
          %dma_wait3A_412 = tpu.memref_slice %arg9[%rem3A_365, %dma_wait3A_410, %dma_wait3A_411] : memref<3x112x128xf32, #tpu.memory_space<vmem>> -> memref<1x112x128xf32, #tpu.memory_space<vmem>>
          %dma_wait3A_413 = tpu.memref_squeeze %dma_wait3A_412 : memref<1x112x128xf32, #tpu.memory_space<vmem>> -> memref<112x128xf32, #tpu.memory_space<vmem>>
          %dma_wait3A_414 = arith.constant 0 : i32
          %dma_wait3A_415 = tpu.memref_slice %arg8[%select_n3A_405, %rem3A_407, %dma_wait3A_414] : memref<2x8x112xi32, #tpu.memory_space<vmem>> -> memref<1x1x112xi32, #tpu.memory_space<vmem>>
          %dma_wait3A_416 = tpu.memref_squeeze %dma_wait3A_415 : memref<1x1x112xi32, #tpu.memory_space<vmem>> -> memref<112xi32, #tpu.memory_space<vmem>>
          %dma_wait3A_417 = arith.constant 0 : i32
          %dma_wait3A_418 = arith.constant 0 : i32
          %dma_wait3A_419 = tpu.memref_slice %arg10[%dma_wait3A_417, %dma_wait3A_418] : memref<10240x128xf32, #tpu.memory_space<vmem_shared>> -> memref<10240x128xf32, #tpu.memory_space<vmem_shared>>
          %dma_wait3A_420 = tpu.memref_slice %arg12[%rem3A_409] : memref<3x!tpu.dma_semaphore, #tpu.memory_space<semaphore_mem>> -> memref<1x!tpu.dma_semaphore, #tpu.memory_space<semaphore_mem>>
          %dma_wait3A_421 = tpu.memref_squeeze %dma_wait3A_420 : memref<1x!tpu.dma_semaphore, #tpu.memory_space<semaphore_mem>> -> memref<!tpu.dma_semaphore, #tpu.memory_space<semaphore_mem>>
          tpu.wait_indirect_dma semaphore(%dma_wait3A_421 : memref<!tpu.dma_semaphore, #tpu.memory_space<semaphore_mem>>) src(%dma_wait3A_413 : memref<112x128xf32, #tpu.memory_space<vmem>>) dst(%dma_wait3A_419 : memref<10240x128xf32, #tpu.memory_space<vmem_shared>>)
        } else {
        }
        %add3A_340 = arith.constant 2 : i32
        %add3A_341 = arith.addi %scan3A_188, %add3A_340 : i32
        %lt3A_342 = arith.constant 184 : i32
        %lt3A_343 = arith.cmpi slt, %add3A_341, %lt3A_342 : i32
        %add3A_344 = arith.constant 2 : i32
        %add3A_345 = arith.addi %scan3A_188, %add3A_344 : i32
        %rem3A_346 = arith.constant 8 : i32
        %rem3A_347 = arith.remsi %add3A_345, %rem3A_346 : i32
        %eq3A_348 = arith.constant 0 : i32
        %eq3A_349 = arith.cmpi eq, %rem3A_347, %eq3A_348 : i32
        %and3A_350 = arith.andi %lt3A_343, %eq3A_349 : i1
        %convert_element_type3A_351 = arith.extui %and3A_350 : i1 to i32
        %cond3A_352 = arith.constant 0 : i32
        %cond3A_353 = arith.cmpi ne, %convert_element_type3A_351, %cond3A_352 : i32
        scf.if %cond3A_353 {
          %add3A_362 = arith.constant 2 : i32
          %add3A_363 = arith.addi %scan3A_188, %add3A_362 : i32
          %jit3A_364 = arith.constant 8 : i32
          %div3A_365 = arith.divsi %add3A_363, %jit3A_364 : i32
          %sign3A_366 = arith.constant 0 : i32
          %sign3A_367 = arith.cmpi sgt, %add3A_363, %sign3A_366 : i32
          %sign3A_368 = arith.extui %sign3A_367 : i1 to i32
          %sign3A_369 = arith.constant 0 : i32
          %sign3A_370 = arith.cmpi slt, %add3A_363, %sign3A_369 : i32
          %sign3A_371 = arith.extui %sign3A_370 : i1 to i32
          %sign3A_372 = arith.subi %sign3A_368, %sign3A_371 : i32
          %sign3A_373 = arith.constant 0 : i32
          %sign3A_374 = arith.cmpi sgt, %jit3A_364, %sign3A_373 : i32
          %sign3A_375 = arith.extui %sign3A_374 : i1 to i32
          %sign3A_376 = arith.constant 0 : i32
          %sign3A_377 = arith.cmpi slt, %jit3A_364, %sign3A_376 : i32
          %sign3A_378 = arith.extui %sign3A_377 : i1 to i32
          %sign3A_379 = arith.subi %sign3A_375, %sign3A_378 : i32
          %ne3A_380 = arith.cmpi ne, %sign3A_372, %sign3A_379 : i32
          %rem3A_381 = arith.remsi %add3A_363, %jit3A_364 : i32
          %ne3A_382 = arith.constant 0 : i32
          %ne3A_383 = arith.cmpi ne, %rem3A_381, %ne3A_382 : i32
          %and3A_384 = arith.andi %ne3A_380, %ne3A_383 : i1
          %sub3A_385 = arith.constant 1 : i32
          %sub3A_386 = arith.subi %div3A_365, %sub3A_385 : i32
          %select_n3A_387 = arith.select %and3A_384, %sub3A_386, %div3A_365 : i32
          %jit3A_388 = arith.constant 2 : i32
          %eq3A_389 = arith.constant 0 : i32
          %eq3A_390 = arith.cmpi eq, %jit3A_388, %eq3A_389 : i32
          %jit3A_391 = arith.constant 1 : i32
          %select_n3A_392 = arith.select %eq3A_390, %jit3A_391, %jit3A_388 : i32
          %rem3A_393 = arith.remsi %select_n3A_387, %select_n3A_392 : i32
          %ne3A_394 = arith.constant 0 : i32
          %ne3A_395 = arith.cmpi ne, %rem3A_393, %ne3A_394 : i32
          %lt3A_396 = arith.constant 0 : i32
          %lt3A_397 = arith.cmpi slt, %rem3A_393, %lt3A_396 : i32
          %lt3A_398 = arith.constant 0 : i32
          %lt3A_399 = arith.cmpi slt, %select_n3A_392, %lt3A_398 : i32
          %ne3A_400 = arith.xori %lt3A_397, %lt3A_399 : i1
          %and3A_401 = arith.andi %ne3A_400, %ne3A_395 : i1
          %add3A_402 = arith.addi %rem3A_393, %select_n3A_392 : i32
          %select_n3A_403 = arith.select %and3A_401, %add3A_402, %rem3A_393 : i32
          %mul3A_404 = arith.constant 8 : i32
          %mul3A_405 = arith.muli %select_n3A_387, %mul3A_404 : i32
          %add3A_406 = arith.addi %mul3A_4, %mul3A_405 : i32
          %dma_wait3A_407 = arith.constant 0 : i32
          %dma_wait3A_408 = arith.constant 0 : i32
          %dma_wait3A_409 = tpu.memref_slice %arg7[%select_n3A_403, %dma_wait3A_407, %dma_wait3A_408] : memref<2x8x112xi32, #tpu.memory_space<vmem>> -> memref<1x8x112xi32, #tpu.memory_space<vmem>>
          %dma_wait3A_410 = tpu.memref_squeeze %dma_wait3A_409 : memref<1x8x112xi32, #tpu.memory_space<vmem>> -> memref<8x112xi32, #tpu.memory_space<vmem>>
          %dma_wait3A_411 = arith.constant 0 : i32
          %dma_wait3A_412 = tpu.memref_slice %arg4[%add3A_406, %dma_wait3A_411] : memref<2944x112xi32, #tpu.memory_space<hbm>> -> memref<8x112xi32, #tpu.memory_space<hbm>>
          %dma_wait3A_413 = tpu.memref_slice %arg13[%select_n3A_403] : memref<2x!tpu.dma_semaphore, #tpu.memory_space<semaphore_mem>> -> memref<1x!tpu.dma_semaphore, #tpu.memory_space<semaphore_mem>>
          %dma_wait3A_414 = tpu.memref_squeeze %dma_wait3A_413 : memref<1x!tpu.dma_semaphore, #tpu.memory_space<semaphore_mem>> -> memref<!tpu.dma_semaphore, #tpu.memory_space<semaphore_mem>>
          %dma_wait3A_415 = arith.constant 0 : i32
          %dma_wait3A_416 = arith.constant 0 : i32
          %dma_wait3A_417 = tpu.memref_slice %arg7[%select_n3A_403, %dma_wait3A_415, %dma_wait3A_416] : memref<2x8x112xi32, #tpu.memory_space<vmem>> -> memref<1x8x112xi32, #tpu.memory_space<vmem>>
          %dma_wait3A_418 = tpu.memref_squeeze %dma_wait3A_417 : memref<1x8x112xi32, #tpu.memory_space<vmem>> -> memref<8x112xi32, #tpu.memory_space<vmem>>
          %dma_wait3A_419 = arith.constant 0 : i32
          %dma_wait3A_420 = tpu.memref_slice %arg4[%add3A_406, %dma_wait3A_419] : memref<2944x112xi32, #tpu.memory_space<hbm>> -> memref<8x112xi32, #tpu.memory_space<hbm>>
          tpu.wait_dma2 semaphore(%dma_wait3A_414 : memref<!tpu.dma_semaphore, #tpu.memory_space<semaphore_mem>>) src(%dma_wait3A_420 : memref<8x112xi32, #tpu.memory_space<hbm>>) dst(%dma_wait3A_418 : memref<8x112xi32, #tpu.memory_space<vmem>>)
          %mul3A_421 = arith.constant 8 : i32
          %mul3A_422 = arith.muli %select_n3A_387, %mul3A_421 : i32
          %add3A_423 = arith.addi %mul3A_4, %mul3A_422 : i32
          %dma_wait3A_424 = arith.constant 0 : i32
          %dma_wait3A_425 = arith.constant 0 : i32
          %dma_wait3A_426 = tpu.memref_slice %arg8[%select_n3A_403, %dma_wait3A_424, %dma_wait3A_425] : memref<2x8x112xi32, #tpu.memory_space<vmem>> -> memref<1x8x112xi32, #tpu.memory_space<vmem>>
          %dma_wait3A_427 = tpu.memref_squeeze %dma_wait3A_426 : memref<1x8x112xi32, #tpu.memory_space<vmem>> -> memref<8x112xi32, #tpu.memory_space<vmem>>
          %dma_wait3A_428 = arith.constant 0 : i32
          %dma_wait3A_429 = tpu.memref_slice %arg5[%add3A_423, %dma_wait3A_428] : memref<2944x112xi32, #tpu.memory_space<hbm>> -> memref<8x112xi32, #tpu.memory_space<hbm>>
          %dma_wait3A_430 = tpu.memref_slice %arg13[%select_n3A_403] : memref<2x!tpu.dma_semaphore, #tpu.memory_space<semaphore_mem>> -> memref<1x!tpu.dma_semaphore, #tpu.memory_space<semaphore_mem>>
          %dma_wait3A_431 = tpu.memref_squeeze %dma_wait3A_430 : memref<1x!tpu.dma_semaphore, #tpu.memory_space<semaphore_mem>> -> memref<!tpu.dma_semaphore, #tpu.memory_space<semaphore_mem>>
          %dma_wait3A_432 = arith.constant 0 : i32
          %dma_wait3A_433 = arith.constant 0 : i32
          %dma_wait3A_434 = tpu.memref_slice %arg8[%select_n3A_403, %dma_wait3A_432, %dma_wait3A_433] : memref<2x8x112xi32, #tpu.memory_space<vmem>> -> memref<1x8x112xi32, #tpu.memory_space<vmem>>
          %dma_wait3A_435 = tpu.memref_squeeze %dma_wait3A_434 : memref<1x8x112xi32, #tpu.memory_space<vmem>> -> memref<8x112xi32, #tpu.memory_space<vmem>>
          %dma_wait3A_436 = arith.constant 0 : i32
          %dma_wait3A_437 = tpu.memref_slice %arg5[%add3A_423, %dma_wait3A_436] : memref<2944x112xi32, #tpu.memory_space<hbm>> -> memref<8x112xi32, #tpu.memory_space<hbm>>
          tpu.wait_dma2 semaphore(%dma_wait3A_431 : memref<!tpu.dma_semaphore, #tpu.memory_space<semaphore_mem>>) src(%dma_wait3A_437 : memref<8x112xi32, #tpu.memory_space<hbm>>) dst(%dma_wait3A_435 : memref<8x112xi32, #tpu.memory_space<vmem>>)
        } else {
        }
        %add3A_354 = arith.constant 2 : i32
        %add3A_355 = arith.addi %scan3A_188, %add3A_354 : i32
        %lt3A_356 = arith.constant 184 : i32
        %lt3A_357 = arith.cmpi slt, %add3A_355, %lt3A_356 : i32
        %convert_element_type3A_358 = arith.extui %lt3A_357 : i1 to i32
        %cond3A_359 = arith.constant 0 : i32
        %cond3A_360 = arith.cmpi ne, %convert_element_type3A_358, %cond3A_359 : i32
        scf.if %cond3A_360 {
          %add3A_362 = arith.constant 2 : i32
          %add3A_363 = arith.addi %scan3A_188, %add3A_362 : i32
          %jit3A_364 = arith.constant 8 : i32
          %div3A_365 = arith.divsi %add3A_363, %jit3A_364 : i32
          %sign3A_366 = arith.constant 0 : i32
          %sign3A_367 = arith.cmpi sgt, %add3A_363, %sign3A_366 : i32
          %sign3A_368 = arith.extui %sign3A_367 : i1 to i32
          %sign3A_369 = arith.constant 0 : i32
          %sign3A_370 = arith.cmpi slt, %add3A_363, %sign3A_369 : i32
          %sign3A_371 = arith.extui %sign3A_370 : i1 to i32
          %sign3A_372 = arith.subi %sign3A_368, %sign3A_371 : i32
          %sign3A_373 = arith.constant 0 : i32
          %sign3A_374 = arith.cmpi sgt, %jit3A_364, %sign3A_373 : i32
          %sign3A_375 = arith.extui %sign3A_374 : i1 to i32
          %sign3A_376 = arith.constant 0 : i32
          %sign3A_377 = arith.cmpi slt, %jit3A_364, %sign3A_376 : i32
          %sign3A_378 = arith.extui %sign3A_377 : i1 to i32
          %sign3A_379 = arith.subi %sign3A_375, %sign3A_378 : i32
          %ne3A_380 = arith.cmpi ne, %sign3A_372, %sign3A_379 : i32
          %rem3A_381 = arith.remsi %add3A_363, %jit3A_364 : i32
          %ne3A_382 = arith.constant 0 : i32
          %ne3A_383 = arith.cmpi ne, %rem3A_381, %ne3A_382 : i32
          %and3A_384 = arith.andi %ne3A_380, %ne3A_383 : i1
          %sub3A_385 = arith.constant 1 : i32
          %sub3A_386 = arith.subi %div3A_365, %sub3A_385 : i32
          %select_n3A_387 = arith.select %and3A_384, %sub3A_386, %div3A_365 : i32
          %jit3A_388 = arith.constant 2 : i32
          %eq3A_389 = arith.constant 0 : i32
          %eq3A_390 = arith.cmpi eq, %jit3A_388, %eq3A_389 : i32
          %jit3A_391 = arith.constant 1 : i32
          %select_n3A_392 = arith.select %eq3A_390, %jit3A_391, %jit3A_388 : i32
          %rem3A_393 = arith.remsi %select_n3A_387, %select_n3A_392 : i32
          %ne3A_394 = arith.constant 0 : i32
          %ne3A_395 = arith.cmpi ne, %rem3A_393, %ne3A_394 : i32
          %lt3A_396 = arith.constant 0 : i32
          %lt3A_397 = arith.cmpi slt, %rem3A_393, %lt3A_396 : i32
          %lt3A_398 = arith.constant 0 : i32
          %lt3A_399 = arith.cmpi slt, %select_n3A_392, %lt3A_398 : i32
          %ne3A_400 = arith.xori %lt3A_397, %lt3A_399 : i1
          %and3A_401 = arith.andi %ne3A_400, %ne3A_395 : i1
          %add3A_402 = arith.addi %rem3A_393, %select_n3A_392 : i32
          %select_n3A_403 = arith.select %and3A_401, %add3A_402, %rem3A_393 : i32
          %rem3A_404 = arith.constant 8 : i32
          %rem3A_405 = arith.remsi %add3A_363, %rem3A_404 : i32
          %rem3A_406 = arith.constant 3 : i32
          %rem3A_407 = arith.remsi %add3A_363, %rem3A_406 : i32
          %rem3A_408 = arith.constant 3 : i32
          %rem3A_409 = arith.remsi %add3A_363, %rem3A_408 : i32
          %dma_start3A_410 = arith.constant 0 : i32
          %dma_start3A_411 = arith.constant 0 : i32
          %dma_start3A_412 = tpu.memref_slice %arg9[%rem3A_407, %dma_start3A_410, %dma_start3A_411] : memref<3x112x128xf32, #tpu.memory_space<vmem>> -> memref<1x112x128xf32, #tpu.memory_space<vmem>>
          %dma_start3A_413 = tpu.memref_squeeze %dma_start3A_412 : memref<1x112x128xf32, #tpu.memory_space<vmem>> -> memref<112x128xf32, #tpu.memory_space<vmem>>
          %dma_start3A_414 = arith.constant 0 : i32
          %dma_start3A_415 = tpu.memref_slice %arg7[%select_n3A_403, %rem3A_405, %dma_start3A_414] : memref<2x8x112xi32, #tpu.memory_space<vmem>> -> memref<1x1x112xi32, #tpu.memory_space<vmem>>
          %dma_start3A_416 = tpu.memref_squeeze %dma_start3A_415 : memref<1x1x112xi32, #tpu.memory_space<vmem>> -> memref<112xi32, #tpu.memory_space<vmem>>
          %dma_start3A_417 = arith.constant 0 : i32
          %dma_start3A_418 = arith.constant 0 : i32
          %dma_start3A_419 = tpu.memref_slice %arg2[%dma_start3A_417, %dma_start3A_418] : memref<10000x128xf32, #tpu.memory_space<hbm>> -> memref<10000x128xf32, #tpu.memory_space<hbm>>
          %dma_start3A_420 = tpu.memref_slice %arg11[%rem3A_409] : memref<3x!tpu.dma_semaphore, #tpu.memory_space<semaphore_mem>> -> memref<1x!tpu.dma_semaphore, #tpu.memory_space<semaphore_mem>>
          %dma_start3A_421 = tpu.memref_squeeze %dma_start3A_420 : memref<1x!tpu.dma_semaphore, #tpu.memory_space<semaphore_mem>> -> memref<!tpu.dma_semaphore, #tpu.memory_space<semaphore_mem>>
          tpu.enqueue_indirect_dma source(%dma_start3A_419 : memref<10000x128xf32, #tpu.memory_space<hbm>>) target(%dma_start3A_413 : memref<112x128xf32, #tpu.memory_space<vmem>>) offsets(%dma_start3A_416 : memref<112xi32, #tpu.memory_space<vmem>>) semaphore(%dma_start3A_421 : memref<!tpu.dma_semaphore, #tpu.memory_space<semaphore_mem>>)
        } else {
        }
        %scan3A_361 = arith.constant 0 : i32
        scf.yield %scan3A_361 : i32
      }
      %scan3A_165 = arith.constant 184 : i32
      %rem3A_166 = arith.constant 183 : i32
      %rem3A_167 = arith.constant 3 : i32
      %rem3A_168 = arith.remsi %rem3A_166, %rem3A_167 : i32
      %rem3A_169 = arith.constant 183 : i32
      %rem3A_170 = arith.constant 8 : i32
      %rem3A_171 = arith.remsi %rem3A_169, %rem3A_170 : i32
      %rem3A_172 = arith.constant 183 : i32
      %rem3A_173 = arith.constant 3 : i32
      %rem3A_174 = arith.remsi %rem3A_172, %rem3A_173 : i32
      %dma_wait3A_175 = arith.constant 0 : i32
      %dma_wait3A_176 = arith.constant 0 : i32
      %dma_wait3A_177 = arith.constant 0 : i32
      %dma_wait3A_178 = tpu.memref_slice %arg9[%rem3A_168, %dma_wait3A_176, %dma_wait3A_177] : memref<3x112x128xf32, #tpu.memory_space<vmem>> -> memref<1x112x128xf32, #tpu.memory_space<vmem>>
      %dma_wait3A_179 = tpu.memref_squeeze %dma_wait3A_178 : memref<1x112x128xf32, #tpu.memory_space<vmem>> -> memref<112x128xf32, #tpu.memory_space<vmem>>
      %dma_wait3A_180 = arith.constant 0 : i32
      %dma_wait3A_181 = tpu.memref_slice %arg8[%dma_wait3A_175, %rem3A_171, %dma_wait3A_180] : memref<2x8x112xi32, #tpu.memory_space<vmem>> -> memref<1x1x112xi32, #tpu.memory_space<vmem>>
      %dma_wait3A_182 = tpu.memref_squeeze %dma_wait3A_181 : memref<1x1x112xi32, #tpu.memory_space<vmem>> -> memref<112xi32, #tpu.memory_space<vmem>>
      %dma_wait3A_183 = arith.constant 0 : i32
      %dma_wait3A_184 = arith.constant 0 : i32
      %dma_wait3A_185 = tpu.memref_slice %arg10[%dma_wait3A_183, %dma_wait3A_184] : memref<10240x128xf32, #tpu.memory_space<vmem_shared>> -> memref<10240x128xf32, #tpu.memory_space<vmem_shared>>
      %dma_wait3A_186 = tpu.memref_slice %arg12[%rem3A_174] : memref<3x!tpu.dma_semaphore, #tpu.memory_space<semaphore_mem>> -> memref<1x!tpu.dma_semaphore, #tpu.memory_space<semaphore_mem>>
      %dma_wait3A_187 = tpu.memref_squeeze %dma_wait3A_186 : memref<1x!tpu.dma_semaphore, #tpu.memory_space<semaphore_mem>> -> memref<!tpu.dma_semaphore, #tpu.memory_space<semaphore_mem>>
      tpu.wait_indirect_dma semaphore(%dma_wait3A_187 : memref<!tpu.dma_semaphore, #tpu.memory_space<semaphore_mem>>) src(%dma_wait3A_179 : memref<112x128xf32, #tpu.memory_space<vmem>>) dst(%dma_wait3A_185 : memref<10240x128xf32, #tpu.memory_space<vmem_shared>>)
    } else {
    }
    %barrier3A_8 = arith.constant 0 : index
    tpu.barrier barrier_id(%barrier3A_8)
    %convert_element_type3A_9 = arith.extui %eq3A_0 : i1 to i32
    %cond3A_10 = arith.constant 0 : i32
    %cond3A_11 = arith.cmpi ne, %convert_element_type3A_9, %cond3A_10 : i32
    scf.if %cond3A_11 {
      "tpu.region"() ({
        %run_scoped3A = tpu.sem_alloc : memref<!tpu.dma_semaphore, #tpu.memory_space<semaphore_mem>>
        %dma_start3A = arith.constant 0 : i32
        %dma_start3A_12 = tpu.memref_slice %arg6[%mul3A_1, %dma_start3A] : memref<10240x128xf32, #tpu.memory_space<hbm>> -> memref<640x128xf32, #tpu.memory_space<hbm>>
        %dma_start3A_13 = arith.constant 0 : i32
        %dma_start3A_14 = tpu.memref_slice %arg10[%mul3A_1, %dma_start3A_13] : memref<10240x128xf32, #tpu.memory_space<vmem_shared>> -> memref<640x128xf32, #tpu.memory_space<vmem_shared>>
        tpu.enqueue_dma source(%dma_start3A_14 : memref<640x128xf32, #tpu.memory_space<vmem_shared>>) target(%dma_start3A_12 : memref<640x128xf32, #tpu.memory_space<hbm>>) target_semaphore(%run_scoped3A : memref<!tpu.dma_semaphore, #tpu.memory_space<semaphore_mem>>)
        %dma_wait3A = arith.constant 0 : i32
        %dma_wait3A_15 = tpu.memref_slice %arg6[%mul3A_1, %dma_wait3A] : memref<10240x128xf32, #tpu.memory_space<hbm>> -> memref<640x128xf32, #tpu.memory_space<hbm>>
        %dma_wait3A_16 = arith.constant 0 : i32
        %dma_wait3A_17 = tpu.memref_slice %arg10[%mul3A_1, %dma_wait3A_16] : memref<10240x128xf32, #tpu.memory_space<vmem_shared>> -> memref<640x128xf32, #tpu.memory_space<vmem_shared>>
        tpu.wait_dma2 semaphore(%run_scoped3A : memref<!tpu.dma_semaphore, #tpu.memory_space<semaphore_mem>>) src(%dma_wait3A_17 : memref<640x128xf32, #tpu.memory_space<vmem_shared>>) dst(%dma_wait3A_15 : memref<640x128xf32, #tpu.memory_space<hbm>>)
        tpu.yield
      }) : () -> ()
    } else {
    }
    return
  }
}

#map = affine_map<(d0, d1) -> (0, 0)>
module attributes {stable_mosaic.version = 14 : i64} {
  func.func @body(%arg0: i32, %arg1: i32, %arg2: memref<10000x128xf32, #tpu.memory_space<hbm>>, %arg3: memref<10240x128xf32, #tpu.memory_space<hbm>>, %arg4: memref<2944x112xi32, #tpu.memory_space<hbm>>, %arg5: memref<2944x112xi32, #tpu.memory_space<hbm>>, %arg6: memref<10240x128xf32, #tpu.memory_space<hbm>>, %arg7: memref<2x8x112xi32, #tpu.memory_space<vmem>>, %arg8: memref<2x8x112xi32, #tpu.memory_space<vmem>>, %arg9: memref<3x112x128xf32, #tpu.memory_space<vmem>>, %arg10: memref<10240x128xf32, #tpu.memory_space<vmem_shared>>, %arg11: memref<3x!tpu.dma_semaphore, #tpu.memory_space<semaphore_mem>>, %arg12: memref<3x!tpu.dma_semaphore, #tpu.memory_space<semaphore_mem>>, %arg13: memref<2x!tpu.dma_semaphore, #tpu.memory_space<semaphore_mem>>) attributes {dimension_semantics = [#tpu.dimension_semantics<core_parallel>, #tpu.dimension_semantics<subcore_parallel>], iteration_bounds = array<i64: 2, 16>, scalar_prefetch = 0 : i64, scratch_operands = 7 : i64, tpu.core_type = #tpu.core_type<sc_vector_subcore>, window_params = [{transform_indices = #map}, {transform_indices = #map}, {transform_indices = #map}, {transform_indices = #map}, {transform_indices = #map}]} {
    %eq3A = arith.constant 0 : i32
    %eq3A_0 = arith.cmpi eq, %arg0, %eq3A : i32
    %mul3A = arith.constant 640 : i32
    %mul3A_1 = arith.muli %arg1, %mul3A : i32
    %convert_element_type3A = arith.extui %eq3A_0 : i1 to i32
    %cond3A = arith.constant 0 : i32
    %cond3A_2 = arith.cmpi ne, %convert_element_type3A, %cond3A : i32
    scf.if %cond3A_2 {
      "tpu.region"() ({
        %run_scoped3A = tpu.sem_alloc : memref<!tpu.dma_semaphore, #tpu.memory_space<semaphore_mem>>
        %dma_start3A = arith.constant 0 : i32
        %dma_start3A_12 = tpu.memref_slice %arg10[%mul3A_1, %dma_start3A] : memref<10240x128xf32, #tpu.memory_space<vmem_shared>> -> memref<640x128xf32, #tpu.memory_space<vmem_shared>>
        %dma_start3A_13 = arith.constant 0 : i32
        %dma_start3A_14 = tpu.memref_slice %arg3[%mul3A_1, %dma_start3A_13] : memref<10240x128xf32, #tpu.memory_space<hbm>> -> memref<640x128xf32, #tpu.memory_space<hbm>>
        tpu.enqueue_dma source(%dma_start3A_14 : memref<640x128xf32, #tpu.memory_space<hbm>>) target(%dma_start3A_12 : memref<640x128xf32, #tpu.memory_space<vmem_shared>>) target_semaphore(%run_scoped3A : memref<!tpu.dma_semaphore, #tpu.memory_space<semaphore_mem>>)
        %dma_wait3A = arith.constant 0 : i32
        %dma_wait3A_15 = tpu.memref_slice %arg10[%mul3A_1, %dma_wait3A] : memref<10240x128xf32, #tpu.memory_space<vmem_shared>> -> memref<640x128xf32, #tpu.memory_space<vmem_shared>>
        %dma_wait3A_16 = arith.constant 0 : i32
        %dma_wait3A_17 = tpu.memref_slice %arg3[%mul3A_1, %dma_wait3A_16] : memref<10240x128xf32, #tpu.memory_space<hbm>> -> memref<640x128xf32, #tpu.memory_space<hbm>>
        tpu.wait_dma2 semaphore(%run_scoped3A : memref<!tpu.dma_semaphore, #tpu.memory_space<semaphore_mem>>) src(%dma_wait3A_17 : memref<640x128xf32, #tpu.memory_space<hbm>>) dst(%dma_wait3A_15 : memref<640x128xf32, #tpu.memory_space<vmem_shared>>)
        tpu.yield
      }) : () -> ()
    } else {
    }
    %barrier3A = arith.constant 0 : index
    tpu.barrier barrier_id(%barrier3A)
    %mul3A_3 = arith.constant 184 : i32
    %mul3A_4 = arith.muli %arg1, %mul3A_3 : i32
    %convert_element_type3A_5 = arith.extui %eq3A_0 : i1 to i32
    %cond3A_6 = arith.constant 0 : i32
    %cond3A_7 = arith.cmpi ne, %convert_element_type3A_5, %cond3A_6 : i32
    scf.if %cond3A_7 {
      %add3A = arith.constant 0 : i32
      %add3A_12 = arith.addi %mul3A_4, %add3A : i32
      %dma_start3A = arith.constant 0 : i32
      %dma_start3A_13 = arith.constant 0 : i32
      %dma_start3A_14 = arith.constant 0 : i32
      %dma_start3A_15 = arith.constant 0 : i32
      %dma_start3A_16 = tpu.memref_slice %arg7[%dma_start3A, %dma_start3A_14, %dma_start3A_15] : memref<2x8x112xi32, #tpu.memory_space<vmem>> -> memref<1x8x112xi32, #tpu.memory_space<vmem>>
      %dma_start3A_17 = tpu.memref_squeeze %dma_start3A_16 : memref<1x8x112xi32, #tpu.memory_space<vmem>> -> memref<8x112xi32, #tpu.memory_space<vmem>>
      %dma_start3A_18 = arith.constant 0 : i32
      %dma_start3A_19 = tpu.memref_slice %arg4[%add3A_12, %dma_start3A_18] : memref<2944x112xi32, #tpu.memory_space<hbm>> -> memref<8x112xi32, #tpu.memory_space<hbm>>
      %dma_start3A_20 = tpu.memref_slice %arg13[%dma_start3A_13] : memref<2x!tpu.dma_semaphore, #tpu.memory_space<semaphore_mem>> -> memref<1x!tpu.dma_semaphore, #tpu.memory_space<semaphore_mem>>
      %dma_start3A_21 = tpu.memref_squeeze %dma_start3A_20 : memref<1x!tpu.dma_semaphore, #tpu.memory_space<semaphore_mem>> -> memref<!tpu.dma_semaphore, #tpu.memory_space<semaphore_mem>>
      %dma_start3A_22 = arith.constant 0 : i32
      %dma_start3A_23 = arith.constant 0 : i32
      %dma_start3A_24 = tpu.memref_slice %arg7[%dma_start3A, %dma_start3A_22, %dma_start3A_23] : memref<2x8x112xi32, #tpu.memory_space<vmem>> -> memref<1x8x112xi32, #tpu.memory_space<vmem>>
      %dma_start3A_25 = tpu.memref_squeeze %dma_start3A_24 : memref<1x8x112xi32, #tpu.memory_space<vmem>> -> memref<8x112xi32, #tpu.memory_space<vmem>>
      %dma_start3A_26 = arith.constant 0 : i32
      %dma_start3A_27 = tpu.memref_slice %arg4[%add3A_12, %dma_start3A_26] : memref<2944x112xi32, #tpu.memory_space<hbm>> -> memref<8x112xi32, #tpu.memory_space<hbm>>
      tpu.enqueue_dma source(%dma_start3A_27 : memref<8x112xi32, #tpu.memory_space<hbm>>) target(%dma_start3A_25 : memref<8x112xi32, #tpu.memory_space<vmem>>) target_semaphore(%dma_start3A_21 : memref<!tpu.dma_semaphore, #tpu.memory_space<semaphore_mem>>)
      %add3A_28 = arith.constant 0 : i32
      %add3A_29 = arith.addi %mul3A_4, %add3A_28 : i32
      %dma_start3A_30 = arith.constant 0 : i32
      %dma_start3A_31 = arith.constant 0 : i32
      %dma_start3A_32 = arith.constant 0 : i32
      %dma_start3A_33 = arith.constant 0 : i32
      %dma_start3A_34 = tpu.memref_slice %arg8[%dma_start3A_30, %dma_start3A_32, %dma_start3A_33] : memref<2x8x112xi32, #tpu.memory_space<vmem>> -> memref<1x8x112xi32, #tpu.memory_space<vmem>>
      %dma_start3A_35 = tpu.memref_squeeze %dma_start3A_34 : memref<1x8x112xi32, #tpu.memory_space<vmem>> -> memref<8x112xi32, #tpu.memory_space<vmem>>
      %dma_start3A_36 = arith.constant 0 : i32
      %dma_start3A_37 = tpu.memref_slice %arg5[%add3A_29, %dma_start3A_36] : memref<2944x112xi32, #tpu.memory_space<hbm>> -> memref<8x112xi32, #tpu.memory_space<hbm>>
      %dma_start3A_38 = tpu.memref_slice %arg13[%dma_start3A_31] : memref<2x!tpu.dma_semaphore, #tpu.memory_space<semaphore_mem>> -> memref<1x!tpu.dma_semaphore, #tpu.memory_space<semaphore_mem>>
      %dma_start3A_39 = tpu.memref_squeeze %dma_start3A_38 : memref<1x!tpu.dma_semaphore, #tpu.memory_space<semaphore_mem>> -> memref<!tpu.dma_semaphore, #tpu.memory_space<semaphore_mem>>
      %dma_start3A_40 = arith.constant 0 : i32
      %dma_start3A_41 = arith.constant 0 : i32
      %dma_start3A_42 = tpu.memref_slice %arg8[%dma_start3A_30, %dma_start3A_40, %dma_start3A_41] : memref<2x8x112xi32, #tpu.memory_space<vmem>> -> memref<1x8x112xi32, #tpu.memory_space<vmem>>
      %dma_start3A_43 = tpu.memref_squeeze %dma_start3A_42 : memref<1x8x112xi32, #tpu.memory_space<vmem>> -> memref<8x112xi32, #tpu.memory_space<vmem>>
      %dma_start3A_44 = arith.constant 0 : i32
      %dma_start3A_45 = tpu.memref_slice %arg5[%add3A_29, %dma_start3A_44] : memref<2944x112xi32, #tpu.memory_space<hbm>> -> memref<8x112xi32, #tpu.memory_space<hbm>>
      tpu.enqueue_dma source(%dma_start3A_45 : memref<8x112xi32, #tpu.memory_space<hbm>>) target(%dma_start3A_43 : memref<8x112xi32, #tpu.memory_space<vmem>>) target_semaphore(%dma_start3A_39 : memref<!tpu.dma_semaphore, #tpu.memory_space<semaphore_mem>>)
      %add3A_46 = arith.constant 0 : i32
      %add3A_47 = arith.addi %mul3A_4, %add3A_46 : i32
      %dma_wait3A = arith.constant 0 : i32
      %dma_wait3A_48 = arith.constant 0 : i32
      %dma_wait3A_49 = arith.constant 0 : i32
      %dma_wait3A_50 = arith.constant 0 : i32
      %dma_wait3A_51 = tpu.memref_slice %arg7[%dma_wait3A, %dma_wait3A_49, %dma_wait3A_50] : memref<2x8x112xi32, #tpu.memory_space<vmem>> -> memref<1x8x112xi32, #tpu.memory_space<vmem>>
      %dma_wait3A_52 = tpu.memref_squeeze %dma_wait3A_51 : memref<1x8x112xi32, #tpu.memory_space<vmem>> -> memref<8x112xi32, #tpu.memory_space<vmem>>
      %dma_wait3A_53 = arith.constant 0 : i32
      %dma_wait3A_54 = tpu.memref_slice %arg4[%add3A_47, %dma_wait3A_53] : memref<2944x112xi32, #tpu.memory_space<hbm>> -> memref<8x112xi32, #tpu.memory_space<hbm>>
      %dma_wait3A_55 = tpu.memref_slice %arg13[%dma_wait3A_48] : memref<2x!tpu.dma_semaphore, #tpu.memory_space<semaphore_mem>> -> memref<1x!tpu.dma_semaphore, #tpu.memory_space<semaphore_mem>>
      %dma_wait3A_56 = tpu.memref_squeeze %dma_wait3A_55 : memref<1x!tpu.dma_semaphore, #tpu.memory_space<semaphore_mem>> -> memref<!tpu.dma_semaphore, #tpu.memory_space<semaphore_mem>>
      %dma_wait3A_57 = arith.constant 0 : i32
      %dma_wait3A_58 = arith.constant 0 : i32
      %dma_wait3A_59 = tpu.memref_slice %arg7[%dma_wait3A, %dma_wait3A_57, %dma_wait3A_58] : memref<2x8x112xi32, #tpu.memory_space<vmem>> -> memref<1x8x112xi32, #tpu.memory_space<vmem>>
      %dma_wait3A_60 = tpu.memref_squeeze %dma_wait3A_59 : memref<1x8x112xi32, #tpu.memory_space<vmem>> -> memref<8x112xi32, #tpu.memory_space<vmem>>
      %dma_wait3A_61 = arith.constant 0 : i32
      %dma_wait3A_62 = tpu.memref_slice %arg4[%add3A_47, %dma_wait3A_61] : memref<2944x112xi32, #tpu.memory_space<hbm>> -> memref<8x112xi32, #tpu.memory_space<hbm>>
      tpu.wait_dma2 semaphore(%dma_wait3A_56 : memref<!tpu.dma_semaphore, #tpu.memory_space<semaphore_mem>>) src(%dma_wait3A_62 : memref<8x112xi32, #tpu.memory_space<hbm>>) dst(%dma_wait3A_60 : memref<8x112xi32, #tpu.memory_space<vmem>>)
      %add3A_63 = arith.constant 0 : i32
      %add3A_64 = arith.addi %mul3A_4, %add3A_63 : i32
      %dma_wait3A_65 = arith.constant 0 : i32
      %dma_wait3A_66 = arith.constant 0 : i32
      %dma_wait3A_67 = arith.constant 0 : i32
      %dma_wait3A_68 = arith.constant 0 : i32
      %dma_wait3A_69 = tpu.memref_slice %arg8[%dma_wait3A_65, %dma_wait3A_67, %dma_wait3A_68] : memref<2x8x112xi32, #tpu.memory_space<vmem>> -> memref<1x8x112xi32, #tpu.memory_space<vmem>>
      %dma_wait3A_70 = tpu.memref_squeeze %dma_wait3A_69 : memref<1x8x112xi32, #tpu.memory_space<vmem>> -> memref<8x112xi32, #tpu.memory_space<vmem>>
      %dma_wait3A_71 = arith.constant 0 : i32
      %dma_wait3A_72 = tpu.memref_slice %arg5[%add3A_64, %dma_wait3A_71] : memref<2944x112xi32, #tpu.memory_space<hbm>> -> memref<8x112xi32, #tpu.memory_space<hbm>>
      %dma_wait3A_73 = tpu.memref_slice %arg13[%dma_wait3A_66] : memref<2x!tpu.dma_semaphore, #tpu.memory_space<semaphore_mem>> -> memref<1x!tpu.dma_semaphore, #tpu.memory_space<semaphore_mem>>
      %dma_wait3A_74 = tpu.memref_squeeze %dma_wait3A_73 : memref<1x!tpu.dma_semaphore, #tpu.memory_space<semaphore_mem>> -> memref<!tpu.dma_semaphore, #tpu.memory_space<semaphore_mem>>
      %dma_wait3A_75 = arith.constant 0 : i32
      %dma_wait3A_76 = arith.constant 0 : i32
      %dma_wait3A_77 = tpu.memref_slice %arg8[%dma_wait3A_65, %dma_wait3A_75, %dma_wait3A_76] : memref<2x8x112xi32, #tpu.memory_space<vmem>> -> memref<1x8x112xi32, #tpu.memory_space<vmem>>
      %dma_wait3A_78 = tpu.memref_squeeze %dma_wait3A_77 : memref<1x8x112xi32, #tpu.memory_space<vmem>> -> memref<8x112xi32, #tpu.memory_space<vmem>>
      %dma_wait3A_79 = arith.constant 0 : i32
      %dma_wait3A_80 = tpu.memref_slice %arg5[%add3A_64, %dma_wait3A_79] : memref<2944x112xi32, #tpu.memory_space<hbm>> -> memref<8x112xi32, #tpu.memory_space<hbm>>
      tpu.wait_dma2 semaphore(%dma_wait3A_74 : memref<!tpu.dma_semaphore, #tpu.memory_space<semaphore_mem>>) src(%dma_wait3A_80 : memref<8x112xi32, #tpu.memory_space<hbm>>) dst(%dma_wait3A_78 : memref<8x112xi32, #tpu.memory_space<vmem>>)
      %add3A_81 = arith.constant 8 : i32
      %add3A_82 = arith.addi %mul3A_4, %add3A_81 : i32
      %dma_start3A_83 = arith.constant 1 : i32
      %dma_start3A_84 = arith.constant 1 : i32
      %dma_start3A_85 = arith.constant 0 : i32
      %dma_start3A_86 = arith.constant 0 : i32
      %dma_start3A_87 = tpu.memref_slice %arg7[%dma_start3A_83, %dma_start3A_85, %dma_start3A_86] : memref<2x8x112xi32, #tpu.memory_space<vmem>> -> memref<1x8x112xi32, #tpu.memory_space<vmem>>
      %dma_start3A_88 = tpu.memref_squeeze %dma_start3A_87 : memref<1x8x112xi32, #tpu.memory_space<vmem>> -> memref<8x112xi32, #tpu.memory_space<vmem>>
      %dma_start3A_89 = arith.constant 0 : i32
      %dma_start3A_90 = tpu.memref_slice %arg4[%add3A_82, %dma_start3A_89] : memref<2944x112xi32, #tpu.memory_space<hbm>> -> memref<8x112xi32, #tpu.memory_space<hbm>>
      %dma_start3A_91 = tpu.memref_slice %arg13[%dma_start3A_84] : memref<2x!tpu.dma_semaphore, #tpu.memory_space<semaphore_mem>> -> memref<1x!tpu.dma_semaphore, #tpu.memory_space<semaphore_mem>>
      %dma_start3A_92 = tpu.memref_squeeze %dma_start3A_91 : memref<1x!tpu.dma_semaphore, #tpu.memory_space<semaphore_mem>> -> memref<!tpu.dma_semaphore, #tpu.memory_space<semaphore_mem>>
      %dma_start3A_93 = arith.constant 0 : i32
      %dma_start3A_94 = arith.constant 0 : i32
      %dma_start3A_95 = tpu.memref_slice %arg7[%dma_start3A_83, %dma_start3A_93, %dma_start3A_94] : memref<2x8x112xi32, #tpu.memory_space<vmem>> -> memref<1x8x112xi32, #tpu.memory_space<vmem>>
      %dma_start3A_96 = tpu.memref_squeeze %dma_start3A_95 : memref<1x8x112xi32, #tpu.memory_space<vmem>> -> memref<8x112xi32, #tpu.memory_space<vmem>>
      %dma_start3A_97 = arith.constant 0 : i32
      %dma_start3A_98 = tpu.memref_slice %arg4[%add3A_82, %dma_start3A_97] : memref<2944x112xi32, #tpu.memory_space<hbm>> -> memref<8x112xi32, #tpu.memory_space<hbm>>
      tpu.enqueue_dma source(%dma_start3A_98 : memref<8x112xi32, #tpu.memory_space<hbm>>) target(%dma_start3A_96 : memref<8x112xi32, #tpu.memory_space<vmem>>) target_semaphore(%dma_start3A_92 : memref<!tpu.dma_semaphore, #tpu.memory_space<semaphore_mem>>)
      %add3A_99 = arith.constant 8 : i32
      %add3A_100 = arith.addi %mul3A_4, %add3A_99 : i32
      %dma_start3A_101 = arith.constant 1 : i32
      %dma_start3A_102 = arith.constant 1 : i32
      %dma_start3A_103 = arith.constant 0 : i32
      %dma_start3A_104 = arith.constant 0 : i32
      %dma_start3A_105 = tpu.memref_slice %arg8[%dma_start3A_101, %dma_start3A_103, %dma_start3A_104] : memref<2x8x112xi32, #tpu.memory_space<vmem>> -> memref<1x8x112xi32, #tpu.memory_space<vmem>>
      %dma_start3A_106 = tpu.memref_squeeze %dma_start3A_105 : memref<1x8x112xi32, #tpu.memory_space<vmem>> -> memref<8x112xi32, #tpu.memory_space<vmem>>
      %dma_start3A_107 = arith.constant 0 : i32
      %dma_start3A_108 = tpu.memref_slice %arg5[%add3A_100, %dma_start3A_107] : memref<2944x112xi32, #tpu.memory_space<hbm>> -> memref<8x112xi32, #tpu.memory_space<hbm>>
      %dma_start3A_109 = tpu.memref_slice %arg13[%dma_start3A_102] : memref<2x!tpu.dma_semaphore, #tpu.memory_space<semaphore_mem>> -> memref<1x!tpu.dma_semaphore, #tpu.memory_space<semaphore_mem>>
      %dma_start3A_110 = tpu.memref_squeeze %dma_start3A_109 : memref<1x!tpu.dma_semaphore, #tpu.memory_space<semaphore_mem>> -> memref<!tpu.dma_semaphore, #tpu.memory_space<semaphore_mem>>
      %dma_start3A_111 = arith.constant 0 : i32
      %dma_start3A_112 = arith.constant 0 : i32
      %dma_start3A_113 = tpu.memref_slice %arg8[%dma_start3A_101, %dma_start3A_111, %dma_start3A_112] : memref<2x8x112xi32, #tpu.memory_space<vmem>> -> memref<1x8x112xi32, #tpu.memory_space<vmem>>
      %dma_start3A_114 = tpu.memref_squeeze %dma_start3A_113 : memref<1x8x112xi32, #tpu.memory_space<vmem>> -> memref<8x112xi32, #tpu.memory_space<vmem>>
      %dma_start3A_115 = arith.constant 0 : i32
      %dma_start3A_116 = tpu.memref_slice %arg5[%add3A_100, %dma_start3A_115] : memref<2944x112xi32, #tpu.memory_space<hbm>> -> memref<8x112xi32, #tpu.memory_space<hbm>>
      tpu.enqueue_dma source(%dma_start3A_116 : memref<8x112xi32, #tpu.memory_space<hbm>>) target(%dma_start3A_114 : memref<8x112xi32, #tpu.memory_space<vmem>>) target_semaphore(%dma_start3A_110 : memref<!tpu.dma_semaphore, #tpu.memory_space<semaphore_mem>>)
      %rem3A = arith.constant 0 : i32
      %rem3A_117 = arith.constant 8 : i32
      %rem3A_118 = arith.remsi %rem3A, %rem3A_117 : i32
      %rem3A_119 = arith.constant 0 : i32
      %rem3A_120 = arith.constant 3 : i32
      %rem3A_121 = arith.remsi %rem3A_119, %rem3A_120 : i32
      %rem3A_122 = arith.constant 0 : i32
      %rem3A_123 = arith.constant 3 : i32
      %rem3A_124 = arith.remsi %rem3A_122, %rem3A_123 : i32
      %dma_start3A_125 = arith.constant 0 : i32
      %dma_start3A_126 = arith.constant 0 : i32
      %dma_start3A_127 = arith.constant 0 : i32
      %dma_start3A_128 = tpu.memref_slice %arg9[%rem3A_121, %dma_start3A_126, %dma_start3A_127] : memref<3x112x128xf32, #tpu.memory_space<vmem>> -> memref<1x112x128xf32, #tpu.memory_space<vmem>>
      %dma_start3A_129 = tpu.memref_squeeze %dma_start3A_128 : memref<1x112x128xf32, #tpu.memory_space<vmem>> -> memref<112x128xf32, #tpu.memory_space<vmem>>
      %dma_start3A_130 = arith.constant 0 : i32
      %dma_start3A_131 = tpu.memref_slice %arg7[%dma_start3A_125, %rem3A_118, %dma_start3A_130] : memref<2x8x112xi32, #tpu.memory_space<vmem>> -> memref<1x1x112xi32, #tpu.memory_space<vmem>>
      %dma_start3A_132 = tpu.memref_squeeze %dma_start3A_131 : memref<1x1x112xi32, #tpu.memory_space<vmem>> -> memref<112xi32, #tpu.memory_space<vmem>>
      %dma_start3A_133 = arith.constant 0 : i32
      %dma_start3A_134 = arith.constant 0 : i32
      %dma_start3A_135 = tpu.memref_slice %arg2[%dma_start3A_133, %dma_start3A_134] : memref<10000x128xf32, #tpu.memory_space<hbm>> -> memref<10000x128xf32, #tpu.memory_space<hbm>>
      %dma_start3A_136 = tpu.memref_slice %arg11[%rem3A_124] : memref<3x!tpu.dma_semaphore, #tpu.memory_space<semaphore_mem>> -> memref<1x!tpu.dma_semaphore, #tpu.memory_space<semaphore_mem>>
      %dma_start3A_137 = tpu.memref_squeeze %dma_start3A_136 : memref<1x!tpu.dma_semaphore, #tpu.memory_space<semaphore_mem>> -> memref<!tpu.dma_semaphore, #tpu.memory_space<semaphore_mem>>
      tpu.enqueue_indirect_dma source(%dma_start3A_135 : memref<10000x128xf32, #tpu.memory_space<hbm>>) target(%dma_start3A_129 : memref<112x128xf32, #tpu.memory_space<vmem>>) offsets(%dma_start3A_132 : memref<112xi32, #tpu.memory_space<vmem>>) semaphore(%dma_start3A_137 : memref<!tpu.dma_semaphore, #tpu.memory_space<semaphore_mem>>)
      %rem3A_138 = arith.constant 1 : i32
      %rem3A_139 = arith.constant 8 : i32
      %rem3A_140 = arith.remsi %rem3A_138, %rem3A_139 : i32
      %rem3A_141 = arith.constant 1 : i32
      %rem3A_142 = arith.constant 3 : i32
      %rem3A_143 = arith.remsi %rem3A_141, %rem3A_142 : i32
      %rem3A_144 = arith.constant 1 : i32
      %rem3A_145 = arith.constant 3 : i32
      %rem3A_146 = arith.remsi %rem3A_144, %rem3A_145 : i32
      %dma_start3A_147 = arith.constant 0 : i32
      %dma_start3A_148 = arith.constant 0 : i32
      %dma_start3A_149 = arith.constant 0 : i32
      %dma_start3A_150 = tpu.memref_slice %arg9[%rem3A_143, %dma_start3A_148, %dma_start3A_149] : memref<3x112x128xf32, #tpu.memory_space<vmem>> -> memref<1x112x128xf32, #tpu.memory_space<vmem>>
      %dma_start3A_151 = tpu.memref_squeeze %dma_start3A_150 : memref<1x112x128xf32, #tpu.memory_space<vmem>> -> memref<112x128xf32, #tpu.memory_space<vmem>>
      %dma_start3A_152 = arith.constant 0 : i32
      %dma_start3A_153 = tpu.memref_slice %arg7[%dma_start3A_147, %rem3A_140, %dma_start3A_152] : memref<2x8x112xi32, #tpu.memory_space<vmem>> -> memref<1x1x112xi32, #tpu.memory_space<vmem>>
      %dma_start3A_154 = tpu.memref_squeeze %dma_start3A_153 : memref<1x1x112xi32, #tpu.memory_space<vmem>> -> memref<112xi32, #tpu.memory_space<vmem>>
      %dma_start3A_155 = arith.constant 0 : i32
      %dma_start3A_156 = arith.constant 0 : i32
      %dma_start3A_157 = tpu.memref_slice %arg2[%dma_start3A_155, %dma_start3A_156] : memref<10000x128xf32, #tpu.memory_space<hbm>> -> memref<10000x128xf32, #tpu.memory_space<hbm>>
      %dma_start3A_158 = tpu.memref_slice %arg11[%rem3A_146] : memref<3x!tpu.dma_semaphore, #tpu.memory_space<semaphore_mem>> -> memref<1x!tpu.dma_semaphore, #tpu.memory_space<semaphore_mem>>
      %dma_start3A_159 = tpu.memref_squeeze %dma_start3A_158 : memref<1x!tpu.dma_semaphore, #tpu.memory_space<semaphore_mem>> -> memref<!tpu.dma_semaphore, #tpu.memory_space<semaphore_mem>>
      tpu.enqueue_indirect_dma source(%dma_start3A_157 : memref<10000x128xf32, #tpu.memory_space<hbm>>) target(%dma_start3A_151 : memref<112x128xf32, #tpu.memory_space<vmem>>) offsets(%dma_start3A_154 : memref<112xi32, #tpu.memory_space<vmem>>) semaphore(%dma_start3A_159 : memref<!tpu.dma_semaphore, #tpu.memory_space<semaphore_mem>>)
      %scan3A = arith.constant 0 : i32
      %scan3A_160 = arith.constant 0 : i32
      %scan3A_161 = arith.constant 184 : i32
      %scan3A_162 = arith.addi %scan3A_160, %scan3A_161 : i32
      %scan3A_163 = arith.constant 1 : i32
      %scan3A_164 = scf.for %scan3A_188 = %scan3A_160 to %scan3A_162 step %scan3A_163 iter_args(%scan3A_189 = %scan3A) -> (i32)  : i32 {
        %jit3A = arith.constant 8 : i32
        %div3A = arith.divsi %scan3A_188, %jit3A : i32
        %sign3A = arith.constant 0 : i32
        %sign3A_190 = arith.cmpi sgt, %scan3A_188, %sign3A : i32
        %sign3A_191 = arith.extui %sign3A_190 : i1 to i32
        %sign3A_192 = arith.constant 0 : i32
        %sign3A_193 = arith.cmpi slt, %scan3A_188, %sign3A_192 : i32
        %sign3A_194 = arith.extui %sign3A_193 : i1 to i32
        %sign3A_195 = arith.subi %sign3A_191, %sign3A_194 : i32
        %sign3A_196 = arith.constant 0 : i32
        %sign3A_197 = arith.cmpi sgt, %jit3A, %sign3A_196 : i32
        %sign3A_198 = arith.extui %sign3A_197 : i1 to i32
        %sign3A_199 = arith.constant 0 : i32
        %sign3A_200 = arith.cmpi slt, %jit3A, %sign3A_199 : i32
        %sign3A_201 = arith.extui %sign3A_200 : i1 to i32
        %sign3A_202 = arith.subi %sign3A_198, %sign3A_201 : i32
        %ne3A = arith.cmpi ne, %sign3A_195, %sign3A_202 : i32
        %rem3A_203 = arith.remsi %scan3A_188, %jit3A : i32
        %ne3A_204 = arith.constant 0 : i32
        %ne3A_205 = arith.cmpi ne, %rem3A_203, %ne3A_204 : i32
        %and3A = arith.andi %ne3A, %ne3A_205 : i1
        %sub3A = arith.constant 1 : i32
        %sub3A_206 = arith.subi %div3A, %sub3A : i32
        %select_n3A = arith.select %and3A, %sub3A_206, %div3A : i32
        %jit3A_207 = arith.constant 2 : i32
        %eq3A_208 = arith.constant 0 : i32
        %eq3A_209 = arith.cmpi eq, %jit3A_207, %eq3A_208 : i32
        %jit3A_210 = arith.constant 1 : i32
        %select_n3A_211 = arith.select %eq3A_209, %jit3A_210, %jit3A_207 : i32
        %rem3A_212 = arith.remsi %select_n3A, %select_n3A_211 : i32
        %ne3A_213 = arith.constant 0 : i32
        %ne3A_214 = arith.cmpi ne, %rem3A_212, %ne3A_213 : i32
        %lt3A = arith.constant 0 : i32
        %lt3A_215 = arith.cmpi slt, %rem3A_212, %lt3A : i32
        %lt3A_216 = arith.constant 0 : i32
        %lt3A_217 = arith.cmpi slt, %select_n3A_211, %lt3A_216 : i32
        %ne3A_218 = arith.xori %lt3A_215, %lt3A_217 : i1
        %and3A_219 = arith.andi %ne3A_218, %ne3A_214 : i1
        %add3A_220 = arith.addi %rem3A_212, %select_n3A_211 : i32
        %select_n3A_221 = arith.select %and3A_219, %add3A_220, %rem3A_212 : i32
        %rem3A_222 = arith.constant 8 : i32
        %rem3A_223 = arith.remsi %scan3A_188, %rem3A_222 : i32
        %rem3A_224 = arith.constant 3 : i32
        %rem3A_225 = arith.remsi %scan3A_188, %rem3A_224 : i32
        %rem3A_226 = arith.constant 3 : i32
        %rem3A_227 = arith.remsi %scan3A_188, %rem3A_226 : i32
        %dma_wait3A_228 = arith.constant 0 : i32
        %dma_wait3A_229 = arith.constant 0 : i32
        %dma_wait3A_230 = tpu.memref_slice %arg9[%rem3A_225, %dma_wait3A_228, %dma_wait3A_229] : memref<3x112x128xf32, #tpu.memory_space<vmem>> -> memref<1x112x128xf32, #tpu.memory_space<vmem>>
        %dma_wait3A_231 = tpu.memref_squeeze %dma_wait3A_230 : memref<1x112x128xf32, #tpu.memory_space<vmem>> -> memref<112x128xf32, #tpu.memory_space<vmem>>
        %dma_wait3A_232 = arith.constant 0 : i32
        %dma_wait3A_233 = tpu.memref_slice %arg7[%select_n3A_221, %rem3A_223, %dma_wait3A_232] : memref<2x8x112xi32, #tpu.memory_space<vmem>> -> memref<1x1x112xi32, #tpu.memory_space<vmem>>
        %dma_wait3A_234 = tpu.memref_squeeze %dma_wait3A_233 : memref<1x1x112xi32, #tpu.memory_space<vmem>> -> memref<112xi32, #tpu.memory_space<vmem>>
        %dma_wait3A_235 = arith.constant 0 : i32
        %dma_wait3A_236 = arith.constant 0 : i32
        %dma_wait3A_237 = tpu.memref_slice %arg2[%dma_wait3A_235, %dma_wait3A_236] : memref<10000x128xf32, #tpu.memory_space<hbm>> -> memref<10000x128xf32, #tpu.memory_space<hbm>>
        %dma_wait3A_238 = tpu.memref_slice %arg11[%rem3A_227] : memref<3x!tpu.dma_semaphore, #tpu.memory_space<semaphore_mem>> -> memref<1x!tpu.dma_semaphore, #tpu.memory_space<semaphore_mem>>
        %dma_wait3A_239 = tpu.memref_squeeze %dma_wait3A_238 : memref<1x!tpu.dma_semaphore, #tpu.memory_space<semaphore_mem>> -> memref<!tpu.dma_semaphore, #tpu.memory_space<semaphore_mem>>
        tpu.wait_indirect_dma semaphore(%dma_wait3A_239 : memref<!tpu.dma_semaphore, #tpu.memory_space<semaphore_mem>>) src(%dma_wait3A_237 : memref<10000x128xf32, #tpu.memory_space<hbm>>) dst(%dma_wait3A_231 : memref<112x128xf32, #tpu.memory_space<vmem>>)
        %rem3A_240 = arith.constant 3 : i32
        %rem3A_241 = arith.remsi %scan3A_188, %rem3A_240 : i32
        %jit3A_242 = arith.constant 8 : i32
        %div3A_243 = arith.divsi %scan3A_188, %jit3A_242 : i32
        %sign3A_244 = arith.constant 0 : i32
        %sign3A_245 = arith.cmpi sgt, %scan3A_188, %sign3A_244 : i32
        %sign3A_246 = arith.extui %sign3A_245 : i1 to i32
        %sign3A_247 = arith.constant 0 : i32
        %sign3A_248 = arith.cmpi slt, %scan3A_188, %sign3A_247 : i32
        %sign3A_249 = arith.extui %sign3A_248 : i1 to i32
        %sign3A_250 = arith.subi %sign3A_246, %sign3A_249 : i32
        %sign3A_251 = arith.constant 0 : i32
        %sign3A_252 = arith.cmpi sgt, %jit3A_242, %sign3A_251 : i32
        %sign3A_253 = arith.extui %sign3A_252 : i1 to i32
        %sign3A_254 = arith.constant 0 : i32
        %sign3A_255 = arith.cmpi slt, %jit3A_242, %sign3A_254 : i32
        %sign3A_256 = arith.extui %sign3A_255 : i1 to i32
        %sign3A_257 = arith.subi %sign3A_253, %sign3A_256 : i32
        %ne3A_258 = arith.cmpi ne, %sign3A_250, %sign3A_257 : i32
        %rem3A_259 = arith.remsi %scan3A_188, %jit3A_242 : i32
        %ne3A_260 = arith.constant 0 : i32
        %ne3A_261 = arith.cmpi ne, %rem3A_259, %ne3A_260 : i32
        %and3A_262 = arith.andi %ne3A_258, %ne3A_261 : i1
        %sub3A_263 = arith.constant 1 : i32
        %sub3A_264 = arith.subi %div3A_243, %sub3A_263 : i32
        %select_n3A_265 = arith.select %and3A_262, %sub3A_264, %div3A_243 : i32
        %jit3A_266 = arith.constant 2 : i32
        %eq3A_267 = arith.constant 0 : i32
        %eq3A_268 = arith.cmpi eq, %jit3A_266, %eq3A_267 : i32
        %jit3A_269 = arith.constant 1 : i32
        %select_n3A_270 = arith.select %eq3A_268, %jit3A_269, %jit3A_266 : i32
        %rem3A_271 = arith.remsi %select_n3A_265, %select_n3A_270 : i32
        %ne3A_272 = arith.constant 0 : i32
        %ne3A_273 = arith.cmpi ne, %rem3A_271, %ne3A_272 : i32
        %lt3A_274 = arith.constant 0 : i32
        %lt3A_275 = arith.cmpi slt, %rem3A_271, %lt3A_274 : i32
        %lt3A_276 = arith.constant 0 : i32
        %lt3A_277 = arith.cmpi slt, %select_n3A_270, %lt3A_276 : i32
        %ne3A_278 = arith.xori %lt3A_275, %lt3A_277 : i1
        %and3A_279 = arith.andi %ne3A_278, %ne3A_273 : i1
        %add3A_280 = arith.addi %rem3A_271, %select_n3A_270 : i32
        %select_n3A_281 = arith.select %and3A_279, %add3A_280, %rem3A_271 : i32
        %rem3A_282 = arith.constant 8 : i32
        %rem3A_283 = arith.remsi %scan3A_188, %rem3A_282 : i32
        %rem3A_284 = arith.constant 3 : i32
        %rem3A_285 = arith.remsi %scan3A_188, %rem3A_284 : i32
        %dma_start3A_286 = arith.constant 0 : i32
        %dma_start3A_287 = arith.constant 0 : i32
        %dma_start3A_288 = tpu.memref_slice %arg9[%rem3A_241, %dma_start3A_286, %dma_start3A_287] : memref<3x112x128xf32, #tpu.memory_space<vmem>> -> memref<1x112x128xf32, #tpu.memory_space<vmem>>
        %dma_start3A_289 = tpu.memref_squeeze %dma_start3A_288 : memref<1x112x128xf32, #tpu.memory_space<vmem>> -> memref<112x128xf32, #tpu.memory_space<vmem>>
        %dma_start3A_290 = arith.constant 0 : i32
        %dma_start3A_291 = tpu.memref_slice %arg8[%select_n3A_281, %rem3A_283, %dma_start3A_290] : memref<2x8x112xi32, #tpu.memory_space<vmem>> -> memref<1x1x112xi32, #tpu.memory_space<vmem>>
        %dma_start3A_292 = tpu.memref_squeeze %dma_start3A_291 : memref<1x1x112xi32, #tpu.memory_space<vmem>> -> memref<112xi32, #tpu.memory_space<vmem>>
        %dma_start3A_293 = arith.constant 0 : i32
        %dma_start3A_294 = arith.constant 0 : i32
        %dma_start3A_295 = tpu.memref_slice %arg10[%dma_start3A_293, %dma_start3A_294] : memref<10240x128xf32, #tpu.memory_space<vmem_shared>> -> memref<10240x128xf32, #tpu.memory_space<vmem_shared>>
        %dma_start3A_296 = tpu.memref_slice %arg12[%rem3A_285] : memref<3x!tpu.dma_semaphore, #tpu.memory_space<semaphore_mem>> -> memref<1x!tpu.dma_semaphore, #tpu.memory_space<semaphore_mem>>
        %dma_start3A_297 = tpu.memref_squeeze %dma_start3A_296 : memref<1x!tpu.dma_semaphore, #tpu.memory_space<semaphore_mem>> -> memref<!tpu.dma_semaphore, #tpu.memory_space<semaphore_mem>>
        tpu.enqueue_indirect_dma source(%dma_start3A_289 : memref<112x128xf32, #tpu.memory_space<vmem>>) target(%dma_start3A_295 : memref<10240x128xf32, #tpu.memory_space<vmem_shared>>) offsets(%dma_start3A_292 : memref<112xi32, #tpu.memory_space<vmem>>) semaphore(%dma_start3A_297 : memref<!tpu.dma_semaphore, #tpu.memory_space<semaphore_mem>>) {add = true}
        %rem3A_298 = arith.constant 8 : i32
        %rem3A_299 = arith.remsi %scan3A_188, %rem3A_298 : i32
        %eq3A_300 = arith.constant 1 : i32
        %eq3A_301 = arith.cmpi eq, %rem3A_299, %eq3A_300 : i32
        %gt3A = arith.constant 8 : i32
        %gt3A_302 = arith.cmpi sgt, %scan3A_188, %gt3A : i32
        %and3A_303 = arith.andi %eq3A_301, %gt3A_302 : i1
        %jit3A_304 = arith.constant 8 : i32
        %div3A_305 = arith.divsi %scan3A_188, %jit3A_304 : i32
        %sign3A_306 = arith.constant 0 : i32
        %sign3A_307 = arith.cmpi sgt, %scan3A_188, %sign3A_306 : i32
        %sign3A_308 = arith.extui %sign3A_307 : i1 to i32
        %sign3A_309 = arith.constant 0 : i32
        %sign3A_310 = arith.cmpi slt, %scan3A_188, %sign3A_309 : i32
        %sign3A_311 = arith.extui %sign3A_310 : i1 to i32
        %sign3A_312 = arith.subi %sign3A_308, %sign3A_311 : i32
        %sign3A_313 = arith.constant 0 : i32
        %sign3A_314 = arith.cmpi sgt, %jit3A_304, %sign3A_313 : i32
        %sign3A_315 = arith.extui %sign3A_314 : i1 to i32
        %sign3A_316 = arith.constant 0 : i32
        %sign3A_317 = arith.cmpi slt, %jit3A_304, %sign3A_316 : i32
        %sign3A_318 = arith.extui %sign3A_317 : i1 to i32
        %sign3A_319 = arith.subi %sign3A_315, %sign3A_318 : i32
        %ne3A_320 = arith.cmpi ne, %sign3A_312, %sign3A_319 : i32
        %rem3A_321 = arith.remsi %scan3A_188, %jit3A_304 : i32
        %ne3A_322 = arith.constant 0 : i32
        %ne3A_323 = arith.cmpi ne, %rem3A_321, %ne3A_322 : i32
        %and3A_324 = arith.andi %ne3A_320, %ne3A_323 : i1
        %sub3A_325 = arith.constant 1 : i32
        %sub3A_326 = arith.subi %div3A_305, %sub3A_325 : i32
        %select_n3A_327 = arith.select %and3A_324, %sub3A_326, %div3A_305 : i32
        %add3A_328 = arith.constant 1 : i32
        %add3A_329 = arith.addi %select_n3A_327, %add3A_328 : i32
        %lt3A_330 = arith.constant 23 : i32
        %lt3A_331 = arith.cmpi slt, %add3A_329, %lt3A_330 : i32
        %and3A_332 = arith.andi %and3A_303, %lt3A_331 : i1
        %convert_element_type3A_333 = arith.extui %and3A_332 : i1 to i32
        %cond3A_334 = arith.constant 0 : i32
        %cond3A_335 = arith.cmpi ne, %convert_element_type3A_333, %cond3A_334 : i32
        scf.if %cond3A_335 {
          %jit3A_362 = arith.constant 8 : i32
          %div3A_363 = arith.divsi %scan3A_188, %jit3A_362 : i32
          %sign3A_364 = arith.constant 0 : i32
          %sign3A_365 = arith.cmpi sgt, %scan3A_188, %sign3A_364 : i32
          %sign3A_366 = arith.extui %sign3A_365 : i1 to i32
          %sign3A_367 = arith.constant 0 : i32
          %sign3A_368 = arith.cmpi slt, %scan3A_188, %sign3A_367 : i32
          %sign3A_369 = arith.extui %sign3A_368 : i1 to i32
          %sign3A_370 = arith.subi %sign3A_366, %sign3A_369 : i32
          %sign3A_371 = arith.constant 0 : i32
          %sign3A_372 = arith.cmpi sgt, %jit3A_362, %sign3A_371 : i32
          %sign3A_373 = arith.extui %sign3A_372 : i1 to i32
          %sign3A_374 = arith.constant 0 : i32
          %sign3A_375 = arith.cmpi slt, %jit3A_362, %sign3A_374 : i32
          %sign3A_376 = arith.extui %sign3A_375 : i1 to i32
          %sign3A_377 = arith.subi %sign3A_373, %sign3A_376 : i32
          %ne3A_378 = arith.cmpi ne, %sign3A_370, %sign3A_377 : i32
          %rem3A_379 = arith.remsi %scan3A_188, %jit3A_362 : i32
          %ne3A_380 = arith.constant 0 : i32
          %ne3A_381 = arith.cmpi ne, %rem3A_379, %ne3A_380 : i32
          %and3A_382 = arith.andi %ne3A_378, %ne3A_381 : i1
          %sub3A_383 = arith.constant 1 : i32
          %sub3A_384 = arith.subi %div3A_363, %sub3A_383 : i32
          %select_n3A_385 = arith.select %and3A_382, %sub3A_384, %div3A_363 : i32
          %add3A_386 = arith.constant 1 : i32
          %add3A_387 = arith.addi %select_n3A_385, %add3A_386 : i32
          %jit3A_388 = arith.constant 2 : i32
          %eq3A_389 = arith.constant 0 : i32
          %eq3A_390 = arith.cmpi eq, %jit3A_388, %eq3A_389 : i32
          %jit3A_391 = arith.constant 1 : i32
          %select_n3A_392 = arith.select %eq3A_390, %jit3A_391, %jit3A_388 : i32
          %rem3A_393 = arith.remsi %add3A_387, %select_n3A_392 : i32
          %ne3A_394 = arith.constant 0 : i32
          %ne3A_395 = arith.cmpi ne, %rem3A_393, %ne3A_394 : i32
          %lt3A_396 = arith.constant 0 : i32
          %lt3A_397 = arith.cmpi slt, %rem3A_393, %lt3A_396 : i32
          %lt3A_398 = arith.constant 0 : i32
          %lt3A_399 = arith.cmpi slt, %select_n3A_392, %lt3A_398 : i32
          %ne3A_400 = arith.xori %lt3A_397, %lt3A_399 : i1
          %and3A_401 = arith.andi %ne3A_400, %ne3A_395 : i1
          %add3A_402 = arith.addi %rem3A_393, %select_n3A_392 : i32
          %select_n3A_403 = arith.select %and3A_401, %add3A_402, %rem3A_393 : i32
          %mul3A_404 = arith.constant 8 : i32
          %mul3A_405 = arith.muli %add3A_387, %mul3A_404 : i32
          %add3A_406 = arith.addi %mul3A_4, %mul3A_405 : i32
          %dma_start3A_407 = arith.constant 0 : i32
          %dma_start3A_408 = arith.constant 0 : i32
          %dma_start3A_409 = tpu.memref_slice %arg7[%select_n3A_403, %dma_start3A_407, %dma_start3A_408] : memref<2x8x112xi32, #tpu.memory_space<vmem>> -> memref<1x8x112xi32, #tpu.memory_space<vmem>>
          %dma_start3A_410 = tpu.memref_squeeze %dma_start3A_409 : memref<1x8x112xi32, #tpu.memory_space<vmem>> -> memref<8x112xi32, #tpu.memory_space<vmem>>
          %dma_start3A_411 = arith.constant 0 : i32
          %dma_start3A_412 = tpu.memref_slice %arg4[%add3A_406, %dma_start3A_411] : memref<2944x112xi32, #tpu.memory_space<hbm>> -> memref<8x112xi32, #tpu.memory_space<hbm>>
          %dma_start3A_413 = tpu.memref_slice %arg13[%select_n3A_403] : memref<2x!tpu.dma_semaphore, #tpu.memory_space<semaphore_mem>> -> memref<1x!tpu.dma_semaphore, #tpu.memory_space<semaphore_mem>>
          %dma_start3A_414 = tpu.memref_squeeze %dma_start3A_413 : memref<1x!tpu.dma_semaphore, #tpu.memory_space<semaphore_mem>> -> memref<!tpu.dma_semaphore, #tpu.memory_space<semaphore_mem>>
          %dma_start3A_415 = arith.constant 0 : i32
          %dma_start3A_416 = arith.constant 0 : i32
          %dma_start3A_417 = tpu.memref_slice %arg7[%select_n3A_403, %dma_start3A_415, %dma_start3A_416] : memref<2x8x112xi32, #tpu.memory_space<vmem>> -> memref<1x8x112xi32, #tpu.memory_space<vmem>>
          %dma_start3A_418 = tpu.memref_squeeze %dma_start3A_417 : memref<1x8x112xi32, #tpu.memory_space<vmem>> -> memref<8x112xi32, #tpu.memory_space<vmem>>
          %dma_start3A_419 = arith.constant 0 : i32
          %dma_start3A_420 = tpu.memref_slice %arg4[%add3A_406, %dma_start3A_419] : memref<2944x112xi32, #tpu.memory_space<hbm>> -> memref<8x112xi32, #tpu.memory_space<hbm>>
          tpu.enqueue_dma source(%dma_start3A_420 : memref<8x112xi32, #tpu.memory_space<hbm>>) target(%dma_start3A_418 : memref<8x112xi32, #tpu.memory_space<vmem>>) target_semaphore(%dma_start3A_414 : memref<!tpu.dma_semaphore, #tpu.memory_space<semaphore_mem>>)
          %mul3A_421 = arith.constant 8 : i32
          %mul3A_422 = arith.muli %add3A_387, %mul3A_421 : i32
          %add3A_423 = arith.addi %mul3A_4, %mul3A_422 : i32
          %dma_start3A_424 = arith.constant 0 : i32
          %dma_start3A_425 = arith.constant 0 : i32
          %dma_start3A_426 = tpu.memref_slice %arg8[%select_n3A_403, %dma_start3A_424, %dma_start3A_425] : memref<2x8x112xi32, #tpu.memory_space<vmem>> -> memref<1x8x112xi32, #tpu.memory_space<vmem>>
          %dma_start3A_427 = tpu.memref_squeeze %dma_start3A_426 : memref<1x8x112xi32, #tpu.memory_space<vmem>> -> memref<8x112xi32, #tpu.memory_space<vmem>>
          %dma_start3A_428 = arith.constant 0 : i32
          %dma_start3A_429 = tpu.memref_slice %arg5[%add3A_423, %dma_start3A_428] : memref<2944x112xi32, #tpu.memory_space<hbm>> -> memref<8x112xi32, #tpu.memory_space<hbm>>
          %dma_start3A_430 = tpu.memref_slice %arg13[%select_n3A_403] : memref<2x!tpu.dma_semaphore, #tpu.memory_space<semaphore_mem>> -> memref<1x!tpu.dma_semaphore, #tpu.memory_space<semaphore_mem>>
          %dma_start3A_431 = tpu.memref_squeeze %dma_start3A_430 : memref<1x!tpu.dma_semaphore, #tpu.memory_space<semaphore_mem>> -> memref<!tpu.dma_semaphore, #tpu.memory_space<semaphore_mem>>
          %dma_start3A_432 = arith.constant 0 : i32
          %dma_start3A_433 = arith.constant 0 : i32
          %dma_start3A_434 = tpu.memref_slice %arg8[%select_n3A_403, %dma_start3A_432, %dma_start3A_433] : memref<2x8x112xi32, #tpu.memory_space<vmem>> -> memref<1x8x112xi32, #tpu.memory_space<vmem>>
          %dma_start3A_435 = tpu.memref_squeeze %dma_start3A_434 : memref<1x8x112xi32, #tpu.memory_space<vmem>> -> memref<8x112xi32, #tpu.memory_space<vmem>>
          %dma_start3A_436 = arith.constant 0 : i32
          %dma_start3A_437 = tpu.memref_slice %arg5[%add3A_423, %dma_start3A_436] : memref<2944x112xi32, #tpu.memory_space<hbm>> -> memref<8x112xi32, #tpu.memory_space<hbm>>
          tpu.enqueue_dma source(%dma_start3A_437 : memref<8x112xi32, #tpu.memory_space<hbm>>) target(%dma_start3A_435 : memref<8x112xi32, #tpu.memory_space<vmem>>) target_semaphore(%dma_start3A_431 : memref<!tpu.dma_semaphore, #tpu.memory_space<semaphore_mem>>)
        } else {
        }
        %ge3A = arith.constant 1 : i32
        %ge3A_336 = arith.cmpi sge, %scan3A_188, %ge3A : i32
        %convert_element_type3A_337 = arith.extui %ge3A_336 : i1 to i32
        %cond3A_338 = arith.constant 0 : i32
        %cond3A_339 = arith.cmpi ne, %convert_element_type3A_337, %cond3A_338 : i32
        scf.if %cond3A_339 {
          %sub3A_362 = arith.constant 1 : i32
          %sub3A_363 = arith.subi %scan3A_188, %sub3A_362 : i32
          %rem3A_364 = arith.constant 3 : i32
          %rem3A_365 = arith.remsi %sub3A_363, %rem3A_364 : i32
          %jit3A_366 = arith.constant 8 : i32
          %div3A_367 = arith.divsi %sub3A_363, %jit3A_366 : i32
          %sign3A_368 = arith.constant 0 : i32
          %sign3A_369 = arith.cmpi sgt, %sub3A_363, %sign3A_368 : i32
          %sign3A_370 = arith.extui %sign3A_369 : i1 to i32
          %sign3A_371 = arith.constant 0 : i32
          %sign3A_372 = arith.cmpi slt, %sub3A_363, %sign3A_371 : i32
          %sign3A_373 = arith.extui %sign3A_372 : i1 to i32
          %sign3A_374 = arith.subi %sign3A_370, %sign3A_373 : i32
          %sign3A_375 = arith.constant 0 : i32
          %sign3A_376 = arith.cmpi sgt, %jit3A_366, %sign3A_375 : i32
          %sign3A_377 = arith.extui %sign3A_376 : i1 to i32
          %sign3A_378 = arith.constant 0 : i32
          %sign3A_379 = arith.cmpi slt, %jit3A_366, %sign3A_378 : i32
          %sign3A_380 = arith.extui %sign3A_379 : i1 to i32
          %sign3A_381 = arith.subi %sign3A_377, %sign3A_380 : i32
          %ne3A_382 = arith.cmpi ne, %sign3A_374, %sign3A_381 : i32
          %rem3A_383 = arith.remsi %sub3A_363, %jit3A_366 : i32
          %ne3A_384 = arith.constant 0 : i32
          %ne3A_385 = arith.cmpi ne, %rem3A_383, %ne3A_384 : i32
          %and3A_386 = arith.andi %ne3A_382, %ne3A_385 : i1
          %sub3A_387 = arith.constant 1 : i32
          %sub3A_388 = arith.subi %div3A_367, %sub3A_387 : i32
          %select_n3A_389 = arith.select %and3A_386, %sub3A_388, %div3A_367 : i32
          %jit3A_390 = arith.constant 2 : i32
          %eq3A_391 = arith.constant 0 : i32
          %eq3A_392 = arith.cmpi eq, %jit3A_390, %eq3A_391 : i32
          %jit3A_393 = arith.constant 1 : i32
          %select_n3A_394 = arith.select %eq3A_392, %jit3A_393, %jit3A_390 : i32
          %rem3A_395 = arith.remsi %select_n3A_389, %select_n3A_394 : i32
          %ne3A_396 = arith.constant 0 : i32
          %ne3A_397 = arith.cmpi ne, %rem3A_395, %ne3A_396 : i32
          %lt3A_398 = arith.constant 0 : i32
          %lt3A_399 = arith.cmpi slt, %rem3A_395, %lt3A_398 : i32
          %lt3A_400 = arith.constant 0 : i32
          %lt3A_401 = arith.cmpi slt, %select_n3A_394, %lt3A_400 : i32
          %ne3A_402 = arith.xori %lt3A_399, %lt3A_401 : i1
          %and3A_403 = arith.andi %ne3A_402, %ne3A_397 : i1
          %add3A_404 = arith.addi %rem3A_395, %select_n3A_394 : i32
          %select_n3A_405 = arith.select %and3A_403, %add3A_404, %rem3A_395 : i32
          %rem3A_406 = arith.constant 8 : i32
          %rem3A_407 = arith.remsi %sub3A_363, %rem3A_406 : i32
          %rem3A_408 = arith.constant 3 : i32
          %rem3A_409 = arith.remsi %sub3A_363, %rem3A_408 : i32
          %dma_wait3A_410 = arith.constant 0 : i32
          %dma_wait3A_411 = arith.constant 0 : i32
          %dma_wait3A_412 = tpu.memref_slice %arg9[%rem3A_365, %dma_wait3A_410, %dma_wait3A_411] : memref<3x112x128xf32, #tpu.memory_space<vmem>> -> memref<1x112x128xf32, #tpu.memory_space<vmem>>
          %dma_wait3A_413 = tpu.memref_squeeze %dma_wait3A_412 : memref<1x112x128xf32, #tpu.memory_space<vmem>> -> memref<112x128xf32, #tpu.memory_space<vmem>>
          %dma_wait3A_414 = arith.constant 0 : i32
          %dma_wait3A_415 = tpu.memref_slice %arg8[%select_n3A_405, %rem3A_407, %dma_wait3A_414] : memref<2x8x112xi32, #tpu.memory_space<vmem>> -> memref<1x1x112xi32, #tpu.memory_space<vmem>>
          %dma_wait3A_416 = tpu.memref_squeeze %dma_wait3A_415 : memref<1x1x112xi32, #tpu.memory_space<vmem>> -> memref<112xi32, #tpu.memory_space<vmem>>
          %dma_wait3A_417 = arith.constant 0 : i32
          %dma_wait3A_418 = arith.constant 0 : i32
          %dma_wait3A_419 = tpu.memref_slice %arg10[%dma_wait3A_417, %dma_wait3A_418] : memref<10240x128xf32, #tpu.memory_space<vmem_shared>> -> memref<10240x128xf32, #tpu.memory_space<vmem_shared>>
          %dma_wait3A_420 = tpu.memref_slice %arg12[%rem3A_409] : memref<3x!tpu.dma_semaphore, #tpu.memory_space<semaphore_mem>> -> memref<1x!tpu.dma_semaphore, #tpu.memory_space<semaphore_mem>>
          %dma_wait3A_421 = tpu.memref_squeeze %dma_wait3A_420 : memref<1x!tpu.dma_semaphore, #tpu.memory_space<semaphore_mem>> -> memref<!tpu.dma_semaphore, #tpu.memory_space<semaphore_mem>>
          tpu.wait_indirect_dma semaphore(%dma_wait3A_421 : memref<!tpu.dma_semaphore, #tpu.memory_space<semaphore_mem>>) src(%dma_wait3A_413 : memref<112x128xf32, #tpu.memory_space<vmem>>) dst(%dma_wait3A_419 : memref<10240x128xf32, #tpu.memory_space<vmem_shared>>)
        } else {
        }
        %add3A_340 = arith.constant 2 : i32
        %add3A_341 = arith.addi %scan3A_188, %add3A_340 : i32
        %lt3A_342 = arith.constant 184 : i32
        %lt3A_343 = arith.cmpi slt, %add3A_341, %lt3A_342 : i32
        %add3A_344 = arith.constant 2 : i32
        %add3A_345 = arith.addi %scan3A_188, %add3A_344 : i32
        %rem3A_346 = arith.constant 8 : i32
        %rem3A_347 = arith.remsi %add3A_345, %rem3A_346 : i32
        %eq3A_348 = arith.constant 0 : i32
        %eq3A_349 = arith.cmpi eq, %rem3A_347, %eq3A_348 : i32
        %and3A_350 = arith.andi %lt3A_343, %eq3A_349 : i1
        %convert_element_type3A_351 = arith.extui %and3A_350 : i1 to i32
        %cond3A_352 = arith.constant 0 : i32
        %cond3A_353 = arith.cmpi ne, %convert_element_type3A_351, %cond3A_352 : i32
        scf.if %cond3A_353 {
          %add3A_362 = arith.constant 2 : i32
          %add3A_363 = arith.addi %scan3A_188, %add3A_362 : i32
          %jit3A_364 = arith.constant 8 : i32
          %div3A_365 = arith.divsi %add3A_363, %jit3A_364 : i32
          %sign3A_366 = arith.constant 0 : i32
          %sign3A_367 = arith.cmpi sgt, %add3A_363, %sign3A_366 : i32
          %sign3A_368 = arith.extui %sign3A_367 : i1 to i32
          %sign3A_369 = arith.constant 0 : i32
          %sign3A_370 = arith.cmpi slt, %add3A_363, %sign3A_369 : i32
          %sign3A_371 = arith.extui %sign3A_370 : i1 to i32
          %sign3A_372 = arith.subi %sign3A_368, %sign3A_371 : i32
          %sign3A_373 = arith.constant 0 : i32
          %sign3A_374 = arith.cmpi sgt, %jit3A_364, %sign3A_373 : i32
          %sign3A_375 = arith.extui %sign3A_374 : i1 to i32
          %sign3A_376 = arith.constant 0 : i32
          %sign3A_377 = arith.cmpi slt, %jit3A_364, %sign3A_376 : i32
          %sign3A_378 = arith.extui %sign3A_377 : i1 to i32
          %sign3A_379 = arith.subi %sign3A_375, %sign3A_378 : i32
          %ne3A_380 = arith.cmpi ne, %sign3A_372, %sign3A_379 : i32
          %rem3A_381 = arith.remsi %add3A_363, %jit3A_364 : i32
          %ne3A_382 = arith.constant 0 : i32
          %ne3A_383 = arith.cmpi ne, %rem3A_381, %ne3A_382 : i32
          %and3A_384 = arith.andi %ne3A_380, %ne3A_383 : i1
          %sub3A_385 = arith.constant 1 : i32
          %sub3A_386 = arith.subi %div3A_365, %sub3A_385 : i32
          %select_n3A_387 = arith.select %and3A_384, %sub3A_386, %div3A_365 : i32
          %jit3A_388 = arith.constant 2 : i32
          %eq3A_389 = arith.constant 0 : i32
          %eq3A_390 = arith.cmpi eq, %jit3A_388, %eq3A_389 : i32
          %jit3A_391 = arith.constant 1 : i32
          %select_n3A_392 = arith.select %eq3A_390, %jit3A_391, %jit3A_388 : i32
          %rem3A_393 = arith.remsi %select_n3A_387, %select_n3A_392 : i32
          %ne3A_394 = arith.constant 0 : i32
          %ne3A_395 = arith.cmpi ne, %rem3A_393, %ne3A_394 : i32
          %lt3A_396 = arith.constant 0 : i32
          %lt3A_397 = arith.cmpi slt, %rem3A_393, %lt3A_396 : i32
          %lt3A_398 = arith.constant 0 : i32
          %lt3A_399 = arith.cmpi slt, %select_n3A_392, %lt3A_398 : i32
          %ne3A_400 = arith.xori %lt3A_397, %lt3A_399 : i1
          %and3A_401 = arith.andi %ne3A_400, %ne3A_395 : i1
          %add3A_402 = arith.addi %rem3A_393, %select_n3A_392 : i32
          %select_n3A_403 = arith.select %and3A_401, %add3A_402, %rem3A_393 : i32
          %mul3A_404 = arith.constant 8 : i32
          %mul3A_405 = arith.muli %select_n3A_387, %mul3A_404 : i32
          %add3A_406 = arith.addi %mul3A_4, %mul3A_405 : i32
          %dma_wait3A_407 = arith.constant 0 : i32
          %dma_wait3A_408 = arith.constant 0 : i32
          %dma_wait3A_409 = tpu.memref_slice %arg7[%select_n3A_403, %dma_wait3A_407, %dma_wait3A_408] : memref<2x8x112xi32, #tpu.memory_space<vmem>> -> memref<1x8x112xi32, #tpu.memory_space<vmem>>
          %dma_wait3A_410 = tpu.memref_squeeze %dma_wait3A_409 : memref<1x8x112xi32, #tpu.memory_space<vmem>> -> memref<8x112xi32, #tpu.memory_space<vmem>>
          %dma_wait3A_411 = arith.constant 0 : i32
          %dma_wait3A_412 = tpu.memref_slice %arg4[%add3A_406, %dma_wait3A_411] : memref<2944x112xi32, #tpu.memory_space<hbm>> -> memref<8x112xi32, #tpu.memory_space<hbm>>
          %dma_wait3A_413 = tpu.memref_slice %arg13[%select_n3A_403] : memref<2x!tpu.dma_semaphore, #tpu.memory_space<semaphore_mem>> -> memref<1x!tpu.dma_semaphore, #tpu.memory_space<semaphore_mem>>
          %dma_wait3A_414 = tpu.memref_squeeze %dma_wait3A_413 : memref<1x!tpu.dma_semaphore, #tpu.memory_space<semaphore_mem>> -> memref<!tpu.dma_semaphore, #tpu.memory_space<semaphore_mem>>
          %dma_wait3A_415 = arith.constant 0 : i32
          %dma_wait3A_416 = arith.constant 0 : i32
          %dma_wait3A_417 = tpu.memref_slice %arg7[%select_n3A_403, %dma_wait3A_415, %dma_wait3A_416] : memref<2x8x112xi32, #tpu.memory_space<vmem>> -> memref<1x8x112xi32, #tpu.memory_space<vmem>>
          %dma_wait3A_418 = tpu.memref_squeeze %dma_wait3A_417 : memref<1x8x112xi32, #tpu.memory_space<vmem>> -> memref<8x112xi32, #tpu.memory_space<vmem>>
          %dma_wait3A_419 = arith.constant 0 : i32
          %dma_wait3A_420 = tpu.memref_slice %arg4[%add3A_406, %dma_wait3A_419] : memref<2944x112xi32, #tpu.memory_space<hbm>> -> memref<8x112xi32, #tpu.memory_space<hbm>>
          tpu.wait_dma2 semaphore(%dma_wait3A_414 : memref<!tpu.dma_semaphore, #tpu.memory_space<semaphore_mem>>) src(%dma_wait3A_420 : memref<8x112xi32, #tpu.memory_space<hbm>>) dst(%dma_wait3A_418 : memref<8x112xi32, #tpu.memory_space<vmem>>)
          %mul3A_421 = arith.constant 8 : i32
          %mul3A_422 = arith.muli %select_n3A_387, %mul3A_421 : i32
          %add3A_423 = arith.addi %mul3A_4, %mul3A_422 : i32
          %dma_wait3A_424 = arith.constant 0 : i32
          %dma_wait3A_425 = arith.constant 0 : i32
          %dma_wait3A_426 = tpu.memref_slice %arg8[%select_n3A_403, %dma_wait3A_424, %dma_wait3A_425] : memref<2x8x112xi32, #tpu.memory_space<vmem>> -> memref<1x8x112xi32, #tpu.memory_space<vmem>>
          %dma_wait3A_427 = tpu.memref_squeeze %dma_wait3A_426 : memref<1x8x112xi32, #tpu.memory_space<vmem>> -> memref<8x112xi32, #tpu.memory_space<vmem>>
          %dma_wait3A_428 = arith.constant 0 : i32
          %dma_wait3A_429 = tpu.memref_slice %arg5[%add3A_423, %dma_wait3A_428] : memref<2944x112xi32, #tpu.memory_space<hbm>> -> memref<8x112xi32, #tpu.memory_space<hbm>>
          %dma_wait3A_430 = tpu.memref_slice %arg13[%select_n3A_403] : memref<2x!tpu.dma_semaphore, #tpu.memory_space<semaphore_mem>> -> memref<1x!tpu.dma_semaphore, #tpu.memory_space<semaphore_mem>>
          %dma_wait3A_431 = tpu.memref_squeeze %dma_wait3A_430 : memref<1x!tpu.dma_semaphore, #tpu.memory_space<semaphore_mem>> -> memref<!tpu.dma_semaphore, #tpu.memory_space<semaphore_mem>>
          %dma_wait3A_432 = arith.constant 0 : i32
          %dma_wait3A_433 = arith.constant 0 : i32
          %dma_wait3A_434 = tpu.memref_slice %arg8[%select_n3A_403, %dma_wait3A_432, %dma_wait3A_433] : memref<2x8x112xi32, #tpu.memory_space<vmem>> -> memref<1x8x112xi32, #tpu.memory_space<vmem>>
          %dma_wait3A_435 = tpu.memref_squeeze %dma_wait3A_434 : memref<1x8x112xi32, #tpu.memory_space<vmem>> -> memref<8x112xi32, #tpu.memory_space<vmem>>
          %dma_wait3A_436 = arith.constant 0 : i32
          %dma_wait3A_437 = tpu.memref_slice %arg5[%add3A_423, %dma_wait3A_436] : memref<2944x112xi32, #tpu.memory_space<hbm>> -> memref<8x112xi32, #tpu.memory_space<hbm>>
          tpu.wait_dma2 semaphore(%dma_wait3A_431 : memref<!tpu.dma_semaphore, #tpu.memory_space<semaphore_mem>>) src(%dma_wait3A_437 : memref<8x112xi32, #tpu.memory_space<hbm>>) dst(%dma_wait3A_435 : memref<8x112xi32, #tpu.memory_space<vmem>>)
        } else {
        }
        %add3A_354 = arith.constant 2 : i32
        %add3A_355 = arith.addi %scan3A_188, %add3A_354 : i32
        %lt3A_356 = arith.constant 184 : i32
        %lt3A_357 = arith.cmpi slt, %add3A_355, %lt3A_356 : i32
        %convert_element_type3A_358 = arith.extui %lt3A_357 : i1 to i32
        %cond3A_359 = arith.constant 0 : i32
        %cond3A_360 = arith.cmpi ne, %convert_element_type3A_358, %cond3A_359 : i32
        scf.if %cond3A_360 {
          %add3A_362 = arith.constant 2 : i32
          %add3A_363 = arith.addi %scan3A_188, %add3A_362 : i32
          %jit3A_364 = arith.constant 8 : i32
          %div3A_365 = arith.divsi %add3A_363, %jit3A_364 : i32
          %sign3A_366 = arith.constant 0 : i32
          %sign3A_367 = arith.cmpi sgt, %add3A_363, %sign3A_366 : i32
          %sign3A_368 = arith.extui %sign3A_367 : i1 to i32
          %sign3A_369 = arith.constant 0 : i32
          %sign3A_370 = arith.cmpi slt, %add3A_363, %sign3A_369 : i32
          %sign3A_371 = arith.extui %sign3A_370 : i1 to i32
          %sign3A_372 = arith.subi %sign3A_368, %sign3A_371 : i32
          %sign3A_373 = arith.constant 0 : i32
          %sign3A_374 = arith.cmpi sgt, %jit3A_364, %sign3A_373 : i32
          %sign3A_375 = arith.extui %sign3A_374 : i1 to i32
          %sign3A_376 = arith.constant 0 : i32
          %sign3A_377 = arith.cmpi slt, %jit3A_364, %sign3A_376 : i32
          %sign3A_378 = arith.extui %sign3A_377 : i1 to i32
          %sign3A_379 = arith.subi %sign3A_375, %sign3A_378 : i32
          %ne3A_380 = arith.cmpi ne, %sign3A_372, %sign3A_379 : i32
          %rem3A_381 = arith.remsi %add3A_363, %jit3A_364 : i32
          %ne3A_382 = arith.constant 0 : i32
          %ne3A_383 = arith.cmpi ne, %rem3A_381, %ne3A_382 : i32
          %and3A_384 = arith.andi %ne3A_380, %ne3A_383 : i1
          %sub3A_385 = arith.constant 1 : i32
          %sub3A_386 = arith.subi %div3A_365, %sub3A_385 : i32
          %select_n3A_387 = arith.select %and3A_384, %sub3A_386, %div3A_365 : i32
          %jit3A_388 = arith.constant 2 : i32
          %eq3A_389 = arith.constant 0 : i32
          %eq3A_390 = arith.cmpi eq, %jit3A_388, %eq3A_389 : i32
          %jit3A_391 = arith.constant 1 : i32
          %select_n3A_392 = arith.select %eq3A_390, %jit3A_391, %jit3A_388 : i32
          %rem3A_393 = arith.remsi %select_n3A_387, %select_n3A_392 : i32
          %ne3A_394 = arith.constant 0 : i32
          %ne3A_395 = arith.cmpi ne, %rem3A_393, %ne3A_394 : i32
          %lt3A_396 = arith.constant 0 : i32
          %lt3A_397 = arith.cmpi slt, %rem3A_393, %lt3A_396 : i32
          %lt3A_398 = arith.constant 0 : i32
          %lt3A_399 = arith.cmpi slt, %select_n3A_392, %lt3A_398 : i32
          %ne3A_400 = arith.xori %lt3A_397, %lt3A_399 : i1
          %and3A_401 = arith.andi %ne3A_400, %ne3A_395 : i1
          %add3A_402 = arith.addi %rem3A_393, %select_n3A_392 : i32
          %select_n3A_403 = arith.select %and3A_401, %add3A_402, %rem3A_393 : i32
          %rem3A_404 = arith.constant 8 : i32
          %rem3A_405 = arith.remsi %add3A_363, %rem3A_404 : i32
          %rem3A_406 = arith.constant 3 : i32
          %rem3A_407 = arith.remsi %add3A_363, %rem3A_406 : i32
          %rem3A_408 = arith.constant 3 : i32
          %rem3A_409 = arith.remsi %add3A_363, %rem3A_408 : i32
          %dma_start3A_410 = arith.constant 0 : i32
          %dma_start3A_411 = arith.constant 0 : i32
          %dma_start3A_412 = tpu.memref_slice %arg9[%rem3A_407, %dma_start3A_410, %dma_start3A_411] : memref<3x112x128xf32, #tpu.memory_space<vmem>> -> memref<1x112x128xf32, #tpu.memory_space<vmem>>
          %dma_start3A_413 = tpu.memref_squeeze %dma_start3A_412 : memref<1x112x128xf32, #tpu.memory_space<vmem>> -> memref<112x128xf32, #tpu.memory_space<vmem>>
          %dma_start3A_414 = arith.constant 0 : i32
          %dma_start3A_415 = tpu.memref_slice %arg7[%select_n3A_403, %rem3A_405, %dma_start3A_414] : memref<2x8x112xi32, #tpu.memory_space<vmem>> -> memref<1x1x112xi32, #tpu.memory_space<vmem>>
          %dma_start3A_416 = tpu.memref_squeeze %dma_start3A_415 : memref<1x1x112xi32, #tpu.memory_space<vmem>> -> memref<112xi32, #tpu.memory_space<vmem>>
          %dma_start3A_417 = arith.constant 0 : i32
          %dma_start3A_418 = arith.constant 0 : i32
          %dma_start3A_419 = tpu.memref_slice %arg2[%dma_start3A_417, %dma_start3A_418] : memref<10000x128xf32, #tpu.memory_space<hbm>> -> memref<10000x128xf32, #tpu.memory_space<hbm>>
          %dma_start3A_420 = tpu.memref_slice %arg11[%rem3A_409] : memref<3x!tpu.dma_semaphore, #tpu.memory_space<semaphore_mem>> -> memref<1x!tpu.dma_semaphore, #tpu.memory_space<semaphore_mem>>
          %dma_start3A_421 = tpu.memref_squeeze %dma_start3A_420 : memref<1x!tpu.dma_semaphore, #tpu.memory_space<semaphore_mem>> -> memref<!tpu.dma_semaphore, #tpu.memory_space<semaphore_mem>>
          tpu.enqueue_indirect_dma source(%dma_start3A_419 : memref<10000x128xf32, #tpu.memory_space<hbm>>) target(%dma_start3A_413 : memref<112x128xf32, #tpu.memory_space<vmem>>) offsets(%dma_start3A_416 : memref<112xi32, #tpu.memory_space<vmem>>) semaphore(%dma_start3A_421 : memref<!tpu.dma_semaphore, #tpu.memory_space<semaphore_mem>>)
        } else {
        }
        %scan3A_361 = arith.constant 0 : i32
        scf.yield %scan3A_361 : i32
      }
      %scan3A_165 = arith.constant 184 : i32
      %rem3A_166 = arith.constant 183 : i32
      %rem3A_167 = arith.constant 3 : i32
      %rem3A_168 = arith.remsi %rem3A_166, %rem3A_167 : i32
      %rem3A_169 = arith.constant 183 : i32
      %rem3A_170 = arith.constant 8 : i32
      %rem3A_171 = arith.remsi %rem3A_169, %rem3A_170 : i32
      %rem3A_172 = arith.constant 183 : i32
      %rem3A_173 = arith.constant 3 : i32
      %rem3A_174 = arith.remsi %rem3A_172, %rem3A_173 : i32
      %dma_wait3A_175 = arith.constant 0 : i32
      %dma_wait3A_176 = arith.constant 0 : i32
      %dma_wait3A_177 = arith.constant 0 : i32
      %dma_wait3A_178 = tpu.memref_slice %arg9[%rem3A_168, %dma_wait3A_176, %dma_wait3A_177] : memref<3x112x128xf32, #tpu.memory_space<vmem>> -> memref<1x112x128xf32, #tpu.memory_space<vmem>>
      %dma_wait3A_179 = tpu.memref_squeeze %dma_wait3A_178 : memref<1x112x128xf32, #tpu.memory_space<vmem>> -> memref<112x128xf32, #tpu.memory_space<vmem>>
      %dma_wait3A_180 = arith.constant 0 : i32
      %dma_wait3A_181 = tpu.memref_slice %arg8[%dma_wait3A_175, %rem3A_171, %dma_wait3A_180] : memref<2x8x112xi32, #tpu.memory_space<vmem>> -> memref<1x1x112xi32, #tpu.memory_space<vmem>>
      %dma_wait3A_182 = tpu.memref_squeeze %dma_wait3A_181 : memref<1x1x112xi32, #tpu.memory_space<vmem>> -> memref<112xi32, #tpu.memory_space<vmem>>
      %dma_wait3A_183 = arith.constant 0 : i32
      %dma_wait3A_184 = arith.constant 0 : i32
      %dma_wait3A_185 = tpu.memref_slice %arg10[%dma_wait3A_183, %dma_wait3A_184] : memref<10240x128xf32, #tpu.memory_space<vmem_shared>> -> memref<10240x128xf32, #tpu.memory_space<vmem_shared>>
      %dma_wait3A_186 = tpu.memref_slice %arg12[%rem3A_174] : memref<3x!tpu.dma_semaphore, #tpu.memory_space<semaphore_mem>> -> memref<1x!tpu.dma_semaphore, #tpu.memory_space<semaphore_mem>>
      %dma_wait3A_187 = tpu.memref_squeeze %dma_wait3A_186 : memref<1x!tpu.dma_semaphore, #tpu.memory_space<semaphore_mem>> -> memref<!tpu.dma_semaphore, #tpu.memory_space<semaphore_mem>>
      tpu.wait_indirect_dma semaphore(%dma_wait3A_187 : memref<!tpu.dma_semaphore, #tpu.memory_space<semaphore_mem>>) src(%dma_wait3A_179 : memref<112x128xf32, #tpu.memory_space<vmem>>) dst(%dma_wait3A_185 : memref<10240x128xf32, #tpu.memory_space<vmem_shared>>)
    } else {
    }
    %barrier3A_8 = arith.constant 0 : index
    tpu.barrier barrier_id(%barrier3A_8)
    %convert_element_type3A_9 = arith.extui %eq3A_0 : i1 to i32
    %cond3A_10 = arith.constant 0 : i32
    %cond3A_11 = arith.cmpi ne, %convert_element_type3A_9, %cond3A_10 : i32
    scf.if %cond3A_11 {
      "tpu.region"() ({
        %run_scoped3A = tpu.sem_alloc : memref<!tpu.dma_semaphore, #tpu.memory_space<semaphore_mem>>
        %dma_start3A = arith.constant 0 : i32
        %dma_start3A_12 = tpu.memref_slice %arg6[%mul3A_1, %dma_start3A] : memref<10240x128xf32, #tpu.memory_space<hbm>> -> memref<640x128xf32, #tpu.memory_space<hbm>>
        %dma_start3A_13 = arith.constant 0 : i32
        %dma_start3A_14 = tpu.memref_slice %arg10[%mul3A_1, %dma_start3A_13] : memref<10240x128xf32, #tpu.memory_space<vmem_shared>> -> memref<640x128xf32, #tpu.memory_space<vmem_shared>>
        tpu.enqueue_dma source(%dma_start3A_14 : memref<640x128xf32, #tpu.memory_space<vmem_shared>>) target(%dma_start3A_12 : memref<640x128xf32, #tpu.memory_space<hbm>>) target_semaphore(%run_scoped3A : memref<!tpu.dma_semaphore, #tpu.memory_space<semaphore_mem>>)
        %dma_wait3A = arith.constant 0 : i32
        %dma_wait3A_15 = tpu.memref_slice %arg6[%mul3A_1, %dma_wait3A] : memref<10240x128xf32, #tpu.memory_space<hbm>> -> memref<640x128xf32, #tpu.memory_space<hbm>>
        %dma_wait3A_16 = arith.constant 0 : i32
        %dma_wait3A_17 = tpu.memref_slice %arg10[%mul3A_1, %dma_wait3A_16] : memref<10240x128xf32, #tpu.memory_space<vmem_shared>> -> memref<640x128xf32, #tpu.memory_space<vmem_shared>>
        tpu.wait_dma2 semaphore(%run_scoped3A : memref<!tpu.dma_semaphore, #tpu.memory_space<semaphore_mem>>) src(%dma_wait3A_17 : memref<640x128xf32, #tpu.memory_space<vmem_shared>>) dst(%dma_wait3A_15 : memref<640x128xf32, #tpu.memory_space<hbm>>)
        tpu.yield
      }) : () -> ()
    } else {
    }
    return
  }
}

#map = affine_map<(d0, d1) -> (0, 0)>
module attributes {stable_mosaic.version = 14 : i64} {
  func.func @body(%arg0: i32, %arg1: i32, %arg2: memref<10000x128xf32, #tpu.memory_space<hbm>>, %arg3: memref<10240x128xf32, #tpu.memory_space<hbm>>, %arg4: memref<2944x112xi32, #tpu.memory_space<hbm>>, %arg5: memref<2944x112xi32, #tpu.memory_space<hbm>>, %arg6: memref<10240x128xf32, #tpu.memory_space<hbm>>, %arg7: memref<2x8x112xi32, #tpu.memory_space<vmem>>, %arg8: memref<2x8x112xi32, #tpu.memory_space<vmem>>, %arg9: memref<3x112x128xf32, #tpu.memory_space<vmem>>, %arg10: memref<10240x128xf32, #tpu.memory_space<vmem_shared>>, %arg11: memref<3x!tpu.dma_semaphore, #tpu.memory_space<semaphore_mem>>, %arg12: memref<3x!tpu.dma_semaphore, #tpu.memory_space<semaphore_mem>>, %arg13: memref<2x!tpu.dma_semaphore, #tpu.memory_space<semaphore_mem>>) attributes {dimension_semantics = [#tpu.dimension_semantics<core_parallel>, #tpu.dimension_semantics<subcore_parallel>], iteration_bounds = array<i64: 2, 16>, scalar_prefetch = 0 : i64, scratch_operands = 7 : i64, tpu.core_type = #tpu.core_type<sc_vector_subcore>, window_params = [{transform_indices = #map}, {transform_indices = #map}, {transform_indices = #map}, {transform_indices = #map}, {transform_indices = #map}]} {
    %eq3A = arith.constant 0 : i32
    %eq3A_0 = arith.cmpi eq, %arg0, %eq3A : i32
    %mul3A = arith.constant 640 : i32
    %mul3A_1 = arith.muli %arg1, %mul3A : i32
    %convert_element_type3A = arith.extui %eq3A_0 : i1 to i32
    %cond3A = arith.constant 0 : i32
    %cond3A_2 = arith.cmpi ne, %convert_element_type3A, %cond3A : i32
    scf.if %cond3A_2 {
      "tpu.region"() ({
        %run_scoped3A = tpu.sem_alloc : memref<!tpu.dma_semaphore, #tpu.memory_space<semaphore_mem>>
        %dma_start3A = arith.constant 0 : i32
        %dma_start3A_12 = tpu.memref_slice %arg10[%mul3A_1, %dma_start3A] : memref<10240x128xf32, #tpu.memory_space<vmem_shared>> -> memref<640x128xf32, #tpu.memory_space<vmem_shared>>
        %dma_start3A_13 = arith.constant 0 : i32
        %dma_start3A_14 = tpu.memref_slice %arg3[%mul3A_1, %dma_start3A_13] : memref<10240x128xf32, #tpu.memory_space<hbm>> -> memref<640x128xf32, #tpu.memory_space<hbm>>
        tpu.enqueue_dma source(%dma_start3A_14 : memref<640x128xf32, #tpu.memory_space<hbm>>) target(%dma_start3A_12 : memref<640x128xf32, #tpu.memory_space<vmem_shared>>) target_semaphore(%run_scoped3A : memref<!tpu.dma_semaphore, #tpu.memory_space<semaphore_mem>>)
        %dma_wait3A = arith.constant 0 : i32
        %dma_wait3A_15 = tpu.memref_slice %arg10[%mul3A_1, %dma_wait3A] : memref<10240x128xf32, #tpu.memory_space<vmem_shared>> -> memref<640x128xf32, #tpu.memory_space<vmem_shared>>
        %dma_wait3A_16 = arith.constant 0 : i32
        %dma_wait3A_17 = tpu.memref_slice %arg3[%mul3A_1, %dma_wait3A_16] : memref<10240x128xf32, #tpu.memory_space<hbm>> -> memref<640x128xf32, #tpu.memory_space<hbm>>
        tpu.wait_dma2 semaphore(%run_scoped3A : memref<!tpu.dma_semaphore, #tpu.memory_space<semaphore_mem>>) src(%dma_wait3A_17 : memref<640x128xf32, #tpu.memory_space<hbm>>) dst(%dma_wait3A_15 : memref<640x128xf32, #tpu.memory_space<vmem_shared>>)
        tpu.yield
      }) : () -> ()
    } else {
    }
    %barrier3A = arith.constant 0 : index
    tpu.barrier barrier_id(%barrier3A)
    %mul3A_3 = arith.constant 184 : i32
    %mul3A_4 = arith.muli %arg1, %mul3A_3 : i32
    %convert_element_type3A_5 = arith.extui %eq3A_0 : i1 to i32
    %cond3A_6 = arith.constant 0 : i32
    %cond3A_7 = arith.cmpi ne, %convert_element_type3A_5, %cond3A_6 : i32
    scf.if %cond3A_7 {
      %add3A = arith.constant 0 : i32
      %add3A_12 = arith.addi %mul3A_4, %add3A : i32
      %dma_start3A = arith.constant 0 : i32
      %dma_start3A_13 = arith.constant 0 : i32
      %dma_start3A_14 = arith.constant 0 : i32
      %dma_start3A_15 = arith.constant 0 : i32
      %dma_start3A_16 = tpu.memref_slice %arg7[%dma_start3A, %dma_start3A_14, %dma_start3A_15] : memref<2x8x112xi32, #tpu.memory_space<vmem>> -> memref<1x8x112xi32, #tpu.memory_space<vmem>>
      %dma_start3A_17 = tpu.memref_squeeze %dma_start3A_16 : memref<1x8x112xi32, #tpu.memory_space<vmem>> -> memref<8x112xi32, #tpu.memory_space<vmem>>
      %dma_start3A_18 = arith.constant 0 : i32
      %dma_start3A_19 = tpu.memref_slice %arg4[%add3A_12, %dma_start3A_18] : memref<2944x112xi32, #tpu.memory_space<hbm>> -> memref<8x112xi32, #tpu.memory_space<hbm>>
      %dma_start3A_20 = tpu.memref_slice %arg13[%dma_start3A_13] : memref<2x!tpu.dma_semaphore, #tpu.memory_space<semaphore_mem>> -> memref<1x!tpu.dma_semaphore, #tpu.memory_space<semaphore_mem>>
      %dma_start3A_21 = tpu.memref_squeeze %dma_start3A_20 : memref<1x!tpu.dma_semaphore, #tpu.memory_space<semaphore_mem>> -> memref<!tpu.dma_semaphore, #tpu.memory_space<semaphore_mem>>
      %dma_start3A_22 = arith.constant 0 : i32
      %dma_start3A_23 = arith.constant 0 : i32
      %dma_start3A_24 = tpu.memref_slice %arg7[%dma_start3A, %dma_start3A_22, %dma_start3A_23] : memref<2x8x112xi32, #tpu.memory_space<vmem>> -> memref<1x8x112xi32, #tpu.memory_space<vmem>>
      %dma_start3A_25 = tpu.memref_squeeze %dma_start3A_24 : memref<1x8x112xi32, #tpu.memory_space<vmem>> -> memref<8x112xi32, #tpu.memory_space<vmem>>
      %dma_start3A_26 = arith.constant 0 : i32
      %dma_start3A_27 = tpu.memref_slice %arg4[%add3A_12, %dma_start3A_26] : memref<2944x112xi32, #tpu.memory_space<hbm>> -> memref<8x112xi32, #tpu.memory_space<hbm>>
      tpu.enqueue_dma source(%dma_start3A_27 : memref<8x112xi32, #tpu.memory_space<hbm>>) target(%dma_start3A_25 : memref<8x112xi32, #tpu.memory_space<vmem>>) target_semaphore(%dma_start3A_21 : memref<!tpu.dma_semaphore, #tpu.memory_space<semaphore_mem>>)
      %add3A_28 = arith.constant 0 : i32
      %add3A_29 = arith.addi %mul3A_4, %add3A_28 : i32
      %dma_start3A_30 = arith.constant 0 : i32
      %dma_start3A_31 = arith.constant 0 : i32
      %dma_start3A_32 = arith.constant 0 : i32
      %dma_start3A_33 = arith.constant 0 : i32
      %dma_start3A_34 = tpu.memref_slice %arg8[%dma_start3A_30, %dma_start3A_32, %dma_start3A_33] : memref<2x8x112xi32, #tpu.memory_space<vmem>> -> memref<1x8x112xi32, #tpu.memory_space<vmem>>
      %dma_start3A_35 = tpu.memref_squeeze %dma_start3A_34 : memref<1x8x112xi32, #tpu.memory_space<vmem>> -> memref<8x112xi32, #tpu.memory_space<vmem>>
      %dma_start3A_36 = arith.constant 0 : i32
      %dma_start3A_37 = tpu.memref_slice %arg5[%add3A_29, %dma_start3A_36] : memref<2944x112xi32, #tpu.memory_space<hbm>> -> memref<8x112xi32, #tpu.memory_space<hbm>>
      %dma_start3A_38 = tpu.memref_slice %arg13[%dma_start3A_31] : memref<2x!tpu.dma_semaphore, #tpu.memory_space<semaphore_mem>> -> memref<1x!tpu.dma_semaphore, #tpu.memory_space<semaphore_mem>>
      %dma_start3A_39 = tpu.memref_squeeze %dma_start3A_38 : memref<1x!tpu.dma_semaphore, #tpu.memory_space<semaphore_mem>> -> memref<!tpu.dma_semaphore, #tpu.memory_space<semaphore_mem>>
      %dma_start3A_40 = arith.constant 0 : i32
      %dma_start3A_41 = arith.constant 0 : i32
      %dma_start3A_42 = tpu.memref_slice %arg8[%dma_start3A_30, %dma_start3A_40, %dma_start3A_41] : memref<2x8x112xi32, #tpu.memory_space<vmem>> -> memref<1x8x112xi32, #tpu.memory_space<vmem>>
      %dma_start3A_43 = tpu.memref_squeeze %dma_start3A_42 : memref<1x8x112xi32, #tpu.memory_space<vmem>> -> memref<8x112xi32, #tpu.memory_space<vmem>>
      %dma_start3A_44 = arith.constant 0 : i32
      %dma_start3A_45 = tpu.memref_slice %arg5[%add3A_29, %dma_start3A_44] : memref<2944x112xi32, #tpu.memory_space<hbm>> -> memref<8x112xi32, #tpu.memory_space<hbm>>
      tpu.enqueue_dma source(%dma_start3A_45 : memref<8x112xi32, #tpu.memory_space<hbm>>) target(%dma_start3A_43 : memref<8x112xi32, #tpu.memory_space<vmem>>) target_semaphore(%dma_start3A_39 : memref<!tpu.dma_semaphore, #tpu.memory_space<semaphore_mem>>)
      %add3A_46 = arith.constant 0 : i32
      %add3A_47 = arith.addi %mul3A_4, %add3A_46 : i32
      %dma_wait3A = arith.constant 0 : i32
      %dma_wait3A_48 = arith.constant 0 : i32
      %dma_wait3A_49 = arith.constant 0 : i32
      %dma_wait3A_50 = arith.constant 0 : i32
      %dma_wait3A_51 = tpu.memref_slice %arg7[%dma_wait3A, %dma_wait3A_49, %dma_wait3A_50] : memref<2x8x112xi32, #tpu.memory_space<vmem>> -> memref<1x8x112xi32, #tpu.memory_space<vmem>>
      %dma_wait3A_52 = tpu.memref_squeeze %dma_wait3A_51 : memref<1x8x112xi32, #tpu.memory_space<vmem>> -> memref<8x112xi32, #tpu.memory_space<vmem>>
      %dma_wait3A_53 = arith.constant 0 : i32
      %dma_wait3A_54 = tpu.memref_slice %arg4[%add3A_47, %dma_wait3A_53] : memref<2944x112xi32, #tpu.memory_space<hbm>> -> memref<8x112xi32, #tpu.memory_space<hbm>>
      %dma_wait3A_55 = tpu.memref_slice %arg13[%dma_wait3A_48] : memref<2x!tpu.dma_semaphore, #tpu.memory_space<semaphore_mem>> -> memref<1x!tpu.dma_semaphore, #tpu.memory_space<semaphore_mem>>
      %dma_wait3A_56 = tpu.memref_squeeze %dma_wait3A_55 : memref<1x!tpu.dma_semaphore, #tpu.memory_space<semaphore_mem>> -> memref<!tpu.dma_semaphore, #tpu.memory_space<semaphore_mem>>
      %dma_wait3A_57 = arith.constant 0 : i32
      %dma_wait3A_58 = arith.constant 0 : i32
      %dma_wait3A_59 = tpu.memref_slice %arg7[%dma_wait3A, %dma_wait3A_57, %dma_wait3A_58] : memref<2x8x112xi32, #tpu.memory_space<vmem>> -> memref<1x8x112xi32, #tpu.memory_space<vmem>>
      %dma_wait3A_60 = tpu.memref_squeeze %dma_wait3A_59 : memref<1x8x112xi32, #tpu.memory_space<vmem>> -> memref<8x112xi32, #tpu.memory_space<vmem>>
      %dma_wait3A_61 = arith.constant 0 : i32
      %dma_wait3A_62 = tpu.memref_slice %arg4[%add3A_47, %dma_wait3A_61] : memref<2944x112xi32, #tpu.memory_space<hbm>> -> memref<8x112xi32, #tpu.memory_space<hbm>>
      tpu.wait_dma2 semaphore(%dma_wait3A_56 : memref<!tpu.dma_semaphore, #tpu.memory_space<semaphore_mem>>) src(%dma_wait3A_62 : memref<8x112xi32, #tpu.memory_space<hbm>>) dst(%dma_wait3A_60 : memref<8x112xi32, #tpu.memory_space<vmem>>)
      %add3A_63 = arith.constant 0 : i32
      %add3A_64 = arith.addi %mul3A_4, %add3A_63 : i32
      %dma_wait3A_65 = arith.constant 0 : i32
      %dma_wait3A_66 = arith.constant 0 : i32
      %dma_wait3A_67 = arith.constant 0 : i32
      %dma_wait3A_68 = arith.constant 0 : i32
      %dma_wait3A_69 = tpu.memref_slice %arg8[%dma_wait3A_65, %dma_wait3A_67, %dma_wait3A_68] : memref<2x8x112xi32, #tpu.memory_space<vmem>> -> memref<1x8x112xi32, #tpu.memory_space<vmem>>
      %dma_wait3A_70 = tpu.memref_squeeze %dma_wait3A_69 : memref<1x8x112xi32, #tpu.memory_space<vmem>> -> memref<8x112xi32, #tpu.memory_space<vmem>>
      %dma_wait3A_71 = arith.constant 0 : i32
      %dma_wait3A_72 = tpu.memref_slice %arg5[%add3A_64, %dma_wait3A_71] : memref<2944x112xi32, #tpu.memory_space<hbm>> -> memref<8x112xi32, #tpu.memory_space<hbm>>
      %dma_wait3A_73 = tpu.memref_slice %arg13[%dma_wait3A_66] : memref<2x!tpu.dma_semaphore, #tpu.memory_space<semaphore_mem>> -> memref<1x!tpu.dma_semaphore, #tpu.memory_space<semaphore_mem>>
      %dma_wait3A_74 = tpu.memref_squeeze %dma_wait3A_73 : memref<1x!tpu.dma_semaphore, #tpu.memory_space<semaphore_mem>> -> memref<!tpu.dma_semaphore, #tpu.memory_space<semaphore_mem>>
      %dma_wait3A_75 = arith.constant 0 : i32
      %dma_wait3A_76 = arith.constant 0 : i32
      %dma_wait3A_77 = tpu.memref_slice %arg8[%dma_wait3A_65, %dma_wait3A_75, %dma_wait3A_76] : memref<2x8x112xi32, #tpu.memory_space<vmem>> -> memref<1x8x112xi32, #tpu.memory_space<vmem>>
      %dma_wait3A_78 = tpu.memref_squeeze %dma_wait3A_77 : memref<1x8x112xi32, #tpu.memory_space<vmem>> -> memref<8x112xi32, #tpu.memory_space<vmem>>
      %dma_wait3A_79 = arith.constant 0 : i32
      %dma_wait3A_80 = tpu.memref_slice %arg5[%add3A_64, %dma_wait3A_79] : memref<2944x112xi32, #tpu.memory_space<hbm>> -> memref<8x112xi32, #tpu.memory_space<hbm>>
      tpu.wait_dma2 semaphore(%dma_wait3A_74 : memref<!tpu.dma_semaphore, #tpu.memory_space<semaphore_mem>>) src(%dma_wait3A_80 : memref<8x112xi32, #tpu.memory_space<hbm>>) dst(%dma_wait3A_78 : memref<8x112xi32, #tpu.memory_space<vmem>>)
      %add3A_81 = arith.constant 8 : i32
      %add3A_82 = arith.addi %mul3A_4, %add3A_81 : i32
      %dma_start3A_83 = arith.constant 1 : i32
      %dma_start3A_84 = arith.constant 1 : i32
      %dma_start3A_85 = arith.constant 0 : i32
      %dma_start3A_86 = arith.constant 0 : i32
      %dma_start3A_87 = tpu.memref_slice %arg7[%dma_start3A_83, %dma_start3A_85, %dma_start3A_86] : memref<2x8x112xi32, #tpu.memory_space<vmem>> -> memref<1x8x112xi32, #tpu.memory_space<vmem>>
      %dma_start3A_88 = tpu.memref_squeeze %dma_start3A_87 : memref<1x8x112xi32, #tpu.memory_space<vmem>> -> memref<8x112xi32, #tpu.memory_space<vmem>>
      %dma_start3A_89 = arith.constant 0 : i32
      %dma_start3A_90 = tpu.memref_slice %arg4[%add3A_82, %dma_start3A_89] : memref<2944x112xi32, #tpu.memory_space<hbm>> -> memref<8x112xi32, #tpu.memory_space<hbm>>
      %dma_start3A_91 = tpu.memref_slice %arg13[%dma_start3A_84] : memref<2x!tpu.dma_semaphore, #tpu.memory_space<semaphore_mem>> -> memref<1x!tpu.dma_semaphore, #tpu.memory_space<semaphore_mem>>
      %dma_start3A_92 = tpu.memref_squeeze %dma_start3A_91 : memref<1x!tpu.dma_semaphore, #tpu.memory_space<semaphore_mem>> -> memref<!tpu.dma_semaphore, #tpu.memory_space<semaphore_mem>>
      %dma_start3A_93 = arith.constant 0 : i32
      %dma_start3A_94 = arith.constant 0 : i32
      %dma_start3A_95 = tpu.memref_slice %arg7[%dma_start3A_83, %dma_start3A_93, %dma_start3A_94] : memref<2x8x112xi32, #tpu.memory_space<vmem>> -> memref<1x8x112xi32, #tpu.memory_space<vmem>>
      %dma_start3A_96 = tpu.memref_squeeze %dma_start3A_95 : memref<1x8x112xi32, #tpu.memory_space<vmem>> -> memref<8x112xi32, #tpu.memory_space<vmem>>
      %dma_start3A_97 = arith.constant 0 : i32
      %dma_start3A_98 = tpu.memref_slice %arg4[%add3A_82, %dma_start3A_97] : memref<2944x112xi32, #tpu.memory_space<hbm>> -> memref<8x112xi32, #tpu.memory_space<hbm>>
      tpu.enqueue_dma source(%dma_start3A_98 : memref<8x112xi32, #tpu.memory_space<hbm>>) target(%dma_start3A_96 : memref<8x112xi32, #tpu.memory_space<vmem>>) target_semaphore(%dma_start3A_92 : memref<!tpu.dma_semaphore, #tpu.memory_space<semaphore_mem>>)
      %add3A_99 = arith.constant 8 : i32
      %add3A_100 = arith.addi %mul3A_4, %add3A_99 : i32
      %dma_start3A_101 = arith.constant 1 : i32
      %dma_start3A_102 = arith.constant 1 : i32
      %dma_start3A_103 = arith.constant 0 : i32
      %dma_start3A_104 = arith.constant 0 : i32
      %dma_start3A_105 = tpu.memref_slice %arg8[%dma_start3A_101, %dma_start3A_103, %dma_start3A_104] : memref<2x8x112xi32, #tpu.memory_space<vmem>> -> memref<1x8x112xi32, #tpu.memory_space<vmem>>
      %dma_start3A_106 = tpu.memref_squeeze %dma_start3A_105 : memref<1x8x112xi32, #tpu.memory_space<vmem>> -> memref<8x112xi32, #tpu.memory_space<vmem>>
      %dma_start3A_107 = arith.constant 0 : i32
      %dma_start3A_108 = tpu.memref_slice %arg5[%add3A_100, %dma_start3A_107] : memref<2944x112xi32, #tpu.memory_space<hbm>> -> memref<8x112xi32, #tpu.memory_space<hbm>>
      %dma_start3A_109 = tpu.memref_slice %arg13[%dma_start3A_102] : memref<2x!tpu.dma_semaphore, #tpu.memory_space<semaphore_mem>> -> memref<1x!tpu.dma_semaphore, #tpu.memory_space<semaphore_mem>>
      %dma_start3A_110 = tpu.memref_squeeze %dma_start3A_109 : memref<1x!tpu.dma_semaphore, #tpu.memory_space<semaphore_mem>> -> memref<!tpu.dma_semaphore, #tpu.memory_space<semaphore_mem>>
      %dma_start3A_111 = arith.constant 0 : i32
      %dma_start3A_112 = arith.constant 0 : i32
      %dma_start3A_113 = tpu.memref_slice %arg8[%dma_start3A_101, %dma_start3A_111, %dma_start3A_112] : memref<2x8x112xi32, #tpu.memory_space<vmem>> -> memref<1x8x112xi32, #tpu.memory_space<vmem>>
      %dma_start3A_114 = tpu.memref_squeeze %dma_start3A_113 : memref<1x8x112xi32, #tpu.memory_space<vmem>> -> memref<8x112xi32, #tpu.memory_space<vmem>>
      %dma_start3A_115 = arith.constant 0 : i32
      %dma_start3A_116 = tpu.memref_slice %arg5[%add3A_100, %dma_start3A_115] : memref<2944x112xi32, #tpu.memory_space<hbm>> -> memref<8x112xi32, #tpu.memory_space<hbm>>
      tpu.enqueue_dma source(%dma_start3A_116 : memref<8x112xi32, #tpu.memory_space<hbm>>) target(%dma_start3A_114 : memref<8x112xi32, #tpu.memory_space<vmem>>) target_semaphore(%dma_start3A_110 : memref<!tpu.dma_semaphore, #tpu.memory_space<semaphore_mem>>)
      %rem3A = arith.constant 0 : i32
      %rem3A_117 = arith.constant 8 : i32
      %rem3A_118 = arith.remsi %rem3A, %rem3A_117 : i32
      %rem3A_119 = arith.constant 0 : i32
      %rem3A_120 = arith.constant 3 : i32
      %rem3A_121 = arith.remsi %rem3A_119, %rem3A_120 : i32
      %rem3A_122 = arith.constant 0 : i32
      %rem3A_123 = arith.constant 3 : i32
      %rem3A_124 = arith.remsi %rem3A_122, %rem3A_123 : i32
      %dma_start3A_125 = arith.constant 0 : i32
      %dma_start3A_126 = arith.constant 0 : i32
      %dma_start3A_127 = arith.constant 0 : i32
      %dma_start3A_128 = tpu.memref_slice %arg9[%rem3A_121, %dma_start3A_126, %dma_start3A_127] : memref<3x112x128xf32, #tpu.memory_space<vmem>> -> memref<1x112x128xf32, #tpu.memory_space<vmem>>
      %dma_start3A_129 = tpu.memref_squeeze %dma_start3A_128 : memref<1x112x128xf32, #tpu.memory_space<vmem>> -> memref<112x128xf32, #tpu.memory_space<vmem>>
      %dma_start3A_130 = arith.constant 0 : i32
      %dma_start3A_131 = tpu.memref_slice %arg7[%dma_start3A_125, %rem3A_118, %dma_start3A_130] : memref<2x8x112xi32, #tpu.memory_space<vmem>> -> memref<1x1x112xi32, #tpu.memory_space<vmem>>
      %dma_start3A_132 = tpu.memref_squeeze %dma_start3A_131 : memref<1x1x112xi32, #tpu.memory_space<vmem>> -> memref<112xi32, #tpu.memory_space<vmem>>
      %dma_start3A_133 = arith.constant 0 : i32
      %dma_start3A_134 = arith.constant 0 : i32
      %dma_start3A_135 = tpu.memref_slice %arg2[%dma_start3A_133, %dma_start3A_134] : memref<10000x128xf32, #tpu.memory_space<hbm>> -> memref<10000x128xf32, #tpu.memory_space<hbm>>
      %dma_start3A_136 = tpu.memref_slice %arg11[%rem3A_124] : memref<3x!tpu.dma_semaphore, #tpu.memory_space<semaphore_mem>> -> memref<1x!tpu.dma_semaphore, #tpu.memory_space<semaphore_mem>>
      %dma_start3A_137 = tpu.memref_squeeze %dma_start3A_136 : memref<1x!tpu.dma_semaphore, #tpu.memory_space<semaphore_mem>> -> memref<!tpu.dma_semaphore, #tpu.memory_space<semaphore_mem>>
      tpu.enqueue_indirect_dma source(%dma_start3A_135 : memref<10000x128xf32, #tpu.memory_space<hbm>>) target(%dma_start3A_129 : memref<112x128xf32, #tpu.memory_space<vmem>>) offsets(%dma_start3A_132 : memref<112xi32, #tpu.memory_space<vmem>>) semaphore(%dma_start3A_137 : memref<!tpu.dma_semaphore, #tpu.memory_space<semaphore_mem>>)
      %rem3A_138 = arith.constant 1 : i32
      %rem3A_139 = arith.constant 8 : i32
      %rem3A_140 = arith.remsi %rem3A_138, %rem3A_139 : i32
      %rem3A_141 = arith.constant 1 : i32
      %rem3A_142 = arith.constant 3 : i32
      %rem3A_143 = arith.remsi %rem3A_141, %rem3A_142 : i32
      %rem3A_144 = arith.constant 1 : i32
      %rem3A_145 = arith.constant 3 : i32
      %rem3A_146 = arith.remsi %rem3A_144, %rem3A_145 : i32
      %dma_start3A_147 = arith.constant 0 : i32
      %dma_start3A_148 = arith.constant 0 : i32
      %dma_start3A_149 = arith.constant 0 : i32
      %dma_start3A_150 = tpu.memref_slice %arg9[%rem3A_143, %dma_start3A_148, %dma_start3A_149] : memref<3x112x128xf32, #tpu.memory_space<vmem>> -> memref<1x112x128xf32, #tpu.memory_space<vmem>>
      %dma_start3A_151 = tpu.memref_squeeze %dma_start3A_150 : memref<1x112x128xf32, #tpu.memory_space<vmem>> -> memref<112x128xf32, #tpu.memory_space<vmem>>
      %dma_start3A_152 = arith.constant 0 : i32
      %dma_start3A_153 = tpu.memref_slice %arg7[%dma_start3A_147, %rem3A_140, %dma_start3A_152] : memref<2x8x112xi32, #tpu.memory_space<vmem>> -> memref<1x1x112xi32, #tpu.memory_space<vmem>>
      %dma_start3A_154 = tpu.memref_squeeze %dma_start3A_153 : memref<1x1x112xi32, #tpu.memory_space<vmem>> -> memref<112xi32, #tpu.memory_space<vmem>>
      %dma_start3A_155 = arith.constant 0 : i32
      %dma_start3A_156 = arith.constant 0 : i32
      %dma_start3A_157 = tpu.memref_slice %arg2[%dma_start3A_155, %dma_start3A_156] : memref<10000x128xf32, #tpu.memory_space<hbm>> -> memref<10000x128xf32, #tpu.memory_space<hbm>>
      %dma_start3A_158 = tpu.memref_slice %arg11[%rem3A_146] : memref<3x!tpu.dma_semaphore, #tpu.memory_space<semaphore_mem>> -> memref<1x!tpu.dma_semaphore, #tpu.memory_space<semaphore_mem>>
      %dma_start3A_159 = tpu.memref_squeeze %dma_start3A_158 : memref<1x!tpu.dma_semaphore, #tpu.memory_space<semaphore_mem>> -> memref<!tpu.dma_semaphore, #tpu.memory_space<semaphore_mem>>
      tpu.enqueue_indirect_dma source(%dma_start3A_157 : memref<10000x128xf32, #tpu.memory_space<hbm>>) target(%dma_start3A_151 : memref<112x128xf32, #tpu.memory_space<vmem>>) offsets(%dma_start3A_154 : memref<112xi32, #tpu.memory_space<vmem>>) semaphore(%dma_start3A_159 : memref<!tpu.dma_semaphore, #tpu.memory_space<semaphore_mem>>)
      %scan3A = arith.constant 0 : i32
      %scan3A_160 = arith.constant 0 : i32
      %scan3A_161 = arith.constant 184 : i32
      %scan3A_162 = arith.addi %scan3A_160, %scan3A_161 : i32
      %scan3A_163 = arith.constant 1 : i32
      %scan3A_164 = scf.for %scan3A_188 = %scan3A_160 to %scan3A_162 step %scan3A_163 iter_args(%scan3A_189 = %scan3A) -> (i32)  : i32 {
        %jit3A = arith.constant 8 : i32
        %div3A = arith.divsi %scan3A_188, %jit3A : i32
        %sign3A = arith.constant 0 : i32
        %sign3A_190 = arith.cmpi sgt, %scan3A_188, %sign3A : i32
        %sign3A_191 = arith.extui %sign3A_190 : i1 to i32
        %sign3A_192 = arith.constant 0 : i32
        %sign3A_193 = arith.cmpi slt, %scan3A_188, %sign3A_192 : i32
        %sign3A_194 = arith.extui %sign3A_193 : i1 to i32
        %sign3A_195 = arith.subi %sign3A_191, %sign3A_194 : i32
        %sign3A_196 = arith.constant 0 : i32
        %sign3A_197 = arith.cmpi sgt, %jit3A, %sign3A_196 : i32
        %sign3A_198 = arith.extui %sign3A_197 : i1 to i32
        %sign3A_199 = arith.constant 0 : i32
        %sign3A_200 = arith.cmpi slt, %jit3A, %sign3A_199 : i32
        %sign3A_201 = arith.extui %sign3A_200 : i1 to i32
        %sign3A_202 = arith.subi %sign3A_198, %sign3A_201 : i32
        %ne3A = arith.cmpi ne, %sign3A_195, %sign3A_202 : i32
        %rem3A_203 = arith.remsi %scan3A_188, %jit3A : i32
        %ne3A_204 = arith.constant 0 : i32
        %ne3A_205 = arith.cmpi ne, %rem3A_203, %ne3A_204 : i32
        %and3A = arith.andi %ne3A, %ne3A_205 : i1
        %sub3A = arith.constant 1 : i32
        %sub3A_206 = arith.subi %div3A, %sub3A : i32
        %select_n3A = arith.select %and3A, %sub3A_206, %div3A : i32
        %jit3A_207 = arith.constant 2 : i32
        %eq3A_208 = arith.constant 0 : i32
        %eq3A_209 = arith.cmpi eq, %jit3A_207, %eq3A_208 : i32
        %jit3A_210 = arith.constant 1 : i32
        %select_n3A_211 = arith.select %eq3A_209, %jit3A_210, %jit3A_207 : i32
        %rem3A_212 = arith.remsi %select_n3A, %select_n3A_211 : i32
        %ne3A_213 = arith.constant 0 : i32
        %ne3A_214 = arith.cmpi ne, %rem3A_212, %ne3A_213 : i32
        %lt3A = arith.constant 0 : i32
        %lt3A_215 = arith.cmpi slt, %rem3A_212, %lt3A : i32
        %lt3A_216 = arith.constant 0 : i32
        %lt3A_217 = arith.cmpi slt, %select_n3A_211, %lt3A_216 : i32
        %ne3A_218 = arith.xori %lt3A_215, %lt3A_217 : i1
        %and3A_219 = arith.andi %ne3A_218, %ne3A_214 : i1
        %add3A_220 = arith.addi %rem3A_212, %select_n3A_211 : i32
        %select_n3A_221 = arith.select %and3A_219, %add3A_220, %rem3A_212 : i32
        %rem3A_222 = arith.constant 8 : i32
        %rem3A_223 = arith.remsi %scan3A_188, %rem3A_222 : i32
        %rem3A_224 = arith.constant 3 : i32
        %rem3A_225 = arith.remsi %scan3A_188, %rem3A_224 : i32
        %rem3A_226 = arith.constant 3 : i32
        %rem3A_227 = arith.remsi %scan3A_188, %rem3A_226 : i32
        %dma_wait3A_228 = arith.constant 0 : i32
        %dma_wait3A_229 = arith.constant 0 : i32
        %dma_wait3A_230 = tpu.memref_slice %arg9[%rem3A_225, %dma_wait3A_228, %dma_wait3A_229] : memref<3x112x128xf32, #tpu.memory_space<vmem>> -> memref<1x112x128xf32, #tpu.memory_space<vmem>>
        %dma_wait3A_231 = tpu.memref_squeeze %dma_wait3A_230 : memref<1x112x128xf32, #tpu.memory_space<vmem>> -> memref<112x128xf32, #tpu.memory_space<vmem>>
        %dma_wait3A_232 = arith.constant 0 : i32
        %dma_wait3A_233 = tpu.memref_slice %arg7[%select_n3A_221, %rem3A_223, %dma_wait3A_232] : memref<2x8x112xi32, #tpu.memory_space<vmem>> -> memref<1x1x112xi32, #tpu.memory_space<vmem>>
        %dma_wait3A_234 = tpu.memref_squeeze %dma_wait3A_233 : memref<1x1x112xi32, #tpu.memory_space<vmem>> -> memref<112xi32, #tpu.memory_space<vmem>>
        %dma_wait3A_235 = arith.constant 0 : i32
        %dma_wait3A_236 = arith.constant 0 : i32
        %dma_wait3A_237 = tpu.memref_slice %arg2[%dma_wait3A_235, %dma_wait3A_236] : memref<10000x128xf32, #tpu.memory_space<hbm>> -> memref<10000x128xf32, #tpu.memory_space<hbm>>
        %dma_wait3A_238 = tpu.memref_slice %arg11[%rem3A_227] : memref<3x!tpu.dma_semaphore, #tpu.memory_space<semaphore_mem>> -> memref<1x!tpu.dma_semaphore, #tpu.memory_space<semaphore_mem>>
        %dma_wait3A_239 = tpu.memref_squeeze %dma_wait3A_238 : memref<1x!tpu.dma_semaphore, #tpu.memory_space<semaphore_mem>> -> memref<!tpu.dma_semaphore, #tpu.memory_space<semaphore_mem>>
        tpu.wait_indirect_dma semaphore(%dma_wait3A_239 : memref<!tpu.dma_semaphore, #tpu.memory_space<semaphore_mem>>) src(%dma_wait3A_237 : memref<10000x128xf32, #tpu.memory_space<hbm>>) dst(%dma_wait3A_231 : memref<112x128xf32, #tpu.memory_space<vmem>>)
        %rem3A_240 = arith.constant 3 : i32
        %rem3A_241 = arith.remsi %scan3A_188, %rem3A_240 : i32
        %jit3A_242 = arith.constant 8 : i32
        %div3A_243 = arith.divsi %scan3A_188, %jit3A_242 : i32
        %sign3A_244 = arith.constant 0 : i32
        %sign3A_245 = arith.cmpi sgt, %scan3A_188, %sign3A_244 : i32
        %sign3A_246 = arith.extui %sign3A_245 : i1 to i32
        %sign3A_247 = arith.constant 0 : i32
        %sign3A_248 = arith.cmpi slt, %scan3A_188, %sign3A_247 : i32
        %sign3A_249 = arith.extui %sign3A_248 : i1 to i32
        %sign3A_250 = arith.subi %sign3A_246, %sign3A_249 : i32
        %sign3A_251 = arith.constant 0 : i32
        %sign3A_252 = arith.cmpi sgt, %jit3A_242, %sign3A_251 : i32
        %sign3A_253 = arith.extui %sign3A_252 : i1 to i32
        %sign3A_254 = arith.constant 0 : i32
        %sign3A_255 = arith.cmpi slt, %jit3A_242, %sign3A_254 : i32
        %sign3A_256 = arith.extui %sign3A_255 : i1 to i32
        %sign3A_257 = arith.subi %sign3A_253, %sign3A_256 : i32
        %ne3A_258 = arith.cmpi ne, %sign3A_250, %sign3A_257 : i32
        %rem3A_259 = arith.remsi %scan3A_188, %jit3A_242 : i32
        %ne3A_260 = arith.constant 0 : i32
        %ne3A_261 = arith.cmpi ne, %rem3A_259, %ne3A_260 : i32
        %and3A_262 = arith.andi %ne3A_258, %ne3A_261 : i1
        %sub3A_263 = arith.constant 1 : i32
        %sub3A_264 = arith.subi %div3A_243, %sub3A_263 : i32
        %select_n3A_265 = arith.select %and3A_262, %sub3A_264, %div3A_243 : i32
        %jit3A_266 = arith.constant 2 : i32
        %eq3A_267 = arith.constant 0 : i32
        %eq3A_268 = arith.cmpi eq, %jit3A_266, %eq3A_267 : i32
        %jit3A_269 = arith.constant 1 : i32
        %select_n3A_270 = arith.select %eq3A_268, %jit3A_269, %jit3A_266 : i32
        %rem3A_271 = arith.remsi %select_n3A_265, %select_n3A_270 : i32
        %ne3A_272 = arith.constant 0 : i32
        %ne3A_273 = arith.cmpi ne, %rem3A_271, %ne3A_272 : i32
        %lt3A_274 = arith.constant 0 : i32
        %lt3A_275 = arith.cmpi slt, %rem3A_271, %lt3A_274 : i32
        %lt3A_276 = arith.constant 0 : i32
        %lt3A_277 = arith.cmpi slt, %select_n3A_270, %lt3A_276 : i32
        %ne3A_278 = arith.xori %lt3A_275, %lt3A_277 : i1
        %and3A_279 = arith.andi %ne3A_278, %ne3A_273 : i1
        %add3A_280 = arith.addi %rem3A_271, %select_n3A_270 : i32
        %select_n3A_281 = arith.select %and3A_279, %add3A_280, %rem3A_271 : i32
        %rem3A_282 = arith.constant 8 : i32
        %rem3A_283 = arith.remsi %scan3A_188, %rem3A_282 : i32
        %rem3A_284 = arith.constant 3 : i32
        %rem3A_285 = arith.remsi %scan3A_188, %rem3A_284 : i32
        %dma_start3A_286 = arith.constant 0 : i32
        %dma_start3A_287 = arith.constant 0 : i32
        %dma_start3A_288 = tpu.memref_slice %arg9[%rem3A_241, %dma_start3A_286, %dma_start3A_287] : memref<3x112x128xf32, #tpu.memory_space<vmem>> -> memref<1x112x128xf32, #tpu.memory_space<vmem>>
        %dma_start3A_289 = tpu.memref_squeeze %dma_start3A_288 : memref<1x112x128xf32, #tpu.memory_space<vmem>> -> memref<112x128xf32, #tpu.memory_space<vmem>>
        %dma_start3A_290 = arith.constant 0 : i32
        %dma_start3A_291 = tpu.memref_slice %arg8[%select_n3A_281, %rem3A_283, %dma_start3A_290] : memref<2x8x112xi32, #tpu.memory_space<vmem>> -> memref<1x1x112xi32, #tpu.memory_space<vmem>>
        %dma_start3A_292 = tpu.memref_squeeze %dma_start3A_291 : memref<1x1x112xi32, #tpu.memory_space<vmem>> -> memref<112xi32, #tpu.memory_space<vmem>>
        %dma_start3A_293 = arith.constant 0 : i32
        %dma_start3A_294 = arith.constant 0 : i32
        %dma_start3A_295 = tpu.memref_slice %arg10[%dma_start3A_293, %dma_start3A_294] : memref<10240x128xf32, #tpu.memory_space<vmem_shared>> -> memref<10240x128xf32, #tpu.memory_space<vmem_shared>>
        %dma_start3A_296 = tpu.memref_slice %arg12[%rem3A_285] : memref<3x!tpu.dma_semaphore, #tpu.memory_space<semaphore_mem>> -> memref<1x!tpu.dma_semaphore, #tpu.memory_space<semaphore_mem>>
        %dma_start3A_297 = tpu.memref_squeeze %dma_start3A_296 : memref<1x!tpu.dma_semaphore, #tpu.memory_space<semaphore_mem>> -> memref<!tpu.dma_semaphore, #tpu.memory_space<semaphore_mem>>
        tpu.enqueue_indirect_dma source(%dma_start3A_289 : memref<112x128xf32, #tpu.memory_space<vmem>>) target(%dma_start3A_295 : memref<10240x128xf32, #tpu.memory_space<vmem_shared>>) offsets(%dma_start3A_292 : memref<112xi32, #tpu.memory_space<vmem>>) semaphore(%dma_start3A_297 : memref<!tpu.dma_semaphore, #tpu.memory_space<semaphore_mem>>) {add = true}
        %rem3A_298 = arith.constant 8 : i32
        %rem3A_299 = arith.remsi %scan3A_188, %rem3A_298 : i32
        %eq3A_300 = arith.constant 1 : i32
        %eq3A_301 = arith.cmpi eq, %rem3A_299, %eq3A_300 : i32
        %gt3A = arith.constant 8 : i32
        %gt3A_302 = arith.cmpi sgt, %scan3A_188, %gt3A : i32
        %and3A_303 = arith.andi %eq3A_301, %gt3A_302 : i1
        %jit3A_304 = arith.constant 8 : i32
        %div3A_305 = arith.divsi %scan3A_188, %jit3A_304 : i32
        %sign3A_306 = arith.constant 0 : i32
        %sign3A_307 = arith.cmpi sgt, %scan3A_188, %sign3A_306 : i32
        %sign3A_308 = arith.extui %sign3A_307 : i1 to i32
        %sign3A_309 = arith.constant 0 : i32
        %sign3A_310 = arith.cmpi slt, %scan3A_188, %sign3A_309 : i32
        %sign3A_311 = arith.extui %sign3A_310 : i1 to i32
        %sign3A_312 = arith.subi %sign3A_308, %sign3A_311 : i32
        %sign3A_313 = arith.constant 0 : i32
        %sign3A_314 = arith.cmpi sgt, %jit3A_304, %sign3A_313 : i32
        %sign3A_315 = arith.extui %sign3A_314 : i1 to i32
        %sign3A_316 = arith.constant 0 : i32
        %sign3A_317 = arith.cmpi slt, %jit3A_304, %sign3A_316 : i32
        %sign3A_318 = arith.extui %sign3A_317 : i1 to i32
        %sign3A_319 = arith.subi %sign3A_315, %sign3A_318 : i32
        %ne3A_320 = arith.cmpi ne, %sign3A_312, %sign3A_319 : i32
        %rem3A_321 = arith.remsi %scan3A_188, %jit3A_304 : i32
        %ne3A_322 = arith.constant 0 : i32
        %ne3A_323 = arith.cmpi ne, %rem3A_321, %ne3A_322 : i32
        %and3A_324 = arith.andi %ne3A_320, %ne3A_323 : i1
        %sub3A_325 = arith.constant 1 : i32
        %sub3A_326 = arith.subi %div3A_305, %sub3A_325 : i32
        %select_n3A_327 = arith.select %and3A_324, %sub3A_326, %div3A_305 : i32
        %add3A_328 = arith.constant 1 : i32
        %add3A_329 = arith.addi %select_n3A_327, %add3A_328 : i32
        %lt3A_330 = arith.constant 23 : i32
        %lt3A_331 = arith.cmpi slt, %add3A_329, %lt3A_330 : i32
        %and3A_332 = arith.andi %and3A_303, %lt3A_331 : i1
        %convert_element_type3A_333 = arith.extui %and3A_332 : i1 to i32
        %cond3A_334 = arith.constant 0 : i32
        %cond3A_335 = arith.cmpi ne, %convert_element_type3A_333, %cond3A_334 : i32
        scf.if %cond3A_335 {
          %jit3A_362 = arith.constant 8 : i32
          %div3A_363 = arith.divsi %scan3A_188, %jit3A_362 : i32
          %sign3A_364 = arith.constant 0 : i32
          %sign3A_365 = arith.cmpi sgt, %scan3A_188, %sign3A_364 : i32
          %sign3A_366 = arith.extui %sign3A_365 : i1 to i32
          %sign3A_367 = arith.constant 0 : i32
          %sign3A_368 = arith.cmpi slt, %scan3A_188, %sign3A_367 : i32
          %sign3A_369 = arith.extui %sign3A_368 : i1 to i32
          %sign3A_370 = arith.subi %sign3A_366, %sign3A_369 : i32
          %sign3A_371 = arith.constant 0 : i32
          %sign3A_372 = arith.cmpi sgt, %jit3A_362, %sign3A_371 : i32
          %sign3A_373 = arith.extui %sign3A_372 : i1 to i32
          %sign3A_374 = arith.constant 0 : i32
          %sign3A_375 = arith.cmpi slt, %jit3A_362, %sign3A_374 : i32
          %sign3A_376 = arith.extui %sign3A_375 : i1 to i32
          %sign3A_377 = arith.subi %sign3A_373, %sign3A_376 : i32
          %ne3A_378 = arith.cmpi ne, %sign3A_370, %sign3A_377 : i32
          %rem3A_379 = arith.remsi %scan3A_188, %jit3A_362 : i32
          %ne3A_380 = arith.constant 0 : i32
          %ne3A_381 = arith.cmpi ne, %rem3A_379, %ne3A_380 : i32
          %and3A_382 = arith.andi %ne3A_378, %ne3A_381 : i1
          %sub3A_383 = arith.constant 1 : i32
          %sub3A_384 = arith.subi %div3A_363, %sub3A_383 : i32
          %select_n3A_385 = arith.select %and3A_382, %sub3A_384, %div3A_363 : i32
          %add3A_386 = arith.constant 1 : i32
          %add3A_387 = arith.addi %select_n3A_385, %add3A_386 : i32
          %jit3A_388 = arith.constant 2 : i32
          %eq3A_389 = arith.constant 0 : i32
          %eq3A_390 = arith.cmpi eq, %jit3A_388, %eq3A_389 : i32
          %jit3A_391 = arith.constant 1 : i32
          %select_n3A_392 = arith.select %eq3A_390, %jit3A_391, %jit3A_388 : i32
          %rem3A_393 = arith.remsi %add3A_387, %select_n3A_392 : i32
          %ne3A_394 = arith.constant 0 : i32
          %ne3A_395 = arith.cmpi ne, %rem3A_393, %ne3A_394 : i32
          %lt3A_396 = arith.constant 0 : i32
          %lt3A_397 = arith.cmpi slt, %rem3A_393, %lt3A_396 : i32
          %lt3A_398 = arith.constant 0 : i32
          %lt3A_399 = arith.cmpi slt, %select_n3A_392, %lt3A_398 : i32
          %ne3A_400 = arith.xori %lt3A_397, %lt3A_399 : i1
          %and3A_401 = arith.andi %ne3A_400, %ne3A_395 : i1
          %add3A_402 = arith.addi %rem3A_393, %select_n3A_392 : i32
          %select_n3A_403 = arith.select %and3A_401, %add3A_402, %rem3A_393 : i32
          %mul3A_404 = arith.constant 8 : i32
          %mul3A_405 = arith.muli %add3A_387, %mul3A_404 : i32
          %add3A_406 = arith.addi %mul3A_4, %mul3A_405 : i32
          %dma_start3A_407 = arith.constant 0 : i32
          %dma_start3A_408 = arith.constant 0 : i32
          %dma_start3A_409 = tpu.memref_slice %arg7[%select_n3A_403, %dma_start3A_407, %dma_start3A_408] : memref<2x8x112xi32, #tpu.memory_space<vmem>> -> memref<1x8x112xi32, #tpu.memory_space<vmem>>
          %dma_start3A_410 = tpu.memref_squeeze %dma_start3A_409 : memref<1x8x112xi32, #tpu.memory_space<vmem>> -> memref<8x112xi32, #tpu.memory_space<vmem>>
          %dma_start3A_411 = arith.constant 0 : i32
          %dma_start3A_412 = tpu.memref_slice %arg4[%add3A_406, %dma_start3A_411] : memref<2944x112xi32, #tpu.memory_space<hbm>> -> memref<8x112xi32, #tpu.memory_space<hbm>>
          %dma_start3A_413 = tpu.memref_slice %arg13[%select_n3A_403] : memref<2x!tpu.dma_semaphore, #tpu.memory_space<semaphore_mem>> -> memref<1x!tpu.dma_semaphore, #tpu.memory_space<semaphore_mem>>
          %dma_start3A_414 = tpu.memref_squeeze %dma_start3A_413 : memref<1x!tpu.dma_semaphore, #tpu.memory_space<semaphore_mem>> -> memref<!tpu.dma_semaphore, #tpu.memory_space<semaphore_mem>>
          %dma_start3A_415 = arith.constant 0 : i32
          %dma_start3A_416 = arith.constant 0 : i32
          %dma_start3A_417 = tpu.memref_slice %arg7[%select_n3A_403, %dma_start3A_415, %dma_start3A_416] : memref<2x8x112xi32, #tpu.memory_space<vmem>> -> memref<1x8x112xi32, #tpu.memory_space<vmem>>
          %dma_start3A_418 = tpu.memref_squeeze %dma_start3A_417 : memref<1x8x112xi32, #tpu.memory_space<vmem>> -> memref<8x112xi32, #tpu.memory_space<vmem>>
          %dma_start3A_419 = arith.constant 0 : i32
          %dma_start3A_420 = tpu.memref_slice %arg4[%add3A_406, %dma_start3A_419] : memref<2944x112xi32, #tpu.memory_space<hbm>> -> memref<8x112xi32, #tpu.memory_space<hbm>>
          tpu.enqueue_dma source(%dma_start3A_420 : memref<8x112xi32, #tpu.memory_space<hbm>>) target(%dma_start3A_418 : memref<8x112xi32, #tpu.memory_space<vmem>>) target_semaphore(%dma_start3A_414 : memref<!tpu.dma_semaphore, #tpu.memory_space<semaphore_mem>>)
          %mul3A_421 = arith.constant 8 : i32
          %mul3A_422 = arith.muli %add3A_387, %mul3A_421 : i32
          %add3A_423 = arith.addi %mul3A_4, %mul3A_422 : i32
          %dma_start3A_424 = arith.constant 0 : i32
          %dma_start3A_425 = arith.constant 0 : i32
          %dma_start3A_426 = tpu.memref_slice %arg8[%select_n3A_403, %dma_start3A_424, %dma_start3A_425] : memref<2x8x112xi32, #tpu.memory_space<vmem>> -> memref<1x8x112xi32, #tpu.memory_space<vmem>>
          %dma_start3A_427 = tpu.memref_squeeze %dma_start3A_426 : memref<1x8x112xi32, #tpu.memory_space<vmem>> -> memref<8x112xi32, #tpu.memory_space<vmem>>
          %dma_start3A_428 = arith.constant 0 : i32
          %dma_start3A_429 = tpu.memref_slice %arg5[%add3A_423, %dma_start3A_428] : memref<2944x112xi32, #tpu.memory_space<hbm>> -> memref<8x112xi32, #tpu.memory_space<hbm>>
          %dma_start3A_430 = tpu.memref_slice %arg13[%select_n3A_403] : memref<2x!tpu.dma_semaphore, #tpu.memory_space<semaphore_mem>> -> memref<1x!tpu.dma_semaphore, #tpu.memory_space<semaphore_mem>>
          %dma_start3A_431 = tpu.memref_squeeze %dma_start3A_430 : memref<1x!tpu.dma_semaphore, #tpu.memory_space<semaphore_mem>> -> memref<!tpu.dma_semaphore, #tpu.memory_space<semaphore_mem>>
          %dma_start3A_432 = arith.constant 0 : i32
          %dma_start3A_433 = arith.constant 0 : i32
          %dma_start3A_434 = tpu.memref_slice %arg8[%select_n3A_403, %dma_start3A_432, %dma_start3A_433] : memref<2x8x112xi32, #tpu.memory_space<vmem>> -> memref<1x8x112xi32, #tpu.memory_space<vmem>>
          %dma_start3A_435 = tpu.memref_squeeze %dma_start3A_434 : memref<1x8x112xi32, #tpu.memory_space<vmem>> -> memref<8x112xi32, #tpu.memory_space<vmem>>
          %dma_start3A_436 = arith.constant 0 : i32
          %dma_start3A_437 = tpu.memref_slice %arg5[%add3A_423, %dma_start3A_436] : memref<2944x112xi32, #tpu.memory_space<hbm>> -> memref<8x112xi32, #tpu.memory_space<hbm>>
          tpu.enqueue_dma source(%dma_start3A_437 : memref<8x112xi32, #tpu.memory_space<hbm>>) target(%dma_start3A_435 : memref<8x112xi32, #tpu.memory_space<vmem>>) target_semaphore(%dma_start3A_431 : memref<!tpu.dma_semaphore, #tpu.memory_space<semaphore_mem>>)
        } else {
        }
        %ge3A = arith.constant 1 : i32
        %ge3A_336 = arith.cmpi sge, %scan3A_188, %ge3A : i32
        %convert_element_type3A_337 = arith.extui %ge3A_336 : i1 to i32
        %cond3A_338 = arith.constant 0 : i32
        %cond3A_339 = arith.cmpi ne, %convert_element_type3A_337, %cond3A_338 : i32
        scf.if %cond3A_339 {
          %sub3A_362 = arith.constant 1 : i32
          %sub3A_363 = arith.subi %scan3A_188, %sub3A_362 : i32
          %rem3A_364 = arith.constant 3 : i32
          %rem3A_365 = arith.remsi %sub3A_363, %rem3A_364 : i32
          %jit3A_366 = arith.constant 8 : i32
          %div3A_367 = arith.divsi %sub3A_363, %jit3A_366 : i32
          %sign3A_368 = arith.constant 0 : i32
          %sign3A_369 = arith.cmpi sgt, %sub3A_363, %sign3A_368 : i32
          %sign3A_370 = arith.extui %sign3A_369 : i1 to i32
          %sign3A_371 = arith.constant 0 : i32
          %sign3A_372 = arith.cmpi slt, %sub3A_363, %sign3A_371 : i32
          %sign3A_373 = arith.extui %sign3A_372 : i1 to i32
          %sign3A_374 = arith.subi %sign3A_370, %sign3A_373 : i32
          %sign3A_375 = arith.constant 0 : i32
          %sign3A_376 = arith.cmpi sgt, %jit3A_366, %sign3A_375 : i32
          %sign3A_377 = arith.extui %sign3A_376 : i1 to i32
          %sign3A_378 = arith.constant 0 : i32
          %sign3A_379 = arith.cmpi slt, %jit3A_366, %sign3A_378 : i32
          %sign3A_380 = arith.extui %sign3A_379 : i1 to i32
          %sign3A_381 = arith.subi %sign3A_377, %sign3A_380 : i32
          %ne3A_382 = arith.cmpi ne, %sign3A_374, %sign3A_381 : i32
          %rem3A_383 = arith.remsi %sub3A_363, %jit3A_366 : i32
          %ne3A_384 = arith.constant 0 : i32
          %ne3A_385 = arith.cmpi ne, %rem3A_383, %ne3A_384 : i32
          %and3A_386 = arith.andi %ne3A_382, %ne3A_385 : i1
          %sub3A_387 = arith.constant 1 : i32
          %sub3A_388 = arith.subi %div3A_367, %sub3A_387 : i32
          %select_n3A_389 = arith.select %and3A_386, %sub3A_388, %div3A_367 : i32
          %jit3A_390 = arith.constant 2 : i32
          %eq3A_391 = arith.constant 0 : i32
          %eq3A_392 = arith.cmpi eq, %jit3A_390, %eq3A_391 : i32
          %jit3A_393 = arith.constant 1 : i32
          %select_n3A_394 = arith.select %eq3A_392, %jit3A_393, %jit3A_390 : i32
          %rem3A_395 = arith.remsi %select_n3A_389, %select_n3A_394 : i32
          %ne3A_396 = arith.constant 0 : i32
          %ne3A_397 = arith.cmpi ne, %rem3A_395, %ne3A_396 : i32
          %lt3A_398 = arith.constant 0 : i32
          %lt3A_399 = arith.cmpi slt, %rem3A_395, %lt3A_398 : i32
          %lt3A_400 = arith.constant 0 : i32
          %lt3A_401 = arith.cmpi slt, %select_n3A_394, %lt3A_400 : i32
          %ne3A_402 = arith.xori %lt3A_399, %lt3A_401 : i1
          %and3A_403 = arith.andi %ne3A_402, %ne3A_397 : i1
          %add3A_404 = arith.addi %rem3A_395, %select_n3A_394 : i32
          %select_n3A_405 = arith.select %and3A_403, %add3A_404, %rem3A_395 : i32
          %rem3A_406 = arith.constant 8 : i32
          %rem3A_407 = arith.remsi %sub3A_363, %rem3A_406 : i32
          %rem3A_408 = arith.constant 3 : i32
          %rem3A_409 = arith.remsi %sub3A_363, %rem3A_408 : i32
          %dma_wait3A_410 = arith.constant 0 : i32
          %dma_wait3A_411 = arith.constant 0 : i32
          %dma_wait3A_412 = tpu.memref_slice %arg9[%rem3A_365, %dma_wait3A_410, %dma_wait3A_411] : memref<3x112x128xf32, #tpu.memory_space<vmem>> -> memref<1x112x128xf32, #tpu.memory_space<vmem>>
          %dma_wait3A_413 = tpu.memref_squeeze %dma_wait3A_412 : memref<1x112x128xf32, #tpu.memory_space<vmem>> -> memref<112x128xf32, #tpu.memory_space<vmem>>
          %dma_wait3A_414 = arith.constant 0 : i32
          %dma_wait3A_415 = tpu.memref_slice %arg8[%select_n3A_405, %rem3A_407, %dma_wait3A_414] : memref<2x8x112xi32, #tpu.memory_space<vmem>> -> memref<1x1x112xi32, #tpu.memory_space<vmem>>
          %dma_wait3A_416 = tpu.memref_squeeze %dma_wait3A_415 : memref<1x1x112xi32, #tpu.memory_space<vmem>> -> memref<112xi32, #tpu.memory_space<vmem>>
          %dma_wait3A_417 = arith.constant 0 : i32
          %dma_wait3A_418 = arith.constant 0 : i32
          %dma_wait3A_419 = tpu.memref_slice %arg10[%dma_wait3A_417, %dma_wait3A_418] : memref<10240x128xf32, #tpu.memory_space<vmem_shared>> -> memref<10240x128xf32, #tpu.memory_space<vmem_shared>>
          %dma_wait3A_420 = tpu.memref_slice %arg12[%rem3A_409] : memref<3x!tpu.dma_semaphore, #tpu.memory_space<semaphore_mem>> -> memref<1x!tpu.dma_semaphore, #tpu.memory_space<semaphore_mem>>
          %dma_wait3A_421 = tpu.memref_squeeze %dma_wait3A_420 : memref<1x!tpu.dma_semaphore, #tpu.memory_space<semaphore_mem>> -> memref<!tpu.dma_semaphore, #tpu.memory_space<semaphore_mem>>
          tpu.wait_indirect_dma semaphore(%dma_wait3A_421 : memref<!tpu.dma_semaphore, #tpu.memory_space<semaphore_mem>>) src(%dma_wait3A_413 : memref<112x128xf32, #tpu.memory_space<vmem>>) dst(%dma_wait3A_419 : memref<10240x128xf32, #tpu.memory_space<vmem_shared>>)
        } else {
        }
        %add3A_340 = arith.constant 2 : i32
        %add3A_341 = arith.addi %scan3A_188, %add3A_340 : i32
        %lt3A_342 = arith.constant 184 : i32
        %lt3A_343 = arith.cmpi slt, %add3A_341, %lt3A_342 : i32
        %add3A_344 = arith.constant 2 : i32
        %add3A_345 = arith.addi %scan3A_188, %add3A_344 : i32
        %rem3A_346 = arith.constant 8 : i32
        %rem3A_347 = arith.remsi %add3A_345, %rem3A_346 : i32
        %eq3A_348 = arith.constant 0 : i32
        %eq3A_349 = arith.cmpi eq, %rem3A_347, %eq3A_348 : i32
        %and3A_350 = arith.andi %lt3A_343, %eq3A_349 : i1
        %convert_element_type3A_351 = arith.extui %and3A_350 : i1 to i32
        %cond3A_352 = arith.constant 0 : i32
        %cond3A_353 = arith.cmpi ne, %convert_element_type3A_351, %cond3A_352 : i32
        scf.if %cond3A_353 {
          %add3A_362 = arith.constant 2 : i32
          %add3A_363 = arith.addi %scan3A_188, %add3A_362 : i32
          %jit3A_364 = arith.constant 8 : i32
          %div3A_365 = arith.divsi %add3A_363, %jit3A_364 : i32
          %sign3A_366 = arith.constant 0 : i32
          %sign3A_367 = arith.cmpi sgt, %add3A_363, %sign3A_366 : i32
          %sign3A_368 = arith.extui %sign3A_367 : i1 to i32
          %sign3A_369 = arith.constant 0 : i32
          %sign3A_370 = arith.cmpi slt, %add3A_363, %sign3A_369 : i32
          %sign3A_371 = arith.extui %sign3A_370 : i1 to i32
          %sign3A_372 = arith.subi %sign3A_368, %sign3A_371 : i32
          %sign3A_373 = arith.constant 0 : i32
          %sign3A_374 = arith.cmpi sgt, %jit3A_364, %sign3A_373 : i32
          %sign3A_375 = arith.extui %sign3A_374 : i1 to i32
          %sign3A_376 = arith.constant 0 : i32
          %sign3A_377 = arith.cmpi slt, %jit3A_364, %sign3A_376 : i32
          %sign3A_378 = arith.extui %sign3A_377 : i1 to i32
          %sign3A_379 = arith.subi %sign3A_375, %sign3A_378 : i32
          %ne3A_380 = arith.cmpi ne, %sign3A_372, %sign3A_379 : i32
          %rem3A_381 = arith.remsi %add3A_363, %jit3A_364 : i32
          %ne3A_382 = arith.constant 0 : i32
          %ne3A_383 = arith.cmpi ne, %rem3A_381, %ne3A_382 : i32
          %and3A_384 = arith.andi %ne3A_380, %ne3A_383 : i1
          %sub3A_385 = arith.constant 1 : i32
          %sub3A_386 = arith.subi %div3A_365, %sub3A_385 : i32
          %select_n3A_387 = arith.select %and3A_384, %sub3A_386, %div3A_365 : i32
          %jit3A_388 = arith.constant 2 : i32
          %eq3A_389 = arith.constant 0 : i32
          %eq3A_390 = arith.cmpi eq, %jit3A_388, %eq3A_389 : i32
          %jit3A_391 = arith.constant 1 : i32
          %select_n3A_392 = arith.select %eq3A_390, %jit3A_391, %jit3A_388 : i32
          %rem3A_393 = arith.remsi %select_n3A_387, %select_n3A_392 : i32
          %ne3A_394 = arith.constant 0 : i32
          %ne3A_395 = arith.cmpi ne, %rem3A_393, %ne3A_394 : i32
          %lt3A_396 = arith.constant 0 : i32
          %lt3A_397 = arith.cmpi slt, %rem3A_393, %lt3A_396 : i32
          %lt3A_398 = arith.constant 0 : i32
          %lt3A_399 = arith.cmpi slt, %select_n3A_392, %lt3A_398 : i32
          %ne3A_400 = arith.xori %lt3A_397, %lt3A_399 : i1
          %and3A_401 = arith.andi %ne3A_400, %ne3A_395 : i1
          %add3A_402 = arith.addi %rem3A_393, %select_n3A_392 : i32
          %select_n3A_403 = arith.select %and3A_401, %add3A_402, %rem3A_393 : i32
          %mul3A_404 = arith.constant 8 : i32
          %mul3A_405 = arith.muli %select_n3A_387, %mul3A_404 : i32
          %add3A_406 = arith.addi %mul3A_4, %mul3A_405 : i32
          %dma_wait3A_407 = arith.constant 0 : i32
          %dma_wait3A_408 = arith.constant 0 : i32
          %dma_wait3A_409 = tpu.memref_slice %arg7[%select_n3A_403, %dma_wait3A_407, %dma_wait3A_408] : memref<2x8x112xi32, #tpu.memory_space<vmem>> -> memref<1x8x112xi32, #tpu.memory_space<vmem>>
          %dma_wait3A_410 = tpu.memref_squeeze %dma_wait3A_409 : memref<1x8x112xi32, #tpu.memory_space<vmem>> -> memref<8x112xi32, #tpu.memory_space<vmem>>
          %dma_wait3A_411 = arith.constant 0 : i32
          %dma_wait3A_412 = tpu.memref_slice %arg4[%add3A_406, %dma_wait3A_411] : memref<2944x112xi32, #tpu.memory_space<hbm>> -> memref<8x112xi32, #tpu.memory_space<hbm>>
          %dma_wait3A_413 = tpu.memref_slice %arg13[%select_n3A_403] : memref<2x!tpu.dma_semaphore, #tpu.memory_space<semaphore_mem>> -> memref<1x!tpu.dma_semaphore, #tpu.memory_space<semaphore_mem>>
          %dma_wait3A_414 = tpu.memref_squeeze %dma_wait3A_413 : memref<1x!tpu.dma_semaphore, #tpu.memory_space<semaphore_mem>> -> memref<!tpu.dma_semaphore, #tpu.memory_space<semaphore_mem>>
          %dma_wait3A_415 = arith.constant 0 : i32
          %dma_wait3A_416 = arith.constant 0 : i32
          %dma_wait3A_417 = tpu.memref_slice %arg7[%select_n3A_403, %dma_wait3A_415, %dma_wait3A_416] : memref<2x8x112xi32, #tpu.memory_space<vmem>> -> memref<1x8x112xi32, #tpu.memory_space<vmem>>
          %dma_wait3A_418 = tpu.memref_squeeze %dma_wait3A_417 : memref<1x8x112xi32, #tpu.memory_space<vmem>> -> memref<8x112xi32, #tpu.memory_space<vmem>>
          %dma_wait3A_419 = arith.constant 0 : i32
          %dma_wait3A_420 = tpu.memref_slice %arg4[%add3A_406, %dma_wait3A_419] : memref<2944x112xi32, #tpu.memory_space<hbm>> -> memref<8x112xi32, #tpu.memory_space<hbm>>
          tpu.wait_dma2 semaphore(%dma_wait3A_414 : memref<!tpu.dma_semaphore, #tpu.memory_space<semaphore_mem>>) src(%dma_wait3A_420 : memref<8x112xi32, #tpu.memory_space<hbm>>) dst(%dma_wait3A_418 : memref<8x112xi32, #tpu.memory_space<vmem>>)
          %mul3A_421 = arith.constant 8 : i32
          %mul3A_422 = arith.muli %select_n3A_387, %mul3A_421 : i32
          %add3A_423 = arith.addi %mul3A_4, %mul3A_422 : i32
          %dma_wait3A_424 = arith.constant 0 : i32
          %dma_wait3A_425 = arith.constant 0 : i32
          %dma_wait3A_426 = tpu.memref_slice %arg8[%select_n3A_403, %dma_wait3A_424, %dma_wait3A_425] : memref<2x8x112xi32, #tpu.memory_space<vmem>> -> memref<1x8x112xi32, #tpu.memory_space<vmem>>
          %dma_wait3A_427 = tpu.memref_squeeze %dma_wait3A_426 : memref<1x8x112xi32, #tpu.memory_space<vmem>> -> memref<8x112xi32, #tpu.memory_space<vmem>>
          %dma_wait3A_428 = arith.constant 0 : i32
          %dma_wait3A_429 = tpu.memref_slice %arg5[%add3A_423, %dma_wait3A_428] : memref<2944x112xi32, #tpu.memory_space<hbm>> -> memref<8x112xi32, #tpu.memory_space<hbm>>
          %dma_wait3A_430 = tpu.memref_slice %arg13[%select_n3A_403] : memref<2x!tpu.dma_semaphore, #tpu.memory_space<semaphore_mem>> -> memref<1x!tpu.dma_semaphore, #tpu.memory_space<semaphore_mem>>
          %dma_wait3A_431 = tpu.memref_squeeze %dma_wait3A_430 : memref<1x!tpu.dma_semaphore, #tpu.memory_space<semaphore_mem>> -> memref<!tpu.dma_semaphore, #tpu.memory_space<semaphore_mem>>
          %dma_wait3A_432 = arith.constant 0 : i32
          %dma_wait3A_433 = arith.constant 0 : i32
          %dma_wait3A_434 = tpu.memref_slice %arg8[%select_n3A_403, %dma_wait3A_432, %dma_wait3A_433] : memref<2x8x112xi32, #tpu.memory_space<vmem>> -> memref<1x8x112xi32, #tpu.memory_space<vmem>>
          %dma_wait3A_435 = tpu.memref_squeeze %dma_wait3A_434 : memref<1x8x112xi32, #tpu.memory_space<vmem>> -> memref<8x112xi32, #tpu.memory_space<vmem>>
          %dma_wait3A_436 = arith.constant 0 : i32
          %dma_wait3A_437 = tpu.memref_slice %arg5[%add3A_423, %dma_wait3A_436] : memref<2944x112xi32, #tpu.memory_space<hbm>> -> memref<8x112xi32, #tpu.memory_space<hbm>>
          tpu.wait_dma2 semaphore(%dma_wait3A_431 : memref<!tpu.dma_semaphore, #tpu.memory_space<semaphore_mem>>) src(%dma_wait3A_437 : memref<8x112xi32, #tpu.memory_space<hbm>>) dst(%dma_wait3A_435 : memref<8x112xi32, #tpu.memory_space<vmem>>)
        } else {
        }
        %add3A_354 = arith.constant 2 : i32
        %add3A_355 = arith.addi %scan3A_188, %add3A_354 : i32
        %lt3A_356 = arith.constant 184 : i32
        %lt3A_357 = arith.cmpi slt, %add3A_355, %lt3A_356 : i32
        %convert_element_type3A_358 = arith.extui %lt3A_357 : i1 to i32
        %cond3A_359 = arith.constant 0 : i32
        %cond3A_360 = arith.cmpi ne, %convert_element_type3A_358, %cond3A_359 : i32
        scf.if %cond3A_360 {
          %add3A_362 = arith.constant 2 : i32
          %add3A_363 = arith.addi %scan3A_188, %add3A_362 : i32
          %jit3A_364 = arith.constant 8 : i32
          %div3A_365 = arith.divsi %add3A_363, %jit3A_364 : i32
          %sign3A_366 = arith.constant 0 : i32
          %sign3A_367 = arith.cmpi sgt, %add3A_363, %sign3A_366 : i32
          %sign3A_368 = arith.extui %sign3A_367 : i1 to i32
          %sign3A_369 = arith.constant 0 : i32
          %sign3A_370 = arith.cmpi slt, %add3A_363, %sign3A_369 : i32
          %sign3A_371 = arith.extui %sign3A_370 : i1 to i32
          %sign3A_372 = arith.subi %sign3A_368, %sign3A_371 : i32
          %sign3A_373 = arith.constant 0 : i32
          %sign3A_374 = arith.cmpi sgt, %jit3A_364, %sign3A_373 : i32
          %sign3A_375 = arith.extui %sign3A_374 : i1 to i32
          %sign3A_376 = arith.constant 0 : i32
          %sign3A_377 = arith.cmpi slt, %jit3A_364, %sign3A_376 : i32
          %sign3A_378 = arith.extui %sign3A_377 : i1 to i32
          %sign3A_379 = arith.subi %sign3A_375, %sign3A_378 : i32
          %ne3A_380 = arith.cmpi ne, %sign3A_372, %sign3A_379 : i32
          %rem3A_381 = arith.remsi %add3A_363, %jit3A_364 : i32
          %ne3A_382 = arith.constant 0 : i32
          %ne3A_383 = arith.cmpi ne, %rem3A_381, %ne3A_382 : i32
          %and3A_384 = arith.andi %ne3A_380, %ne3A_383 : i1
          %sub3A_385 = arith.constant 1 : i32
          %sub3A_386 = arith.subi %div3A_365, %sub3A_385 : i32
          %select_n3A_387 = arith.select %and3A_384, %sub3A_386, %div3A_365 : i32
          %jit3A_388 = arith.constant 2 : i32
          %eq3A_389 = arith.constant 0 : i32
          %eq3A_390 = arith.cmpi eq, %jit3A_388, %eq3A_389 : i32
          %jit3A_391 = arith.constant 1 : i32
          %select_n3A_392 = arith.select %eq3A_390, %jit3A_391, %jit3A_388 : i32
          %rem3A_393 = arith.remsi %select_n3A_387, %select_n3A_392 : i32
          %ne3A_394 = arith.constant 0 : i32
          %ne3A_395 = arith.cmpi ne, %rem3A_393, %ne3A_394 : i32
          %lt3A_396 = arith.constant 0 : i32
          %lt3A_397 = arith.cmpi slt, %rem3A_393, %lt3A_396 : i32
          %lt3A_398 = arith.constant 0 : i32
          %lt3A_399 = arith.cmpi slt, %select_n3A_392, %lt3A_398 : i32
          %ne3A_400 = arith.xori %lt3A_397, %lt3A_399 : i1
          %and3A_401 = arith.andi %ne3A_400, %ne3A_395 : i1
          %add3A_402 = arith.addi %rem3A_393, %select_n3A_392 : i32
          %select_n3A_403 = arith.select %and3A_401, %add3A_402, %rem3A_393 : i32
          %rem3A_404 = arith.constant 8 : i32
          %rem3A_405 = arith.remsi %add3A_363, %rem3A_404 : i32
          %rem3A_406 = arith.constant 3 : i32
          %rem3A_407 = arith.remsi %add3A_363, %rem3A_406 : i32
          %rem3A_408 = arith.constant 3 : i32
          %rem3A_409 = arith.remsi %add3A_363, %rem3A_408 : i32
          %dma_start3A_410 = arith.constant 0 : i32
          %dma_start3A_411 = arith.constant 0 : i32
          %dma_start3A_412 = tpu.memref_slice %arg9[%rem3A_407, %dma_start3A_410, %dma_start3A_411] : memref<3x112x128xf32, #tpu.memory_space<vmem>> -> memref<1x112x128xf32, #tpu.memory_space<vmem>>
          %dma_start3A_413 = tpu.memref_squeeze %dma_start3A_412 : memref<1x112x128xf32, #tpu.memory_space<vmem>> -> memref<112x128xf32, #tpu.memory_space<vmem>>
          %dma_start3A_414 = arith.constant 0 : i32
          %dma_start3A_415 = tpu.memref_slice %arg7[%select_n3A_403, %rem3A_405, %dma_start3A_414] : memref<2x8x112xi32, #tpu.memory_space<vmem>> -> memref<1x1x112xi32, #tpu.memory_space<vmem>>
          %dma_start3A_416 = tpu.memref_squeeze %dma_start3A_415 : memref<1x1x112xi32, #tpu.memory_space<vmem>> -> memref<112xi32, #tpu.memory_space<vmem>>
          %dma_start3A_417 = arith.constant 0 : i32
          %dma_start3A_418 = arith.constant 0 : i32
          %dma_start3A_419 = tpu.memref_slice %arg2[%dma_start3A_417, %dma_start3A_418] : memref<10000x128xf32, #tpu.memory_space<hbm>> -> memref<10000x128xf32, #tpu.memory_space<hbm>>
          %dma_start3A_420 = tpu.memref_slice %arg11[%rem3A_409] : memref<3x!tpu.dma_semaphore, #tpu.memory_space<semaphore_mem>> -> memref<1x!tpu.dma_semaphore, #tpu.memory_space<semaphore_mem>>
          %dma_start3A_421 = tpu.memref_squeeze %dma_start3A_420 : memref<1x!tpu.dma_semaphore, #tpu.memory_space<semaphore_mem>> -> memref<!tpu.dma_semaphore, #tpu.memory_space<semaphore_mem>>
          tpu.enqueue_indirect_dma source(%dma_start3A_419 : memref<10000x128xf32, #tpu.memory_space<hbm>>) target(%dma_start3A_413 : memref<112x128xf32, #tpu.memory_space<vmem>>) offsets(%dma_start3A_416 : memref<112xi32, #tpu.memory_space<vmem>>) semaphore(%dma_start3A_421 : memref<!tpu.dma_semaphore, #tpu.memory_space<semaphore_mem>>)
        } else {
        }
        %scan3A_361 = arith.constant 0 : i32
        scf.yield %scan3A_361 : i32
      }
      %scan3A_165 = arith.constant 184 : i32
      %rem3A_166 = arith.constant 183 : i32
      %rem3A_167 = arith.constant 3 : i32
      %rem3A_168 = arith.remsi %rem3A_166, %rem3A_167 : i32
      %rem3A_169 = arith.constant 183 : i32
      %rem3A_170 = arith.constant 8 : i32
      %rem3A_171 = arith.remsi %rem3A_169, %rem3A_170 : i32
      %rem3A_172 = arith.constant 183 : i32
      %rem3A_173 = arith.constant 3 : i32
      %rem3A_174 = arith.remsi %rem3A_172, %rem3A_173 : i32
      %dma_wait3A_175 = arith.constant 0 : i32
      %dma_wait3A_176 = arith.constant 0 : i32
      %dma_wait3A_177 = arith.constant 0 : i32
      %dma_wait3A_178 = tpu.memref_slice %arg9[%rem3A_168, %dma_wait3A_176, %dma_wait3A_177] : memref<3x112x128xf32, #tpu.memory_space<vmem>> -> memref<1x112x128xf32, #tpu.memory_space<vmem>>
      %dma_wait3A_179 = tpu.memref_squeeze %dma_wait3A_178 : memref<1x112x128xf32, #tpu.memory_space<vmem>> -> memref<112x128xf32, #tpu.memory_space<vmem>>
      %dma_wait3A_180 = arith.constant 0 : i32
      %dma_wait3A_181 = tpu.memref_slice %arg8[%dma_wait3A_175, %rem3A_171, %dma_wait3A_180] : memref<2x8x112xi32, #tpu.memory_space<vmem>> -> memref<1x1x112xi32, #tpu.memory_space<vmem>>
      %dma_wait3A_182 = tpu.memref_squeeze %dma_wait3A_181 : memref<1x1x112xi32, #tpu.memory_space<vmem>> -> memref<112xi32, #tpu.memory_space<vmem>>
      %dma_wait3A_183 = arith.constant 0 : i32
      %dma_wait3A_184 = arith.constant 0 : i32
      %dma_wait3A_185 = tpu.memref_slice %arg10[%dma_wait3A_183, %dma_wait3A_184] : memref<10240x128xf32, #tpu.memory_space<vmem_shared>> -> memref<10240x128xf32, #tpu.memory_space<vmem_shared>>
      %dma_wait3A_186 = tpu.memref_slice %arg12[%rem3A_174] : memref<3x!tpu.dma_semaphore, #tpu.memory_space<semaphore_mem>> -> memref<1x!tpu.dma_semaphore, #tpu.memory_space<semaphore_mem>>
      %dma_wait3A_187 = tpu.memref_squeeze %dma_wait3A_186 : memref<1x!tpu.dma_semaphore, #tpu.memory_space<semaphore_mem>> -> memref<!tpu.dma_semaphore, #tpu.memory_space<semaphore_mem>>
      tpu.wait_indirect_dma semaphore(%dma_wait3A_187 : memref<!tpu.dma_semaphore, #tpu.memory_space<semaphore_mem>>) src(%dma_wait3A_179 : memref<112x128xf32, #tpu.memory_space<vmem>>) dst(%dma_wait3A_185 : memref<10240x128xf32, #tpu.memory_space<vmem_shared>>)
    } else {
    }
    %barrier3A_8 = arith.constant 0 : index
    tpu.barrier barrier_id(%barrier3A_8)
    %convert_element_type3A_9 = arith.extui %eq3A_0 : i1 to i32
    %cond3A_10 = arith.constant 0 : i32
    %cond3A_11 = arith.cmpi ne, %convert_element_type3A_9, %cond3A_10 : i32
    scf.if %cond3A_11 {
      "tpu.region"() ({
        %run_scoped3A = tpu.sem_alloc : memref<!tpu.dma_semaphore, #tpu.memory_space<semaphore_mem>>
        %dma_start3A = arith.constant 0 : i32
        %dma_start3A_12 = tpu.memref_slice %arg6[%mul3A_1, %dma_start3A] : memref<10240x128xf32, #tpu.memory_space<hbm>> -> memref<640x128xf32, #tpu.memory_space<hbm>>
        %dma_start3A_13 = arith.constant 0 : i32
        %dma_start3A_14 = tpu.memref_slice %arg10[%mul3A_1, %dma_start3A_13] : memref<10240x128xf32, #tpu.memory_space<vmem_shared>> -> memref<640x128xf32, #tpu.memory_space<vmem_shared>>
        tpu.enqueue_dma source(%dma_start3A_14 : memref<640x128xf32, #tpu.memory_space<vmem_shared>>) target(%dma_start3A_12 : memref<640x128xf32, #tpu.memory_space<hbm>>) target_semaphore(%run_scoped3A : memref<!tpu.dma_semaphore, #tpu.memory_space<semaphore_mem>>)
        %dma_wait3A = arith.constant 0 : i32
        %dma_wait3A_15 = tpu.memref_slice %arg6[%mul3A_1, %dma_wait3A] : memref<10240x128xf32, #tpu.memory_space<hbm>> -> memref<640x128xf32, #tpu.memory_space<hbm>>
        %dma_wait3A_16 = arith.constant 0 : i32
        %dma_wait3A_17 = tpu.memref_slice %arg10[%mul3A_1, %dma_wait3A_16] : memref<10240x128xf32, #tpu.memory_space<vmem_shared>> -> memref<640x128xf32, #tpu.memory_space<vmem_shared>>
        tpu.wait_dma2 semaphore(%run_scoped3A : memref<!tpu.dma_semaphore, #tpu.memory_space<semaphore_mem>>) src(%dma_wait3A_17 : memref<640x128xf32, #tpu.memory_space<vmem_shared>>) dst(%dma_wait3A_15 : memref<640x128xf32, #tpu.memory_space<hbm>>)
        tpu.yield
      }) : () -> ()
    } else {
    }
    return
  }
}

module attributes {stable_mosaic.version = 14 : i64} {
  func.func @body(%arg0: memref<10000x128xf32, #tpu.memory_space<vmem>>, %arg1: memref<128x128xf32, #tpu.memory_space<vmem>>, %arg2: memref<10240x1xf32, #tpu.memory_space<vmem>>, %arg3: memref<10000x128xf32, #tpu.memory_space<vmem>>, %arg4: memref<10000x1xf32, #tpu.memory_space<vmem>>) attributes {dimension_semantics = [], scalar_prefetch = 0 : i64, scratch_operands = 0 : i64, tpu.core_type = #tpu.core_type<tc>} {
    %get3A = arith.constant 0 : index
    %get3A_0 = arith.constant 0 : index
    %get3A_1 = vector.load %arg2[%get3A, %get3A_0] : memref<10240x1xf32, #tpu.memory_space<vmem>>, vector<10000x1xf32>
    %add3A = arith.constant 1.000000e+00 : f32
    %add3A_2 = vector.broadcast %add3A : f32 to vector<10000x1xf32>
    %add3A_3 = arith.addf %get3A_1, %add3A_2 : vector<10000x1xf32>
    %rsqrt3A = math.rsqrt %add3A_3 : vector<10000x1xf32>
    %swap3A = arith.constant 0 : index
    %swap3A_4 = arith.constant 0 : index
    %swap3A_5 = vector.load %arg4[%swap3A, %swap3A_4] : memref<10000x1xf32, #tpu.memory_space<vmem>>, vector<10000x1xf32>
    tpu.vector_store %arg4[%swap3A, %swap3A_4], %rsqrt3A {strides = array<i32>} : memref<10000x1xf32, #tpu.memory_space<vmem>>, vector<10000x1xf32>,
    %get3A_6 = arith.constant 0 : index
    %get3A_7 = arith.constant 0 : index
    %get3A_8 = vector.load %arg0[%get3A_6, %get3A_7] : memref<10000x128xf32, #tpu.memory_space<vmem>>, vector<10000x128xf32>
    %get3A_9 = arith.constant 0 : index
    %get3A_10 = arith.constant 0 : index
    %get3A_11 = vector.load %arg1[%get3A_9, %get3A_10] : memref<128x128xf32, #tpu.memory_space<vmem>>, vector<128x128xf32>
    %dot_general3A = arith.constant dense<0.000000e+00> : vector<10000x128xf32>
    %dot_general3A_12 = tpu.matmul %get3A_8, %get3A_11, %dot_general3A {dimension_numbers = #tpu.dot_dimension_numbers<[1], [0], [0], [1], [0, 0, 1, 1], [], []>, transpose_lhs_hint = false} : vector<10000x128xf32>, vector<128x128xf32>, vector<10000x128xf32> -> vector<10000x128xf32>
    %mul3A = vector.broadcast %rsqrt3A : vector<10000x1xf32> to vector<10000x128xf32>
    %mul3A_13 = arith.mulf %mul3A, %dot_general3A_12 : vector<10000x128xf32>
    %swap3A_14 = arith.constant 0 : index
    %swap3A_15 = arith.constant 0 : index
    %swap3A_16 = vector.load %arg3[%swap3A_14, %swap3A_15] : memref<10000x128xf32, #tpu.memory_space<vmem>>, vector<10000x128xf32>
    tpu.vector_store %arg3[%swap3A_14, %swap3A_15], %mul3A_13 {strides = array<i32>} : memref<10000x128xf32, #tpu.memory_space<vmem>>, vector<10000x128xf32>,
    return
  }
}

module attributes {stable_mosaic.version = 14 : i64} {
  func.func @body(%arg0: memref<10240x128xf32, #tpu.memory_space<vmem>>, %arg1: memref<10000x128xf32, #tpu.memory_space<vmem>>, %arg2: memref<10000x1xf32, #tpu.memory_space<vmem>>, %arg3: memref<1x128xf32, #tpu.memory_space<vmem>>, %arg4: memref<128x128xf32, #tpu.memory_space<vmem>>, %arg5: memref<10000x128xf32, #tpu.memory_space<vmem>>) attributes {dimension_semantics = [], scalar_prefetch = 0 : i64, scratch_operands = 0 : i64, tpu.core_type = #tpu.core_type<tc>} {
    %get3A = arith.constant 0 : index
    %get3A_0 = arith.constant 0 : index
    %get3A_1 = vector.load %arg2[%get3A, %get3A_0] : memref<10000x1xf32, #tpu.memory_space<vmem>>, vector<10000x1xf32>
    %get3A_2 = arith.constant 0 : index
    %get3A_3 = arith.constant 0 : index
    %get3A_4 = vector.load %arg0[%get3A_2, %get3A_3] : memref<10240x128xf32, #tpu.memory_space<vmem>>, vector<10000x128xf32>
    %get3A_5 = arith.constant 0 : index
    %get3A_6 = arith.constant 0 : index
    %get3A_7 = vector.load %arg1[%get3A_5, %get3A_6] : memref<10000x128xf32, #tpu.memory_space<vmem>>, vector<10000x128xf32>
    %add3A = arith.addf %get3A_4, %get3A_7 : vector<10000x128xf32>
    %mul3A = vector.broadcast %get3A_1 : vector<10000x1xf32> to vector<10000x128xf32>
    %mul3A_8 = arith.mulf %mul3A, %add3A : vector<10000x128xf32>
    %get3A_9 = arith.constant 0 : index
    %get3A_10 = arith.constant 0 : index
    %get3A_11 = vector.load %arg3[%get3A_9, %get3A_10] : memref<1x128xf32, #tpu.memory_space<vmem>>, vector<1x128xf32>
    %add3A_12 = vector.broadcast %get3A_11 : vector<1x128xf32> to vector<10000x128xf32>
    %add3A_13 = arith.addf %mul3A_8, %add3A_12 : vector<10000x128xf32>
    %max3A = arith.constant 0.000000e+00 : f32
    %max3A_14 = vector.broadcast %max3A : f32 to vector<10000x128xf32>
    %max3A_15 = arith.maximumf %add3A_13, %max3A_14 : vector<10000x128xf32>
    %get3A_16 = arith.constant 0 : index
    %get3A_17 = arith.constant 0 : index
    %get3A_18 = vector.load %arg4[%get3A_16, %get3A_17] : memref<128x128xf32, #tpu.memory_space<vmem>>, vector<128x128xf32>
    %dot_general3A = arith.constant dense<0.000000e+00> : vector<10000x128xf32>
    %dot_general3A_19 = tpu.matmul %max3A_15, %get3A_18, %dot_general3A {dimension_numbers = #tpu.dot_dimension_numbers<[1], [0], [0], [1], [0, 0, 1, 1], [], []>, transpose_lhs_hint = false} : vector<10000x128xf32>, vector<128x128xf32>, vector<10000x128xf32> -> vector<10000x128xf32>
    %mul3A_20 = vector.broadcast %get3A_1 : vector<10000x1xf32> to vector<10000x128xf32>
    %mul3A_21 = arith.mulf %mul3A_20, %dot_general3A_19 : vector<10000x128xf32>
    %swap3A = arith.constant 0 : index
    %swap3A_22 = arith.constant 0 : index
    %swap3A_23 = vector.load %arg5[%swap3A, %swap3A_22] : memref<10000x128xf32, #tpu.memory_space<vmem>>, vector<10000x128xf32>
    tpu.vector_store %arg5[%swap3A, %swap3A_22], %mul3A_21 {strides = array<i32>} : memref<10000x128xf32, #tpu.memory_space<vmem>>, vector<10000x128xf32>,
    return
  }
}

module attributes {stable_mosaic.version = 14 : i64} {
  func.func @body(%arg0: memref<10240x128xf32, #tpu.memory_space<vmem>>, %arg1: memref<10000x128xf32, #tpu.memory_space<vmem>>, %arg2: memref<10000x1xf32, #tpu.memory_space<vmem>>, %arg3: memref<1x16xf32, #tpu.memory_space<vmem>>, %arg4: memref<10000x16xf32, #tpu.memory_space<vmem>>) attributes {dimension_semantics = [], scalar_prefetch = 0 : i64, scratch_operands = 0 : i64, tpu.core_type = #tpu.core_type<tc>} {
    %get3A = arith.constant 0 : index
    %get3A_0 = arith.constant 0 : index
    %get3A_1 = vector.load %arg2[%get3A, %get3A_0] : memref<10000x1xf32, #tpu.memory_space<vmem>>, vector<10000x1xf32>
    %get3A_2 = arith.constant 0 : index
    %get3A_3 = arith.constant 0 : index
    %get3A_4 = vector.load %arg0[%get3A_2, %get3A_3] : memref<10240x128xf32, #tpu.memory_space<vmem>>, vector<10000x16xf32>
    %get3A_5 = arith.constant 0 : index
    %get3A_6 = arith.constant 0 : index
    %get3A_7 = vector.load %arg1[%get3A_5, %get3A_6] : memref<10000x128xf32, #tpu.memory_space<vmem>>, vector<10000x16xf32>
    %add3A = arith.addf %get3A_4, %get3A_7 : vector<10000x16xf32>
    %mul3A = vector.broadcast %get3A_1 : vector<10000x1xf32> to vector<10000x16xf32>
    %mul3A_8 = arith.mulf %mul3A, %add3A : vector<10000x16xf32>
    %get3A_9 = arith.constant 0 : index
    %get3A_10 = arith.constant 0 : index
    %get3A_11 = vector.load %arg3[%get3A_9, %get3A_10] : memref<1x16xf32, #tpu.memory_space<vmem>>, vector<1x16xf32>
    %add3A_12 = vector.broadcast %get3A_11 : vector<1x16xf32> to vector<10000x16xf32>
    %add3A_13 = arith.addf %mul3A_8, %add3A_12 : vector<10000x16xf32>
    %reduce_max3A = arith.constant dense<0xFF800000> : vector<10000xf32>
    %reduce_max3A_14 = vector.multi_reduction <maximumf>, %add3A_13, %reduce_max3A [1] : vector<10000x16xf32> to vector<10000xf32>
    %broadcast_in_dim3A = vector.shape_cast %reduce_max3A_14 : vector<10000xf32> to vector<10000x1xf32>
    %sub3A = vector.broadcast %broadcast_in_dim3A : vector<10000x1xf32> to vector<10000x16xf32>
    %sub3A_15 = arith.subf %add3A_13, %sub3A : vector<10000x16xf32>
    %exp3A = math.exp %sub3A_15 : vector<10000x16xf32>
    %reduce_sum3A = arith.constant dense<0.000000e+00> : vector<10000xf32>
    %reduce_sum3A_16 = vector.multi_reduction <add>, %exp3A, %reduce_sum3A [1] : vector<10000x16xf32> to vector<10000xf32>
    %broadcast_in_dim3A_17 = vector.shape_cast %reduce_sum3A_16 : vector<10000xf32> to vector<10000x1xf32>
    %log3A = math.log %broadcast_in_dim3A_17 : vector<10000x1xf32>
    %add3A_18 = arith.addf %broadcast_in_dim3A, %log3A : vector<10000x1xf32>
    %sub3A_19 = vector.broadcast %add3A_18 : vector<10000x1xf32> to vector<10000x16xf32>
    %sub3A_20 = arith.subf %add3A_13, %sub3A_19 : vector<10000x16xf32>
    %swap3A = arith.constant 0 : index
    %swap3A_21 = arith.constant 0 : index
    %swap3A_22 = vector.load %arg4[%swap3A, %swap3A_21] : memref<10000x16xf32, #tpu.memory_space<vmem>>, vector<10000x16xf32>
    tpu.vector_store %arg4[%swap3A, %swap3A_21], %sub3A_20 {strides = array<i32>} : memref<10000x16xf32, #tpu.memory_space<vmem>>, vector<10000x16xf32>,
    return
  }
}

</mosaic_0001>

<sc_bundles>
// kernel: kernel.14.cloned.1.call-start
scs
__scs_entry_jumppad:
0x0: {  	(pc) =	sbr.rel $0x88, $3  }
0x1: {  	(tag) =	ssettag $0x0;
	lr =	simm.s32 $0x1  }
0x2: {  	[smem:$0x3F97] =	sst lr;
	_ =	strace $0xD0000000  }
0x3: {  	_ = 	snop  }
0x4: {  	_ = 	snop  }
0x5: {  	_ = 	snop  }
0x6: {  	_ = 	snop  }
0x7: {  	_ = 	snop  }
__scs_overlays_trampoline_lowered:
0x8: {  	[smem:$0x3FA6] =	sst s0  }
0x9: {  	[smem:$0x3FA7] =	sst s1  }
0xa: {  	[smem:$0x3FA8] =	sst s2  }
0xb: {  	[smem:$0x3FA9] =	sst s3  }
0xc: {  	[smem:$0x3FAA] =	sst s4  }
0xd: {  	[smem:$0x3FAB] =	sst s5  }
0xe: {  	[smem:$0x3FAC] =	sst s6  }
0xf: {  	[smem:$0x3FAD] =	sst s7  }
0x10: {  	[smem:$0x3FAE] =	sst s8  }
0x11: {  	[smem:$0x3FAF] =	sst s9;
	s0 =	simm.s32 @!p0 $0x0  }
0x12: {  	s1 =	sld [smem:$0x3F95];
	s0 =	simm.s32 @p0 $0x1  }
0x13: {  	[smem:$0x3FB0] =	sst s0;
	s0 =	simm.s32 @!p1 $0x0  }
0x14: {  	s2 =	sld [smem:$0x3F94];
	s0 =	simm.s32 @p1 $0x1  }
0x15: {  	[smem:$0x3FB1] =	sst s0;
	s0 =	simm.s32 @!p2 $0x0  }
0x16: {  	s3 =	sld [smem:$0x3FDB];
	s0 =	simm.s32 @p2 $0x1  }
0x17: {  	s4 =	simm.s32 $0x1BF5;
	[smem:$0x3FB3] =	sst s0  }
0x18: {  	s0 =	sld [smem:$0x3F96];
	_ =	swait.ge [sflag:s4], $0x0  }
0x19: {  	s7 =	sld [smem:$0x3F97]  }
0x1a: {  	s8 =	sadd.s32 $0xFFFFE003, lr  }
0x1b: {  	s9 =	sadd.s32 $0xFFFFFEF7, lr;
	s5 =	simm.s32 $0xFFFFFFFF;
	p2 =	slt.u32 s8, $0xFFFFF086  }
0x1c: {  	p1 =	slt.u32 s9, $0xF7A;
	s5 =	simm.s32 @!p2 $0x0  }
0x1d: {  	s5 =	simm.s32 @p1 $0x1;
	p0 =	seq.s32 s7, s2  }
0x1e: {  	s7 =	smul.u32 @!p0 $0xF7A, s2;
	p2 =	seq.s32 @!p0 s5, $0x0  }
0x1f: {  	s9 =	smul.u32 $0xF7A, s1;
	s8 =	simm.s32 @!p0 $0x1BF5;
	p2 =	por !p2, p0  }
0x20: {  	[sflag:s8] =	ssyncset.s32 @!p0 $0xFFFFF086;
	s6 =	sadd.s32 @!p0 s3, s7;
	s7 =	simm.s32 @!p0 $0x108  }
0x21: {  	s3 =	sadd.s32 s3, s9;
	s6 =	sadd.s32 @!p0 $0x88, s6;
	s7 =	simm.s32 @p2 $0x1082  }
0x22: {  	[simem:s7], [sflag:s8] =	dma.local @!p0 [hbm:s6], $0xF7A  }
0x23: {  	s9 =	sor.u32 $0xD0000000, s2;
	s6 =	simm.s32 $0x108;
	_ =	swait.ge @!p0 [sflag:s8], $0x0  }
0x24: {  	s3 =	sadd.s32 $0x88, s3;
	s6 =	simm.s32 @!p1 $0x1082;
	[sflag:s4] =	ssyncset.s32 $0xFFFFF086  }
0x25: {  	[simem:s6], [sflag:s4] =	dma.local [hbm:s3], $0xF7A  }
0x26: {  	[smem:$0x3F97] =	sst s1;
	(tag) =	ssettag s2;
	_ =	strace s9  }
0x27: {  	s1 =	sld [smem:$0x3FA7]  }
0x28: {  	s2 =	sld [smem:$0x3FA8]  }
0x29: {  	s4 =	sld [smem:$0x3FAA]  }
0x2a: {  	p0 =	seq.s32 s5, $0x0;
	s5 =	sld [smem:$0x3FAB]  }
0x2b: {  	s6 =	sld [smem:$0x3FAC]  }
0x2c: {  	s7 =	sld [smem:$0x3FAD]  }
0x2d: {  	s3 =	simm.s32 $0x108;
	s8 =	sld [smem:$0x3FAE]  }
0x2e: {  	s3 =	simm.s32 @!p0 $0x1082;
	s9 =	sld [smem:$0x3FAF]  }
0x2f: {  	lr =	sadd.s32 s0, s3;
	s0 =	sld [smem:$0x3FA6]  }
0x30: {  	s3 =	sld [smem:$0x3FA9]  }
0x31: {  	[smem:$0x3FB2] =	sst s10  }
0x32: {  	s10 =	sld [smem:$0x3FB0];
	_ =	sdelay $0x3  }
0x33: {  	p0 =	seq.s32 s10, $0x1;
	s10 =	sld [smem:$0x3FB2];
	_ =	sdelay $0x3  }
0x34: {  	[smem:$0x3FB2] =	sst s10  }
0x35: {  	s10 =	sld [smem:$0x3FB1];
	_ =	sdelay $0x3  }
0x36: {  	p1 =	seq.s32 s10, $0x1;
	s10 =	sld [smem:$0x3FB2];
	_ =	sdelay $0x3  }
0x37: {  	[smem:$0x3FB2] =	sst s10  }
0x38: {  	s10 =	sld [smem:$0x3FB3]  }
0x39: {  	_ = 	snop;
	(pc) =	sbr.ind lr, $3  }
0x3a: {  	_ = 	snop  }
0x3b: {  	_ = 	snop  }
0x3c: {  	p2 =	seq.s32 s10, $0x1;
	s10 =	sld [smem:$0x3FB2]  }
0x3d: {  	_ =	shalt  }
0x3e: {  	_ =	shalt  }
0x3f: {  	_ =	shalt  }
0x40: {  	_ =	shalt  }
0x41: {  	_ =	shalt  }
0x42: {  	_ =	shalt  }
0x43: {  	_ =	shalt  }
0x44: {  	_ =	shalt  }
0x45: {  	_ =	shalt  }
0x46: {  	_ =	shalt  }
0x47: {  	_ =	shalt  }
0x48: {  	_ =	shalt  }
0x49: {  	_ =	shalt  }
0x4a: {  	_ =	shalt  }
0x4b: {  	_ =	shalt  }
0x4c: {  	_ =	shalt  }
0x4d: {  	_ =	shalt  }
0x4e: {  	_ =	shalt  }
0x4f: {  	_ =	shalt  }
0x50: {  	_ =	shalt  }
0x51: {  	_ =	shalt  }
0x52: {  	_ =	shalt  }
0x53: {  	_ =	shalt  }
0x54: {  	_ =	shalt  }
0x55: {  	_ =	shalt  }
0x56: {  	_ =	shalt  }
0x57: {  	_ =	shalt  }
0x58: {  	_ =	shalt  }
0x59: {  	_ =	shalt  }
0x5a: {  	_ =	shalt  }
0x5b: {  	_ =	shalt  }
0x5c: {  	_ =	shalt  }
0x5d: {  	_ =	shalt  }
0x5e: {  	_ =	shalt  }
0x5f: {  	_ =	shalt  }
0x60: {  	_ =	shalt  }
0x61: {  	_ =	shalt  }
0x62: {  	_ =	shalt  }
0x63: {  	_ =	shalt  }
0x64: {  	_ =	shalt  }
0x65: {  	_ =	shalt  }
0x66: {  	_ =	shalt  }
0x67: {  	_ =	shalt  }
0x68: {  	_ =	shalt  }
0x69: {  	_ =	shalt  }
0x6a: {  	_ =	shalt  }
0x6b: {  	_ =	shalt  }
0x6c: {  	_ =	shalt  }
0x6d: {  	_ =	shalt  }
0x6e: {  	_ =	shalt  }
0x6f: {  	_ =	shalt  }
0x70: {  	_ =	shalt  }
0x71: {  	_ =	shalt  }
0x72: {  	_ =	shalt  }
0x73: {  	_ =	shalt  }
0x74: {  	_ =	shalt  }
0x75: {  	_ =	shalt  }
0x76: {  	_ =	shalt  }
0x77: {  	_ =	shalt  }
0x78: {  	_ =	shalt  }
0x79: {  	_ =	shalt  }
0x7a: {  	_ =	shalt  }
0x7b: {  	_ =	shalt  }
0x7c: {  	_ =	shalt  }
0x7d: {  	_ =	shalt  }
0x7e: {  	_ =	shalt  }
0x7f: {  	_ =	shalt  }
0x80: {  	_ =	shalt  }
0x81: {  	_ =	shalt  }
0x82: {  	_ =	shalt  }
0x83: {  	_ =	shalt  }
0x84: {  	_ =	shalt  }
0x85: {  	_ =	shalt  }
0x86: {  	_ =	shalt  }
0x87: {  	_ =	shalt  }
.Lfunc_end0:
.L_simem_size_0:
called_computation_lowered:
.L_overlay_start_0:
0x88: {  	s2 =	sld [smem:$0x3FD9]  }
0x89: {  	s3 =	sld [smem:$0x3FFE];
	_ =	sdelay $0x1  }
0x8a: {  	s1 =	srdreg.scid  }
0x8b: {  	s0 =	sand.u32 $0x1, s1  }
0x8c: {  	s17 =	sshll.u32 s0, $0xA;
	s2 =	sadd.s32 s3, s2  }
0x8d: {  	s2 =	sadd.s32 s2, s17  }
0x8e: {  	[smem:$0x3FBE] =	sst s2  }
0x8f: {  	_ = 	snop  }
0x90: {  	s2 =	sld [smem:$0x3FD0];
	(tm) =	ssettm $0x1  }
0x91: {  	s18 =	sld [smem:$0x3FFB];
	_ =	sdelay $0x3  }
0x92: {  	_ =	strace s18  }
0x93: {  	s3 =	sld [smem:$0x3FFC];
	_ =	sdelay $0x3  }
0x94: {  	_ =	strace s3  }
0x95: {  	s3 =	sld [smem:$0x3FFD];
	_ =	sdelay $0x3  }
0x96: {  	_ =	strace s3  }
0x97: {  	_ =	strace $0x8FFFFFFF  }
0x98: {  	s19 =	sld [smem:$0x3FDB];
	_ =	sdelay $0x1  }
0x99: {  	s4 =	simm.s32 $_scs_section_size  }
0x9a: {  	s5 =	simm.s32 $_size__tile_overlayer_lowered;
	s6 =	simm.s32 $_tile_overlayer_lowered  }
0x9b: {  	s22 =	simm.s32 $0x1BFF;
	s21 =	sshll.u32 s6, $0x1;
	s3 =	sadd.s32 s4, s19  }
0x9c: {  	s7 =	simm.s32 $0x0;
	s20 =	sshll.u32 s5, $0x1;
	s5 =	sadd.s32 s21, s3  }
0x9d: {  	[timem:s7], [sflag:s22] =	dma.local [hbm:s5], s20  }
0x9e: {  	_ =	swait.ge [sflag:s22], s20  }
0x9f: {  	s4 =	ssub.s32 $0x0, s20;
	[sflag:s22] =	ssyncset.done $0x0  }
0xa0: {  	[sflag:s22] =	ssyncadd.s32 s4;
	_ =	sdelay $0x1  }
0xa1: {  	s23 =	simm.s32 $0x1B8B  }
0xa2: {  	_ =	swait.ge [sflag:s23], $0x1  }
0xa3: {  	[sflag:s23] =	ssyncset.done $0x0  }
0xa4: {  	s25 =	simm.s32 $0x1B8E;
	s24 =	sld [smem:$0x3FFE];
	[sflag:s23] =	ssyncadd.s32 $0xFFFFFFFF  }
0xa5: {  	s26 =	simm.s32 $execute0_lowered;
	[smem:$0x3FD2] =	sst s25  }
0xa6: {  	s5 =	sshll.u32 s26, $0x1;
	_ =	strace $0x80000046;
	[dreg:$0x1] =	wrdreg $0xFFFFFFFF  }
0xa7: {  	s28 =	simm.s32 $_size_execute0_lowered;
	s3 =	sadd.s32 s3, s5;
	[dreg:$0x0] =	wrdreg $0x0  }
0xa8: {  	s5 =	sshll.u32 s28, $0x1;
	[dreg:$0x2] =	wrdreg s3  }
0xa9: {  	[dreg:$0x3] =	wrdreg s5  }
0xaa: {  	[dreg:$0x4] =	wrdreg $0xC0  }
0xab: {  	_ =	task [dreg:s7], $0x5FFFF  }
0xac: {  	[dreg:$0x1] =	wrdreg $0xFFFFFFFF  }
0xad: {  	[dreg:$0x0] =	wrdreg $0x60  }
0xae: {  	[dreg:$0x2] =	wrdreg s2  }
0xaf: {  	[dreg:$0x3] =	wrdreg s24  }
0xb0: {  	[dreg:$0x4] =	wrdreg $0x5C800  }
0xb1: {  	[dreg:$0x5] =	wrdreg $0x9  }
0xb2: {  	_ =	task.clear_ibuf [dreg:s7], $0x6FFFF;
	_ =	strace $0x90000046  }
0xb3: {  	s29 =	simm.s32 $0x9;
	_ =	strace $0x80000048  }
0xb4: {  	_ =	swait.ge [sflag:s29], $0x1  }
0xb5: {  	[sflag:s29] =	ssyncadd.s32 $0xFFFFFFFF  }
0xb6: {  	_ =	strace $0x90000048  }
0xb7: {  	_ =	sfence  }
0xb8: {  	s30 =	sld [smem:$0x0];
	_ =	sdelay $0x2  }
0xb9: {  	s31 =	sshll.u32 s1, $0xD;
	s1 =	sshrl.u32 s1, $0x2  }
0xba: {  	s3 =	sand.u32 $0x4000, s31;
	s1 =	sadd.s32 s1, s30  }
0xbb: {  	s0 =	sor.u32 s3, s0;
	s1 =	sshll.u32 s1, $0x11  }
0xbc: {  	s0 =	sor.u32 s1, s0  }
0xbd: {  	s0 =	sadd.s32 $0x8F2B, s0  }
0xbe: {  	[sflag:s0] =	ssyncadd.remote.s32 $0x1  }
0xbf: {  	_ =	sfence.sel $0xFFFF  }
0xc0: {  	[dreg:$0x0] =	wrdreg $0xFFFFFFFF;
	(pc) =	sbr.abs _section_cstart, $3  }
0xc1: {  	[dreg:$0x1] =	wrdreg $0xFFFFFFFF  }
0xc2: {  	_ =	task.clear_ibuf [dreg:s7], $0x2FFFF;
	_ =	strace $0x9FFFFFFF  }
0xc3: {  	(tm) =	ssettm $0x7FFFFFFF  }
tec
execute0_lowered:
.L_overlay_start_1:
0x0: {  	(tag) =	ssettag $0x1  }
0x1: {  	s4 =	rddreg [dreg:$0x0]  }
0x2: {  	s5 =	rddreg [dreg:$0x1]  }
0x3: {  	s2 =	rddreg [dreg:$0x2]  }
0x4: {  	s0 =	rddreg [dreg:$0x3]  }
0x5: {  	s1 =	stileid.u32;
	s6 =	srdreg.scid;
	s3 =	simm.s32 $0x0  }
0x6: {  	s7 =	smul.u32 $0x280, s1;
	s8 =	sand.u32 $0x1, s6;
	[smem:$0x7FF] =	sst s3  }
0x7: {  	s29 =	smul.u32 $0xB80, s1;
	s31 =	sshll.u32 s1, $0x6;
	s9 =	ssub.s32 $0x2, s8  }
0x8: {  	_ =	strace $0x80000047;
	p0 =	sne.s32 s8, $0x0;
	s8 =	sor.u32 $0x1C01, s31  }
.Ltmp0:
0x9: {  	s10 =	sshrl.u32 s7, $0x3;
	s11 =	sshrl.u32 s9, $0x1;
	(pc) =	sbr.rel .LBB2_1-.Ltmp0, $4  }
0xa: {  	s6 =	sadd.s32 s29, s5;
	s30 =	sadd.s32 s7, s2;
	s12 =	sadd.s32 s10, s5  }
0xb: {  	s9 =	ssub.s32 s9, s11;
	s4 =	sadd.s32 s4, s10;
	s5 =	sadd.s32 $0x4A00, s6  }
0xc: {  	s10 =	simm.s32 $0x1;
	s11 =	simm.s32 $0x70;
	s6 =	sadd.s32 $0x10200, s12  }
0xd: {  	v0 =	vimm.f32 $1.000000000e+00;
	s7 =	smax.u32 s9, $0x1;
	s9 =	sshrl.u32 s30, $0x3;
	s12 =	simm.s32 $0x5C00  }
.LBB2_7:
0xe: {  	[bflag:$0x0] =	sbarrier.arrive $0xFFFF  }
0xf: {  	[bflag:$0x0] =	sbarrier.arrive $0xFFFF  }
.LBB2_5:
0x10: {  	s3 =	sadd.s32 $0x1, s3  }
0x11: {  	p1 =	sne.s32 s3, s7  }
.Ltmp1:
0x12: {  	_ = 	snop;
	(pc) =	sbr.rel @!p1 .LBB2_6-.Ltmp1, $1  }
0x13: {  	_ =	sdelay $0x3  }
.LBB2_1:
.Ltmp2:
0x14: {  	(pc) =	sbr.rel @p0 .LBB2_7-.Ltmp2, $1  }
0x15: {  	_ =	sdelay $0x3  }
0x16: {  	[spmem:s9], [sflag:s8] =	dma.local [hbm:s4], $0x50  }
0x17: {  	_ =	swait.ge [sflag:s10], $0x50  }
0x18: {  	[sflag:s10] =	ssyncset.done $0x0  }
0x19: {  	[sflag:s10] =	ssyncadd.s32 $0xFFFFFFB0  }
0x1a: {  	s13 =	simm.s32 $0x0;
	[bflag:$0x0] =	sbarrier.arrive $0xFFFF  }
0x1b: {  	[tilespmem:s13], [sflag:$0x1] =	stream.linear.gather [hbm4b:s5+s13], $0x5C00, $0x38;
	[tilespmem:$0x5F00] =	vst v63  }
0x1c: {  	_ =	swait.ge [sflag:s10], $0x5C00  }
0x1d: {  	[sflag:s10] =	ssyncset.done $0x0  }
0x1e: {  	[sflag:s10] =	ssyncadd.s32 $0xFFFFA400  }
0x1f: {  	[tilespmem:$0x5C00] =	vst v0  }
0x20: {  	[tilespmem:$0x5C10] =	vst v0  }
0x21: {  	[tilespmem:$0x5C20] =	vst v0  }
0x22: {  	[tilespmem:$0x5C30] =	vst v0  }
0x23: {  	[tilespmem:$0x5C40] =	vst v0  }
0x24: {  	[tilespmem:$0x5C50] =	vst v0  }
0x25: {  	s31 =	simm.s32 $0x0;
	[tilespmem:$0x5C60] =	vst v0  }
0x26: {  	[spmem:s2] =	stream.indirect.scatter.add.f32 [tilespmem:s12], [sflag:$0x1], $0x1, s31, s11, $0xb8;
	[tilespmem:$0x5F00] =	vst v63  }
0x27: {  	_ =	swait.ge [sflag:s10], $0x70  }
0x28: {  	s13 =	simm.s32 $0x200;
	[sflag:s10] =	ssyncset.done $0x0  }
.LBB2_3:
0x29: {  	s14 =	sshra.s32 s13, $0x2;
	[sflag:s10] =	ssyncadd.s32 $0xFFFFFF90;
	p1 =	seq.s32 s13, $0x16E00  }
0x2a: {  	[spmem:s2] =	stream.indirect.scatter.add.f32 [tilespmem:s12], [sflag:$0x1], $0x1, s14, s11, $0xb8;
	[tilespmem:$0x5F00] =	vst v63  }
.Ltmp3:
0x2b: {  	_ = 	snop;
	(pc) =	sbr.rel @!p1 .LBB2_3-.Ltmp3, $4  }
0x2c: {  	_ = 	snop  }
0x2d: {  	s13 =	sadd.s32 $0x200, s13  }
0x2e: {  	_ =	swait.ge [sflag:s10], $0x70  }
0x2f: {  	[sflag:s10] =	ssyncset.done $0x0  }
0x30: {  	[sflag:s10] =	ssyncadd.s32 $0xFFFFFF90  }
.Ltmp4:
0x31: {  	[bflag:$0x0] =	sbarrier.arrive $0xFFFF;
	(pc) =	sbr.rel .LBB2_5-.Ltmp4, $4  }
0x32: {  	[hbm:s6], [sflag:s8] =	dma.local [spmem:s9], $0x50  }
0x33: {  	_ =	swait.ge [sflag:s10], $0x50  }
0x34: {  	[sflag:s10] =	ssyncset.done $0x0  }
0x35: {  	[sflag:s10] =	ssyncadd.s32 $0xFFFFFFB0  }
.LBB2_6:
0x36: {  	_ =	sfence.sel $0x180000  }
0x37: {  	[bflag:$0x0] =	sbarrier.arrive $0xFFFF  }
0x38: {  	p0 =	sne.s32 s1, $0x0;
	_ =	strace $0x90000047  }
0x39: {  	s0 =	sadd.s32 @!p0 $0x100000, s0;
	[bflag:$0x2] =	sbarrier.arrive $0xFFFF  }
0x3a: {  	[sflag:s0] =	ssyncadd.tile.s32 @!p0 $0x1;
	_ =	shalt  }
.Lfunc_end2:
_tile_overlayer_lowered:
.L_overlay_start_2:
0x3b: {  	(tag) =	ssettag $0x2  }
0x3c: {  	s0 =	rddreg [dreg:$0x0];
	s2 =	stileid.u32  }
0x3d: {  	s1 =	rddreg [dreg:$0x1];
	p0 =	sne.s32 s2, $0x0  }
0x3e: {  	s3 =	rddreg [dreg:$0x2];
	[bflag:$0x3] =	sbarrier.arrive $0xFFFF;
	s2 =	simm.s32 @!p0 $0x1C01  }
0x3f: {  	[timem:s3], [sflag:s2] =	dma.local @!p0 [hbm:s0], s1  }
0x40: {  	s0 =	simm.s32 @!p0 $0x1  }
0x41: {  	_ =	swait.ge @!p0 [sflag:s0], s1  }
0x42: {  	s1 =	ssub.s32 @!p0 $0x0, s1;
	[sflag:s0] =	ssyncset.done @!p0 $0x0  }
0x43: {  	[sflag:s0] =	ssyncadd.s32 @!p0 s1  }
0x44: {  	[bflag:$0x3] =	sbarrier.arrive $0xFFFF  }
0x45: {  	_ =	shalt  }

// kernel: kernel.17.cloned.1.call-start
scs
__scs_entry_jumppad:
0x0: {  	(pc) =	sbr.rel $0x88, $3  }
0x1: {  	(tag) =	ssettag $0x0;
	lr =	simm.s32 $0x1  }
0x2: {  	[smem:$0x3F97] =	sst lr;
	_ =	strace $0xD0000000  }
0x3: {  	_ = 	snop  }
0x4: {  	_ = 	snop  }
0x5: {  	_ = 	snop  }
0x6: {  	_ = 	snop  }
0x7: {  	_ = 	snop  }
__scs_overlays_trampoline_lowered:
0x8: {  	[smem:$0x3FA6] =	sst s0  }
0x9: {  	[smem:$0x3FA7] =	sst s1  }
0xa: {  	[smem:$0x3FA8] =	sst s2  }
0xb: {  	[smem:$0x3FA9] =	sst s3  }
0xc: {  	[smem:$0x3FAA] =	sst s4  }
0xd: {  	[smem:$0x3FAB] =	sst s5  }
0xe: {  	[smem:$0x3FAC] =	sst s6  }
0xf: {  	[smem:$0x3FAD] =	sst s7  }
0x10: {  	[smem:$0x3FAE] =	sst s8  }
0x11: {  	[smem:$0x3FAF] =	sst s9;
	s0 =	simm.s32 @!p0 $0x0  }
0x12: {  	s1 =	sld [smem:$0x3F95];
	s0 =	simm.s32 @p0 $0x1  }
0x13: {  	[smem:$0x3FB0] =	sst s0;
	s0 =	simm.s32 @!p1 $0x0  }
0x14: {  	s2 =	sld [smem:$0x3F94];
	s0 =	simm.s32 @p1 $0x1  }
0x15: {  	[smem:$0x3FB1] =	sst s0;
	s0 =	simm.s32 @!p2 $0x0  }
0x16: {  	s3 =	sld [smem:$0x3FDB];
	s0 =	simm.s32 @p2 $0x1  }
0x17: {  	s4 =	simm.s32 $0x1BF5;
	[smem:$0x3FB3] =	sst s0  }
0x18: {  	s0 =	sld [smem:$0x3F96];
	_ =	swait.ge [sflag:s4], $0x0  }
0x19: {  	s7 =	sld [smem:$0x3F97]  }
0x1a: {  	s8 =	sadd.s32 $0xFFFFE003, lr  }
0x1b: {  	s9 =	sadd.s32 $0xFFFFFEF7, lr;
	s5 =	simm.s32 $0xFFFFFFFF;
	p2 =	slt.u32 s8, $0xFFFFF086  }
0x1c: {  	p1 =	slt.u32 s9, $0xF7A;
	s5 =	simm.s32 @!p2 $0x0  }
0x1d: {  	s5 =	simm.s32 @p1 $0x1;
	p0 =	seq.s32 s7, s2  }
0x1e: {  	s7 =	smul.u32 @!p0 $0xF7A, s2;
	p2 =	seq.s32 @!p0 s5, $0x0  }
0x1f: {  	s9 =	smul.u32 $0xF7A, s1;
	s8 =	simm.s32 @!p0 $0x1BF5;
	p2 =	por !p2, p0  }
0x20: {  	[sflag:s8] =	ssyncset.s32 @!p0 $0xFFFFF086;
	s6 =	sadd.s32 @!p0 s3, s7;
	s7 =	simm.s32 @!p0 $0x108  }
0x21: {  	s3 =	sadd.s32 s3, s9;
	s6 =	sadd.s32 @!p0 $0x88, s6;
	s7 =	simm.s32 @p2 $0x1082  }
0x22: {  	[simem:s7], [sflag:s8] =	dma.local @!p0 [hbm:s6], $0xF7A  }
0x23: {  	s9 =	sor.u32 $0xD0000000, s2;
	s6 =	simm.s32 $0x108;
	_ =	swait.ge @!p0 [sflag:s8], $0x0  }
0x24: {  	s3 =	sadd.s32 $0x88, s3;
	s6 =	simm.s32 @!p1 $0x1082;
	[sflag:s4] =	ssyncset.s32 $0xFFFFF086  }
0x25: {  	[simem:s6], [sflag:s4] =	dma.local [hbm:s3], $0xF7A  }
0x26: {  	[smem:$0x3F97] =	sst s1;
	(tag) =	ssettag s2;
	_ =	strace s9  }
0x27: {  	s1 =	sld [smem:$0x3FA7]  }
0x28: {  	s2 =	sld [smem:$0x3FA8]  }
0x29: {  	s4 =	sld [smem:$0x3FAA]  }
0x2a: {  	p0 =	seq.s32 s5, $0x0;
	s5 =	sld [smem:$0x3FAB]  }
0x2b: {  	s6 =	sld [smem:$0x3FAC]  }
0x2c: {  	s7 =	sld [smem:$0x3FAD]  }
0x2d: {  	s3 =	simm.s32 $0x108;
	s8 =	sld [smem:$0x3FAE]  }
0x2e: {  	s3 =	simm.s32 @!p0 $0x1082;
	s9 =	sld [smem:$0x3FAF]  }
0x2f: {  	lr =	sadd.s32 s0, s3;
	s0 =	sld [smem:$0x3FA6]  }
0x30: {  	s3 =	sld [smem:$0x3FA9]  }
0x31: {  	[smem:$0x3FB2] =	sst s10  }
0x32: {  	s10 =	sld [smem:$0x3FB0];
	_ =	sdelay $0x3  }
0x33: {  	p0 =	seq.s32 s10, $0x1;
	s10 =	sld [smem:$0x3FB2];
	_ =	sdelay $0x3  }
0x34: {  	[smem:$0x3FB2] =	sst s10  }
0x35: {  	s10 =	sld [smem:$0x3FB1];
	_ =	sdelay $0x3  }
0x36: {  	p1 =	seq.s32 s10, $0x1;
	s10 =	sld [smem:$0x3FB2];
	_ =	sdelay $0x3  }
0x37: {  	[smem:$0x3FB2] =	sst s10  }
0x38: {  	s10 =	sld [smem:$0x3FB3]  }
0x39: {  	_ = 	snop;
	(pc) =	sbr.ind lr, $3  }
0x3a: {  	_ = 	snop  }
0x3b: {  	_ = 	snop  }
0x3c: {  	p2 =	seq.s32 s10, $0x1;
	s10 =	sld [smem:$0x3FB2]  }
0x3d: {  	_ =	shalt  }
0x3e: {  	_ =	shalt  }
0x3f: {  	_ =	shalt  }
0x40: {  	_ =	shalt  }
0x41: {  	_ =	shalt  }
0x42: {  	_ =	shalt  }
0x43: {  	_ =	shalt  }
0x44: {  	_ =	shalt  }
0x45: {  	_ =	shalt  }
0x46: {  	_ =	shalt  }
0x47: {  	_ =	shalt  }
0x48: {  	_ =	shalt  }
0x49: {  	_ =	shalt  }
0x4a: {  	_ =	shalt  }
0x4b: {  	_ =	shalt  }
0x4c: {  	_ =	shalt  }
0x4d: {  	_ =	shalt  }
0x4e: {  	_ =	shalt  }
0x4f: {  	_ =	shalt  }
0x50: {  	_ =	shalt  }
0x51: {  	_ =	shalt  }
0x52: {  	_ =	shalt  }
0x53: {  	_ =	shalt  }
0x54: {  	_ =	shalt  }
0x55: {  	_ =	shalt  }
0x56: {  	_ =	shalt  }
0x57: {  	_ =	shalt  }
0x58: {  	_ =	shalt  }
0x59: {  	_ =	shalt  }
0x5a: {  	_ =	shalt  }
0x5b: {  	_ =	shalt  }
0x5c: {  	_ =	shalt  }
0x5d: {  	_ =	shalt  }
0x5e: {  	_ =	shalt  }
0x5f: {  	_ =	shalt  }
0x60: {  	_ =	shalt  }
0x61: {  	_ =	shalt  }
0x62: {  	_ =	shalt  }
0x63: {  	_ =	shalt  }
0x64: {  	_ =	shalt  }
0x65: {  	_ =	shalt  }
0x66: {  	_ =	shalt  }
0x67: {  	_ =	shalt  }
0x68: {  	_ =	shalt  }
0x69: {  	_ =	shalt  }
0x6a: {  	_ =	shalt  }
0x6b: {  	_ =	shalt  }
0x6c: {  	_ =	shalt  }
0x6d: {  	_ =	shalt  }
0x6e: {  	_ =	shalt  }
0x6f: {  	_ =	shalt  }
0x70: {  	_ =	shalt  }
0x71: {  	_ =	shalt  }
0x72: {  	_ =	shalt  }
0x73: {  	_ =	shalt  }
0x74: {  	_ =	shalt  }
0x75: {  	_ =	shalt  }
0x76: {  	_ =	shalt  }
0x77: {  	_ =	shalt  }
0x78: {  	_ =	shalt  }
0x79: {  	_ =	shalt  }
0x7a: {  	_ =	shalt  }
0x7b: {  	_ =	shalt  }
0x7c: {  	_ =	shalt  }
0x7d: {  	_ =	shalt  }
0x7e: {  	_ =	shalt  }
0x7f: {  	_ =	shalt  }
0x80: {  	_ =	shalt  }
0x81: {  	_ =	shalt  }
0x82: {  	_ =	shalt  }
0x83: {  	_ =	shalt  }
0x84: {  	_ =	shalt  }
0x85: {  	_ =	shalt  }
0x86: {  	_ =	shalt  }
0x87: {  	_ =	shalt  }
.Lfunc_end0:
.L_simem_size_0:
called_computation.1_lowered:
.L_overlay_start_0:
0x88: {  	s2 =	sld [smem:$0x3FD9]  }
0x89: {  	s3 =	sld [smem:$0x3FFE];
	_ =	sdelay $0x1  }
0x8a: {  	s1 =	srdreg.scid  }
0x8b: {  	s0 =	sand.u32 $0x1, s1  }
0x8c: {  	s16 =	sshll.u32 s0, $0xA;
	s2 =	sadd.s32 s3, s2  }
0x8d: {  	s2 =	sadd.s32 s2, s16  }
0x8e: {  	[smem:$0x3FBE] =	sst s2  }
0x8f: {  	_ = 	snop  }
0x90: {  	(tm) =	ssettm $0x1  }
0x91: {  	s17 =	sld [smem:$0x3FFB];
	_ =	sdelay $0x3  }
0x92: {  	_ =	strace s17  }
0x93: {  	s2 =	sld [smem:$0x3FFC];
	_ =	sdelay $0x3  }
0x94: {  	_ =	strace s2  }
0x95: {  	s2 =	sld [smem:$0x3FFD];
	_ =	sdelay $0x3  }
0x96: {  	_ =	strace s2  }
0x97: {  	_ =	strace $0x8FFFFFFF  }
0x98: {  	s18 =	sld [smem:$0x3FDB];
	_ =	sdelay $0x1  }
0x99: {  	s19 =	simm.s32 $_scs_section_size  }
0x9a: {  	s4 =	simm.s32 $_size__tile_overlayer_lowered;
	s5 =	simm.s32 $_tile_overlayer_lowered  }
0x9b: {  	s22 =	simm.s32 $0x1BFF;
	s21 =	sshll.u32 s5, $0x1;
	s2 =	sadd.s32 s19, s18  }
0x9c: {  	s6 =	simm.s32 $0x0;
	s20 =	sshll.u32 s4, $0x1;
	s4 =	sadd.s32 s21, s2  }
0x9d: {  	[timem:s6], [sflag:s22] =	dma.local [hbm:s4], s20  }
0x9e: {  	_ =	swait.ge [sflag:s22], s20  }
0x9f: {  	s3 =	ssub.s32 $0x0, s20;
	[sflag:s22] =	ssyncset.done $0x0  }
0xa0: {  	[sflag:s22] =	ssyncadd.s32 s3;
	_ =	sdelay $0x1  }
0xa1: {  	s23 =	simm.s32 $0x1B8B  }
0xa2: {  	_ =	swait.ge [sflag:s23], $0x1  }
0xa3: {  	[sflag:s23] =	ssyncset.done $0x0  }
0xa4: {  	s25 =	simm.s32 $0x1B8E;
	s24 =	sld [smem:$0x3FFE];
	[sflag:s23] =	ssyncadd.s32 $0xFFFFFFFF  }
0xa5: {  	s26 =	simm.s32 $execute0_lowered;
	[smem:$0x3FD2] =	sst s25  }
0xa6: {  	s4 =	sshll.u32 s26, $0x1;
	_ =	strace $0x80000049;
	[dreg:$0x1] =	wrdreg $0xFFFFFFFF  }
0xa7: {  	s28 =	simm.s32 $_size_execute0_lowered;
	s2 =	sadd.s32 s2, s4;
	[dreg:$0x0] =	wrdreg $0x0  }
0xa8: {  	s4 =	sshll.u32 s28, $0x1;
	[dreg:$0x2] =	wrdreg s2  }
0xa9: {  	[dreg:$0x3] =	wrdreg s4  }
0xaa: {  	[dreg:$0x4] =	wrdreg $0xC0  }
0xab: {  	_ =	task [dreg:s6], $0x5FFFF  }
0xac: {  	[dreg:$0x1] =	wrdreg $0xFFFFFFFF  }
0xad: {  	[dreg:$0x0] =	wrdreg $0x60  }
0xae: {  	[dreg:$0x2] =	wrdreg s24  }
0xaf: {  	[dreg:$0x3] =	wrdreg $0xB8000  }
0xb0: {  	[dreg:$0x4] =	wrdreg $0x9  }
0xb1: {  	_ =	task.clear_ibuf [dreg:s6], $0x5FFFF;
	_ =	strace $0x90000049  }
0xb2: {  	s29 =	simm.s32 $0x9;
	_ =	strace $0x8000004B  }
0xb3: {  	_ =	swait.ge [sflag:s29], $0x1  }
0xb4: {  	[sflag:s29] =	ssyncadd.s32 $0xFFFFFFFF  }
0xb5: {  	_ =	strace $0x9000004B  }
0xb6: {  	_ =	sfence  }
0xb7: {  	s30 =	sld [smem:$0x0];
	_ =	sdelay $0x2  }
0xb8: {  	s31 =	sshll.u32 s1, $0xD;
	s1 =	sshrl.u32 s1, $0x2  }
0xb9: {  	s3 =	sand.u32 $0x4000, s31;
	s1 =	sadd.s32 s1, s30  }
0xba: {  	s0 =	sor.u32 s3, s0;
	s1 =	sshll.u32 s1, $0x11  }
0xbb: {  	s0 =	sor.u32 s1, s0  }
0xbc: {  	s0 =	sadd.s32 $0x8F2B, s0  }
0xbd: {  	[sflag:s0] =	ssyncadd.remote.s32 $0x1  }
0xbe: {  	_ =	sfence.sel $0xFFFF  }
0xbf: {  	[dreg:$0x0] =	wrdreg $0xFFFFFFFF;
	(pc) =	sbr.abs _section_cstart, $3  }
0xc0: {  	[dreg:$0x1] =	wrdreg $0xFFFFFFFF  }
0xc1: {  	_ =	task.clear_ibuf [dreg:s6], $0x2FFFF;
	_ =	strace $0x9FFFFFFF  }
0xc2: {  	(tm) =	ssettm $0x7FFFFFFF  }
0xc3: {  	_ =	shalt  }
tec
execute0_lowered:
.L_overlay_start_1:
0x0: {  	(tag) =	ssettag $0x1  }
0x1: {  	s7 =	rddreg [dreg:$0x0]  }
0x2: {  	s1 =	rddreg [dreg:$0x1];
	s3 =	simm.s32 $0x0  }
0x3: {  	s0 =	stileid.u32;
	s9 =	srdreg.scid;
	s19 =	simm.s32 $0x7  }
0x4: {  	s21 =	simm.s32 $0xC00;
	s22 =	simm.s32 $0x70;
	s23 =	simm.s32 $0x1000  }
0x5: {  	s24 =	simm.s32 $0x80;
	s25 =	simm.s32 $0x4800;
	s8 =	smul.u32 $0x2800, s0  }
0x6: {  	s28 =	simm.s32 $0x0;
	[smem:$0x7FF] =	sst s3;
	s26 =	smul.u32 $0x50000, s0  }
0x7: {  	s4 =	sadd.s32 $0x1C000, s7;
	s5 =	sadd.s32 $0x10800, s7;
	s30 =	smul.u32 $0x5C00, s0  }
0x8: {  	s6 =	sadd.s32 $0x4A00, s7;
	s15 =	sand.u32 $0x1, s9;
	s11 =	smul.u32 $0xB80, s0  }
0x9: {  	s17 =	sshll.u32 s0, $0x6;
	_ =	strace $0x8000004A;
	s29 =	ssub.s32 $0x2, s15  }
0xa: {  	p0 =	sne.s32 s15, $0x0;
	s15 =	sor.u32 $0x1C09, s17;
	s17 =	simm.s32 $0x9  }
0xb: {  	s13 =	sadd.s32 s8, s7;
	s10 =	sshrl.u32 s29, $0x1;
	s9 =	sshrl.u32 s26, $0x2  }
.Ltmp0:
0xc: {  	s31 =	sshrl.u32 s30, $0x3;
	s8 =	sadd.s32 s5, s11;
	(pc) =	sbr.rel .LBB2_1-.Ltmp0, $4  }
0xd: {  	s26 =	simm.s32 $0x4;
	s14 =	ssub.s32 s29, s10;
	s16 =	sadd.s32 s9, s1  }
0xe: {  	s7 =	sadd.s32 $0x43200, s13;
	s12 =	sadd.s32 $0x80, s31;
	s9 =	sadd.s32 s6, s11  }
0xf: {  	s13 =	sadd.s32 $0x6B200, s13;
	s10 =	sadd.s32 s5, s12;
	s11 =	sadd.s32 s6, s12  }
0x10: {  	s12 =	smul.u32 $0x17, s0;
	s14 =	smax.u32 s14, $0x1;
	s16 =	sshrl.u32 s16, $0x3  }
.LBB2_12:
0x11: {  	_ =	swait.ge [sflag:s26], $0x3800  }
0x12: {  	[sflag:s26] =	ssyncset.done $0x0  }
0x13: {  	[sflag:s26] =	ssyncadd.s32 $0xFFFFC800  }
0x14: {  	[bflag:$0x0] =	sbarrier.arrive $0xFFFF  }
0x15: {  	[hbm:s13], [sflag:s15] =	dma.local [spmem:s16], $0x2800  }
0x16: {  	_ =	swait.ge [sflag:s17], $0x2800  }
0x17: {  	[sflag:s17] =	ssyncset.done $0x0  }
0x18: {  	[sflag:s17] =	ssyncadd.s32 $0xFFFFD800  }
.LBB2_13:
0x19: {  	s28 =	sadd.s32 $0x1, s28  }
0x1a: {  	p1 =	sne.s32 s28, s14  }
.Ltmp1:
0x1b: {  	_ = 	snop;
	(pc) =	sbr.rel @!p1 .LBB2_14-.Ltmp1, $1  }
0x1c: {  	_ =	sdelay $0x3  }
.LBB2_1:
.Ltmp2:
0x1d: {  	(pc) =	sbr.rel @p0 .LBB2_15-.Ltmp2, $1  }
0x1e: {  	_ =	sdelay $0x3  }
0x1f: {  	[spmem:s16], [sflag:s15] =	dma.local [hbm:s7], $0x2800  }
0x20: {  	_ =	swait.ge [sflag:s17], $0x2800  }
0x21: {  	[sflag:s17] =	ssyncset.done $0x0  }
0x22: {  	[sflag:s17] =	ssyncadd.s32 $0xFFFFD800  }
0x23: {  	s29 =	simm.s32 $0x0;
	[bflag:$0x0] =	sbarrier.arrive $0xFFFF  }
0x24: {  	[tilespmem:s29], [sflag:$0x7] =	stream.linear.gather [hbm4b:s8+s29], $0x400, $0x38;
	[tilespmem:$0x1F800] =	vst v63  }
0x25: {  	s0 =	simm.s32 $0x800  }
0x26: {  	[tilespmem:s0], [sflag:$0x7] =	stream.linear.gather [hbm4b:s9+s29], $0x400, $0x38;
	[tilespmem:$0x1F800] =	vst v63  }
0x27: {  	_ =	swait.ge [sflag:s19], $0x400  }
0x28: {  	[sflag:s19] =	ssyncset.done $0x0  }
0x29: {  	[sflag:s19] =	ssyncadd.s32 $0xFFFFFC00  }
0x2a: {  	_ =	swait.ge [sflag:s19], $0x400  }
0x2b: {  	[sflag:s19] =	ssyncset.done $0x0  }
0x2c: {  	s31 =	simm.s32 $0x400;
	[sflag:s19] =	ssyncadd.s32 $0xFFFFFC00  }
0x2d: {  	[tilespmem:s31], [sflag:$0x8] =	stream.linear.gather [hbm4b:s10+s29], $0x400, $0x38;
	[tilespmem:$0x1F800] =	vst v63  }
0x2e: {  	_ = 	snop  }
0x2f: {  	[tilespmem:s21], [sflag:$0x8] =	stream.linear.gather [hbm4b:s11+s29], $0x400, $0x38;
	[tilespmem:$0x1F800] =	vst v63  }
.Ltmp3:
0x30: {  	_ = 	snop;
	(pc) =	sbr.rel .LBB2_3-.Ltmp3, $4  }
0x31: {  	_ = 	snop  }
0x32: {  	[tilespmem:s23], [sflag:$0x1] =	stream.indirect.gather [hbm4b:s4+s22], $0x80, s29, s22, $0xb8;
	[tilespmem:$0x1F800] =	vst v63  }
0x33: {  	_ = 	snop  }
0x34: {  	[tilespmem:s25], [sflag:$0x2] =	stream.indirect.gather [hbm4b:s4+s22], $0x80, s24, s22, $0xb8;
	[tilespmem:$0x1F800] =	vst v63  }
.LBB2_6:
0x35: {  	s0 =	sshrl.u32 s30, $0x3  }
0x36: {  	s0 =	sand.u32 $0x1, s0  }
0x37: {  	s0 =	sadd.s32 $0x7, s0  }
0x38: {  	_ =	swait.ge [sflag:s0], $0x400  }
0x39: {  	[sflag:s0] =	ssyncset.done $0x0  }
0x3a: {  	[sflag:s0] =	ssyncadd.s32 $0xFFFFFC00  }
0x3b: {  	_ =	swait.ge [sflag:s0], $0x400  }
0x3c: {  	[sflag:s0] =	ssyncset.done $0x0  }
0x3d: {  	s31 =	simm.s32 $0x0;
	[sflag:s0] =	ssyncadd.s32 $0xFFFFFC00  }
.LBB2_10:
0x3e: {  	s0 =	smul.u32 $0xAB, s30;
	_ =	sdelay $0x1  }
0x3f: {  	s0 =	sshrl.u32 s0, $0x9  }
0x40: {  	s0 =	sand.u32 $0x7F, s0  }
0x41: {  	s0 =	smul.u32 $0x3, s0;
	_ =	sdelay $0x1  }
0x42: {  	s0 =	ssub.s32 s30, s0  }
0x43: {  	s0 =	sand.u32 $0xFF, s0  }
0x44: {  	s2 =	smul.u32 $0xE000, s0  }
0x45: {  	s18 =	sshll.u32 s30, $0x7  }
0x46: {  	s20 =	sshll.u32 s31, $0x7;
	s18 =	sand.u32 $0x400, s18;
	s2 =	sshrl.u32 s2, $0x2  }
0x47: {  	s18 =	sor.u32 s20, s18;
	s0 =	sadd.s32 $0x1, s0;
	s2 =	sadd.s32 $0x1000, s2  }
0x48: {  	[tilespmem:s2], [sflag:s0] =	stream.indirect.gather [hbm4b:s4+s22], $0x80, s18, s22, $0xb8;
	[tilespmem:$0x1F800] =	vst v63  }
.LBB2_11:
0x49: {  	s29 =	sadd.s32 $0x1, s29  }
0x4a: {  	p1 =	seq.s32 s29, $0xB8  }
.Ltmp4:
0x4b: {  	_ = 	snop;
	(pc) =	sbr.rel @p1 .LBB2_12-.Ltmp4, $1  }
0x4c: {  	_ =	sdelay $0x3  }
.LBB2_3:
0x4d: {  	s30 =	smul.u32 $0xAB, s29;
	_ =	sdelay $0x1  }
0x4e: {  	s30 =	sshrl.u32 s30, $0x9  }
0x4f: {  	s30 =	sand.u32 $0x7F, s30  }
0x50: {  	s30 =	smul.u32 $0x3, s30;
	_ =	sdelay $0x1  }
0x51: {  	s30 =	ssub.s32 s29, s30  }
0x52: {  	s30 =	sand.u32 $0xFF, s30  }
0x53: {  	s0 =	sadd.s32 $0x1, s30  }
0x54: {  	_ =	swait.ge [sflag:s0], $0x3800  }
0x55: {  	s2 =	sand.u32 $0x7, s29;
	[sflag:s0] =	ssyncset.done $0x0  }
0x56: {  	p1 =	sne.s32 s2, $0x1;
	[sflag:s0] =	ssyncadd.s32 $0xFFFFC800;
	s0 =	sadd.s32 $0xFFFFFFF7, s29  }
0x57: {  	p2 =	sgt.u32 @!p1 s0, $0xA6  }
0x58: {  	s31 =	smul.u32 $0xE000, s30;
	p1 =	por p1, p2  }
.Ltmp5:
0x59: {  	s18 =	sshll.u32 s29, $0x7;
	(pc) =	sbr.rel @p1 .LBB2_7-.Ltmp5, $4  }
0x5a: {  	s18 =	sand.u32 $0x400, s18;
	s20 =	sshll.u32 s2, $0x7  }
0x5b: {  	s18 =	sor.u32 s20, s18;
	s31 =	sshrl.u32 s31, $0x2  }
0x5c: {  	s18 =	sor.u32 $0x800, s18;
	s20 =	sadd.s32 $0x1000, s31;
	s31 =	sor.u32 $0x4, s30  }
0x5d: {  	[spmem:s1] =	stream.indirect.scatter.add.f32 [tilespmem:s20], [sflag:s31], $0x80, s18, s22, $0xb8;
	[tilespmem:$0x1F800] =	vst v63  }
0x5e: {  	s0 =	sshrl.u32 s29, $0x3  }
0x5f: {  	s0 =	sadd.s32 $0x1, s0  }
0x60: {  	s2 =	sadd.s32 s12, s0  }
.Ltmp6:
0x61: {  	s0 =	sand.u32 $0x1, s0;
	s2 =	sshll.u32 s2, $0x7;
	(pc) =	sbr.rel .LBB2_5-.Ltmp6, $4  }
0x62: {  	s18 =	sadd.s32 $0x7, s0;
	s0 =	sshll.u32 s0, $0xA;
	s20 =	sadd.s32 s5, s2  }
0x63: {  	[tilespmem:s0], [sflag:s18] =	stream.linear.gather [hbm4b:s20+s3], $0x400, $0x38;
	[tilespmem:$0x1F800] =	vst v63  }
0x64: {  	s2 =	sadd.s32 s6, s2;
	s0 =	sor.u32 $0x800, s0  }
0x65: {  	[tilespmem:s0], [sflag:s18] =	stream.linear.gather [hbm4b:s2+s3], $0x400, $0x38;
	[tilespmem:$0x1F800] =	vst v63  }
.LBB2_7:
0x66: {  	p1 =	seq.s32 s29, $0x0  }
.Ltmp7:
0x67: {  	_ = 	snop;
	(pc) =	sbr.rel @p1 .LBB2_8-.Ltmp7, $1  }
0x68: {  	_ =	sdelay $0x3  }
.LBB2_5:
0x69: {  	s0 =	sadd.s32 $0xFFFFFFFF, s29  }
0x6a: {  	s2 =	sand.u32 $0xFF, s0  }
0x6b: {  	s2 =	smul.u32 $0xAB, s2;
	_ =	sdelay $0x1  }
0x6c: {  	s30 =	sadd.s32 $0x2, s29;
	s2 =	sshrl.u32 s2, $0x9  }
0x6d: {  	p1 =	sgt.u32 s29, $0xB5;
	s31 =	sand.u32 $0x7, s30;
	s2 =	smul.u32 $0x3, s2  }
0x6e: {  	p2 =	sne.s32 @!p1 s31, $0x0  }
0x6f: {  	p2 =	por p1, p2;
	s0 =	ssub.s32 s0, s2  }
.Ltmp8:
0x70: {  	s0 =	sor.u32 $0x4, s0;
	(pc) =	sbr.rel @!p2 .LBB2_6-.Ltmp8, $4  }
0x71: {  	s0 =	sand.u32 $0xFF, s0  }
0x72: {  	_ =	swait.ge [sflag:s0], $0x3800  }
0x73: {  	[sflag:s0] =	ssyncset.done $0x0  }
0x74: {  	[sflag:s0] =	ssyncadd.s32 $0xFFFFC800  }
.Ltmp9:
0x75: {  	(pc) =	sbr.rel @p1 .LBB2_11-.Ltmp9, $4  }
.Ltmp10:
0x76: {  	(pc) =	sbr.rel @!p1 .LBB2_10-.Ltmp10, $4  }
0x77: {  	_ = 	snop  }
0x78: {  	_ = 	snop  }
0x79: {  	_ = 	snop  }
0x7a: {  	_ = 	snop  }
.LBB2_8:
.Ltmp11:
0x7b: {  	(pc) =	sbr.rel .LBB2_10-.Ltmp11, $2  }
0x7c: {  	_ =	sdelay $0x2  }
0x7d: {  	s30 =	simm.s32 $0x2;
	s31 =	simm.s32 $0x2  }
.LBB2_15:
.Ltmp12:
0x7e: {  	(pc) =	sbr.rel .LBB2_13-.Ltmp12, $3  }
0x7f: {  	_ = 	snop  }
0x80: {  	[bflag:$0x0] =	sbarrier.arrive $0xFFFF  }
0x81: {  	[bflag:$0x0] =	sbarrier.arrive $0xFFFF;
	_ =	sdelay $0x1  }
.LBB2_14:
0x82: {  	_ =	sfence.sel $0x180000  }
0x83: {  	[bflag:$0x0] =	sbarrier.arrive $0xFFFF  }
0x84: {  	_ =	strace $0x9000004A  }
0x85: {  	s0 =	stileid.u32;
	[bflag:$0x2] =	sbarrier.arrive $0xFFFF  }
0x86: {  	p0 =	sne.s32 s0, $0x0;
	s0 =	rddreg [dreg:$0x2]  }
0x87: {  	s0 =	sadd.s32 @!p0 $0x100000, s0  }
0x88: {  	[sflag:s0] =	ssyncadd.tile.s32 @!p0 $0x1;
	_ =	shalt  }
.Lfunc_end2:
_tile_overlayer_lowered:
.L_overlay_start_2:
0x89: {  	(tag) =	ssettag $0x2  }
0x8a: {  	s0 =	rddreg [dreg:$0x0];
	s2 =	stileid.u32  }
0x8b: {  	s1 =	rddreg [dreg:$0x1];
	p0 =	sne.s32 s2, $0x0  }
0x8c: {  	s3 =	rddreg [dreg:$0x2];
	[bflag:$0x3] =	sbarrier.arrive $0xFFFF;
	s2 =	simm.s32 @!p0 $0x1C09  }
0x8d: {  	[timem:s3], [sflag:s2] =	dma.local @!p0 [hbm:s0], s1  }
0x8e: {  	s0 =	simm.s32 @!p0 $0x9  }
0x8f: {  	_ =	swait.ge @!p0 [sflag:s0], s1  }
0x90: {  	s1 =	ssub.s32 @!p0 $0x0, s1;
	[sflag:s0] =	ssyncset.done @!p0 $0x0  }
0x91: {  	[sflag:s0] =	ssyncadd.s32 @!p0 s1  }
0x92: {  	[bflag:$0x3] =	sbarrier.arrive $0xFFFF  }
0x93: {  	_ =	shalt  }

// kernel: kernel.20.cloned.1.call-start
scs
__scs_entry_jumppad:
0x0: {  	(pc) =	sbr.rel $0x88, $3  }
0x1: {  	(tag) =	ssettag $0x0;
	lr =	simm.s32 $0x1  }
0x2: {  	[smem:$0x3F97] =	sst lr;
	_ =	strace $0xD0000000  }
0x3: {  	_ = 	snop  }
0x4: {  	_ = 	snop  }
0x5: {  	_ = 	snop  }
0x6: {  	_ = 	snop  }
0x7: {  	_ = 	snop  }
__scs_overlays_trampoline_lowered:
0x8: {  	[smem:$0x3FA6] =	sst s0  }
0x9: {  	[smem:$0x3FA7] =	sst s1  }
0xa: {  	[smem:$0x3FA8] =	sst s2  }
0xb: {  	[smem:$0x3FA9] =	sst s3  }
0xc: {  	[smem:$0x3FAA] =	sst s4  }
0xd: {  	[smem:$0x3FAB] =	sst s5  }
0xe: {  	[smem:$0x3FAC] =	sst s6  }
0xf: {  	[smem:$0x3FAD] =	sst s7  }
0x10: {  	[smem:$0x3FAE] =	sst s8  }
0x11: {  	[smem:$0x3FAF] =	sst s9;
	s0 =	simm.s32 @!p0 $0x0  }
0x12: {  	s1 =	sld [smem:$0x3F95];
	s0 =	simm.s32 @p0 $0x1  }
0x13: {  	[smem:$0x3FB0] =	sst s0;
	s0 =	simm.s32 @!p1 $0x0  }
0x14: {  	s2 =	sld [smem:$0x3F94];
	s0 =	simm.s32 @p1 $0x1  }
0x15: {  	[smem:$0x3FB1] =	sst s0;
	s0 =	simm.s32 @!p2 $0x0  }
0x16: {  	s3 =	sld [smem:$0x3FDB];
	s0 =	simm.s32 @p2 $0x1  }
0x17: {  	s4 =	simm.s32 $0x1BF5;
	[smem:$0x3FB3] =	sst s0  }
0x18: {  	s0 =	sld [smem:$0x3F96];
	_ =	swait.ge [sflag:s4], $0x0  }
0x19: {  	s7 =	sld [smem:$0x3F97]  }
0x1a: {  	s8 =	sadd.s32 $0xFFFFE003, lr  }
0x1b: {  	s9 =	sadd.s32 $0xFFFFFEF7, lr;
	s5 =	simm.s32 $0xFFFFFFFF;
	p2 =	slt.u32 s8, $0xFFFFF086  }
0x1c: {  	p1 =	slt.u32 s9, $0xF7A;
	s5 =	simm.s32 @!p2 $0x0  }
0x1d: {  	s5 =	simm.s32 @p1 $0x1;
	p0 =	seq.s32 s7, s2  }
0x1e: {  	s7 =	smul.u32 @!p0 $0xF7A, s2;
	p2 =	seq.s32 @!p0 s5, $0x0  }
0x1f: {  	s9 =	smul.u32 $0xF7A, s1;
	s8 =	simm.s32 @!p0 $0x1BF5;
	p2 =	por !p2, p0  }
0x20: {  	[sflag:s8] =	ssyncset.s32 @!p0 $0xFFFFF086;
	s6 =	sadd.s32 @!p0 s3, s7;
	s7 =	simm.s32 @!p0 $0x108  }
0x21: {  	s3 =	sadd.s32 s3, s9;
	s6 =	sadd.s32 @!p0 $0x88, s6;
	s7 =	simm.s32 @p2 $0x1082  }
0x22: {  	[simem:s7], [sflag:s8] =	dma.local @!p0 [hbm:s6], $0xF7A  }
0x23: {  	s9 =	sor.u32 $0xD0000000, s2;
	s6 =	simm.s32 $0x108;
	_ =	swait.ge @!p0 [sflag:s8], $0x0  }
0x24: {  	s3 =	sadd.s32 $0x88, s3;
	s6 =	simm.s32 @!p1 $0x1082;
	[sflag:s4] =	ssyncset.s32 $0xFFFFF086  }
0x25: {  	[simem:s6], [sflag:s4] =	dma.local [hbm:s3], $0xF7A  }
0x26: {  	[smem:$0x3F97] =	sst s1;
	(tag) =	ssettag s2;
	_ =	strace s9  }
0x27: {  	s1 =	sld [smem:$0x3FA7]  }
0x28: {  	s2 =	sld [smem:$0x3FA8]  }
0x29: {  	s4 =	sld [smem:$0x3FAA]  }
0x2a: {  	p0 =	seq.s32 s5, $0x0;
	s5 =	sld [smem:$0x3FAB]  }
0x2b: {  	s6 =	sld [smem:$0x3FAC]  }
0x2c: {  	s7 =	sld [smem:$0x3FAD]  }
0x2d: {  	s3 =	simm.s32 $0x108;
	s8 =	sld [smem:$0x3FAE]  }
0x2e: {  	s3 =	simm.s32 @!p0 $0x1082;
	s9 =	sld [smem:$0x3FAF]  }
0x2f: {  	lr =	sadd.s32 s0, s3;
	s0 =	sld [smem:$0x3FA6]  }
0x30: {  	s3 =	sld [smem:$0x3FA9]  }
0x31: {  	[smem:$0x3FB2] =	sst s10  }
0x32: {  	s10 =	sld [smem:$0x3FB0];
	_ =	sdelay $0x3  }
0x33: {  	p0 =	seq.s32 s10, $0x1;
	s10 =	sld [smem:$0x3FB2];
	_ =	sdelay $0x3  }
0x34: {  	[smem:$0x3FB2] =	sst s10  }
0x35: {  	s10 =	sld [smem:$0x3FB1];
	_ =	sdelay $0x3  }
0x36: {  	p1 =	seq.s32 s10, $0x1;
	s10 =	sld [smem:$0x3FB2];
	_ =	sdelay $0x3  }
0x37: {  	[smem:$0x3FB2] =	sst s10  }
0x38: {  	s10 =	sld [smem:$0x3FB3]  }
0x39: {  	_ = 	snop;
	(pc) =	sbr.ind lr, $3  }
0x3a: {  	_ = 	snop  }
0x3b: {  	_ = 	snop  }
0x3c: {  	p2 =	seq.s32 s10, $0x1;
	s10 =	sld [smem:$0x3FB2]  }
0x3d: {  	_ =	shalt  }
0x3e: {  	_ =	shalt  }
0x3f: {  	_ =	shalt  }
0x40: {  	_ =	shalt  }
0x41: {  	_ =	shalt  }
0x42: {  	_ =	shalt  }
0x43: {  	_ =	shalt  }
0x44: {  	_ =	shalt  }
0x45: {  	_ =	shalt  }
0x46: {  	_ =	shalt  }
0x47: {  	_ =	shalt  }
0x48: {  	_ =	shalt  }
0x49: {  	_ =	shalt  }
0x4a: {  	_ =	shalt  }
0x4b: {  	_ =	shalt  }
0x4c: {  	_ =	shalt  }
0x4d: {  	_ =	shalt  }
0x4e: {  	_ =	shalt  }
0x4f: {  	_ =	shalt  }
0x50: {  	_ =	shalt  }
0x51: {  	_ =	shalt  }
0x52: {  	_ =	shalt  }
0x53: {  	_ =	shalt  }
0x54: {  	_ =	shalt  }
0x55: {  	_ =	shalt  }
0x56: {  	_ =	shalt  }
0x57: {  	_ =	shalt  }
0x58: {  	_ =	shalt  }
0x59: {  	_ =	shalt  }
0x5a: {  	_ =	shalt  }
0x5b: {  	_ =	shalt  }
0x5c: {  	_ =	shalt  }
0x5d: {  	_ =	shalt  }
0x5e: {  	_ =	shalt  }
0x5f: {  	_ =	shalt  }
0x60: {  	_ =	shalt  }
0x61: {  	_ =	shalt  }
0x62: {  	_ =	shalt  }
0x63: {  	_ =	shalt  }
0x64: {  	_ =	shalt  }
0x65: {  	_ =	shalt  }
0x66: {  	_ =	shalt  }
0x67: {  	_ =	shalt  }
0x68: {  	_ =	shalt  }
0x69: {  	_ =	shalt  }
0x6a: {  	_ =	shalt  }
0x6b: {  	_ =	shalt  }
0x6c: {  	_ =	shalt  }
0x6d: {  	_ =	shalt  }
0x6e: {  	_ =	shalt  }
0x6f: {  	_ =	shalt  }
0x70: {  	_ =	shalt  }
0x71: {  	_ =	shalt  }
0x72: {  	_ =	shalt  }
0x73: {  	_ =	shalt  }
0x74: {  	_ =	shalt  }
0x75: {  	_ =	shalt  }
0x76: {  	_ =	shalt  }
0x77: {  	_ =	shalt  }
0x78: {  	_ =	shalt  }
0x79: {  	_ =	shalt  }
0x7a: {  	_ =	shalt  }
0x7b: {  	_ =	shalt  }
0x7c: {  	_ =	shalt  }
0x7d: {  	_ =	shalt  }
0x7e: {  	_ =	shalt  }
0x7f: {  	_ =	shalt  }
0x80: {  	_ =	shalt  }
0x81: {  	_ =	shalt  }
0x82: {  	_ =	shalt  }
0x83: {  	_ =	shalt  }
0x84: {  	_ =	shalt  }
0x85: {  	_ =	shalt  }
0x86: {  	_ =	shalt  }
0x87: {  	_ =	shalt  }
.Lfunc_end0:
.L_simem_size_0:
called_computation.2_lowered:
.L_overlay_start_0:
0x88: {  	s2 =	sld [smem:$0x3FD9]  }
0x89: {  	s3 =	sld [smem:$0x3FFE];
	_ =	sdelay $0x1  }
0x8a: {  	s1 =	srdreg.scid  }
0x8b: {  	s0 =	sand.u32 $0x1, s1  }
0x8c: {  	s16 =	sshll.u32 s0, $0xA;
	s2 =	sadd.s32 s3, s2  }
0x8d: {  	s2 =	sadd.s32 s2, s16  }
0x8e: {  	[smem:$0x3FBE] =	sst s2  }
0x8f: {  	_ = 	snop  }
0x90: {  	(tm) =	ssettm $0x1  }
0x91: {  	s17 =	sld [smem:$0x3FFB];
	_ =	sdelay $0x3  }
0x92: {  	_ =	strace s17  }
0x93: {  	s2 =	sld [smem:$0x3FFC];
	_ =	sdelay $0x3  }
0x94: {  	_ =	strace s2  }
0x95: {  	s2 =	sld [smem:$0x3FFD];
	_ =	sdelay $0x3  }
0x96: {  	_ =	strace s2  }
0x97: {  	_ =	strace $0x8FFFFFFF  }
0x98: {  	s18 =	sld [smem:$0x3FDB];
	_ =	sdelay $0x1  }
0x99: {  	s19 =	simm.s32 $_scs_section_size  }
0x9a: {  	s4 =	simm.s32 $_size__tile_overlayer_lowered;
	s5 =	simm.s32 $_tile_overlayer_lowered  }
0x9b: {  	s22 =	simm.s32 $0x1BFF;
	s21 =	sshll.u32 s5, $0x1;
	s2 =	sadd.s32 s19, s18  }
0x9c: {  	s6 =	simm.s32 $0x0;
	s20 =	sshll.u32 s4, $0x1;
	s4 =	sadd.s32 s21, s2  }
0x9d: {  	[timem:s6], [sflag:s22] =	dma.local [hbm:s4], s20  }
0x9e: {  	_ =	swait.ge [sflag:s22], s20  }
0x9f: {  	s3 =	ssub.s32 $0x0, s20;
	[sflag:s22] =	ssyncset.done $0x0  }
0xa0: {  	[sflag:s22] =	ssyncadd.s32 s3;
	_ =	sdelay $0x1  }
0xa1: {  	s23 =	simm.s32 $0x1B8B  }
0xa2: {  	_ =	swait.ge [sflag:s23], $0x1  }
0xa3: {  	[sflag:s23] =	ssyncset.done $0x0  }
0xa4: {  	s25 =	simm.s32 $0x1B8E;
	s24 =	sld [smem:$0x3FFE];
	[sflag:s23] =	ssyncadd.s32 $0xFFFFFFFF  }
0xa5: {  	s26 =	simm.s32 $execute0_lowered;
	[smem:$0x3FD2] =	sst s25  }
0xa6: {  	s4 =	sshll.u32 s26, $0x1;
	_ =	strace $0x8000004C;
	[dreg:$0x1] =	wrdreg $0xFFFFFFFF  }
0xa7: {  	s28 =	simm.s32 $_size_execute0_lowered;
	s2 =	sadd.s32 s2, s4;
	[dreg:$0x0] =	wrdreg $0x0  }
0xa8: {  	s4 =	sshll.u32 s28, $0x1;
	[dreg:$0x2] =	wrdreg s2  }
0xa9: {  	[dreg:$0x3] =	wrdreg s4  }
0xaa: {  	[dreg:$0x4] =	wrdreg $0xC0  }
0xab: {  	_ =	task [dreg:s6], $0x5FFFF  }
0xac: {  	[dreg:$0x1] =	wrdreg $0xFFFFFFFF  }
0xad: {  	[dreg:$0x0] =	wrdreg $0x60  }
0xae: {  	[dreg:$0x2] =	wrdreg s24  }
0xaf: {  	[dreg:$0x3] =	wrdreg $0xB8000  }
0xb0: {  	[dreg:$0x4] =	wrdreg $0x9  }
0xb1: {  	_ =	task.clear_ibuf [dreg:s6], $0x5FFFF;
	_ =	strace $0x9000004C  }
0xb2: {  	s29 =	simm.s32 $0x9;
	_ =	strace $0x8000004E  }
0xb3: {  	_ =	swait.ge [sflag:s29], $0x1  }
0xb4: {  	[sflag:s29] =	ssyncadd.s32 $0xFFFFFFFF  }
0xb5: {  	_ =	strace $0x9000004E  }
0xb6: {  	_ =	sfence  }
0xb7: {  	s30 =	sld [smem:$0x0];
	_ =	sdelay $0x2  }
0xb8: {  	s31 =	sshll.u32 s1, $0xD;
	s1 =	sshrl.u32 s1, $0x2  }
0xb9: {  	s3 =	sand.u32 $0x4000, s31;
	s1 =	sadd.s32 s1, s30  }
0xba: {  	s0 =	sor.u32 s3, s0;
	s1 =	sshll.u32 s1, $0x11  }
0xbb: {  	s0 =	sor.u32 s1, s0  }
0xbc: {  	s0 =	sadd.s32 $0x8F2B, s0  }
0xbd: {  	[sflag:s0] =	ssyncadd.remote.s32 $0x1  }
0xbe: {  	_ =	sfence.sel $0xFFFF  }
0xbf: {  	[dreg:$0x0] =	wrdreg $0xFFFFFFFF;
	(pc) =	sbr.abs _section_cstart, $3  }
0xc0: {  	[dreg:$0x1] =	wrdreg $0xFFFFFFFF  }
0xc1: {  	_ =	task.clear_ibuf [dreg:s6], $0x2FFFF;
	_ =	strace $0x9FFFFFFF  }
0xc2: {  	(tm) =	ssettm $0x7FFFFFFF  }
0xc3: {  	_ =	shalt  }
tec
execute0_lowered:
.L_overlay_start_1:
0x0: {  	(tag) =	ssettag $0x1  }
0x1: {  	s7 =	rddreg [dreg:$0x0]  }
0x2: {  	s1 =	rddreg [dreg:$0x1];
	s3 =	simm.s32 $0x0  }
0x3: {  	s0 =	stileid.u32;
	s9 =	srdreg.scid;
	s19 =	simm.s32 $0x7  }
0x4: {  	s21 =	simm.s32 $0xC00;
	s22 =	simm.s32 $0x70;
	s23 =	simm.s32 $0x1000  }
0x5: {  	s24 =	simm.s32 $0x80;
	s25 =	simm.s32 $0x4800;
	s8 =	smul.u32 $0x2800, s0  }
0x6: {  	s28 =	simm.s32 $0x0;
	[smem:$0x7FF] =	sst s3;
	s26 =	smul.u32 $0x50000, s0  }
0x7: {  	s4 =	sadd.s32 $0x1C000, s7;
	s5 =	sadd.s32 $0x10800, s7;
	s30 =	smul.u32 $0x5C00, s0  }
0x8: {  	s6 =	sadd.s32 $0x4A00, s7;
	s15 =	sand.u32 $0x1, s9;
	s11 =	smul.u32 $0xB80, s0  }
0x9: {  	s17 =	sshll.u32 s0, $0x6;
	_ =	strace $0x8000004D;
	s29 =	ssub.s32 $0x2, s15  }
0xa: {  	p0 =	sne.s32 s15, $0x0;
	s15 =	sor.u32 $0x1C09, s17;
	s17 =	simm.s32 $0x9  }
0xb: {  	s13 =	sadd.s32 s8, s7;
	s10 =	sshrl.u32 s29, $0x1;
	s9 =	sshrl.u32 s26, $0x2  }
.Ltmp0:
0xc: {  	s31 =	sshrl.u32 s30, $0x3;
	s8 =	sadd.s32 s5, s11;
	(pc) =	sbr.rel .LBB2_1-.Ltmp0, $4  }
0xd: {  	s26 =	simm.s32 $0x4;
	s14 =	ssub.s32 s29, s10;
	s16 =	sadd.s32 s9, s1  }
0xe: {  	s7 =	sadd.s32 $0x43200, s13;
	s12 =	sadd.s32 $0x80, s31;
	s9 =	sadd.s32 s6, s11  }
0xf: {  	s13 =	sadd.s32 $0x6B200, s13;
	s10 =	sadd.s32 s5, s12;
	s11 =	sadd.s32 s6, s12  }
0x10: {  	s12 =	smul.u32 $0x17, s0;
	s14 =	smax.u32 s14, $0x1;
	s16 =	sshrl.u32 s16, $0x3  }
.LBB2_12:
0x11: {  	_ =	swait.ge [sflag:s26], $0x3800  }
0x12: {  	[sflag:s26] =	ssyncset.done $0x0  }
0x13: {  	[sflag:s26] =	ssyncadd.s32 $0xFFFFC800  }
0x14: {  	[bflag:$0x0] =	sbarrier.arrive $0xFFFF  }
0x15: {  	[hbm:s13], [sflag:s15] =	dma.local [spmem:s16], $0x2800  }
0x16: {  	_ =	swait.ge [sflag:s17], $0x2800  }
0x17: {  	[sflag:s17] =	ssyncset.done $0x0  }
0x18: {  	[sflag:s17] =	ssyncadd.s32 $0xFFFFD800  }
.LBB2_13:
0x19: {  	s28 =	sadd.s32 $0x1, s28  }
0x1a: {  	p1 =	sne.s32 s28, s14  }
.Ltmp1:
0x1b: {  	_ = 	snop;
	(pc) =	sbr.rel @!p1 .LBB2_14-.Ltmp1, $1  }
0x1c: {  	_ =	sdelay $0x3  }
.LBB2_1:
.Ltmp2:
0x1d: {  	(pc) =	sbr.rel @p0 .LBB2_15-.Ltmp2, $1  }
0x1e: {  	_ =	sdelay $0x3  }
0x1f: {  	[spmem:s16], [sflag:s15] =	dma.local [hbm:s7], $0x2800  }
0x20: {  	_ =	swait.ge [sflag:s17], $0x2800  }
0x21: {  	[sflag:s17] =	ssyncset.done $0x0  }
0x22: {  	[sflag:s17] =	ssyncadd.s32 $0xFFFFD800  }
0x23: {  	s29 =	simm.s32 $0x0;
	[bflag:$0x0] =	sbarrier.arrive $0xFFFF  }
0x24: {  	[tilespmem:s29], [sflag:$0x7] =	stream.linear.gather [hbm4b:s8+s29], $0x400, $0x38;
	[tilespmem:$0x1F800] =	vst v63  }
0x25: {  	s0 =	simm.s32 $0x800  }
0x26: {  	[tilespmem:s0], [sflag:$0x7] =	stream.linear.gather [hbm4b:s9+s29], $0x400, $0x38;
	[tilespmem:$0x1F800] =	vst v63  }
0x27: {  	_ =	swait.ge [sflag:s19], $0x400  }
0x28: {  	[sflag:s19] =	ssyncset.done $0x0  }
0x29: {  	[sflag:s19] =	ssyncadd.s32 $0xFFFFFC00  }
0x2a: {  	_ =	swait.ge [sflag:s19], $0x400  }
0x2b: {  	[sflag:s19] =	ssyncset.done $0x0  }
0x2c: {  	s31 =	simm.s32 $0x400;
	[sflag:s19] =	ssyncadd.s32 $0xFFFFFC00  }
0x2d: {  	[tilespmem:s31], [sflag:$0x8] =	stream.linear.gather [hbm4b:s10+s29], $0x400, $0x38;
	[tilespmem:$0x1F800] =	vst v63  }
0x2e: {  	_ = 	snop  }
0x2f: {  	[tilespmem:s21], [sflag:$0x8] =	stream.linear.gather [hbm4b:s11+s29], $0x400, $0x38;
	[tilespmem:$0x1F800] =	vst v63  }
.Ltmp3:
0x30: {  	_ = 	snop;
	(pc) =	sbr.rel .LBB2_3-.Ltmp3, $4  }
0x31: {  	_ = 	snop  }
0x32: {  	[tilespmem:s23], [sflag:$0x1] =	stream.indirect.gather [hbm4b:s4+s22], $0x80, s29, s22, $0xb8;
	[tilespmem:$0x1F800] =	vst v63  }
0x33: {  	_ = 	snop  }
0x34: {  	[tilespmem:s25], [sflag:$0x2] =	stream.indirect.gather [hbm4b:s4+s22], $0x80, s24, s22, $0xb8;
	[tilespmem:$0x1F800] =	vst v63  }
.LBB2_6:
0x35: {  	s0 =	sshrl.u32 s30, $0x3  }
0x36: {  	s0 =	sand.u32 $0x1, s0  }
0x37: {  	s0 =	sadd.s32 $0x7, s0  }
0x38: {  	_ =	swait.ge [sflag:s0], $0x400  }
0x39: {  	[sflag:s0] =	ssyncset.done $0x0  }
0x3a: {  	[sflag:s0] =	ssyncadd.s32 $0xFFFFFC00  }
0x3b: {  	_ =	swait.ge [sflag:s0], $0x400  }
0x3c: {  	[sflag:s0] =	ssyncset.done $0x0  }
0x3d: {  	s31 =	simm.s32 $0x0;
	[sflag:s0] =	ssyncadd.s32 $0xFFFFFC00  }
.LBB2_10:
0x3e: {  	s0 =	smul.u32 $0xAB, s30;
	_ =	sdelay $0x1  }
0x3f: {  	s0 =	sshrl.u32 s0, $0x9  }
0x40: {  	s0 =	sand.u32 $0x7F, s0  }
0x41: {  	s0 =	smul.u32 $0x3, s0;
	_ =	sdelay $0x1  }
0x42: {  	s0 =	ssub.s32 s30, s0  }
0x43: {  	s0 =	sand.u32 $0xFF, s0  }
0x44: {  	s2 =	smul.u32 $0xE000, s0  }
0x45: {  	s18 =	sshll.u32 s30, $0x7  }
0x46: {  	s20 =	sshll.u32 s31, $0x7;
	s18 =	sand.u32 $0x400, s18;
	s2 =	sshrl.u32 s2, $0x2  }
0x47: {  	s18 =	sor.u32 s20, s18;
	s0 =	sadd.s32 $0x1, s0;
	s2 =	sadd.s32 $0x1000, s2  }
0x48: {  	[tilespmem:s2], [sflag:s0] =	stream.indirect.gather [hbm4b:s4+s22], $0x80, s18, s22, $0xb8;
	[tilespmem:$0x1F800] =	vst v63  }
.LBB2_11:
0x49: {  	s29 =	sadd.s32 $0x1, s29  }
0x4a: {  	p1 =	seq.s32 s29, $0xB8  }
.Ltmp4:
0x4b: {  	_ = 	snop;
	(pc) =	sbr.rel @p1 .LBB2_12-.Ltmp4, $1  }
0x4c: {  	_ =	sdelay $0x3  }
.LBB2_3:
0x4d: {  	s30 =	smul.u32 $0xAB, s29;
	_ =	sdelay $0x1  }
0x4e: {  	s30 =	sshrl.u32 s30, $0x9  }
0x4f: {  	s30 =	sand.u32 $0x7F, s30  }
0x50: {  	s30 =	smul.u32 $0x3, s30;
	_ =	sdelay $0x1  }
0x51: {  	s30 =	ssub.s32 s29, s30  }
0x52: {  	s30 =	sand.u32 $0xFF, s30  }
0x53: {  	s0 =	sadd.s32 $0x1, s30  }
0x54: {  	_ =	swait.ge [sflag:s0], $0x3800  }
0x55: {  	s2 =	sand.u32 $0x7, s29;
	[sflag:s0] =	ssyncset.done $0x0  }
0x56: {  	p1 =	sne.s32 s2, $0x1;
	[sflag:s0] =	ssyncadd.s32 $0xFFFFC800;
	s0 =	sadd.s32 $0xFFFFFFF7, s29  }
0x57: {  	p2 =	sgt.u32 @!p1 s0, $0xA6  }
0x58: {  	s31 =	smul.u32 $0xE000, s30;
	p1 =	por p1, p2  }
.Ltmp5:
0x59: {  	s18 =	sshll.u32 s29, $0x7;
	(pc) =	sbr.rel @p1 .LBB2_7-.Ltmp5, $4  }
0x5a: {  	s18 =	sand.u32 $0x400, s18;
	s20 =	sshll.u32 s2, $0x7  }
0x5b: {  	s18 =	sor.u32 s20, s18;
	s31 =	sshrl.u32 s31, $0x2  }
0x5c: {  	s18 =	sor.u32 $0x800, s18;
	s20 =	sadd.s32 $0x1000, s31;
	s31 =	sor.u32 $0x4, s30  }
0x5d: {  	[spmem:s1] =	stream.indirect.scatter.add.f32 [tilespmem:s20], [sflag:s31], $0x80, s18, s22, $0xb8;
	[tilespmem:$0x1F800] =	vst v63  }
0x5e: {  	s0 =	sshrl.u32 s29, $0x3  }
0x5f: {  	s0 =	sadd.s32 $0x1, s0  }
0x60: {  	s2 =	sadd.s32 s12, s0  }
.Ltmp6:
0x61: {  	s0 =	sand.u32 $0x1, s0;
	s2 =	sshll.u32 s2, $0x7;
	(pc) =	sbr.rel .LBB2_5-.Ltmp6, $4  }
0x62: {  	s18 =	sadd.s32 $0x7, s0;
	s0 =	sshll.u32 s0, $0xA;
	s20 =	sadd.s32 s5, s2  }
0x63: {  	[tilespmem:s0], [sflag:s18] =	stream.linear.gather [hbm4b:s20+s3], $0x400, $0x38;
	[tilespmem:$0x1F800] =	vst v63  }
0x64: {  	s2 =	sadd.s32 s6, s2;
	s0 =	sor.u32 $0x800, s0  }
0x65: {  	[tilespmem:s0], [sflag:s18] =	stream.linear.gather [hbm4b:s2+s3], $0x400, $0x38;
	[tilespmem:$0x1F800] =	vst v63  }
.LBB2_7:
0x66: {  	p1 =	seq.s32 s29, $0x0  }
.Ltmp7:
0x67: {  	_ = 	snop;
	(pc) =	sbr.rel @p1 .LBB2_8-.Ltmp7, $1  }
0x68: {  	_ =	sdelay $0x3  }
.LBB2_5:
0x69: {  	s0 =	sadd.s32 $0xFFFFFFFF, s29  }
0x6a: {  	s2 =	sand.u32 $0xFF, s0  }
0x6b: {  	s2 =	smul.u32 $0xAB, s2;
	_ =	sdelay $0x1  }
0x6c: {  	s30 =	sadd.s32 $0x2, s29;
	s2 =	sshrl.u32 s2, $0x9  }
0x6d: {  	p1 =	sgt.u32 s29, $0xB5;
	s31 =	sand.u32 $0x7, s30;
	s2 =	smul.u32 $0x3, s2  }
0x6e: {  	p2 =	sne.s32 @!p1 s31, $0x0  }
0x6f: {  	p2 =	por p1, p2;
	s0 =	ssub.s32 s0, s2  }
.Ltmp8:
0x70: {  	s0 =	sor.u32 $0x4, s0;
	(pc) =	sbr.rel @!p2 .LBB2_6-.Ltmp8, $4  }
0x71: {  	s0 =	sand.u32 $0xFF, s0  }
0x72: {  	_ =	swait.ge [sflag:s0], $0x3800  }
0x73: {  	[sflag:s0] =	ssyncset.done $0x0  }
0x74: {  	[sflag:s0] =	ssyncadd.s32 $0xFFFFC800  }
.Ltmp9:
0x75: {  	(pc) =	sbr.rel @p1 .LBB2_11-.Ltmp9, $4  }
.Ltmp10:
0x76: {  	(pc) =	sbr.rel @!p1 .LBB2_10-.Ltmp10, $4  }
0x77: {  	_ = 	snop  }
0x78: {  	_ = 	snop  }
0x79: {  	_ = 	snop  }
0x7a: {  	_ = 	snop  }
.LBB2_8:
.Ltmp11:
0x7b: {  	(pc) =	sbr.rel .LBB2_10-.Ltmp11, $2  }
0x7c: {  	_ =	sdelay $0x2  }
0x7d: {  	s30 =	simm.s32 $0x2;
	s31 =	simm.s32 $0x2  }
.LBB2_15:
.Ltmp12:
0x7e: {  	(pc) =	sbr.rel .LBB2_13-.Ltmp12, $3  }
0x7f: {  	_ = 	snop  }
0x80: {  	[bflag:$0x0] =	sbarrier.arrive $0xFFFF  }
0x81: {  	[bflag:$0x0] =	sbarrier.arrive $0xFFFF;
	_ =	sdelay $0x1  }
.LBB2_14:
0x82: {  	_ =	sfence.sel $0x180000  }
0x83: {  	[bflag:$0x0] =	sbarrier.arrive $0xFFFF  }
0x84: {  	_ =	strace $0x9000004D  }
0x85: {  	s0 =	stileid.u32;
	[bflag:$0x2] =	sbarrier.arrive $0xFFFF  }
0x86: {  	p0 =	sne.s32 s0, $0x0;
	s0 =	rddreg [dreg:$0x2]  }
0x87: {  	s0 =	sadd.s32 @!p0 $0x100000, s0  }
0x88: {  	[sflag:s0] =	ssyncadd.tile.s32 @!p0 $0x1;
	_ =	shalt  }
.Lfunc_end2:
_tile_overlayer_lowered:
.L_overlay_start_2:
0x89: {  	(tag) =	ssettag $0x2  }
0x8a: {  	s0 =	rddreg [dreg:$0x0];
	s2 =	stileid.u32  }
0x8b: {  	s1 =	rddreg [dreg:$0x1];
	p0 =	sne.s32 s2, $0x0  }
0x8c: {  	s3 =	rddreg [dreg:$0x2];
	[bflag:$0x3] =	sbarrier.arrive $0xFFFF;
	s2 =	simm.s32 @!p0 $0x1C09  }
0x8d: {  	[timem:s3], [sflag:s2] =	dma.local @!p0 [hbm:s0], s1  }
0x8e: {  	s0 =	simm.s32 @!p0 $0x9  }
0x8f: {  	_ =	swait.ge @!p0 [sflag:s0], s1  }
0x90: {  	s1 =	ssub.s32 @!p0 $0x0, s1;
	[sflag:s0] =	ssyncset.done @!p0 $0x0  }
0x91: {  	[sflag:s0] =	ssyncadd.s32 @!p0 s1  }
0x92: {  	[bflag:$0x3] =	sbarrier.arrive $0xFFFF  }
0x93: {  	_ =	shalt  }

// kernel: kernel.23.cloned.1.call-start
scs
__scs_entry_jumppad:
0x0: {  	(pc) =	sbr.rel $0x88, $3  }
0x1: {  	(tag) =	ssettag $0x0;
	lr =	simm.s32 $0x1  }
0x2: {  	[smem:$0x3F97] =	sst lr;
	_ =	strace $0xD0000000  }
0x3: {  	_ = 	snop  }
0x4: {  	_ = 	snop  }
0x5: {  	_ = 	snop  }
0x6: {  	_ = 	snop  }
0x7: {  	_ = 	snop  }
__scs_overlays_trampoline_lowered:
0x8: {  	[smem:$0x3FA6] =	sst s0  }
0x9: {  	[smem:$0x3FA7] =	sst s1  }
0xa: {  	[smem:$0x3FA8] =	sst s2  }
0xb: {  	[smem:$0x3FA9] =	sst s3  }
0xc: {  	[smem:$0x3FAA] =	sst s4  }
0xd: {  	[smem:$0x3FAB] =	sst s5  }
0xe: {  	[smem:$0x3FAC] =	sst s6  }
0xf: {  	[smem:$0x3FAD] =	sst s7  }
0x10: {  	[smem:$0x3FAE] =	sst s8  }
0x11: {  	[smem:$0x3FAF] =	sst s9;
	s0 =	simm.s32 @!p0 $0x0  }
0x12: {  	s1 =	sld [smem:$0x3F95];
	s0 =	simm.s32 @p0 $0x1  }
0x13: {  	[smem:$0x3FB0] =	sst s0;
	s0 =	simm.s32 @!p1 $0x0  }
0x14: {  	s2 =	sld [smem:$0x3F94];
	s0 =	simm.s32 @p1 $0x1  }
0x15: {  	[smem:$0x3FB1] =	sst s0;
	s0 =	simm.s32 @!p2 $0x0  }
0x16: {  	s3 =	sld [smem:$0x3FDB];
	s0 =	simm.s32 @p2 $0x1  }
0x17: {  	s4 =	simm.s32 $0x1BF5;
	[smem:$0x3FB3] =	sst s0  }
0x18: {  	s0 =	sld [smem:$0x3F96];
	_ =	swait.ge [sflag:s4], $0x0  }
0x19: {  	s7 =	sld [smem:$0x3F97]  }
0x1a: {  	s8 =	sadd.s32 $0xFFFFE003, lr  }
0x1b: {  	s9 =	sadd.s32 $0xFFFFFEF7, lr;
	s5 =	simm.s32 $0xFFFFFFFF;
	p2 =	slt.u32 s8, $0xFFFFF086  }
0x1c: {  	p1 =	slt.u32 s9, $0xF7A;
	s5 =	simm.s32 @!p2 $0x0  }
0x1d: {  	s5 =	simm.s32 @p1 $0x1;
	p0 =	seq.s32 s7, s2  }
0x1e: {  	s7 =	smul.u32 @!p0 $0xF7A, s2;
	p2 =	seq.s32 @!p0 s5, $0x0  }
0x1f: {  	s9 =	smul.u32 $0xF7A, s1;
	s8 =	simm.s32 @!p0 $0x1BF5;
	p2 =	por !p2, p0  }
0x20: {  	[sflag:s8] =	ssyncset.s32 @!p0 $0xFFFFF086;
	s6 =	sadd.s32 @!p0 s3, s7;
	s7 =	simm.s32 @!p0 $0x108  }
0x21: {  	s3 =	sadd.s32 s3, s9;
	s6 =	sadd.s32 @!p0 $0x88, s6;
	s7 =	simm.s32 @p2 $0x1082  }
0x22: {  	[simem:s7], [sflag:s8] =	dma.local @!p0 [hbm:s6], $0xF7A  }
0x23: {  	s9 =	sor.u32 $0xD0000000, s2;
	s6 =	simm.s32 $0x108;
	_ =	swait.ge @!p0 [sflag:s8], $0x0  }
0x24: {  	s3 =	sadd.s32 $0x88, s3;
	s6 =	simm.s32 @!p1 $0x1082;
	[sflag:s4] =	ssyncset.s32 $0xFFFFF086  }
0x25: {  	[simem:s6], [sflag:s4] =	dma.local [hbm:s3], $0xF7A  }
0x26: {  	[smem:$0x3F97] =	sst s1;
	(tag) =	ssettag s2;
	_ =	strace s9  }
0x27: {  	s1 =	sld [smem:$0x3FA7]  }
0x28: {  	s2 =	sld [smem:$0x3FA8]  }
0x29: {  	s4 =	sld [smem:$0x3FAA]  }
0x2a: {  	p0 =	seq.s32 s5, $0x0;
	s5 =	sld [smem:$0x3FAB]  }
0x2b: {  	s6 =	sld [smem:$0x3FAC]  }
0x2c: {  	s7 =	sld [smem:$0x3FAD]  }
0x2d: {  	s3 =	simm.s32 $0x108;
	s8 =	sld [smem:$0x3FAE]  }
0x2e: {  	s3 =	simm.s32 @!p0 $0x1082;
	s9 =	sld [smem:$0x3FAF]  }
0x2f: {  	lr =	sadd.s32 s0, s3;
	s0 =	sld [smem:$0x3FA6]  }
0x30: {  	s3 =	sld [smem:$0x3FA9]  }
0x31: {  	[smem:$0x3FB2] =	sst s10  }
0x32: {  	s10 =	sld [smem:$0x3FB0];
	_ =	sdelay $0x3  }
0x33: {  	p0 =	seq.s32 s10, $0x1;
	s10 =	sld [smem:$0x3FB2];
	_ =	sdelay $0x3  }
0x34: {  	[smem:$0x3FB2] =	sst s10  }
0x35: {  	s10 =	sld [smem:$0x3FB1];
	_ =	sdelay $0x3  }
0x36: {  	p1 =	seq.s32 s10, $0x1;
	s10 =	sld [smem:$0x3FB2];
	_ =	sdelay $0x3  }
0x37: {  	[smem:$0x3FB2] =	sst s10  }
0x38: {  	s10 =	sld [smem:$0x3FB3]  }
0x39: {  	_ = 	snop;
	(pc) =	sbr.ind lr, $3  }
0x3a: {  	_ = 	snop  }
0x3b: {  	_ = 	snop  }
0x3c: {  	p2 =	seq.s32 s10, $0x1;
	s10 =	sld [smem:$0x3FB2]  }
0x3d: {  	_ =	shalt  }
0x3e: {  	_ =	shalt  }
0x3f: {  	_ =	shalt  }
0x40: {  	_ =	shalt  }
0x41: {  	_ =	shalt  }
0x42: {  	_ =	shalt  }
0x43: {  	_ =	shalt  }
0x44: {  	_ =	shalt  }
0x45: {  	_ =	shalt  }
0x46: {  	_ =	shalt  }
0x47: {  	_ =	shalt  }
0x48: {  	_ =	shalt  }
0x49: {  	_ =	shalt  }
0x4a: {  	_ =	shalt  }
0x4b: {  	_ =	shalt  }
0x4c: {  	_ =	shalt  }
0x4d: {  	_ =	shalt  }
0x4e: {  	_ =	shalt  }
0x4f: {  	_ =	shalt  }
0x50: {  	_ =	shalt  }
0x51: {  	_ =	shalt  }
0x52: {  	_ =	shalt  }
0x53: {  	_ =	shalt  }
0x54: {  	_ =	shalt  }
0x55: {  	_ =	shalt  }
0x56: {  	_ =	shalt  }
0x57: {  	_ =	shalt  }
0x58: {  	_ =	shalt  }
0x59: {  	_ =	shalt  }
0x5a: {  	_ =	shalt  }
0x5b: {  	_ =	shalt  }
0x5c: {  	_ =	shalt  }
0x5d: {  	_ =	shalt  }
0x5e: {  	_ =	shalt  }
0x5f: {  	_ =	shalt  }
0x60: {  	_ =	shalt  }
0x61: {  	_ =	shalt  }
0x62: {  	_ =	shalt  }
0x63: {  	_ =	shalt  }
0x64: {  	_ =	shalt  }
0x65: {  	_ =	shalt  }
0x66: {  	_ =	shalt  }
0x67: {  	_ =	shalt  }
0x68: {  	_ =	shalt  }
0x69: {  	_ =	shalt  }
0x6a: {  	_ =	shalt  }
0x6b: {  	_ =	shalt  }
0x6c: {  	_ =	shalt  }
0x6d: {  	_ =	shalt  }
0x6e: {  	_ =	shalt  }
0x6f: {  	_ =	shalt  }
0x70: {  	_ =	shalt  }
0x71: {  	_ =	shalt  }
0x72: {  	_ =	shalt  }
0x73: {  	_ =	shalt  }
0x74: {  	_ =	shalt  }
0x75: {  	_ =	shalt  }
0x76: {  	_ =	shalt  }
0x77: {  	_ =	shalt  }
0x78: {  	_ =	shalt  }
0x79: {  	_ =	shalt  }
0x7a: {  	_ =	shalt  }
0x7b: {  	_ =	shalt  }
0x7c: {  	_ =	shalt  }
0x7d: {  	_ =	shalt  }
0x7e: {  	_ =	shalt  }
0x7f: {  	_ =	shalt  }
0x80: {  	_ =	shalt  }
0x81: {  	_ =	shalt  }
0x82: {  	_ =	shalt  }
0x83: {  	_ =	shalt  }
0x84: {  	_ =	shalt  }
0x85: {  	_ =	shalt  }
0x86: {  	_ =	shalt  }
0x87: {  	_ =	shalt  }
.Lfunc_end0:
.L_simem_size_0:
called_computation.3_lowered:
.L_overlay_start_0:
0x88: {  	s2 =	sld [smem:$0x3FD9]  }
0x89: {  	s3 =	sld [smem:$0x3FFE];
	_ =	sdelay $0x1  }
0x8a: {  	s1 =	srdreg.scid  }
0x8b: {  	s0 =	sand.u32 $0x1, s1  }
0x8c: {  	s16 =	sshll.u32 s0, $0xA;
	s2 =	sadd.s32 s3, s2  }
0x8d: {  	s2 =	sadd.s32 s2, s16  }
0x8e: {  	[smem:$0x3FBE] =	sst s2  }
0x8f: {  	_ = 	snop  }
0x90: {  	(tm) =	ssettm $0x1  }
0x91: {  	s17 =	sld [smem:$0x3FFB];
	_ =	sdelay $0x3  }
0x92: {  	_ =	strace s17  }
0x93: {  	s2 =	sld [smem:$0x3FFC];
	_ =	sdelay $0x3  }
0x94: {  	_ =	strace s2  }
0x95: {  	s2 =	sld [smem:$0x3FFD];
	_ =	sdelay $0x3  }
0x96: {  	_ =	strace s2  }
0x97: {  	_ =	strace $0x8FFFFFFF  }
0x98: {  	s18 =	sld [smem:$0x3FDB];
	_ =	sdelay $0x1  }
0x99: {  	s19 =	simm.s32 $_scs_section_size  }
0x9a: {  	s4 =	simm.s32 $_size__tile_overlayer_lowered;
	s5 =	simm.s32 $_tile_overlayer_lowered  }
0x9b: {  	s22 =	simm.s32 $0x1BFF;
	s21 =	sshll.u32 s5, $0x1;
	s2 =	sadd.s32 s19, s18  }
0x9c: {  	s6 =	simm.s32 $0x0;
	s20 =	sshll.u32 s4, $0x1;
	s4 =	sadd.s32 s21, s2  }
0x9d: {  	[timem:s6], [sflag:s22] =	dma.local [hbm:s4], s20  }
0x9e: {  	_ =	swait.ge [sflag:s22], s20  }
0x9f: {  	s3 =	ssub.s32 $0x0, s20;
	[sflag:s22] =	ssyncset.done $0x0  }
0xa0: {  	[sflag:s22] =	ssyncadd.s32 s3;
	_ =	sdelay $0x1  }
0xa1: {  	s23 =	simm.s32 $0x1B8B  }
0xa2: {  	_ =	swait.ge [sflag:s23], $0x1  }
0xa3: {  	[sflag:s23] =	ssyncset.done $0x0  }
0xa4: {  	s25 =	simm.s32 $0x1B8E;
	s24 =	sld [smem:$0x3FFE];
	[sflag:s23] =	ssyncadd.s32 $0xFFFFFFFF  }
0xa5: {  	s26 =	simm.s32 $execute0_lowered;
	[smem:$0x3FD2] =	sst s25  }
0xa6: {  	s4 =	sshll.u32 s26, $0x1;
	_ =	strace $0x8000004F;
	[dreg:$0x1] =	wrdreg $0xFFFFFFFF  }
0xa7: {  	s28 =	simm.s32 $_size_execute0_lowered;
	s2 =	sadd.s32 s2, s4;
	[dreg:$0x0] =	wrdreg $0x0  }
0xa8: {  	s4 =	sshll.u32 s28, $0x1;
	[dreg:$0x2] =	wrdreg s2  }
0xa9: {  	[dreg:$0x3] =	wrdreg s4  }
0xaa: {  	[dreg:$0x4] =	wrdreg $0xC0  }
0xab: {  	_ =	task [dreg:s6], $0x5FFFF  }
0xac: {  	[dreg:$0x1] =	wrdreg $0xFFFFFFFF  }
0xad: {  	[dreg:$0x0] =	wrdreg $0x60  }
0xae: {  	[dreg:$0x2] =	wrdreg s24  }
0xaf: {  	[dreg:$0x3] =	wrdreg $0xB8000  }
0xb0: {  	[dreg:$0x4] =	wrdreg $0x9  }
0xb1: {  	_ =	task.clear_ibuf [dreg:s6], $0x5FFFF;
	_ =	strace $0x9000004F  }
0xb2: {  	s29 =	simm.s32 $0x9;
	_ =	strace $0x80000051  }
0xb3: {  	_ =	swait.ge [sflag:s29], $0x1  }
0xb4: {  	[sflag:s29] =	ssyncadd.s32 $0xFFFFFFFF  }
0xb5: {  	_ =	strace $0x90000051  }
0xb6: {  	_ =	sfence  }
0xb7: {  	s30 =	sld [smem:$0x0];
	_ =	sdelay $0x2  }
0xb8: {  	s31 =	sshll.u32 s1, $0xD;
	s1 =	sshrl.u32 s1, $0x2  }
0xb9: {  	s3 =	sand.u32 $0x4000, s31;
	s1 =	sadd.s32 s1, s30  }
0xba: {  	s0 =	sor.u32 s3, s0;
	s1 =	sshll.u32 s1, $0x11  }
0xbb: {  	s0 =	sor.u32 s1, s0  }
0xbc: {  	s0 =	sadd.s32 $0x8F2B, s0  }
0xbd: {  	[sflag:s0] =	ssyncadd.remote.s32 $0x1  }
0xbe: {  	_ =	sfence.sel $0xFFFF  }
0xbf: {  	[dreg:$0x0] =	wrdreg $0xFFFFFFFF;
	(pc) =	sbr.abs _section_cstart, $3  }
0xc0: {  	[dreg:$0x1] =	wrdreg $0xFFFFFFFF  }
0xc1: {  	_ =	task.clear_ibuf [dreg:s6], $0x2FFFF;
	_ =	strace $0x9FFFFFFF  }
0xc2: {  	(tm) =	ssettm $0x7FFFFFFF  }
0xc3: {  	_ =	shalt  }
tec
execute0_lowered:
.L_overlay_start_1:
0x0: {  	(tag) =	ssettag $0x1  }
0x1: {  	s7 =	rddreg [dreg:$0x0]  }
0x2: {  	s1 =	rddreg [dreg:$0x1];
	s3 =	simm.s32 $0x0  }
0x3: {  	s0 =	stileid.u32;
	s9 =	srdreg.scid;
	s19 =	simm.s32 $0x7  }
0x4: {  	s21 =	simm.s32 $0xC00;
	s22 =	simm.s32 $0x70;
	s23 =	simm.s32 $0x1000  }
0x5: {  	s24 =	simm.s32 $0x80;
	s25 =	simm.s32 $0x4800;
	s8 =	smul.u32 $0x2800, s0  }
0x6: {  	s28 =	simm.s32 $0x0;
	[smem:$0x7FF] =	sst s3;
	s26 =	smul.u32 $0x50000, s0  }
0x7: {  	s4 =	sadd.s32 $0x1C000, s7;
	s5 =	sadd.s32 $0x10800, s7;
	s30 =	smul.u32 $0x5C00, s0  }
0x8: {  	s6 =	sadd.s32 $0x4A00, s7;
	s15 =	sand.u32 $0x1, s9;
	s11 =	smul.u32 $0xB80, s0  }
0x9: {  	s17 =	sshll.u32 s0, $0x6;
	_ =	strace $0x80000050;
	s29 =	ssub.s32 $0x2, s15  }
0xa: {  	p0 =	sne.s32 s15, $0x0;
	s15 =	sor.u32 $0x1C09, s17;
	s17 =	simm.s32 $0x9  }
0xb: {  	s13 =	sadd.s32 s8, s7;
	s10 =	sshrl.u32 s29, $0x1;
	s9 =	sshrl.u32 s26, $0x2  }
.Ltmp0:
0xc: {  	s31 =	sshrl.u32 s30, $0x3;
	s8 =	sadd.s32 s5, s11;
	(pc) =	sbr.rel .LBB2_1-.Ltmp0, $4  }
0xd: {  	s26 =	simm.s32 $0x4;
	s14 =	ssub.s32 s29, s10;
	s16 =	sadd.s32 s9, s1  }
0xe: {  	s7 =	sadd.s32 $0x43200, s13;
	s12 =	sadd.s32 $0x80, s31;
	s9 =	sadd.s32 s6, s11  }
0xf: {  	s13 =	sadd.s32 $0x6B200, s13;
	s10 =	sadd.s32 s5, s12;
	s11 =	sadd.s32 s6, s12  }
0x10: {  	s12 =	smul.u32 $0x17, s0;
	s14 =	smax.u32 s14, $0x1;
	s16 =	sshrl.u32 s16, $0x3  }
.LBB2_12:
0x11: {  	_ =	swait.ge [sflag:s26], $0x3800  }
0x12: {  	[sflag:s26] =	ssyncset.done $0x0  }
0x13: {  	[sflag:s26] =	ssyncadd.s32 $0xFFFFC800  }
0x14: {  	[bflag:$0x0] =	sbarrier.arrive $0xFFFF  }
0x15: {  	[hbm:s13], [sflag:s15] =	dma.local [spmem:s16], $0x2800  }
0x16: {  	_ =	swait.ge [sflag:s17], $0x2800  }
0x17: {  	[sflag:s17] =	ssyncset.done $0x0  }
0x18: {  	[sflag:s17] =	ssyncadd.s32 $0xFFFFD800  }
.LBB2_13:
0x19: {  	s28 =	sadd.s32 $0x1, s28  }
0x1a: {  	p1 =	sne.s32 s28, s14  }
.Ltmp1:
0x1b: {  	_ = 	snop;
	(pc) =	sbr.rel @!p1 .LBB2_14-.Ltmp1, $1  }
0x1c: {  	_ =	sdelay $0x3  }
.LBB2_1:
.Ltmp2:
0x1d: {  	(pc) =	sbr.rel @p0 .LBB2_15-.Ltmp2, $1  }
0x1e: {  	_ =	sdelay $0x3  }
0x1f: {  	[spmem:s16], [sflag:s15] =	dma.local [hbm:s7], $0x2800  }
0x20: {  	_ =	swait.ge [sflag:s17], $0x2800  }
0x21: {  	[sflag:s17] =	ssyncset.done $0x0  }
0x22: {  	[sflag:s17] =	ssyncadd.s32 $0xFFFFD800  }
0x23: {  	s29 =	simm.s32 $0x0;
	[bflag:$0x0] =	sbarrier.arrive $0xFFFF  }
0x24: {  	[tilespmem:s29], [sflag:$0x7] =	stream.linear.gather [hbm4b:s8+s29], $0x400, $0x38;
	[tilespmem:$0x1F800] =	vst v63  }
0x25: {  	s0 =	simm.s32 $0x800  }
0x26: {  	[tilespmem:s0], [sflag:$0x7] =	stream.linear.gather [hbm4b:s9+s29], $0x400, $0x38;
	[tilespmem:$0x1F800] =	vst v63  }
0x27: {  	_ =	swait.ge [sflag:s19], $0x400  }
0x28: {  	[sflag:s19] =	ssyncset.done $0x0  }
0x29: {  	[sflag:s19] =	ssyncadd.s32 $0xFFFFFC00  }
0x2a: {  	_ =	swait.ge [sflag:s19], $0x400  }
0x2b: {  	[sflag:s19] =	ssyncset.done $0x0  }
0x2c: {  	s31 =	simm.s32 $0x400;
	[sflag:s19] =	ssyncadd.s32 $0xFFFFFC00  }
0x2d: {  	[tilespmem:s31], [sflag:$0x8] =	stream.linear.gather [hbm4b:s10+s29], $0x400, $0x38;
	[tilespmem:$0x1F800] =	vst v63  }
0x2e: {  	_ = 	snop  }
0x2f: {  	[tilespmem:s21], [sflag:$0x8] =	stream.linear.gather [hbm4b:s11+s29], $0x400, $0x38;
	[tilespmem:$0x1F800] =	vst v63  }
.Ltmp3:
0x30: {  	_ = 	snop;
	(pc) =	sbr.rel .LBB2_3-.Ltmp3, $4  }
0x31: {  	_ = 	snop  }
0x32: {  	[tilespmem:s23], [sflag:$0x1] =	stream.indirect.gather [hbm4b:s4+s22], $0x80, s29, s22, $0xb8;
	[tilespmem:$0x1F800] =	vst v63  }
0x33: {  	_ = 	snop  }
0x34: {  	[tilespmem:s25], [sflag:$0x2] =	stream.indirect.gather [hbm4b:s4+s22], $0x80, s24, s22, $0xb8;
	[tilespmem:$0x1F800] =	vst v63  }
.LBB2_6:
0x35: {  	s0 =	sshrl.u32 s30, $0x3  }
0x36: {  	s0 =	sand.u32 $0x1, s0  }
0x37: {  	s0 =	sadd.s32 $0x7, s0  }
0x38: {  	_ =	swait.ge [sflag:s0], $0x400  }
0x39: {  	[sflag:s0] =	ssyncset.done $0x0  }
0x3a: {  	[sflag:s0] =	ssyncadd.s32 $0xFFFFFC00  }
0x3b: {  	_ =	swait.ge [sflag:s0], $0x400  }
0x3c: {  	[sflag:s0] =	ssyncset.done $0x0  }
0x3d: {  	s31 =	simm.s32 $0x0;
	[sflag:s0] =	ssyncadd.s32 $0xFFFFFC00  }
.LBB2_10:
0x3e: {  	s0 =	smul.u32 $0xAB, s30;
	_ =	sdelay $0x1  }
0x3f: {  	s0 =	sshrl.u32 s0, $0x9  }
0x40: {  	s0 =	sand.u32 $0x7F, s0  }
0x41: {  	s0 =	smul.u32 $0x3, s0;
	_ =	sdelay $0x1  }
0x42: {  	s0 =	ssub.s32 s30, s0  }
0x43: {  	s0 =	sand.u32 $0xFF, s0  }
0x44: {  	s2 =	smul.u32 $0xE000, s0  }
0x45: {  	s18 =	sshll.u32 s30, $0x7  }
0x46: {  	s20 =	sshll.u32 s31, $0x7;
	s18 =	sand.u32 $0x400, s18;
	s2 =	sshrl.u32 s2, $0x2  }
0x47: {  	s18 =	sor.u32 s20, s18;
	s0 =	sadd.s32 $0x1, s0;
	s2 =	sadd.s32 $0x1000, s2  }
0x48: {  	[tilespmem:s2], [sflag:s0] =	stream.indirect.gather [hbm4b:s4+s22], $0x80, s18, s22, $0xb8;
	[tilespmem:$0x1F800] =	vst v63  }
.LBB2_11:
0x49: {  	s29 =	sadd.s32 $0x1, s29  }
0x4a: {  	p1 =	seq.s32 s29, $0xB8  }
.Ltmp4:
0x4b: {  	_ = 	snop;
	(pc) =	sbr.rel @p1 .LBB2_12-.Ltmp4, $1  }
0x4c: {  	_ =	sdelay $0x3  }
.LBB2_3:
0x4d: {  	s30 =	smul.u32 $0xAB, s29;
	_ =	sdelay $0x1  }
0x4e: {  	s30 =	sshrl.u32 s30, $0x9  }
0x4f: {  	s30 =	sand.u32 $0x7F, s30  }
0x50: {  	s30 =	smul.u32 $0x3, s30;
	_ =	sdelay $0x1  }
0x51: {  	s30 =	ssub.s32 s29, s30  }
0x52: {  	s30 =	sand.u32 $0xFF, s30  }
0x53: {  	s0 =	sadd.s32 $0x1, s30  }
0x54: {  	_ =	swait.ge [sflag:s0], $0x3800  }
0x55: {  	s2 =	sand.u32 $0x7, s29;
	[sflag:s0] =	ssyncset.done $0x0  }
0x56: {  	p1 =	sne.s32 s2, $0x1;
	[sflag:s0] =	ssyncadd.s32 $0xFFFFC800;
	s0 =	sadd.s32 $0xFFFFFFF7, s29  }
0x57: {  	p2 =	sgt.u32 @!p1 s0, $0xA6  }
0x58: {  	s31 =	smul.u32 $0xE000, s30;
	p1 =	por p1, p2  }
.Ltmp5:
0x59: {  	s18 =	sshll.u32 s29, $0x7;
	(pc) =	sbr.rel @p1 .LBB2_7-.Ltmp5, $4  }
0x5a: {  	s18 =	sand.u32 $0x400, s18;
	s20 =	sshll.u32 s2, $0x7  }
0x5b: {  	s18 =	sor.u32 s20, s18;
	s31 =	sshrl.u32 s31, $0x2  }
0x5c: {  	s18 =	sor.u32 $0x800, s18;
	s20 =	sadd.s32 $0x1000, s31;
	s31 =	sor.u32 $0x4, s30  }
0x5d: {  	[spmem:s1] =	stream.indirect.scatter.add.f32 [tilespmem:s20], [sflag:s31], $0x80, s18, s22, $0xb8;
	[tilespmem:$0x1F800] =	vst v63  }
0x5e: {  	s0 =	sshrl.u32 s29, $0x3  }
0x5f: {  	s0 =	sadd.s32 $0x1, s0  }
0x60: {  	s2 =	sadd.s32 s12, s0  }
.Ltmp6:
0x61: {  	s0 =	sand.u32 $0x1, s0;
	s2 =	sshll.u32 s2, $0x7;
	(pc) =	sbr.rel .LBB2_5-.Ltmp6, $4  }
0x62: {  	s18 =	sadd.s32 $0x7, s0;
	s0 =	sshll.u32 s0, $0xA;
	s20 =	sadd.s32 s5, s2  }
0x63: {  	[tilespmem:s0], [sflag:s18] =	stream.linear.gather [hbm4b:s20+s3], $0x400, $0x38;
	[tilespmem:$0x1F800] =	vst v63  }
0x64: {  	s2 =	sadd.s32 s6, s2;
	s0 =	sor.u32 $0x800, s0  }
0x65: {  	[tilespmem:s0], [sflag:s18] =	stream.linear.gather [hbm4b:s2+s3], $0x400, $0x38;
	[tilespmem:$0x1F800] =	vst v63  }
.LBB2_7:
0x66: {  	p1 =	seq.s32 s29, $0x0  }
.Ltmp7:
0x67: {  	_ = 	snop;
	(pc) =	sbr.rel @p1 .LBB2_8-.Ltmp7, $1  }
0x68: {  	_ =	sdelay $0x3  }
.LBB2_5:
0x69: {  	s0 =	sadd.s32 $0xFFFFFFFF, s29  }
0x6a: {  	s2 =	sand.u32 $0xFF, s0  }
0x6b: {  	s2 =	smul.u32 $0xAB, s2;
	_ =	sdelay $0x1  }
0x6c: {  	s30 =	sadd.s32 $0x2, s29;
	s2 =	sshrl.u32 s2, $0x9  }
0x6d: {  	p1 =	sgt.u32 s29, $0xB5;
	s31 =	sand.u32 $0x7, s30;
	s2 =	smul.u32 $0x3, s2  }
0x6e: {  	p2 =	sne.s32 @!p1 s31, $0x0  }
0x6f: {  	p2 =	por p1, p2;
	s0 =	ssub.s32 s0, s2  }
.Ltmp8:
0x70: {  	s0 =	sor.u32 $0x4, s0;
	(pc) =	sbr.rel @!p2 .LBB2_6-.Ltmp8, $4  }
0x71: {  	s0 =	sand.u32 $0xFF, s0  }
0x72: {  	_ =	swait.ge [sflag:s0], $0x3800  }
0x73: {  	[sflag:s0] =	ssyncset.done $0x0  }
0x74: {  	[sflag:s0] =	ssyncadd.s32 $0xFFFFC800  }
.Ltmp9:
0x75: {  	(pc) =	sbr.rel @p1 .LBB2_11-.Ltmp9, $4  }
.Ltmp10:
0x76: {  	(pc) =	sbr.rel @!p1 .LBB2_10-.Ltmp10, $4  }
0x77: {  	_ = 	snop  }
0x78: {  	_ = 	snop  }
0x79: {  	_ = 	snop  }
0x7a: {  	_ = 	snop  }
.LBB2_8:
.Ltmp11:
0x7b: {  	(pc) =	sbr.rel .LBB2_10-.Ltmp11, $2  }
0x7c: {  	_ =	sdelay $0x2  }
0x7d: {  	s30 =	simm.s32 $0x2;
	s31 =	simm.s32 $0x2  }
.LBB2_15:
.Ltmp12:
0x7e: {  	(pc) =	sbr.rel .LBB2_13-.Ltmp12, $3  }
0x7f: {  	_ = 	snop  }
0x80: {  	[bflag:$0x0] =	sbarrier.arrive $0xFFFF  }
0x81: {  	[bflag:$0x0] =	sbarrier.arrive $0xFFFF;
	_ =	sdelay $0x1  }
.LBB2_14:
0x82: {  	_ =	sfence.sel $0x180000  }
0x83: {  	[bflag:$0x0] =	sbarrier.arrive $0xFFFF  }
0x84: {  	_ =	strace $0x90000050  }
0x85: {  	s0 =	stileid.u32;
	[bflag:$0x2] =	sbarrier.arrive $0xFFFF  }
0x86: {  	p0 =	sne.s32 s0, $0x0;
	s0 =	rddreg [dreg:$0x2]  }
0x87: {  	s0 =	sadd.s32 @!p0 $0x100000, s0  }
0x88: {  	[sflag:s0] =	ssyncadd.tile.s32 @!p0 $0x1;
	_ =	shalt  }
.Lfunc_end2:
_tile_overlayer_lowered:
.L_overlay_start_2:
0x89: {  	(tag) =	ssettag $0x2  }
0x8a: {  	s0 =	rddreg [dreg:$0x0];
	s2 =	stileid.u32  }
0x8b: {  	s1 =	rddreg [dreg:$0x1];
	p0 =	sne.s32 s2, $0x0  }
0x8c: {  	s3 =	rddreg [dreg:$0x2];
	[bflag:$0x3] =	sbarrier.arrive $0xFFFF;
	s2 =	simm.s32 @!p0 $0x1C09  }
0x8d: {  	[timem:s3], [sflag:s2] =	dma.local @!p0 [hbm:s0], s1  }
0x8e: {  	s0 =	simm.s32 @!p0 $0x9  }
0x8f: {  	_ =	swait.ge @!p0 [sflag:s0], s1  }
0x90: {  	s1 =	ssub.s32 @!p0 $0x0, s1;
	[sflag:s0] =	ssyncset.done @!p0 $0x0  }
0x91: {  	[sflag:s0] =	ssyncadd.s32 @!p0 s1  }
0x92: {  	[bflag:$0x3] =	sbarrier.arrive $0xFFFF  }
0x93: {  	_ =	shalt  }

// kernel: kernel.26.cloned.1.call-start
scs
__scs_entry_jumppad:
0x0: {  	(pc) =	sbr.rel $0x88, $3  }
0x1: {  	(tag) =	ssettag $0x0;
	lr =	simm.s32 $0x1  }
0x2: {  	[smem:$0x3F97] =	sst lr;
	_ =	strace $0xD0000000  }
0x3: {  	_ = 	snop  }
0x4: {  	_ = 	snop  }
0x5: {  	_ = 	snop  }
0x6: {  	_ = 	snop  }
0x7: {  	_ = 	snop  }
__scs_overlays_trampoline_lowered:
0x8: {  	[smem:$0x3FA6] =	sst s0  }
0x9: {  	[smem:$0x3FA7] =	sst s1  }
0xa: {  	[smem:$0x3FA8] =	sst s2  }
0xb: {  	[smem:$0x3FA9] =	sst s3  }
0xc: {  	[smem:$0x3FAA] =	sst s4  }
0xd: {  	[smem:$0x3FAB] =	sst s5  }
0xe: {  	[smem:$0x3FAC] =	sst s6  }
0xf: {  	[smem:$0x3FAD] =	sst s7  }
0x10: {  	[smem:$0x3FAE] =	sst s8  }
0x11: {  	[smem:$0x3FAF] =	sst s9;
	s0 =	simm.s32 @!p0 $0x0  }
0x12: {  	s1 =	sld [smem:$0x3F95];
	s0 =	simm.s32 @p0 $0x1  }
0x13: {  	[smem:$0x3FB0] =	sst s0;
	s0 =	simm.s32 @!p1 $0x0  }
0x14: {  	s2 =	sld [smem:$0x3F94];
	s0 =	simm.s32 @p1 $0x1  }
0x15: {  	[smem:$0x3FB1] =	sst s0;
	s0 =	simm.s32 @!p2 $0x0  }
0x16: {  	s3 =	sld [smem:$0x3FDB];
	s0 =	simm.s32 @p2 $0x1  }
0x17: {  	s4 =	simm.s32 $0x1BF5;
	[smem:$0x3FB3] =	sst s0  }
0x18: {  	s0 =	sld [smem:$0x3F96];
	_ =	swait.ge [sflag:s4], $0x0  }
0x19: {  	s7 =	sld [smem:$0x3F97]  }
0x1a: {  	s8 =	sadd.s32 $0xFFFFE003, lr  }
0x1b: {  	s9 =	sadd.s32 $0xFFFFFEF7, lr;
	s5 =	simm.s32 $0xFFFFFFFF;
	p2 =	slt.u32 s8, $0xFFFFF086  }
0x1c: {  	p1 =	slt.u32 s9, $0xF7A;
	s5 =	simm.s32 @!p2 $0x0  }
0x1d: {  	s5 =	simm.s32 @p1 $0x1;
	p0 =	seq.s32 s7, s2  }
0x1e: {  	s7 =	smul.u32 @!p0 $0xF7A, s2;
	p2 =	seq.s32 @!p0 s5, $0x0  }
0x1f: {  	s9 =	smul.u32 $0xF7A, s1;
	s8 =	simm.s32 @!p0 $0x1BF5;
	p2 =	por !p2, p0  }
0x20: {  	[sflag:s8] =	ssyncset.s32 @!p0 $0xFFFFF086;
	s6 =	sadd.s32 @!p0 s3, s7;
	s7 =	simm.s32 @!p0 $0x108  }
0x21: {  	s3 =	sadd.s32 s3, s9;
	s6 =	sadd.s32 @!p0 $0x88, s6;
	s7 =	simm.s32 @p2 $0x1082  }
0x22: {  	[simem:s7], [sflag:s8] =	dma.local @!p0 [hbm:s6], $0xF7A  }
0x23: {  	s9 =	sor.u32 $0xD0000000, s2;
	s6 =	simm.s32 $0x108;
	_ =	swait.ge @!p0 [sflag:s8], $0x0  }
0x24: {  	s3 =	sadd.s32 $0x88, s3;
	s6 =	simm.s32 @!p1 $0x1082;
	[sflag:s4] =	ssyncset.s32 $0xFFFFF086  }
0x25: {  	[simem:s6], [sflag:s4] =	dma.local [hbm:s3], $0xF7A  }
0x26: {  	[smem:$0x3F97] =	sst s1;
	(tag) =	ssettag s2;
	_ =	strace s9  }
0x27: {  	s1 =	sld [smem:$0x3FA7]  }
0x28: {  	s2 =	sld [smem:$0x3FA8]  }
0x29: {  	s4 =	sld [smem:$0x3FAA]  }
0x2a: {  	p0 =	seq.s32 s5, $0x0;
	s5 =	sld [smem:$0x3FAB]  }
0x2b: {  	s6 =	sld [smem:$0x3FAC]  }
0x2c: {  	s7 =	sld [smem:$0x3FAD]  }
0x2d: {  	s3 =	simm.s32 $0x108;
	s8 =	sld [smem:$0x3FAE]  }
0x2e: {  	s3 =	simm.s32 @!p0 $0x1082;
	s9 =	sld [smem:$0x3FAF]  }
0x2f: {  	lr =	sadd.s32 s0, s3;
	s0 =	sld [smem:$0x3FA6]  }
0x30: {  	s3 =	sld [smem:$0x3FA9]  }
0x31: {  	[smem:$0x3FB2] =	sst s10  }
0x32: {  	s10 =	sld [smem:$0x3FB0];
	_ =	sdelay $0x3  }
0x33: {  	p0 =	seq.s32 s10, $0x1;
	s10 =	sld [smem:$0x3FB2];
	_ =	sdelay $0x3  }
0x34: {  	[smem:$0x3FB2] =	sst s10  }
0x35: {  	s10 =	sld [smem:$0x3FB1];
	_ =	sdelay $0x3  }
0x36: {  	p1 =	seq.s32 s10, $0x1;
	s10 =	sld [smem:$0x3FB2];
	_ =	sdelay $0x3  }
0x37: {  	[smem:$0x3FB2] =	sst s10  }
0x38: {  	s10 =	sld [smem:$0x3FB3]  }
0x39: {  	_ = 	snop;
	(pc) =	sbr.ind lr, $3  }
0x3a: {  	_ = 	snop  }
0x3b: {  	_ = 	snop  }
0x3c: {  	p2 =	seq.s32 s10, $0x1;
	s10 =	sld [smem:$0x3FB2]  }
0x3d: {  	_ =	shalt  }
0x3e: {  	_ =	shalt  }
0x3f: {  	_ =	shalt  }
0x40: {  	_ =	shalt  }
0x41: {  	_ =	shalt  }
0x42: {  	_ =	shalt  }
0x43: {  	_ =	shalt  }
0x44: {  	_ =	shalt  }
0x45: {  	_ =	shalt  }
0x46: {  	_ =	shalt  }
0x47: {  	_ =	shalt  }
0x48: {  	_ =	shalt  }
0x49: {  	_ =	shalt  }
0x4a: {  	_ =	shalt  }
0x4b: {  	_ =	shalt  }
0x4c: {  	_ =	shalt  }
0x4d: {  	_ =	shalt  }
0x4e: {  	_ =	shalt  }
0x4f: {  	_ =	shalt  }
0x50: {  	_ =	shalt  }
0x51: {  	_ =	shalt  }
0x52: {  	_ =	shalt  }
0x53: {  	_ =	shalt  }
0x54: {  	_ =	shalt  }
0x55: {  	_ =	shalt  }
0x56: {  	_ =	shalt  }
0x57: {  	_ =	shalt  }
0x58: {  	_ =	shalt  }
0x59: {  	_ =	shalt  }
0x5a: {  	_ =	shalt  }
0x5b: {  	_ =	shalt  }
0x5c: {  	_ =	shalt  }
0x5d: {  	_ =	shalt  }
0x5e: {  	_ =	shalt  }
0x5f: {  	_ =	shalt  }
0x60: {  	_ =	shalt  }
0x61: {  	_ =	shalt  }
0x62: {  	_ =	shalt  }
0x63: {  	_ =	shalt  }
0x64: {  	_ =	shalt  }
0x65: {  	_ =	shalt  }
0x66: {  	_ =	shalt  }
0x67: {  	_ =	shalt  }
0x68: {  	_ =	shalt  }
0x69: {  	_ =	shalt  }
0x6a: {  	_ =	shalt  }
0x6b: {  	_ =	shalt  }
0x6c: {  	_ =	shalt  }
0x6d: {  	_ =	shalt  }
0x6e: {  	_ =	shalt  }
0x6f: {  	_ =	shalt  }
0x70: {  	_ =	shalt  }
0x71: {  	_ =	shalt  }
0x72: {  	_ =	shalt  }
0x73: {  	_ =	shalt  }
0x74: {  	_ =	shalt  }
0x75: {  	_ =	shalt  }
0x76: {  	_ =	shalt  }
0x77: {  	_ =	shalt  }
0x78: {  	_ =	shalt  }
0x79: {  	_ =	shalt  }
0x7a: {  	_ =	shalt  }
0x7b: {  	_ =	shalt  }
0x7c: {  	_ =	shalt  }
0x7d: {  	_ =	shalt  }
0x7e: {  	_ =	shalt  }
0x7f: {  	_ =	shalt  }
0x80: {  	_ =	shalt  }
0x81: {  	_ =	shalt  }
0x82: {  	_ =	shalt  }
0x83: {  	_ =	shalt  }
0x84: {  	_ =	shalt  }
0x85: {  	_ =	shalt  }
0x86: {  	_ =	shalt  }
0x87: {  	_ =	shalt  }
.Lfunc_end0:
.L_simem_size_0:
called_computation.4_lowered:
.L_overlay_start_0:
0x88: {  	s2 =	sld [smem:$0x3FD9]  }
0x89: {  	s3 =	sld [smem:$0x3FFE];
	_ =	sdelay $0x1  }
0x8a: {  	s1 =	srdreg.scid  }
0x8b: {  	s0 =	sand.u32 $0x1, s1  }
0x8c: {  	s16 =	sshll.u32 s0, $0xA;
	s2 =	sadd.s32 s3, s2  }
0x8d: {  	s2 =	sadd.s32 s2, s16  }
0x8e: {  	[smem:$0x3FBE] =	sst s2  }
0x8f: {  	_ = 	snop  }
0x90: {  	(tm) =	ssettm $0x1  }
0x91: {  	s17 =	sld [smem:$0x3FFB];
	_ =	sdelay $0x3  }
0x92: {  	_ =	strace s17  }
0x93: {  	s2 =	sld [smem:$0x3FFC];
	_ =	sdelay $0x3  }
0x94: {  	_ =	strace s2  }
0x95: {  	s2 =	sld [smem:$0x3FFD];
	_ =	sdelay $0x3  }
0x96: {  	_ =	strace s2  }
0x97: {  	_ =	strace $0x8FFFFFFF  }
0x98: {  	s18 =	sld [smem:$0x3FDB];
	_ =	sdelay $0x1  }
0x99: {  	s19 =	simm.s32 $_scs_section_size  }
0x9a: {  	s4 =	simm.s32 $_size__tile_overlayer_lowered;
	s5 =	simm.s32 $_tile_overlayer_lowered  }
0x9b: {  	s22 =	simm.s32 $0x1BFF;
	s21 =	sshll.u32 s5, $0x1;
	s2 =	sadd.s32 s19, s18  }
0x9c: {  	s6 =	simm.s32 $0x0;
	s20 =	sshll.u32 s4, $0x1;
	s4 =	sadd.s32 s21, s2  }
0x9d: {  	[timem:s6], [sflag:s22] =	dma.local [hbm:s4], s20  }
0x9e: {  	_ =	swait.ge [sflag:s22], s20  }
0x9f: {  	s3 =	ssub.s32 $0x0, s20;
	[sflag:s22] =	ssyncset.done $0x0  }
0xa0: {  	[sflag:s22] =	ssyncadd.s32 s3;
	_ =	sdelay $0x1  }
0xa1: {  	s23 =	simm.s32 $0x1B8B  }
0xa2: {  	_ =	swait.ge [sflag:s23], $0x1  }
0xa3: {  	[sflag:s23] =	ssyncset.done $0x0  }
0xa4: {  	s25 =	simm.s32 $0x1B8E;
	s24 =	sld [smem:$0x3FFE];
	[sflag:s23] =	ssyncadd.s32 $0xFFFFFFFF  }
0xa5: {  	s26 =	simm.s32 $execute0_lowered;
	[smem:$0x3FD2] =	sst s25  }
0xa6: {  	s4 =	sshll.u32 s26, $0x1;
	_ =	strace $0x80000052;
	[dreg:$0x1] =	wrdreg $0xFFFFFFFF  }
0xa7: {  	s28 =	simm.s32 $_size_execute0_lowered;
	s2 =	sadd.s32 s2, s4;
	[dreg:$0x0] =	wrdreg $0x0  }
0xa8: {  	s4 =	sshll.u32 s28, $0x1;
	[dreg:$0x2] =	wrdreg s2  }
0xa9: {  	[dreg:$0x3] =	wrdreg s4  }
0xaa: {  	[dreg:$0x4] =	wrdreg $0xC0  }
0xab: {  	_ =	task [dreg:s6], $0x5FFFF  }
0xac: {  	[dreg:$0x1] =	wrdreg $0xFFFFFFFF  }
0xad: {  	[dreg:$0x0] =	wrdreg $0x60  }
0xae: {  	[dreg:$0x2] =	wrdreg s24  }
0xaf: {  	[dreg:$0x3] =	wrdreg $0xB8000  }
0xb0: {  	[dreg:$0x4] =	wrdreg $0x9  }
0xb1: {  	_ =	task.clear_ibuf [dreg:s6], $0x5FFFF;
	_ =	strace $0x90000052  }
0xb2: {  	s29 =	simm.s32 $0x9;
	_ =	strace $0x80000054  }
0xb3: {  	_ =	swait.ge [sflag:s29], $0x1  }
0xb4: {  	[sflag:s29] =	ssyncadd.s32 $0xFFFFFFFF  }
0xb5: {  	_ =	strace $0x90000054  }
0xb6: {  	_ =	sfence  }
0xb7: {  	s30 =	sld [smem:$0x0];
	_ =	sdelay $0x2  }
0xb8: {  	s31 =	sshll.u32 s1, $0xD;
	s1 =	sshrl.u32 s1, $0x2  }
0xb9: {  	s3 =	sand.u32 $0x4000, s31;
	s1 =	sadd.s32 s1, s30  }
0xba: {  	s0 =	sor.u32 s3, s0;
	s1 =	sshll.u32 s1, $0x11  }
0xbb: {  	s0 =	sor.u32 s1, s0  }
0xbc: {  	s0 =	sadd.s32 $0x8F2B, s0  }
0xbd: {  	[sflag:s0] =	ssyncadd.remote.s32 $0x1  }
0xbe: {  	_ =	sfence.sel $0xFFFF  }
0xbf: {  	[dreg:$0x0] =	wrdreg $0xFFFFFFFF;
	(pc) =	sbr.abs _section_cstart, $3  }
0xc0: {  	[dreg:$0x1] =	wrdreg $0xFFFFFFFF  }
0xc1: {  	_ =	task.clear_ibuf [dreg:s6], $0x2FFFF;
	_ =	strace $0x9FFFFFFF  }
0xc2: {  	(tm) =	ssettm $0x7FFFFFFF  }
0xc3: {  	_ =	shalt  }
tec
execute0_lowered:
.L_overlay_start_1:
0x0: {  	(tag) =	ssettag $0x1  }
0x1: {  	s7 =	rddreg [dreg:$0x0]  }
0x2: {  	s1 =	rddreg [dreg:$0x1];
	s3 =	simm.s32 $0x0  }
0x3: {  	s0 =	stileid.u32;
	s9 =	srdreg.scid;
	s19 =	simm.s32 $0x7  }
0x4: {  	s21 =	simm.s32 $0xC00;
	s22 =	simm.s32 $0x70;
	s23 =	simm.s32 $0x1000  }
0x5: {  	s24 =	simm.s32 $0x80;
	s25 =	simm.s32 $0x4800;
	s8 =	smul.u32 $0x2800, s0  }
0x6: {  	s28 =	simm.s32 $0x0;
	[smem:$0x7FF] =	sst s3;
	s26 =	smul.u32 $0x50000, s0  }
0x7: {  	s4 =	sadd.s32 $0x1C000, s7;
	s5 =	sadd.s32 $0x10800, s7;
	s30 =	smul.u32 $0x5C00, s0  }
0x8: {  	s6 =	sadd.s32 $0x4A00, s7;
	s15 =	sand.u32 $0x1, s9;
	s11 =	smul.u32 $0xB80, s0  }
0x9: {  	s17 =	sshll.u32 s0, $0x6;
	_ =	strace $0x80000053;
	s29 =	ssub.s32 $0x2, s15  }
0xa: {  	p0 =	sne.s32 s15, $0x0;
	s15 =	sor.u32 $0x1C09, s17;
	s17 =	simm.s32 $0x9  }
0xb: {  	s13 =	sadd.s32 s8, s7;
	s10 =	sshrl.u32 s29, $0x1;
	s9 =	sshrl.u32 s26, $0x2  }
.Ltmp0:
0xc: {  	s31 =	sshrl.u32 s30, $0x3;
	s8 =	sadd.s32 s5, s11;
	(pc) =	sbr.rel .LBB2_1-.Ltmp0, $4  }
0xd: {  	s26 =	simm.s32 $0x4;
	s14 =	ssub.s32 s29, s10;
	s16 =	sadd.s32 s9, s1  }
0xe: {  	s7 =	sadd.s32 $0x43200, s13;
	s12 =	sadd.s32 $0x80, s31;
	s9 =	sadd.s32 s6, s11  }
0xf: {  	s13 =	sadd.s32 $0x6B200, s13;
	s10 =	sadd.s32 s5, s12;
	s11 =	sadd.s32 s6, s12  }
0x10: {  	s12 =	smul.u32 $0x17, s0;
	s14 =	smax.u32 s14, $0x1;
	s16 =	sshrl.u32 s16, $0x3  }
.LBB2_12:
0x11: {  	_ =	swait.ge [sflag:s26], $0x3800  }
0x12: {  	[sflag:s26] =	ssyncset.done $0x0  }
0x13: {  	[sflag:s26] =	ssyncadd.s32 $0xFFFFC800  }
0x14: {  	[bflag:$0x0] =	sbarrier.arrive $0xFFFF  }
0x15: {  	[hbm:s13], [sflag:s15] =	dma.local [spmem:s16], $0x2800  }
0x16: {  	_ =	swait.ge [sflag:s17], $0x2800  }
0x17: {  	[sflag:s17] =	ssyncset.done $0x0  }
0x18: {  	[sflag:s17] =	ssyncadd.s32 $0xFFFFD800  }
.LBB2_13:
0x19: {  	s28 =	sadd.s32 $0x1, s28  }
0x1a: {  	p1 =	sne.s32 s28, s14  }
.Ltmp1:
0x1b: {  	_ = 	snop;
	(pc) =	sbr.rel @!p1 .LBB2_14-.Ltmp1, $1  }
0x1c: {  	_ =	sdelay $0x3  }
.LBB2_1:
.Ltmp2:
0x1d: {  	(pc) =	sbr.rel @p0 .LBB2_15-.Ltmp2, $1  }
0x1e: {  	_ =	sdelay $0x3  }
0x1f: {  	[spmem:s16], [sflag:s15] =	dma.local [hbm:s7], $0x2800  }
0x20: {  	_ =	swait.ge [sflag:s17], $0x2800  }
0x21: {  	[sflag:s17] =	ssyncset.done $0x0  }
0x22: {  	[sflag:s17] =	ssyncadd.s32 $0xFFFFD800  }
0x23: {  	s29 =	simm.s32 $0x0;
	[bflag:$0x0] =	sbarrier.arrive $0xFFFF  }
0x24: {  	[tilespmem:s29], [sflag:$0x7] =	stream.linear.gather [hbm4b:s8+s29], $0x400, $0x38;
	[tilespmem:$0x1F800] =	vst v63  }
0x25: {  	s0 =	simm.s32 $0x800  }
0x26: {  	[tilespmem:s0], [sflag:$0x7] =	stream.linear.gather [hbm4b:s9+s29], $0x400, $0x38;
	[tilespmem:$0x1F800] =	vst v63  }
0x27: {  	_ =	swait.ge [sflag:s19], $0x400  }
0x28: {  	[sflag:s19] =	ssyncset.done $0x0  }
0x29: {  	[sflag:s19] =	ssyncadd.s32 $0xFFFFFC00  }
0x2a: {  	_ =	swait.ge [sflag:s19], $0x400  }
0x2b: {  	[sflag:s19] =	ssyncset.done $0x0  }
0x2c: {  	s31 =	simm.s32 $0x400;
	[sflag:s19] =	ssyncadd.s32 $0xFFFFFC00  }
0x2d: {  	[tilespmem:s31], [sflag:$0x8] =	stream.linear.gather [hbm4b:s10+s29], $0x400, $0x38;
	[tilespmem:$0x1F800] =	vst v63  }
0x2e: {  	_ = 	snop  }
0x2f: {  	[tilespmem:s21], [sflag:$0x8] =	stream.linear.gather [hbm4b:s11+s29], $0x400, $0x38;
	[tilespmem:$0x1F800] =	vst v63  }
.Ltmp3:
0x30: {  	_ = 	snop;
	(pc) =	sbr.rel .LBB2_3-.Ltmp3, $4  }
0x31: {  	_ = 	snop  }
0x32: {  	[tilespmem:s23], [sflag:$0x1] =	stream.indirect.gather [hbm4b:s4+s22], $0x80, s29, s22, $0xb8;
	[tilespmem:$0x1F800] =	vst v63  }
0x33: {  	_ = 	snop  }
0x34: {  	[tilespmem:s25], [sflag:$0x2] =	stream.indirect.gather [hbm4b:s4+s22], $0x80, s24, s22, $0xb8;
	[tilespmem:$0x1F800] =	vst v63  }
.LBB2_6:
0x35: {  	s0 =	sshrl.u32 s30, $0x3  }
0x36: {  	s0 =	sand.u32 $0x1, s0  }
0x37: {  	s0 =	sadd.s32 $0x7, s0  }
0x38: {  	_ =	swait.ge [sflag:s0], $0x400  }
0x39: {  	[sflag:s0] =	ssyncset.done $0x0  }
0x3a: {  	[sflag:s0] =	ssyncadd.s32 $0xFFFFFC00  }
0x3b: {  	_ =	swait.ge [sflag:s0], $0x400  }
0x3c: {  	[sflag:s0] =	ssyncset.done $0x0  }
0x3d: {  	s31 =	simm.s32 $0x0;
	[sflag:s0] =	ssyncadd.s32 $0xFFFFFC00  }
.LBB2_10:
0x3e: {  	s0 =	smul.u32 $0xAB, s30;
	_ =	sdelay $0x1  }
0x3f: {  	s0 =	sshrl.u32 s0, $0x9  }
0x40: {  	s0 =	sand.u32 $0x7F, s0  }
0x41: {  	s0 =	smul.u32 $0x3, s0;
	_ =	sdelay $0x1  }
0x42: {  	s0 =	ssub.s32 s30, s0  }
0x43: {  	s0 =	sand.u32 $0xFF, s0  }
0x44: {  	s2 =	smul.u32 $0xE000, s0  }
0x45: {  	s18 =	sshll.u32 s30, $0x7  }
0x46: {  	s20 =	sshll.u32 s31, $0x7;
	s18 =	sand.u32 $0x400, s18;
	s2 =	sshrl.u32 s2, $0x2  }
0x47: {  	s18 =	sor.u32 s20, s18;
	s0 =	sadd.s32 $0x1, s0;
	s2 =	sadd.s32 $0x1000, s2  }
0x48: {  	[tilespmem:s2], [sflag:s0] =	stream.indirect.gather [hbm4b:s4+s22], $0x80, s18, s22, $0xb8;
	[tilespmem:$0x1F800] =	vst v63  }
.LBB2_11:
0x49: {  	s29 =	sadd.s32 $0x1, s29  }
0x4a: {  	p1 =	seq.s32 s29, $0xB8  }
.Ltmp4:
0x4b: {  	_ = 	snop;
	(pc) =	sbr.rel @p1 .LBB2_12-.Ltmp4, $1  }
0x4c: {  	_ =	sdelay $0x3  }
.LBB2_3:
0x4d: {  	s30 =	smul.u32 $0xAB, s29;
	_ =	sdelay $0x1  }
0x4e: {  	s30 =	sshrl.u32 s30, $0x9  }
0x4f: {  	s30 =	sand.u32 $0x7F, s30  }
0x50: {  	s30 =	smul.u32 $0x3, s30;
	_ =	sdelay $0x1  }
0x51: {  	s30 =	ssub.s32 s29, s30  }
0x52: {  	s30 =	sand.u32 $0xFF, s30  }
0x53: {  	s0 =	sadd.s32 $0x1, s30  }
0x54: {  	_ =	swait.ge [sflag:s0], $0x3800  }
0x55: {  	s2 =	sand.u32 $0x7, s29;
	[sflag:s0] =	ssyncset.done $0x0  }
0x56: {  	p1 =	sne.s32 s2, $0x1;
	[sflag:s0] =	ssyncadd.s32 $0xFFFFC800;
	s0 =	sadd.s32 $0xFFFFFFF7, s29  }
0x57: {  	p2 =	sgt.u32 @!p1 s0, $0xA6  }
0x58: {  	s31 =	smul.u32 $0xE000, s30;
	p1 =	por p1, p2  }
.Ltmp5:
0x59: {  	s18 =	sshll.u32 s29, $0x7;
	(pc) =	sbr.rel @p1 .LBB2_7-.Ltmp5, $4  }
0x5a: {  	s18 =	sand.u32 $0x400, s18;
	s20 =	sshll.u32 s2, $0x7  }
0x5b: {  	s18 =	sor.u32 s20, s18;
	s31 =	sshrl.u32 s31, $0x2  }
0x5c: {  	s18 =	sor.u32 $0x800, s18;
	s20 =	sadd.s32 $0x1000, s31;
	s31 =	sor.u32 $0x4, s30  }
0x5d: {  	[spmem:s1] =	stream.indirect.scatter.add.f32 [tilespmem:s20], [sflag:s31], $0x80, s18, s22, $0xb8;
	[tilespmem:$0x1F800] =	vst v63  }
0x5e: {  	s0 =	sshrl.u32 s29, $0x3  }
0x5f: {  	s0 =	sadd.s32 $0x1, s0  }
0x60: {  	s2 =	sadd.s32 s12, s0  }
.Ltmp6:
0x61: {  	s0 =	sand.u32 $0x1, s0;
	s2 =	sshll.u32 s2, $0x7;
	(pc) =	sbr.rel .LBB2_5-.Ltmp6, $4  }
0x62: {  	s18 =	sadd.s32 $0x7, s0;
	s0 =	sshll.u32 s0, $0xA;
	s20 =	sadd.s32 s5, s2  }
0x63: {  	[tilespmem:s0], [sflag:s18] =	stream.linear.gather [hbm4b:s20+s3], $0x400, $0x38;
	[tilespmem:$0x1F800] =	vst v63  }
0x64: {  	s2 =	sadd.s32 s6, s2;
	s0 =	sor.u32 $0x800, s0  }
0x65: {  	[tilespmem:s0], [sflag:s18] =	stream.linear.gather [hbm4b:s2+s3], $0x400, $0x38;
	[tilespmem:$0x1F800] =	vst v63  }
.LBB2_7:
0x66: {  	p1 =	seq.s32 s29, $0x0  }
.Ltmp7:
0x67: {  	_ = 	snop;
	(pc) =	sbr.rel @p1 .LBB2_8-.Ltmp7, $1  }
0x68: {  	_ =	sdelay $0x3  }
.LBB2_5:
0x69: {  	s0 =	sadd.s32 $0xFFFFFFFF, s29  }
0x6a: {  	s2 =	sand.u32 $0xFF, s0  }
0x6b: {  	s2 =	smul.u32 $0xAB, s2;
	_ =	sdelay $0x1  }
0x6c: {  	s30 =	sadd.s32 $0x2, s29;
	s2 =	sshrl.u32 s2, $0x9  }
0x6d: {  	p1 =	sgt.u32 s29, $0xB5;
	s31 =	sand.u32 $0x7, s30;
	s2 =	smul.u32 $0x3, s2  }
0x6e: {  	p2 =	sne.s32 @!p1 s31, $0x0  }
0x6f: {  	p2 =	por p1, p2;
	s0 =	ssub.s32 s0, s2  }
.Ltmp8:
0x70: {  	s0 =	sor.u32 $0x4, s0;
	(pc) =	sbr.rel @!p2 .LBB2_6-.Ltmp8, $4  }
0x71: {  	s0 =	sand.u32 $0xFF, s0  }
0x72: {  	_ =	swait.ge [sflag:s0], $0x3800  }
0x73: {  	[sflag:s0] =	ssyncset.done $0x0  }
0x74: {  	[sflag:s0] =	ssyncadd.s32 $0xFFFFC800  }
.Ltmp9:
0x75: {  	(pc) =	sbr.rel @p1 .LBB2_11-.Ltmp9, $4  }
.Ltmp10:
0x76: {  	(pc) =	sbr.rel @!p1 .LBB2_10-.Ltmp10, $4  }
0x77: {  	_ = 	snop  }
0x78: {  	_ = 	snop  }
0x79: {  	_ = 	snop  }
0x7a: {  	_ = 	snop  }
.LBB2_8:
.Ltmp11:
0x7b: {  	(pc) =	sbr.rel .LBB2_10-.Ltmp11, $2  }
0x7c: {  	_ =	sdelay $0x2  }
0x7d: {  	s30 =	simm.s32 $0x2;
	s31 =	simm.s32 $0x2  }
.LBB2_15:
.Ltmp12:
0x7e: {  	(pc) =	sbr.rel .LBB2_13-.Ltmp12, $3  }
0x7f: {  	_ = 	snop  }
0x80: {  	[bflag:$0x0] =	sbarrier.arrive $0xFFFF  }
0x81: {  	[bflag:$0x0] =	sbarrier.arrive $0xFFFF;
	_ =	sdelay $0x1  }
.LBB2_14:
0x82: {  	_ =	sfence.sel $0x180000  }
0x83: {  	[bflag:$0x0] =	sbarrier.arrive $0xFFFF  }
0x84: {  	_ =	strace $0x90000053  }
0x85: {  	s0 =	stileid.u32;
	[bflag:$0x2] =	sbarrier.arrive $0xFFFF  }
0x86: {  	p0 =	sne.s32 s0, $0x0;
	s0 =	rddreg [dreg:$0x2]  }
0x87: {  	s0 =	sadd.s32 @!p0 $0x100000, s0  }
0x88: {  	[sflag:s0] =	ssyncadd.tile.s32 @!p0 $0x1;
	_ =	shalt  }
.Lfunc_end2:
_tile_overlayer_lowered:
.L_overlay_start_2:
0x89: {  	(tag) =	ssettag $0x2  }
0x8a: {  	s0 =	rddreg [dreg:$0x0];
	s2 =	stileid.u32  }
0x8b: {  	s1 =	rddreg [dreg:$0x1];
	p0 =	sne.s32 s2, $0x0  }
0x8c: {  	s3 =	rddreg [dreg:$0x2];
	[bflag:$0x3] =	sbarrier.arrive $0xFFFF;
	s2 =	simm.s32 @!p0 $0x1C09  }
0x8d: {  	[timem:s3], [sflag:s2] =	dma.local @!p0 [hbm:s0], s1  }
0x8e: {  	s0 =	simm.s32 @!p0 $0x9  }
0x8f: {  	_ =	swait.ge @!p0 [sflag:s0], s1  }
0x90: {  	s1 =	ssub.s32 @!p0 $0x0, s1;
	[sflag:s0] =	ssyncset.done @!p0 $0x0  }
0x91: {  	[sflag:s0] =	ssyncadd.s32 @!p0 s1  }
0x92: {  	[bflag:$0x3] =	sbarrier.arrive $0xFFFF  }
0x93: {  	_ =	shalt  }

// kernel: kernel.29.cloned.1.call-start
scs
__scs_entry_jumppad:
0x0: {  	(pc) =	sbr.rel $0x88, $3  }
0x1: {  	(tag) =	ssettag $0x0;
	lr =	simm.s32 $0x1  }
0x2: {  	[smem:$0x3F97] =	sst lr;
	_ =	strace $0xD0000000  }
0x3: {  	_ = 	snop  }
0x4: {  	_ = 	snop  }
0x5: {  	_ = 	snop  }
0x6: {  	_ = 	snop  }
0x7: {  	_ = 	snop  }
__scs_overlays_trampoline_lowered:
0x8: {  	[smem:$0x3FA6] =	sst s0  }
0x9: {  	[smem:$0x3FA7] =	sst s1  }
0xa: {  	[smem:$0x3FA8] =	sst s2  }
0xb: {  	[smem:$0x3FA9] =	sst s3  }
0xc: {  	[smem:$0x3FAA] =	sst s4  }
0xd: {  	[smem:$0x3FAB] =	sst s5  }
0xe: {  	[smem:$0x3FAC] =	sst s6  }
0xf: {  	[smem:$0x3FAD] =	sst s7  }
0x10: {  	[smem:$0x3FAE] =	sst s8  }
0x11: {  	[smem:$0x3FAF] =	sst s9;
	s0 =	simm.s32 @!p0 $0x0  }
0x12: {  	s1 =	sld [smem:$0x3F95];
	s0 =	simm.s32 @p0 $0x1  }
0x13: {  	[smem:$0x3FB0] =	sst s0;
	s0 =	simm.s32 @!p1 $0x0  }
0x14: {  	s2 =	sld [smem:$0x3F94];
	s0 =	simm.s32 @p1 $0x1  }
0x15: {  	[smem:$0x3FB1] =	sst s0;
	s0 =	simm.s32 @!p2 $0x0  }
0x16: {  	s3 =	sld [smem:$0x3FDB];
	s0 =	simm.s32 @p2 $0x1  }
0x17: {  	s4 =	simm.s32 $0x1BF5;
	[smem:$0x3FB3] =	sst s0  }
0x18: {  	s0 =	sld [smem:$0x3F96];
	_ =	swait.ge [sflag:s4], $0x0  }
0x19: {  	s7 =	sld [smem:$0x3F97]  }
0x1a: {  	s8 =	sadd.s32 $0xFFFFE003, lr  }
0x1b: {  	s9 =	sadd.s32 $0xFFFFFEF7, lr;
	s5 =	simm.s32 $0xFFFFFFFF;
	p2 =	slt.u32 s8, $0xFFFFF086  }
0x1c: {  	p1 =	slt.u32 s9, $0xF7A;
	s5 =	simm.s32 @!p2 $0x0  }
0x1d: {  	s5 =	simm.s32 @p1 $0x1;
	p0 =	seq.s32 s7, s2  }
0x1e: {  	s7 =	smul.u32 @!p0 $0xF7A, s2;
	p2 =	seq.s32 @!p0 s5, $0x0  }
0x1f: {  	s9 =	smul.u32 $0xF7A, s1;
	s8 =	simm.s32 @!p0 $0x1BF5;
	p2 =	por !p2, p0  }
0x20: {  	[sflag:s8] =	ssyncset.s32 @!p0 $0xFFFFF086;
	s6 =	sadd.s32 @!p0 s3, s7;
	s7 =	simm.s32 @!p0 $0x108  }
0x21: {  	s3 =	sadd.s32 s3, s9;
	s6 =	sadd.s32 @!p0 $0x88, s6;
	s7 =	simm.s32 @p2 $0x1082  }
0x22: {  	[simem:s7], [sflag:s8] =	dma.local @!p0 [hbm:s6], $0xF7A  }
0x23: {  	s9 =	sor.u32 $0xD0000000, s2;
	s6 =	simm.s32 $0x108;
	_ =	swait.ge @!p0 [sflag:s8], $0x0  }
0x24: {  	s3 =	sadd.s32 $0x88, s3;
	s6 =	simm.s32 @!p1 $0x1082;
	[sflag:s4] =	ssyncset.s32 $0xFFFFF086  }
0x25: {  	[simem:s6], [sflag:s4] =	dma.local [hbm:s3], $0xF7A  }
0x26: {  	[smem:$0x3F97] =	sst s1;
	(tag) =	ssettag s2;
	_ =	strace s9  }
0x27: {  	s1 =	sld [smem:$0x3FA7]  }
0x28: {  	s2 =	sld [smem:$0x3FA8]  }
0x29: {  	s4 =	sld [smem:$0x3FAA]  }
0x2a: {  	p0 =	seq.s32 s5, $0x0;
	s5 =	sld [smem:$0x3FAB]  }
0x2b: {  	s6 =	sld [smem:$0x3FAC]  }
0x2c: {  	s7 =	sld [smem:$0x3FAD]  }
0x2d: {  	s3 =	simm.s32 $0x108;
	s8 =	sld [smem:$0x3FAE]  }
0x2e: {  	s3 =	simm.s32 @!p0 $0x1082;
	s9 =	sld [smem:$0x3FAF]  }
0x2f: {  	lr =	sadd.s32 s0, s3;
	s0 =	sld [smem:$0x3FA6]  }
0x30: {  	s3 =	sld [smem:$0x3FA9]  }
0x31: {  	[smem:$0x3FB2] =	sst s10  }
0x32: {  	s10 =	sld [smem:$0x3FB0];
	_ =	sdelay $0x3  }
0x33: {  	p0 =	seq.s32 s10, $0x1;
	s10 =	sld [smem:$0x3FB2];
	_ =	sdelay $0x3  }
0x34: {  	[smem:$0x3FB2] =	sst s10  }
0x35: {  	s10 =	sld [smem:$0x3FB1];
	_ =	sdelay $0x3  }
0x36: {  	p1 =	seq.s32 s10, $0x1;
	s10 =	sld [smem:$0x3FB2];
	_ =	sdelay $0x3  }
0x37: {  	[smem:$0x3FB2] =	sst s10  }
0x38: {  	s10 =	sld [smem:$0x3FB3]  }
0x39: {  	_ = 	snop;
	(pc) =	sbr.ind lr, $3  }
0x3a: {  	_ = 	snop  }
0x3b: {  	_ = 	snop  }
0x3c: {  	p2 =	seq.s32 s10, $0x1;
	s10 =	sld [smem:$0x3FB2]  }
0x3d: {  	_ =	shalt  }
0x3e: {  	_ =	shalt  }
0x3f: {  	_ =	shalt  }
0x40: {  	_ =	shalt  }
0x41: {  	_ =	shalt  }
0x42: {  	_ =	shalt  }
0x43: {  	_ =	shalt  }
0x44: {  	_ =	shalt  }
0x45: {  	_ =	shalt  }
0x46: {  	_ =	shalt  }
0x47: {  	_ =	shalt  }
0x48: {  	_ =	shalt  }
0x49: {  	_ =	shalt  }
0x4a: {  	_ =	shalt  }
0x4b: {  	_ =	shalt  }
0x4c: {  	_ =	shalt  }
0x4d: {  	_ =	shalt  }
0x4e: {  	_ =	shalt  }
0x4f: {  	_ =	shalt  }
0x50: {  	_ =	shalt  }
0x51: {  	_ =	shalt  }
0x52: {  	_ =	shalt  }
0x53: {  	_ =	shalt  }
0x54: {  	_ =	shalt  }
0x55: {  	_ =	shalt  }
0x56: {  	_ =	shalt  }
0x57: {  	_ =	shalt  }
0x58: {  	_ =	shalt  }
0x59: {  	_ =	shalt  }
0x5a: {  	_ =	shalt  }
0x5b: {  	_ =	shalt  }
0x5c: {  	_ =	shalt  }
0x5d: {  	_ =	shalt  }
0x5e: {  	_ =	shalt  }
0x5f: {  	_ =	shalt  }
0x60: {  	_ =	shalt  }
0x61: {  	_ =	shalt  }
0x62: {  	_ =	shalt  }
0x63: {  	_ =	shalt  }
0x64: {  	_ =	shalt  }
0x65: {  	_ =	shalt  }
0x66: {  	_ =	shalt  }
0x67: {  	_ =	shalt  }
0x68: {  	_ =	shalt  }
0x69: {  	_ =	shalt  }
0x6a: {  	_ =	shalt  }
0x6b: {  	_ =	shalt  }
0x6c: {  	_ =	shalt  }
0x6d: {  	_ =	shalt  }
0x6e: {  	_ =	shalt  }
0x6f: {  	_ =	shalt  }
0x70: {  	_ =	shalt  }
0x71: {  	_ =	shalt  }
0x72: {  	_ =	shalt  }
0x73: {  	_ =	shalt  }
0x74: {  	_ =	shalt  }
0x75: {  	_ =	shalt  }
0x76: {  	_ =	shalt  }
0x77: {  	_ =	shalt  }
0x78: {  	_ =	shalt  }
0x79: {  	_ =	shalt  }
0x7a: {  	_ =	shalt  }
0x7b: {  	_ =	shalt  }
0x7c: {  	_ =	shalt  }
0x7d: {  	_ =	shalt  }
0x7e: {  	_ =	shalt  }
0x7f: {  	_ =	shalt  }
0x80: {  	_ =	shalt  }
0x81: {  	_ =	shalt  }
0x82: {  	_ =	shalt  }
0x83: {  	_ =	shalt  }
0x84: {  	_ =	shalt  }
0x85: {  	_ =	shalt  }
0x86: {  	_ =	shalt  }
0x87: {  	_ =	shalt  }
.Lfunc_end0:
.L_simem_size_0:
called_computation.5_lowered:
.L_overlay_start_0:
0x88: {  	s2 =	sld [smem:$0x3FD9]  }
0x89: {  	s3 =	sld [smem:$0x3FFE];
	_ =	sdelay $0x1  }
0x8a: {  	s1 =	srdreg.scid  }
0x8b: {  	s0 =	sand.u32 $0x1, s1  }
0x8c: {  	s16 =	sshll.u32 s0, $0xA;
	s2 =	sadd.s32 s3, s2  }
0x8d: {  	s2 =	sadd.s32 s2, s16  }
0x8e: {  	[smem:$0x3FBE] =	sst s2  }
0x8f: {  	_ = 	snop  }
0x90: {  	(tm) =	ssettm $0x1  }
0x91: {  	s17 =	sld [smem:$0x3FFB];
	_ =	sdelay $0x3  }
0x92: {  	_ =	strace s17  }
0x93: {  	s2 =	sld [smem:$0x3FFC];
	_ =	sdelay $0x3  }
0x94: {  	_ =	strace s2  }
0x95: {  	s2 =	sld [smem:$0x3FFD];
	_ =	sdelay $0x3  }
0x96: {  	_ =	strace s2  }
0x97: {  	_ =	strace $0x8FFFFFFF  }
0x98: {  	s18 =	sld [smem:$0x3FDB];
	_ =	sdelay $0x1  }
0x99: {  	s19 =	simm.s32 $_scs_section_size  }
0x9a: {  	s4 =	simm.s32 $_size__tile_overlayer_lowered;
	s5 =	simm.s32 $_tile_overlayer_lowered  }
0x9b: {  	s22 =	simm.s32 $0x1BFF;
	s21 =	sshll.u32 s5, $0x1;
	s2 =	sadd.s32 s19, s18  }
0x9c: {  	s6 =	simm.s32 $0x0;
	s20 =	sshll.u32 s4, $0x1;
	s4 =	sadd.s32 s21, s2  }
0x9d: {  	[timem:s6], [sflag:s22] =	dma.local [hbm:s4], s20  }
0x9e: {  	_ =	swait.ge [sflag:s22], s20  }
0x9f: {  	s3 =	ssub.s32 $0x0, s20;
	[sflag:s22] =	ssyncset.done $0x0  }
0xa0: {  	[sflag:s22] =	ssyncadd.s32 s3;
	_ =	sdelay $0x1  }
0xa1: {  	s23 =	simm.s32 $0x1B8B  }
0xa2: {  	_ =	swait.ge [sflag:s23], $0x1  }
0xa3: {  	[sflag:s23] =	ssyncset.done $0x0  }
0xa4: {  	s25 =	simm.s32 $0x1B8E;
	s24 =	sld [smem:$0x3FFE];
	[sflag:s23] =	ssyncadd.s32 $0xFFFFFFFF  }
0xa5: {  	s26 =	simm.s32 $execute0_lowered;
	[smem:$0x3FD2] =	sst s25  }
0xa6: {  	s4 =	sshll.u32 s26, $0x1;
	_ =	strace $0x80000055;
	[dreg:$0x1] =	wrdreg $0xFFFFFFFF  }
0xa7: {  	s28 =	simm.s32 $_size_execute0_lowered;
	s2 =	sadd.s32 s2, s4;
	[dreg:$0x0] =	wrdreg $0x0  }
0xa8: {  	s4 =	sshll.u32 s28, $0x1;
	[dreg:$0x2] =	wrdreg s2  }
0xa9: {  	[dreg:$0x3] =	wrdreg s4  }
0xaa: {  	[dreg:$0x4] =	wrdreg $0xC0  }
0xab: {  	_ =	task [dreg:s6], $0x5FFFF  }
0xac: {  	[dreg:$0x1] =	wrdreg $0xFFFFFFFF  }
0xad: {  	[dreg:$0x0] =	wrdreg $0x60  }
0xae: {  	[dreg:$0x2] =	wrdreg s24  }
0xaf: {  	[dreg:$0x3] =	wrdreg $0xB8000  }
0xb0: {  	[dreg:$0x4] =	wrdreg $0x9  }
0xb1: {  	_ =	task.clear_ibuf [dreg:s6], $0x5FFFF;
	_ =	strace $0x90000055  }
0xb2: {  	s29 =	simm.s32 $0x9;
	_ =	strace $0x80000057  }
0xb3: {  	_ =	swait.ge [sflag:s29], $0x1  }
0xb4: {  	[sflag:s29] =	ssyncadd.s32 $0xFFFFFFFF  }
0xb5: {  	_ =	strace $0x90000057  }
0xb6: {  	_ =	sfence  }
0xb7: {  	s30 =	sld [smem:$0x0];
	_ =	sdelay $0x2  }
0xb8: {  	s31 =	sshll.u32 s1, $0xD;
	s1 =	sshrl.u32 s1, $0x2  }
0xb9: {  	s3 =	sand.u32 $0x4000, s31;
	s1 =	sadd.s32 s1, s30  }
0xba: {  	s0 =	sor.u32 s3, s0;
	s1 =	sshll.u32 s1, $0x11  }
0xbb: {  	s0 =	sor.u32 s1, s0  }
0xbc: {  	s0 =	sadd.s32 $0x8F2B, s0  }
0xbd: {  	[sflag:s0] =	ssyncadd.remote.s32 $0x1  }
0xbe: {  	_ =	sfence.sel $0xFFFF  }
0xbf: {  	[dreg:$0x0] =	wrdreg $0xFFFFFFFF;
	(pc) =	sbr.abs _section_cstart, $3  }
0xc0: {  	[dreg:$0x1] =	wrdreg $0xFFFFFFFF  }
0xc1: {  	_ =	task.clear_ibuf [dreg:s6], $0x2FFFF;
	_ =	strace $0x9FFFFFFF  }
0xc2: {  	(tm) =	ssettm $0x7FFFFFFF  }
0xc3: {  	_ =	shalt  }
tec
execute0_lowered:
.L_overlay_start_1:
0x0: {  	(tag) =	ssettag $0x1  }
0x1: {  	s7 =	rddreg [dreg:$0x0]  }
0x2: {  	s1 =	rddreg [dreg:$0x1];
	s3 =	simm.s32 $0x0  }
0x3: {  	s0 =	stileid.u32;
	s9 =	srdreg.scid;
	s19 =	simm.s32 $0x7  }
0x4: {  	s21 =	simm.s32 $0xC00;
	s22 =	simm.s32 $0x70;
	s23 =	simm.s32 $0x1000  }
0x5: {  	s24 =	simm.s32 $0x80;
	s25 =	simm.s32 $0x4800;
	s8 =	smul.u32 $0x2800, s0  }
0x6: {  	s28 =	simm.s32 $0x0;
	[smem:$0x7FF] =	sst s3;
	s26 =	smul.u32 $0x50000, s0  }
0x7: {  	s4 =	sadd.s32 $0x1C000, s7;
	s5 =	sadd.s32 $0x10800, s7;
	s30 =	smul.u32 $0x5C00, s0  }
0x8: {  	s6 =	sadd.s32 $0x4A00, s7;
	s15 =	sand.u32 $0x1, s9;
	s11 =	smul.u32 $0xB80, s0  }
0x9: {  	s17 =	sshll.u32 s0, $0x6;
	_ =	strace $0x80000056;
	s29 =	ssub.s32 $0x2, s15  }
0xa: {  	p0 =	sne.s32 s15, $0x0;
	s15 =	sor.u32 $0x1C09, s17;
	s17 =	simm.s32 $0x9  }
0xb: {  	s13 =	sadd.s32 s8, s7;
	s10 =	sshrl.u32 s29, $0x1;
	s9 =	sshrl.u32 s26, $0x2  }
.Ltmp0:
0xc: {  	s31 =	sshrl.u32 s30, $0x3;
	s8 =	sadd.s32 s5, s11;
	(pc) =	sbr.rel .LBB2_1-.Ltmp0, $4  }
0xd: {  	s26 =	simm.s32 $0x4;
	s14 =	ssub.s32 s29, s10;
	s16 =	sadd.s32 s9, s1  }
0xe: {  	s7 =	sadd.s32 $0x43200, s13;
	s12 =	sadd.s32 $0x80, s31;
	s9 =	sadd.s32 s6, s11  }
0xf: {  	s13 =	sadd.s32 $0x6B200, s13;
	s10 =	sadd.s32 s5, s12;
	s11 =	sadd.s32 s6, s12  }
0x10: {  	s12 =	smul.u32 $0x17, s0;
	s14 =	smax.u32 s14, $0x1;
	s16 =	sshrl.u32 s16, $0x3  }
.LBB2_12:
0x11: {  	_ =	swait.ge [sflag:s26], $0x3800  }
0x12: {  	[sflag:s26] =	ssyncset.done $0x0  }
0x13: {  	[sflag:s26] =	ssyncadd.s32 $0xFFFFC800  }
0x14: {  	[bflag:$0x0] =	sbarrier.arrive $0xFFFF  }
0x15: {  	[hbm:s13], [sflag:s15] =	dma.local [spmem:s16], $0x2800  }
0x16: {  	_ =	swait.ge [sflag:s17], $0x2800  }
0x17: {  	[sflag:s17] =	ssyncset.done $0x0  }
0x18: {  	[sflag:s17] =	ssyncadd.s32 $0xFFFFD800  }
.LBB2_13:
0x19: {  	s28 =	sadd.s32 $0x1, s28  }
0x1a: {  	p1 =	sne.s32 s28, s14  }
.Ltmp1:
0x1b: {  	_ = 	snop;
	(pc) =	sbr.rel @!p1 .LBB2_14-.Ltmp1, $1  }
0x1c: {  	_ =	sdelay $0x3  }
.LBB2_1:
.Ltmp2:
0x1d: {  	(pc) =	sbr.rel @p0 .LBB2_15-.Ltmp2, $1  }
0x1e: {  	_ =	sdelay $0x3  }
0x1f: {  	[spmem:s16], [sflag:s15] =	dma.local [hbm:s7], $0x2800  }
0x20: {  	_ =	swait.ge [sflag:s17], $0x2800  }
0x21: {  	[sflag:s17] =	ssyncset.done $0x0  }
0x22: {  	[sflag:s17] =	ssyncadd.s32 $0xFFFFD800  }
0x23: {  	s29 =	simm.s32 $0x0;
	[bflag:$0x0] =	sbarrier.arrive $0xFFFF  }
0x24: {  	[tilespmem:s29], [sflag:$0x7] =	stream.linear.gather [hbm4b:s8+s29], $0x400, $0x38;
	[tilespmem:$0x1F800] =	vst v63  }
0x25: {  	s0 =	simm.s32 $0x800  }
0x26: {  	[tilespmem:s0], [sflag:$0x7] =	stream.linear.gather [hbm4b:s9+s29], $0x400, $0x38;
	[tilespmem:$0x1F800] =	vst v63  }
0x27: {  	_ =	swait.ge [sflag:s19], $0x400  }
0x28: {  	[sflag:s19] =	ssyncset.done $0x0  }
0x29: {  	[sflag:s19] =	ssyncadd.s32 $0xFFFFFC00  }
0x2a: {  	_ =	swait.ge [sflag:s19], $0x400  }
0x2b: {  	[sflag:s19] =	ssyncset.done $0x0  }
0x2c: {  	s31 =	simm.s32 $0x400;
	[sflag:s19] =	ssyncadd.s32 $0xFFFFFC00  }
0x2d: {  	[tilespmem:s31], [sflag:$0x8] =	stream.linear.gather [hbm4b:s10+s29], $0x400, $0x38;
	[tilespmem:$0x1F800] =	vst v63  }
0x2e: {  	_ = 	snop  }
0x2f: {  	[tilespmem:s21], [sflag:$0x8] =	stream.linear.gather [hbm4b:s11+s29], $0x400, $0x38;
	[tilespmem:$0x1F800] =	vst v63  }
.Ltmp3:
0x30: {  	_ = 	snop;
	(pc) =	sbr.rel .LBB2_3-.Ltmp3, $4  }
0x31: {  	_ = 	snop  }
0x32: {  	[tilespmem:s23], [sflag:$0x1] =	stream.indirect.gather [hbm4b:s4+s22], $0x80, s29, s22, $0xb8;
	[tilespmem:$0x1F800] =	vst v63  }
0x33: {  	_ = 	snop  }
0x34: {  	[tilespmem:s25], [sflag:$0x2] =	stream.indirect.gather [hbm4b:s4+s22], $0x80, s24, s22, $0xb8;
	[tilespmem:$0x1F800] =	vst v63  }
.LBB2_6:
0x35: {  	s0 =	sshrl.u32 s30, $0x3  }
0x36: {  	s0 =	sand.u32 $0x1, s0  }
0x37: {  	s0 =	sadd.s32 $0x7, s0  }
0x38: {  	_ =	swait.ge [sflag:s0], $0x400  }
0x39: {  	[sflag:s0] =	ssyncset.done $0x0  }
0x3a: {  	[sflag:s0] =	ssyncadd.s32 $0xFFFFFC00  }
0x3b: {  	_ =	swait.ge [sflag:s0], $0x400  }
0x3c: {  	[sflag:s0] =	ssyncset.done $0x0  }
0x3d: {  	s31 =	simm.s32 $0x0;
	[sflag:s0] =	ssyncadd.s32 $0xFFFFFC00  }
.LBB2_10:
0x3e: {  	s0 =	smul.u32 $0xAB, s30;
	_ =	sdelay $0x1  }
0x3f: {  	s0 =	sshrl.u32 s0, $0x9  }
0x40: {  	s0 =	sand.u32 $0x7F, s0  }
0x41: {  	s0 =	smul.u32 $0x3, s0;
	_ =	sdelay $0x1  }
0x42: {  	s0 =	ssub.s32 s30, s0  }
0x43: {  	s0 =	sand.u32 $0xFF, s0  }
0x44: {  	s2 =	smul.u32 $0xE000, s0  }
0x45: {  	s18 =	sshll.u32 s30, $0x7  }
0x46: {  	s20 =	sshll.u32 s31, $0x7;
	s18 =	sand.u32 $0x400, s18;
	s2 =	sshrl.u32 s2, $0x2  }
0x47: {  	s18 =	sor.u32 s20, s18;
	s0 =	sadd.s32 $0x1, s0;
	s2 =	sadd.s32 $0x1000, s2  }
0x48: {  	[tilespmem:s2], [sflag:s0] =	stream.indirect.gather [hbm4b:s4+s22], $0x80, s18, s22, $0xb8;
	[tilespmem:$0x1F800] =	vst v63  }
.LBB2_11:
0x49: {  	s29 =	sadd.s32 $0x1, s29  }
0x4a: {  	p1 =	seq.s32 s29, $0xB8  }
.Ltmp4:
0x4b: {  	_ = 	snop;
	(pc) =	sbr.rel @p1 .LBB2_12-.Ltmp4, $1  }
0x4c: {  	_ =	sdelay $0x3  }
.LBB2_3:
0x4d: {  	s30 =	smul.u32 $0xAB, s29;
	_ =	sdelay $0x1  }
0x4e: {  	s30 =	sshrl.u32 s30, $0x9  }
0x4f: {  	s30 =	sand.u32 $0x7F, s30  }
0x50: {  	s30 =	smul.u32 $0x3, s30;
	_ =	sdelay $0x1  }
0x51: {  	s30 =	ssub.s32 s29, s30  }
0x52: {  	s30 =	sand.u32 $0xFF, s30  }
0x53: {  	s0 =	sadd.s32 $0x1, s30  }
0x54: {  	_ =	swait.ge [sflag:s0], $0x3800  }
0x55: {  	s2 =	sand.u32 $0x7, s29;
	[sflag:s0] =	ssyncset.done $0x0  }
0x56: {  	p1 =	sne.s32 s2, $0x1;
	[sflag:s0] =	ssyncadd.s32 $0xFFFFC800;
	s0 =	sadd.s32 $0xFFFFFFF7, s29  }
0x57: {  	p2 =	sgt.u32 @!p1 s0, $0xA6  }
0x58: {  	s31 =	smul.u32 $0xE000, s30;
	p1 =	por p1, p2  }
.Ltmp5:
0x59: {  	s18 =	sshll.u32 s29, $0x7;
	(pc) =	sbr.rel @p1 .LBB2_7-.Ltmp5, $4  }
0x5a: {  	s18 =	sand.u32 $0x400, s18;
	s20 =	sshll.u32 s2, $0x7  }
0x5b: {  	s18 =	sor.u32 s20, s18;
	s31 =	sshrl.u32 s31, $0x2  }
0x5c: {  	s18 =	sor.u32 $0x800, s18;
	s20 =	sadd.s32 $0x1000, s31;
	s31 =	sor.u32 $0x4, s30  }
0x5d: {  	[spmem:s1] =	stream.indirect.scatter.add.f32 [tilespmem:s20], [sflag:s31], $0x80, s18, s22, $0xb8;
	[tilespmem:$0x1F800] =	vst v63  }
0x5e: {  	s0 =	sshrl.u32 s29, $0x3  }
0x5f: {  	s0 =	sadd.s32 $0x1, s0  }
0x60: {  	s2 =	sadd.s32 s12, s0  }
.Ltmp6:
0x61: {  	s0 =	sand.u32 $0x1, s0;
	s2 =	sshll.u32 s2, $0x7;
	(pc) =	sbr.rel .LBB2_5-.Ltmp6, $4  }
0x62: {  	s18 =	sadd.s32 $0x7, s0;
	s0 =	sshll.u32 s0, $0xA;
	s20 =	sadd.s32 s5, s2  }
0x63: {  	[tilespmem:s0], [sflag:s18] =	stream.linear.gather [hbm4b:s20+s3], $0x400, $0x38;
	[tilespmem:$0x1F800] =	vst v63  }
0x64: {  	s2 =	sadd.s32 s6, s2;
	s0 =	sor.u32 $0x800, s0  }
0x65: {  	[tilespmem:s0], [sflag:s18] =	stream.linear.gather [hbm4b:s2+s3], $0x400, $0x38;
	[tilespmem:$0x1F800] =	vst v63  }
.LBB2_7:
0x66: {  	p1 =	seq.s32 s29, $0x0  }
.Ltmp7:
0x67: {  	_ = 	snop;
	(pc) =	sbr.rel @p1 .LBB2_8-.Ltmp7, $1  }
0x68: {  	_ =	sdelay $0x3  }
.LBB2_5:
0x69: {  	s0 =	sadd.s32 $0xFFFFFFFF, s29  }
0x6a: {  	s2 =	sand.u32 $0xFF, s0  }
0x6b: {  	s2 =	smul.u32 $0xAB, s2;
	_ =	sdelay $0x1  }
0x6c: {  	s30 =	sadd.s32 $0x2, s29;
	s2 =	sshrl.u32 s2, $0x9  }
0x6d: {  	p1 =	sgt.u32 s29, $0xB5;
	s31 =	sand.u32 $0x7, s30;
	s2 =	smul.u32 $0x3, s2  }
0x6e: {  	p2 =	sne.s32 @!p1 s31, $0x0  }
0x6f: {  	p2 =	por p1, p2;
	s0 =	ssub.s32 s0, s2  }
.Ltmp8:
0x70: {  	s0 =	sor.u32 $0x4, s0;
	(pc) =	sbr.rel @!p2 .LBB2_6-.Ltmp8, $4  }
0x71: {  	s0 =	sand.u32 $0xFF, s0  }
0x72: {  	_ =	swait.ge [sflag:s0], $0x3800  }
0x73: {  	[sflag:s0] =	ssyncset.done $0x0  }
0x74: {  	[sflag:s0] =	ssyncadd.s32 $0xFFFFC800  }
.Ltmp9:
0x75: {  	(pc) =	sbr.rel @p1 .LBB2_11-.Ltmp9, $4  }
.Ltmp10:
0x76: {  	(pc) =	sbr.rel @!p1 .LBB2_10-.Ltmp10, $4  }
0x77: {  	_ = 	snop  }
0x78: {  	_ = 	snop  }
0x79: {  	_ = 	snop  }
0x7a: {  	_ = 	snop  }
.LBB2_8:
.Ltmp11:
0x7b: {  	(pc) =	sbr.rel .LBB2_10-.Ltmp11, $2  }
0x7c: {  	_ =	sdelay $0x2  }
0x7d: {  	s30 =	simm.s32 $0x2;
	s31 =	simm.s32 $0x2  }
.LBB2_15:
.Ltmp12:
0x7e: {  	(pc) =	sbr.rel .LBB2_13-.Ltmp12, $3  }
0x7f: {  	_ = 	snop  }
0x80: {  	[bflag:$0x0] =	sbarrier.arrive $0xFFFF  }
0x81: {  	[bflag:$0x0] =	sbarrier.arrive $0xFFFF;
	_ =	sdelay $0x1  }
.LBB2_14:
0x82: {  	_ =	sfence.sel $0x180000  }
0x83: {  	[bflag:$0x0] =	sbarrier.arrive $0xFFFF  }
0x84: {  	_ =	strace $0x90000056  }
0x85: {  	s0 =	stileid.u32;
	[bflag:$0x2] =	sbarrier.arrive $0xFFFF  }
0x86: {  	p0 =	sne.s32 s0, $0x0;
	s0 =	rddreg [dreg:$0x2]  }
0x87: {  	s0 =	sadd.s32 @!p0 $0x100000, s0  }
0x88: {  	[sflag:s0] =	ssyncadd.tile.s32 @!p0 $0x1;
	_ =	shalt  }
.Lfunc_end2:
_tile_overlayer_lowered:
.L_overlay_start_2:
0x89: {  	(tag) =	ssettag $0x2  }
0x8a: {  	s0 =	rddreg [dreg:$0x0];
	s2 =	stileid.u32  }
0x8b: {  	s1 =	rddreg [dreg:$0x1];
	p0 =	sne.s32 s2, $0x0  }
0x8c: {  	s3 =	rddreg [dreg:$0x2];
	[bflag:$0x3] =	sbarrier.arrive $0xFFFF;
	s2 =	simm.s32 @!p0 $0x1C09  }
0x8d: {  	[timem:s3], [sflag:s2] =	dma.local @!p0 [hbm:s0], s1  }
0x8e: {  	s0 =	simm.s32 @!p0 $0x9  }
0x8f: {  	_ =	swait.ge @!p0 [sflag:s0], s1  }
0x90: {  	s1 =	ssub.s32 @!p0 $0x0, s1;
	[sflag:s0] =	ssyncset.done @!p0 $0x0  }
0x91: {  	[sflag:s0] =	ssyncadd.s32 @!p0 s1  }
0x92: {  	[bflag:$0x3] =	sbarrier.arrive $0xFFFF  }
0x93: {  	_ =	shalt  }

</sc_bundles>
